<compile_context>
chip_gen: v7x
topology: tpu7x:2x2x1
jax: 0.10.2.dev20260603
libtpu: 0.0.44.dev20260713+nightly
codegen_flags: <defaults>
</compile_context>

<pallas_src>
import functools

import jax
import jax.numpy as jnp
from jax import lax
from jax.experimental import pallas as pl
from jax.experimental.pallas import tpu as pltpu
from jax.experimental.pallas import tpu_sc as plsc

_B = 16384
_NP = 30
_F = 4
_NCOMB = (_NP * (_NP - 1)) // 2
_PLANE = _B * _F
_NW = 32
_SL = _PLANE // _NW
_G = 5
_NB = _NCOMB // _G
_VPC = _SL // 16
_LANES = 16


def _sc_call(xp):
    mesh = plsc.VectorSubcoreMesh(core_axis_name="c", subcore_axis_name="s")

    @functools.partial(
        pl.kernel,
        mesh=mesh,
        compiler_params=pltpu.CompilerParams(needs_layout_passes=False),
        out_type=jax.ShapeDtypeStruct((_NCOMB * _PLANE,), jnp.float32),
        scratch_types=[
            pltpu.VMEM((_NP * _SL,), jnp.float32),
            pltpu.VMEM((2 * _G * _SL,), jnp.float32),
            pltpu.SemaphoreType.DMA,
            pltpu.SemaphoreType.DMA,
        ],
    )
    def k(x_hbm, out_hbm, xs_v, ob_v, sem0, sem1):
        wid = lax.axis_index("s") * 2 + lax.axis_index("c")
        col0 = wid * _SL

        for p in range(_NP):
            pltpu.make_async_copy(
                x_hbm.at[pl.ds(p * _PLANE + col0, _SL)],
                xs_v.at[pl.ds(p * _SL, _SL)],
                sem0,
            ).start()
        for p in range(_NP):
            pltpu.make_async_copy(
                x_hbm.at[pl.ds(p * _PLANE + col0, _SL)],
                xs_v.at[pl.ds(p * _SL, _SL)],
                sem0,
            ).wait()

        def compute_batch(ij, slot):
            i, j = ij
            pairs = []
            anyw = None
            for kk in range(_G):
                pairs.append((i, j))
                j2 = j + 1
                w = j2 >= _NP
                if kk < _G - 1:
                    anyw = w if anyw is None else jnp.logical_or(anyw, w)
                i = jnp.where(w, i + 1, i)
                j = jnp.where(w, i + 1, j2)

            obs = [(slot * _G + kk) * _SL for kk in range(_G)]

            @pl.when(jnp.logical_not(anyw))
            def _():
                ib = pairs[0][0] * _SL
                jb0 = pairs[0][1] * _SL

                @plsc.parallel_loop(0, _VPC, unroll=8)
                def vb(v):
                    o = pl.multiple_of(v * _LANES, _LANES)
                    a = xs_v[pl.ds(ib + o, _LANES)]
                    for kk in range(_G):
                        ob_v[pl.ds(obs[kk] + o, _LANES)] = a + xs_v[
                            pl.ds(jb0 + kk * _SL + o, _LANES)
                        ]

            @pl.when(anyw)
            def _():
                for kk in range(_G):
                    ibase = pairs[kk][0] * _SL
                    jbase = pairs[kk][1] * _SL
                    sbase = obs[kk]

                    @plsc.parallel_loop(0, _VPC, unroll=8)
                    def vbody(v):
                        o = pl.multiple_of(v * _LANES, _LANES)
                        ob_v[pl.ds(sbase + o, _LANES)] = (
                            xs_v[pl.ds(ibase + o, _LANES)]
                            + xs_v[pl.ds(jbase + o, _LANES)]
                        )

            return (i, j)

        def dma_copies(m, slot, sem):
            for kk in range(_G):
                yield pltpu.make_async_copy(
                    ob_v.at[pl.ds((slot * _G + kk) * _SL, _SL)],
                    out_hbm.at[pl.ds((m * _G + kk) * _PLANE + col0, _SL)],
                    sem,
                )

        def dma_start(m, slot, sem):
            for cp in dma_copies(m, slot, sem):
                cp.start()

        def dma_wait(m, slot, sem):
            for cp in dma_copies(m, slot, sem):
                cp.wait()

        ij = (jnp.int32(0), jnp.int32(1))
        ij = compute_batch(ij, 0)
        dma_start(0, 0, sem0)
        ij = compute_batch(ij, 1)
        dma_start(1, 1, sem1)

        def body(t, ij):
            m0 = 2 * t
            dma_wait(m0 - 2, 0, sem0)
            ij = compute_batch(ij, 0)
            dma_start(m0, 0, sem0)
            dma_wait(m0 - 1, 1, sem1)
            ij = compute_batch(ij, 1)
            dma_start(m0 + 1, 1, sem1)
            return ij

        ij = lax.fori_loop(1, _NB // 2, body, ij)
        m_last = _NB - 1
        dma_wait(m_last - 2, 0, sem0)
        ij = compute_batch(ij, 0)
        dma_start(m_last, 0, sem0)
        dma_wait(m_last, 0, sem0)
        dma_wait(m_last - 1, 1, sem1)

    return k(xp)


def kernel(x, combos):
    del combos
    xp = (
        x.reshape(_B // 128, 128, _NP, _F)
        .transpose((2, 0, 3, 1))
        .reshape(_NP * _PLANE)
    )
    r = _sc_call(xp)
    return (
        r.reshape(_NCOMB, _B // 128, _F, 128)
        .transpose((1, 3, 0, 2))
        .reshape(_B, _NCOMB, _F)
    )

# --- scband reference (transcript-rebuilt; emitter-appended) ---
"""Pipeline reference for scband-co-la-35562329211299 (READ-ONLY COPY).

The authoritative reference and input builder live on the scoring server;
editing this copy changes nothing except your own understanding.
"""

import jax, jax.numpy as jnp
import numpy as np
import itertools

IN_DIM = 30
CHOOSE = 2

def getcombos(n, k):
    # faithful to torch version: unique unordered k-subsets, sorted lexicographically
    combos = sorted(list(c) for c in itertools.combinations(range(n), k))
    return np.array(combos, dtype=np.int32)

def setup_inputs(seed: int = 0) -> dict:
    key = jax.random.key(seed)
    x = jax.random.normal(key, (16384, IN_DIM, 4), dtype=jnp.float32)
    combos = jnp.asarray(getcombos(IN_DIM, CHOOSE))  # [435, 2]
    return {"x": x, "combos": combos}

def reference(x, combos):
    # torch: torch.stack([torch.sum(x[:, i, :], axis=1) for i in combos], dim=1)
    # vectorized: gather particle pairs then segment-sum over the combo axis
    gathered = x[:, combos, :]            # [B, ncombos, k, 4]
    out = jnp.sum(gathered, axis=2)       # [B, ncombos, 4]
    return out

if __name__ == "__main__":
    import jax
    _d = setup_inputs()
    print(jax.jit(kernel)(*tuple(_d.values())))

</pallas_src>

<mosaic_0001>
#map = affine_map<(d0, d1) -> (0)>
module attributes {stable_mosaic.version = 14 : i64} {
  func.func @k(%arg0: i32, %arg1: i32, %arg2: memref<1966080xf32, #tpu.memory_space<hbm>>, %arg3: memref<28508160xf32, #tpu.memory_space<hbm>>, %arg4: memref<61440xf32, #tpu.memory_space<vmem>>, %arg5: memref<20480xf32, #tpu.memory_space<vmem>>, %arg6: memref<!tpu.dma_semaphore, #tpu.memory_space<semaphore_mem>>, %arg7: memref<!tpu.dma_semaphore, #tpu.memory_space<semaphore_mem>>) attributes {dimension_semantics = [#tpu.dimension_semantics<core_parallel>, #tpu.dimension_semantics<subcore_parallel>], iteration_bounds = array<i64: 2, 16>, scalar_prefetch = 0 : i64, scratch_operands = 4 : i64, tpu.core_type = #tpu.core_type<sc_vector_subcore>, window_params = [{transform_indices = #map}, {transform_indices = #map}]} {
    %mul3A = arith.constant 2 : i32
    %mul3A_0 = arith.muli %arg1, %mul3A : i32
    %add3A = arith.addi %mul3A_0, %arg0 : i32
    %mul3A_1 = arith.constant 2048 : i32
    %mul3A_2 = arith.muli %add3A, %mul3A_1 : i32
    %add3A_3 = arith.constant 0 : i32
    %add3A_4 = arith.addi %add3A_3, %mul3A_2 : i32
    %dma_start3A = arith.constant 0 : i32
    %dma_start3A_5 = tpu.memref_slice %arg4[%dma_start3A] : memref<61440xf32, #tpu.memory_space<vmem>> -> memref<2048xf32, #tpu.memory_space<vmem>>
    %dma_start3A_6 = tpu.memref_slice %arg2[%add3A_4] : memref<1966080xf32, #tpu.memory_space<hbm>> -> memref<2048xf32, #tpu.memory_space<hbm>>
    %dma_start3A_7 = arith.constant 0 : i32
    %dma_start3A_8 = tpu.memref_slice %arg4[%dma_start3A_7] : memref<61440xf32, #tpu.memory_space<vmem>> -> memref<2048xf32, #tpu.memory_space<vmem>>
    %dma_start3A_9 = tpu.memref_slice %arg2[%add3A_4] : memref<1966080xf32, #tpu.memory_space<hbm>> -> memref<2048xf32, #tpu.memory_space<hbm>>
    tpu.enqueue_dma source(%dma_start3A_9 : memref<2048xf32, #tpu.memory_space<hbm>>) target(%dma_start3A_8 : memref<2048xf32, #tpu.memory_space<vmem>>) target_semaphore(%arg6 : memref<!tpu.dma_semaphore, #tpu.memory_space<semaphore_mem>>)
    %add3A_10 = arith.constant 65536 : i32
    %add3A_11 = arith.addi %add3A_10, %mul3A_2 : i32
    %dma_start3A_12 = arith.constant 2048 : i32
    %dma_start3A_13 = tpu.memref_slice %arg4[%dma_start3A_12] : memref<61440xf32, #tpu.memory_space<vmem>> -> memref<2048xf32, #tpu.memory_space<vmem>>
    %dma_start3A_14 = tpu.memref_slice %arg2[%add3A_11] : memref<1966080xf32, #tpu.memory_space<hbm>> -> memref<2048xf32, #tpu.memory_space<hbm>>
    %dma_start3A_15 = arith.constant 2048 : i32
    %dma_start3A_16 = tpu.memref_slice %arg4[%dma_start3A_15] : memref<61440xf32, #tpu.memory_space<vmem>> -> memref<2048xf32, #tpu.memory_space<vmem>>
    %dma_start3A_17 = tpu.memref_slice %arg2[%add3A_11] : memref<1966080xf32, #tpu.memory_space<hbm>> -> memref<2048xf32, #tpu.memory_space<hbm>>
    tpu.enqueue_dma source(%dma_start3A_17 : memref<2048xf32, #tpu.memory_space<hbm>>) target(%dma_start3A_16 : memref<2048xf32, #tpu.memory_space<vmem>>) target_semaphore(%arg6 : memref<!tpu.dma_semaphore, #tpu.memory_space<semaphore_mem>>)
    %add3A_18 = arith.constant 131072 : i32
    %add3A_19 = arith.addi %add3A_18, %mul3A_2 : i32
    %dma_start3A_20 = arith.constant 4096 : i32
    %dma_start3A_21 = tpu.memref_slice %arg4[%dma_start3A_20] : memref<61440xf32, #tpu.memory_space<vmem>> -> memref<2048xf32, #tpu.memory_space<vmem>>
    %dma_start3A_22 = tpu.memref_slice %arg2[%add3A_19] : memref<1966080xf32, #tpu.memory_space<hbm>> -> memref<2048xf32, #tpu.memory_space<hbm>>
    %dma_start3A_23 = arith.constant 4096 : i32
    %dma_start3A_24 = tpu.memref_slice %arg4[%dma_start3A_23] : memref<61440xf32, #tpu.memory_space<vmem>> -> memref<2048xf32, #tpu.memory_space<vmem>>
    %dma_start3A_25 = tpu.memref_slice %arg2[%add3A_19] : memref<1966080xf32, #tpu.memory_space<hbm>> -> memref<2048xf32, #tpu.memory_space<hbm>>
    tpu.enqueue_dma source(%dma_start3A_25 : memref<2048xf32, #tpu.memory_space<hbm>>) target(%dma_start3A_24 : memref<2048xf32, #tpu.memory_space<vmem>>) target_semaphore(%arg6 : memref<!tpu.dma_semaphore, #tpu.memory_space<semaphore_mem>>)
    %add3A_26 = arith.constant 196608 : i32
    %add3A_27 = arith.addi %add3A_26, %mul3A_2 : i32
    %dma_start3A_28 = arith.constant 6144 : i32
    %dma_start3A_29 = tpu.memref_slice %arg4[%dma_start3A_28] : memref<61440xf32, #tpu.memory_space<vmem>> -> memref<2048xf32, #tpu.memory_space<vmem>>
    %dma_start3A_30 = tpu.memref_slice %arg2[%add3A_27] : memref<1966080xf32, #tpu.memory_space<hbm>> -> memref<2048xf32, #tpu.memory_space<hbm>>
    %dma_start3A_31 = arith.constant 6144 : i32
    %dma_start3A_32 = tpu.memref_slice %arg4[%dma_start3A_31] : memref<61440xf32, #tpu.memory_space<vmem>> -> memref<2048xf32, #tpu.memory_space<vmem>>
    %dma_start3A_33 = tpu.memref_slice %arg2[%add3A_27] : memref<1966080xf32, #tpu.memory_space<hbm>> -> memref<2048xf32, #tpu.memory_space<hbm>>
    tpu.enqueue_dma source(%dma_start3A_33 : memref<2048xf32, #tpu.memory_space<hbm>>) target(%dma_start3A_32 : memref<2048xf32, #tpu.memory_space<vmem>>) target_semaphore(%arg6 : memref<!tpu.dma_semaphore, #tpu.memory_space<semaphore_mem>>)
    %add3A_34 = arith.constant 262144 : i32
    %add3A_35 = arith.addi %add3A_34, %mul3A_2 : i32
    %dma_start3A_36 = arith.constant 8192 : i32
    %dma_start3A_37 = tpu.memref_slice %arg4[%dma_start3A_36] : memref<61440xf32, #tpu.memory_space<vmem>> -> memref<2048xf32, #tpu.memory_space<vmem>>
    %dma_start3A_38 = tpu.memref_slice %arg2[%add3A_35] : memref<1966080xf32, #tpu.memory_space<hbm>> -> memref<2048xf32, #tpu.memory_space<hbm>>
    %dma_start3A_39 = arith.constant 8192 : i32
    %dma_start3A_40 = tpu.memref_slice %arg4[%dma_start3A_39] : memref<61440xf32, #tpu.memory_space<vmem>> -> memref<2048xf32, #tpu.memory_space<vmem>>
    %dma_start3A_41 = tpu.memref_slice %arg2[%add3A_35] : memref<1966080xf32, #tpu.memory_space<hbm>> -> memref<2048xf32, #tpu.memory_space<hbm>>
    tpu.enqueue_dma source(%dma_start3A_41 : memref<2048xf32, #tpu.memory_space<hbm>>) target(%dma_start3A_40 : memref<2048xf32, #tpu.memory_space<vmem>>) target_semaphore(%arg6 : memref<!tpu.dma_semaphore, #tpu.memory_space<semaphore_mem>>)
    %add3A_42 = arith.constant 327680 : i32
    %add3A_43 = arith.addi %add3A_42, %mul3A_2 : i32
    %dma_start3A_44 = arith.constant 10240 : i32
    %dma_start3A_45 = tpu.memref_slice %arg4[%dma_start3A_44] : memref<61440xf32, #tpu.memory_space<vmem>> -> memref<2048xf32, #tpu.memory_space<vmem>>
    %dma_start3A_46 = tpu.memref_slice %arg2[%add3A_43] : memref<1966080xf32, #tpu.memory_space<hbm>> -> memref<2048xf32, #tpu.memory_space<hbm>>
    %dma_start3A_47 = arith.constant 10240 : i32
    %dma_start3A_48 = tpu.memref_slice %arg4[%dma_start3A_47] : memref<61440xf32, #tpu.memory_space<vmem>> -> memref<2048xf32, #tpu.memory_space<vmem>>
    %dma_start3A_49 = tpu.memref_slice %arg2[%add3A_43] : memref<1966080xf32, #tpu.memory_space<hbm>> -> memref<2048xf32, #tpu.memory_space<hbm>>
    tpu.enqueue_dma source(%dma_start3A_49 : memref<2048xf32, #tpu.memory_space<hbm>>) target(%dma_start3A_48 : memref<2048xf32, #tpu.memory_space<vmem>>) target_semaphore(%arg6 : memref<!tpu.dma_semaphore, #tpu.memory_space<semaphore_mem>>)
    %add3A_50 = arith.constant 393216 : i32
    %add3A_51 = arith.addi %add3A_50, %mul3A_2 : i32
    %dma_start3A_52 = arith.constant 12288 : i32
    %dma_start3A_53 = tpu.memref_slice %arg4[%dma_start3A_52] : memref<61440xf32, #tpu.memory_space<vmem>> -> memref<2048xf32, #tpu.memory_space<vmem>>
    %dma_start3A_54 = tpu.memref_slice %arg2[%add3A_51] : memref<1966080xf32, #tpu.memory_space<hbm>> -> memref<2048xf32, #tpu.memory_space<hbm>>
    %dma_start3A_55 = arith.constant 12288 : i32
    %dma_start3A_56 = tpu.memref_slice %arg4[%dma_start3A_55] : memref<61440xf32, #tpu.memory_space<vmem>> -> memref<2048xf32, #tpu.memory_space<vmem>>
    %dma_start3A_57 = tpu.memref_slice %arg2[%add3A_51] : memref<1966080xf32, #tpu.memory_space<hbm>> -> memref<2048xf32, #tpu.memory_space<hbm>>
    tpu.enqueue_dma source(%dma_start3A_57 : memref<2048xf32, #tpu.memory_space<hbm>>) target(%dma_start3A_56 : memref<2048xf32, #tpu.memory_space<vmem>>) target_semaphore(%arg6 : memref<!tpu.dma_semaphore, #tpu.memory_space<semaphore_mem>>)
    %add3A_58 = arith.constant 458752 : i32
    %add3A_59 = arith.addi %add3A_58, %mul3A_2 : i32
    %dma_start3A_60 = arith.constant 14336 : i32
    %dma_start3A_61 = tpu.memref_slice %arg4[%dma_start3A_60] : memref<61440xf32, #tpu.memory_space<vmem>> -> memref<2048xf32, #tpu.memory_space<vmem>>
    %dma_start3A_62 = tpu.memref_slice %arg2[%add3A_59] : memref<1966080xf32, #tpu.memory_space<hbm>> -> memref<2048xf32, #tpu.memory_space<hbm>>
    %dma_start3A_63 = arith.constant 14336 : i32
    %dma_start3A_64 = tpu.memref_slice %arg4[%dma_start3A_63] : memref<61440xf32, #tpu.memory_space<vmem>> -> memref<2048xf32, #tpu.memory_space<vmem>>
    %dma_start3A_65 = tpu.memref_slice %arg2[%add3A_59] : memref<1966080xf32, #tpu.memory_space<hbm>> -> memref<2048xf32, #tpu.memory_space<hbm>>
    tpu.enqueue_dma source(%dma_start3A_65 : memref<2048xf32, #tpu.memory_space<hbm>>) target(%dma_start3A_64 : memref<2048xf32, #tpu.memory_space<vmem>>) target_semaphore(%arg6 : memref<!tpu.dma_semaphore, #tpu.memory_space<semaphore_mem>>)
    %add3A_66 = arith.constant 524288 : i32
    %add3A_67 = arith.addi %add3A_66, %mul3A_2 : i32
    %dma_start3A_68 = arith.constant 16384 : i32
    %dma_start3A_69 = tpu.memref_slice %arg4[%dma_start3A_68] : memref<61440xf32, #tpu.memory_space<vmem>> -> memref<2048xf32, #tpu.memory_space<vmem>>
    %dma_start3A_70 = tpu.memref_slice %arg2[%add3A_67] : memref<1966080xf32, #tpu.memory_space<hbm>> -> memref<2048xf32, #tpu.memory_space<hbm>>
    %dma_start3A_71 = arith.constant 16384 : i32
    %dma_start3A_72 = tpu.memref_slice %arg4[%dma_start3A_71] : memref<61440xf32, #tpu.memory_space<vmem>> -> memref<2048xf32, #tpu.memory_space<vmem>>
    %dma_start3A_73 = tpu.memref_slice %arg2[%add3A_67] : memref<1966080xf32, #tpu.memory_space<hbm>> -> memref<2048xf32, #tpu.memory_space<hbm>>
    tpu.enqueue_dma source(%dma_start3A_73 : memref<2048xf32, #tpu.memory_space<hbm>>) target(%dma_start3A_72 : memref<2048xf32, #tpu.memory_space<vmem>>) target_semaphore(%arg6 : memref<!tpu.dma_semaphore, #tpu.memory_space<semaphore_mem>>)
    %add3A_74 = arith.constant 589824 : i32
    %add3A_75 = arith.addi %add3A_74, %mul3A_2 : i32
    %dma_start3A_76 = arith.constant 18432 : i32
    %dma_start3A_77 = tpu.memref_slice %arg4[%dma_start3A_76] : memref<61440xf32, #tpu.memory_space<vmem>> -> memref<2048xf32, #tpu.memory_space<vmem>>
    %dma_start3A_78 = tpu.memref_slice %arg2[%add3A_75] : memref<1966080xf32, #tpu.memory_space<hbm>> -> memref<2048xf32, #tpu.memory_space<hbm>>
    %dma_start3A_79 = arith.constant 18432 : i32
    %dma_start3A_80 = tpu.memref_slice %arg4[%dma_start3A_79] : memref<61440xf32, #tpu.memory_space<vmem>> -> memref<2048xf32, #tpu.memory_space<vmem>>
    %dma_start3A_81 = tpu.memref_slice %arg2[%add3A_75] : memref<1966080xf32, #tpu.memory_space<hbm>> -> memref<2048xf32, #tpu.memory_space<hbm>>
    tpu.enqueue_dma source(%dma_start3A_81 : memref<2048xf32, #tpu.memory_space<hbm>>) target(%dma_start3A_80 : memref<2048xf32, #tpu.memory_space<vmem>>) target_semaphore(%arg6 : memref<!tpu.dma_semaphore, #tpu.memory_space<semaphore_mem>>)
    %add3A_82 = arith.constant 655360 : i32
    %add3A_83 = arith.addi %add3A_82, %mul3A_2 : i32
    %dma_start3A_84 = arith.constant 20480 : i32
    %dma_start3A_85 = tpu.memref_slice %arg4[%dma_start3A_84] : memref<61440xf32, #tpu.memory_space<vmem>> -> memref<2048xf32, #tpu.memory_space<vmem>>
    %dma_start3A_86 = tpu.memref_slice %arg2[%add3A_83] : memref<1966080xf32, #tpu.memory_space<hbm>> -> memref<2048xf32, #tpu.memory_space<hbm>>
    %dma_start3A_87 = arith.constant 20480 : i32
    %dma_start3A_88 = tpu.memref_slice %arg4[%dma_start3A_87] : memref<61440xf32, #tpu.memory_space<vmem>> -> memref<2048xf32, #tpu.memory_space<vmem>>
    %dma_start3A_89 = tpu.memref_slice %arg2[%add3A_83] : memref<1966080xf32, #tpu.memory_space<hbm>> -> memref<2048xf32, #tpu.memory_space<hbm>>
    tpu.enqueue_dma source(%dma_start3A_89 : memref<2048xf32, #tpu.memory_space<hbm>>) target(%dma_start3A_88 : memref<2048xf32, #tpu.memory_space<vmem>>) target_semaphore(%arg6 : memref<!tpu.dma_semaphore, #tpu.memory_space<semaphore_mem>>)
    %add3A_90 = arith.constant 720896 : i32
    %add3A_91 = arith.addi %add3A_90, %mul3A_2 : i32
    %dma_start3A_92 = arith.constant 22528 : i32
    %dma_start3A_93 = tpu.memref_slice %arg4[%dma_start3A_92] : memref<61440xf32, #tpu.memory_space<vmem>> -> memref<2048xf32, #tpu.memory_space<vmem>>
    %dma_start3A_94 = tpu.memref_slice %arg2[%add3A_91] : memref<1966080xf32, #tpu.memory_space<hbm>> -> memref<2048xf32, #tpu.memory_space<hbm>>
    %dma_start3A_95 = arith.constant 22528 : i32
    %dma_start3A_96 = tpu.memref_slice %arg4[%dma_start3A_95] : memref<61440xf32, #tpu.memory_space<vmem>> -> memref<2048xf32, #tpu.memory_space<vmem>>
    %dma_start3A_97 = tpu.memref_slice %arg2[%add3A_91] : memref<1966080xf32, #tpu.memory_space<hbm>> -> memref<2048xf32, #tpu.memory_space<hbm>>
    tpu.enqueue_dma source(%dma_start3A_97 : memref<2048xf32, #tpu.memory_space<hbm>>) target(%dma_start3A_96 : memref<2048xf32, #tpu.memory_space<vmem>>) target_semaphore(%arg6 : memref<!tpu.dma_semaphore, #tpu.memory_space<semaphore_mem>>)
    %add3A_98 = arith.constant 786432 : i32
    %add3A_99 = arith.addi %add3A_98, %mul3A_2 : i32
    %dma_start3A_100 = arith.constant 24576 : i32
    %dma_start3A_101 = tpu.memref_slice %arg4[%dma_start3A_100] : memref<61440xf32, #tpu.memory_space<vmem>> -> memref<2048xf32, #tpu.memory_space<vmem>>
    %dma_start3A_102 = tpu.memref_slice %arg2[%add3A_99] : memref<1966080xf32, #tpu.memory_space<hbm>> -> memref<2048xf32, #tpu.memory_space<hbm>>
    %dma_start3A_103 = arith.constant 24576 : i32
    %dma_start3A_104 = tpu.memref_slice %arg4[%dma_start3A_103] : memref<61440xf32, #tpu.memory_space<vmem>> -> memref<2048xf32, #tpu.memory_space<vmem>>
    %dma_start3A_105 = tpu.memref_slice %arg2[%add3A_99] : memref<1966080xf32, #tpu.memory_space<hbm>> -> memref<2048xf32, #tpu.memory_space<hbm>>
    tpu.enqueue_dma source(%dma_start3A_105 : memref<2048xf32, #tpu.memory_space<hbm>>) target(%dma_start3A_104 : memref<2048xf32, #tpu.memory_space<vmem>>) target_semaphore(%arg6 : memref<!tpu.dma_semaphore, #tpu.memory_space<semaphore_mem>>)
    %add3A_106 = arith.constant 851968 : i32
    %add3A_107 = arith.addi %add3A_106, %mul3A_2 : i32
    %dma_start3A_108 = arith.constant 26624 : i32
    %dma_start3A_109 = tpu.memref_slice %arg4[%dma_start3A_108] : memref<61440xf32, #tpu.memory_space<vmem>> -> memref<2048xf32, #tpu.memory_space<vmem>>
    %dma_start3A_110 = tpu.memref_slice %arg2[%add3A_107] : memref<1966080xf32, #tpu.memory_space<hbm>> -> memref<2048xf32, #tpu.memory_space<hbm>>
    %dma_start3A_111 = arith.constant 26624 : i32
    %dma_start3A_112 = tpu.memref_slice %arg4[%dma_start3A_111] : memref<61440xf32, #tpu.memory_space<vmem>> -> memref<2048xf32, #tpu.memory_space<vmem>>
    %dma_start3A_113 = tpu.memref_slice %arg2[%add3A_107] : memref<1966080xf32, #tpu.memory_space<hbm>> -> memref<2048xf32, #tpu.memory_space<hbm>>
    tpu.enqueue_dma source(%dma_start3A_113 : memref<2048xf32, #tpu.memory_space<hbm>>) target(%dma_start3A_112 : memref<2048xf32, #tpu.memory_space<vmem>>) target_semaphore(%arg6 : memref<!tpu.dma_semaphore, #tpu.memory_space<semaphore_mem>>)
    %add3A_114 = arith.constant 917504 : i32
    %add3A_115 = arith.addi %add3A_114, %mul3A_2 : i32
    %dma_start3A_116 = arith.constant 28672 : i32
    %dma_start3A_117 = tpu.memref_slice %arg4[%dma_start3A_116] : memref<61440xf32, #tpu.memory_space<vmem>> -> memref<2048xf32, #tpu.memory_space<vmem>>
    %dma_start3A_118 = tpu.memref_slice %arg2[%add3A_115] : memref<1966080xf32, #tpu.memory_space<hbm>> -> memref<2048xf32, #tpu.memory_space<hbm>>
    %dma_start3A_119 = arith.constant 28672 : i32
    %dma_start3A_120 = tpu.memref_slice %arg4[%dma_start3A_119] : memref<61440xf32, #tpu.memory_space<vmem>> -> memref<2048xf32, #tpu.memory_space<vmem>>
    %dma_start3A_121 = tpu.memref_slice %arg2[%add3A_115] : memref<1966080xf32, #tpu.memory_space<hbm>> -> memref<2048xf32, #tpu.memory_space<hbm>>
    tpu.enqueue_dma source(%dma_start3A_121 : memref<2048xf32, #tpu.memory_space<hbm>>) target(%dma_start3A_120 : memref<2048xf32, #tpu.memory_space<vmem>>) target_semaphore(%arg6 : memref<!tpu.dma_semaphore, #tpu.memory_space<semaphore_mem>>)
    %add3A_122 = arith.constant 983040 : i32
    %add3A_123 = arith.addi %add3A_122, %mul3A_2 : i32
    %dma_start3A_124 = arith.constant 30720 : i32
    %dma_start3A_125 = tpu.memref_slice %arg4[%dma_start3A_124] : memref<61440xf32, #tpu.memory_space<vmem>> -> memref<2048xf32, #tpu.memory_space<vmem>>
    %dma_start3A_126 = tpu.memref_slice %arg2[%add3A_123] : memref<1966080xf32, #tpu.memory_space<hbm>> -> memref<2048xf32, #tpu.memory_space<hbm>>
    %dma_start3A_127 = arith.constant 30720 : i32
    %dma_start3A_128 = tpu.memref_slice %arg4[%dma_start3A_127] : memref<61440xf32, #tpu.memory_space<vmem>> -> memref<2048xf32, #tpu.memory_space<vmem>>
    %dma_start3A_129 = tpu.memref_slice %arg2[%add3A_123] : memref<1966080xf32, #tpu.memory_space<hbm>> -> memref<2048xf32, #tpu.memory_space<hbm>>
    tpu.enqueue_dma source(%dma_start3A_129 : memref<2048xf32, #tpu.memory_space<hbm>>) target(%dma_start3A_128 : memref<2048xf32, #tpu.memory_space<vmem>>) target_semaphore(%arg6 : memref<!tpu.dma_semaphore, #tpu.memory_space<semaphore_mem>>)
    %add3A_130 = arith.constant 1048576 : i32
    %add3A_131 = arith.addi %add3A_130, %mul3A_2 : i32
    %dma_start3A_132 = arith.constant 32768 : i32
    %dma_start3A_133 = tpu.memref_slice %arg4[%dma_start3A_132] : memref<61440xf32, #tpu.memory_space<vmem>> -> memref<2048xf32, #tpu.memory_space<vmem>>
    %dma_start3A_134 = tpu.memref_slice %arg2[%add3A_131] : memref<1966080xf32, #tpu.memory_space<hbm>> -> memref<2048xf32, #tpu.memory_space<hbm>>
    %dma_start3A_135 = arith.constant 32768 : i32
    %dma_start3A_136 = tpu.memref_slice %arg4[%dma_start3A_135] : memref<61440xf32, #tpu.memory_space<vmem>> -> memref<2048xf32, #tpu.memory_space<vmem>>
    %dma_start3A_137 = tpu.memref_slice %arg2[%add3A_131] : memref<1966080xf32, #tpu.memory_space<hbm>> -> memref<2048xf32, #tpu.memory_space<hbm>>
    tpu.enqueue_dma source(%dma_start3A_137 : memref<2048xf32, #tpu.memory_space<hbm>>) target(%dma_start3A_136 : memref<2048xf32, #tpu.memory_space<vmem>>) target_semaphore(%arg6 : memref<!tpu.dma_semaphore, #tpu.memory_space<semaphore_mem>>)
    %add3A_138 = arith.constant 1114112 : i32
    %add3A_139 = arith.addi %add3A_138, %mul3A_2 : i32
    %dma_start3A_140 = arith.constant 34816 : i32
    %dma_start3A_141 = tpu.memref_slice %arg4[%dma_start3A_140] : memref<61440xf32, #tpu.memory_space<vmem>> -> memref<2048xf32, #tpu.memory_space<vmem>>
    %dma_start3A_142 = tpu.memref_slice %arg2[%add3A_139] : memref<1966080xf32, #tpu.memory_space<hbm>> -> memref<2048xf32, #tpu.memory_space<hbm>>
    %dma_start3A_143 = arith.constant 34816 : i32
    %dma_start3A_144 = tpu.memref_slice %arg4[%dma_start3A_143] : memref<61440xf32, #tpu.memory_space<vmem>> -> memref<2048xf32, #tpu.memory_space<vmem>>
    %dma_start3A_145 = tpu.memref_slice %arg2[%add3A_139] : memref<1966080xf32, #tpu.memory_space<hbm>> -> memref<2048xf32, #tpu.memory_space<hbm>>
    tpu.enqueue_dma source(%dma_start3A_145 : memref<2048xf32, #tpu.memory_space<hbm>>) target(%dma_start3A_144 : memref<2048xf32, #tpu.memory_space<vmem>>) target_semaphore(%arg6 : memref<!tpu.dma_semaphore, #tpu.memory_space<semaphore_mem>>)
    %add3A_146 = arith.constant 1179648 : i32
    %add3A_147 = arith.addi %add3A_146, %mul3A_2 : i32
    %dma_start3A_148 = arith.constant 36864 : i32
    %dma_start3A_149 = tpu.memref_slice %arg4[%dma_start3A_148] : memref<61440xf32, #tpu.memory_space<vmem>> -> memref<2048xf32, #tpu.memory_space<vmem>>
    %dma_start3A_150 = tpu.memref_slice %arg2[%add3A_147] : memref<1966080xf32, #tpu.memory_space<hbm>> -> memref<2048xf32, #tpu.memory_space<hbm>>
    %dma_start3A_151 = arith.constant 36864 : i32
    %dma_start3A_152 = tpu.memref_slice %arg4[%dma_start3A_151] : memref<61440xf32, #tpu.memory_space<vmem>> -> memref<2048xf32, #tpu.memory_space<vmem>>
    %dma_start3A_153 = tpu.memref_slice %arg2[%add3A_147] : memref<1966080xf32, #tpu.memory_space<hbm>> -> memref<2048xf32, #tpu.memory_space<hbm>>
    tpu.enqueue_dma source(%dma_start3A_153 : memref<2048xf32, #tpu.memory_space<hbm>>) target(%dma_start3A_152 : memref<2048xf32, #tpu.memory_space<vmem>>) target_semaphore(%arg6 : memref<!tpu.dma_semaphore, #tpu.memory_space<semaphore_mem>>)
    %add3A_154 = arith.constant 1245184 : i32
    %add3A_155 = arith.addi %add3A_154, %mul3A_2 : i32
    %dma_start3A_156 = arith.constant 38912 : i32
    %dma_start3A_157 = tpu.memref_slice %arg4[%dma_start3A_156] : memref<61440xf32, #tpu.memory_space<vmem>> -> memref<2048xf32, #tpu.memory_space<vmem>>
    %dma_start3A_158 = tpu.memref_slice %arg2[%add3A_155] : memref<1966080xf32, #tpu.memory_space<hbm>> -> memref<2048xf32, #tpu.memory_space<hbm>>
    %dma_start3A_159 = arith.constant 38912 : i32
    %dma_start3A_160 = tpu.memref_slice %arg4[%dma_start3A_159] : memref<61440xf32, #tpu.memory_space<vmem>> -> memref<2048xf32, #tpu.memory_space<vmem>>
    %dma_start3A_161 = tpu.memref_slice %arg2[%add3A_155] : memref<1966080xf32, #tpu.memory_space<hbm>> -> memref<2048xf32, #tpu.memory_space<hbm>>
    tpu.enqueue_dma source(%dma_start3A_161 : memref<2048xf32, #tpu.memory_space<hbm>>) target(%dma_start3A_160 : memref<2048xf32, #tpu.memory_space<vmem>>) target_semaphore(%arg6 : memref<!tpu.dma_semaphore, #tpu.memory_space<semaphore_mem>>)
    %add3A_162 = arith.constant 1310720 : i32
    %add3A_163 = arith.addi %add3A_162, %mul3A_2 : i32
    %dma_start3A_164 = arith.constant 40960 : i32
    %dma_start3A_165 = tpu.memref_slice %arg4[%dma_start3A_164] : memref<61440xf32, #tpu.memory_space<vmem>> -> memref<2048xf32, #tpu.memory_space<vmem>>
    %dma_start3A_166 = tpu.memref_slice %arg2[%add3A_163] : memref<1966080xf32, #tpu.memory_space<hbm>> -> memref<2048xf32, #tpu.memory_space<hbm>>
    %dma_start3A_167 = arith.constant 40960 : i32
    %dma_start3A_168 = tpu.memref_slice %arg4[%dma_start3A_167] : memref<61440xf32, #tpu.memory_space<vmem>> -> memref<2048xf32, #tpu.memory_space<vmem>>
    %dma_start3A_169 = tpu.memref_slice %arg2[%add3A_163] : memref<1966080xf32, #tpu.memory_space<hbm>> -> memref<2048xf32, #tpu.memory_space<hbm>>
    tpu.enqueue_dma source(%dma_start3A_169 : memref<2048xf32, #tpu.memory_space<hbm>>) target(%dma_start3A_168 : memref<2048xf32, #tpu.memory_space<vmem>>) target_semaphore(%arg6 : memref<!tpu.dma_semaphore, #tpu.memory_space<semaphore_mem>>)
    %add3A_170 = arith.constant 1376256 : i32
    %add3A_171 = arith.addi %add3A_170, %mul3A_2 : i32
    %dma_start3A_172 = arith.constant 43008 : i32
    %dma_start3A_173 = tpu.memref_slice %arg4[%dma_start3A_172] : memref<61440xf32, #tpu.memory_space<vmem>> -> memref<2048xf32, #tpu.memory_space<vmem>>
    %dma_start3A_174 = tpu.memref_slice %arg2[%add3A_171] : memref<1966080xf32, #tpu.memory_space<hbm>> -> memref<2048xf32, #tpu.memory_space<hbm>>
    %dma_start3A_175 = arith.constant 43008 : i32
    %dma_start3A_176 = tpu.memref_slice %arg4[%dma_start3A_175] : memref<61440xf32, #tpu.memory_space<vmem>> -> memref<2048xf32, #tpu.memory_space<vmem>>
    %dma_start3A_177 = tpu.memref_slice %arg2[%add3A_171] : memref<1966080xf32, #tpu.memory_space<hbm>> -> memref<2048xf32, #tpu.memory_space<hbm>>
    tpu.enqueue_dma source(%dma_start3A_177 : memref<2048xf32, #tpu.memory_space<hbm>>) target(%dma_start3A_176 : memref<2048xf32, #tpu.memory_space<vmem>>) target_semaphore(%arg6 : memref<!tpu.dma_semaphore, #tpu.memory_space<semaphore_mem>>)
    %add3A_178 = arith.constant 1441792 : i32
    %add3A_179 = arith.addi %add3A_178, %mul3A_2 : i32
    %dma_start3A_180 = arith.constant 45056 : i32
    %dma_start3A_181 = tpu.memref_slice %arg4[%dma_start3A_180] : memref<61440xf32, #tpu.memory_space<vmem>> -> memref<2048xf32, #tpu.memory_space<vmem>>
    %dma_start3A_182 = tpu.memref_slice %arg2[%add3A_179] : memref<1966080xf32, #tpu.memory_space<hbm>> -> memref<2048xf32, #tpu.memory_space<hbm>>
    %dma_start3A_183 = arith.constant 45056 : i32
    %dma_start3A_184 = tpu.memref_slice %arg4[%dma_start3A_183] : memref<61440xf32, #tpu.memory_space<vmem>> -> memref<2048xf32, #tpu.memory_space<vmem>>
    %dma_start3A_185 = tpu.memref_slice %arg2[%add3A_179] : memref<1966080xf32, #tpu.memory_space<hbm>> -> memref<2048xf32, #tpu.memory_space<hbm>>
    tpu.enqueue_dma source(%dma_start3A_185 : memref<2048xf32, #tpu.memory_space<hbm>>) target(%dma_start3A_184 : memref<2048xf32, #tpu.memory_space<vmem>>) target_semaphore(%arg6 : memref<!tpu.dma_semaphore, #tpu.memory_space<semaphore_mem>>)
    %add3A_186 = arith.constant 1507328 : i32
    %add3A_187 = arith.addi %add3A_186, %mul3A_2 : i32
    %dma_start3A_188 = arith.constant 47104 : i32
    %dma_start3A_189 = tpu.memref_slice %arg4[%dma_start3A_188] : memref<61440xf32, #tpu.memory_space<vmem>> -> memref<2048xf32, #tpu.memory_space<vmem>>
    %dma_start3A_190 = tpu.memref_slice %arg2[%add3A_187] : memref<1966080xf32, #tpu.memory_space<hbm>> -> memref<2048xf32, #tpu.memory_space<hbm>>
    %dma_start3A_191 = arith.constant 47104 : i32
    %dma_start3A_192 = tpu.memref_slice %arg4[%dma_start3A_191] : memref<61440xf32, #tpu.memory_space<vmem>> -> memref<2048xf32, #tpu.memory_space<vmem>>
    %dma_start3A_193 = tpu.memref_slice %arg2[%add3A_187] : memref<1966080xf32, #tpu.memory_space<hbm>> -> memref<2048xf32, #tpu.memory_space<hbm>>
    tpu.enqueue_dma source(%dma_start3A_193 : memref<2048xf32, #tpu.memory_space<hbm>>) target(%dma_start3A_192 : memref<2048xf32, #tpu.memory_space<vmem>>) target_semaphore(%arg6 : memref<!tpu.dma_semaphore, #tpu.memory_space<semaphore_mem>>)
    %add3A_194 = arith.constant 1572864 : i32
    %add3A_195 = arith.addi %add3A_194, %mul3A_2 : i32
    %dma_start3A_196 = arith.constant 49152 : i32
    %dma_start3A_197 = tpu.memref_slice %arg4[%dma_start3A_196] : memref<61440xf32, #tpu.memory_space<vmem>> -> memref<2048xf32, #tpu.memory_space<vmem>>
    %dma_start3A_198 = tpu.memref_slice %arg2[%add3A_195] : memref<1966080xf32, #tpu.memory_space<hbm>> -> memref<2048xf32, #tpu.memory_space<hbm>>
    %dma_start3A_199 = arith.constant 49152 : i32
    %dma_start3A_200 = tpu.memref_slice %arg4[%dma_start3A_199] : memref<61440xf32, #tpu.memory_space<vmem>> -> memref<2048xf32, #tpu.memory_space<vmem>>
    %dma_start3A_201 = tpu.memref_slice %arg2[%add3A_195] : memref<1966080xf32, #tpu.memory_space<hbm>> -> memref<2048xf32, #tpu.memory_space<hbm>>
    tpu.enqueue_dma source(%dma_start3A_201 : memref<2048xf32, #tpu.memory_space<hbm>>) target(%dma_start3A_200 : memref<2048xf32, #tpu.memory_space<vmem>>) target_semaphore(%arg6 : memref<!tpu.dma_semaphore, #tpu.memory_space<semaphore_mem>>)
    %add3A_202 = arith.constant 1638400 : i32
    %add3A_203 = arith.addi %add3A_202, %mul3A_2 : i32
    %dma_start3A_204 = arith.constant 51200 : i32
    %dma_start3A_205 = tpu.memref_slice %arg4[%dma_start3A_204] : memref<61440xf32, #tpu.memory_space<vmem>> -> memref<2048xf32, #tpu.memory_space<vmem>>
    %dma_start3A_206 = tpu.memref_slice %arg2[%add3A_203] : memref<1966080xf32, #tpu.memory_space<hbm>> -> memref<2048xf32, #tpu.memory_space<hbm>>
    %dma_start3A_207 = arith.constant 51200 : i32
    %dma_start3A_208 = tpu.memref_slice %arg4[%dma_start3A_207] : memref<61440xf32, #tpu.memory_space<vmem>> -> memref<2048xf32, #tpu.memory_space<vmem>>
    %dma_start3A_209 = tpu.memref_slice %arg2[%add3A_203] : memref<1966080xf32, #tpu.memory_space<hbm>> -> memref<2048xf32, #tpu.memory_space<hbm>>
    tpu.enqueue_dma source(%dma_start3A_209 : memref<2048xf32, #tpu.memory_space<hbm>>) target(%dma_start3A_208 : memref<2048xf32, #tpu.memory_space<vmem>>) target_semaphore(%arg6 : memref<!tpu.dma_semaphore, #tpu.memory_space<semaphore_mem>>)
    %add3A_210 = arith.constant 1703936 : i32
    %add3A_211 = arith.addi %add3A_210, %mul3A_2 : i32
    %dma_start3A_212 = arith.constant 53248 : i32
    %dma_start3A_213 = tpu.memref_slice %arg4[%dma_start3A_212] : memref<61440xf32, #tpu.memory_space<vmem>> -> memref<2048xf32, #tpu.memory_space<vmem>>
    %dma_start3A_214 = tpu.memref_slice %arg2[%add3A_211] : memref<1966080xf32, #tpu.memory_space<hbm>> -> memref<2048xf32, #tpu.memory_space<hbm>>
    %dma_start3A_215 = arith.constant 53248 : i32
    %dma_start3A_216 = tpu.memref_slice %arg4[%dma_start3A_215] : memref<61440xf32, #tpu.memory_space<vmem>> -> memref<2048xf32, #tpu.memory_space<vmem>>
    %dma_start3A_217 = tpu.memref_slice %arg2[%add3A_211] : memref<1966080xf32, #tpu.memory_space<hbm>> -> memref<2048xf32, #tpu.memory_space<hbm>>
    tpu.enqueue_dma source(%dma_start3A_217 : memref<2048xf32, #tpu.memory_space<hbm>>) target(%dma_start3A_216 : memref<2048xf32, #tpu.memory_space<vmem>>) target_semaphore(%arg6 : memref<!tpu.dma_semaphore, #tpu.memory_space<semaphore_mem>>)
    %add3A_218 = arith.constant 1769472 : i32
    %add3A_219 = arith.addi %add3A_218, %mul3A_2 : i32
    %dma_start3A_220 = arith.constant 55296 : i32
    %dma_start3A_221 = tpu.memref_slice %arg4[%dma_start3A_220] : memref<61440xf32, #tpu.memory_space<vmem>> -> memref<2048xf32, #tpu.memory_space<vmem>>
    %dma_start3A_222 = tpu.memref_slice %arg2[%add3A_219] : memref<1966080xf32, #tpu.memory_space<hbm>> -> memref<2048xf32, #tpu.memory_space<hbm>>
    %dma_start3A_223 = arith.constant 55296 : i32
    %dma_start3A_224 = tpu.memref_slice %arg4[%dma_start3A_223] : memref<61440xf32, #tpu.memory_space<vmem>> -> memref<2048xf32, #tpu.memory_space<vmem>>
    %dma_start3A_225 = tpu.memref_slice %arg2[%add3A_219] : memref<1966080xf32, #tpu.memory_space<hbm>> -> memref<2048xf32, #tpu.memory_space<hbm>>
    tpu.enqueue_dma source(%dma_start3A_225 : memref<2048xf32, #tpu.memory_space<hbm>>) target(%dma_start3A_224 : memref<2048xf32, #tpu.memory_space<vmem>>) target_semaphore(%arg6 : memref<!tpu.dma_semaphore, #tpu.memory_space<semaphore_mem>>)
    %add3A_226 = arith.constant 1835008 : i32
    %add3A_227 = arith.addi %add3A_226, %mul3A_2 : i32
    %dma_start3A_228 = arith.constant 57344 : i32
    %dma_start3A_229 = tpu.memref_slice %arg4[%dma_start3A_228] : memref<61440xf32, #tpu.memory_space<vmem>> -> memref<2048xf32, #tpu.memory_space<vmem>>
    %dma_start3A_230 = tpu.memref_slice %arg2[%add3A_227] : memref<1966080xf32, #tpu.memory_space<hbm>> -> memref<2048xf32, #tpu.memory_space<hbm>>
    %dma_start3A_231 = arith.constant 57344 : i32
    %dma_start3A_232 = tpu.memref_slice %arg4[%dma_start3A_231] : memref<61440xf32, #tpu.memory_space<vmem>> -> memref<2048xf32, #tpu.memory_space<vmem>>
    %dma_start3A_233 = tpu.memref_slice %arg2[%add3A_227] : memref<1966080xf32, #tpu.memory_space<hbm>> -> memref<2048xf32, #tpu.memory_space<hbm>>
    tpu.enqueue_dma source(%dma_start3A_233 : memref<2048xf32, #tpu.memory_space<hbm>>) target(%dma_start3A_232 : memref<2048xf32, #tpu.memory_space<vmem>>) target_semaphore(%arg6 : memref<!tpu.dma_semaphore, #tpu.memory_space<semaphore_mem>>)
    %add3A_234 = arith.constant 1900544 : i32
    %add3A_235 = arith.addi %add3A_234, %mul3A_2 : i32
    %dma_start3A_236 = arith.constant 59392 : i32
    %dma_start3A_237 = tpu.memref_slice %arg4[%dma_start3A_236] : memref<61440xf32, #tpu.memory_space<vmem>> -> memref<2048xf32, #tpu.memory_space<vmem>>
    %dma_start3A_238 = tpu.memref_slice %arg2[%add3A_235] : memref<1966080xf32, #tpu.memory_space<hbm>> -> memref<2048xf32, #tpu.memory_space<hbm>>
    %dma_start3A_239 = arith.constant 59392 : i32
    %dma_start3A_240 = tpu.memref_slice %arg4[%dma_start3A_239] : memref<61440xf32, #tpu.memory_space<vmem>> -> memref<2048xf32, #tpu.memory_space<vmem>>
    %dma_start3A_241 = tpu.memref_slice %arg2[%add3A_235] : memref<1966080xf32, #tpu.memory_space<hbm>> -> memref<2048xf32, #tpu.memory_space<hbm>>
    tpu.enqueue_dma source(%dma_start3A_241 : memref<2048xf32, #tpu.memory_space<hbm>>) target(%dma_start3A_240 : memref<2048xf32, #tpu.memory_space<vmem>>) target_semaphore(%arg6 : memref<!tpu.dma_semaphore, #tpu.memory_space<semaphore_mem>>)
    %add3A_242 = arith.constant 0 : i32
    %add3A_243 = arith.addi %add3A_242, %mul3A_2 : i32
    %dma_wait3A = arith.constant 0 : i32
    %dma_wait3A_244 = tpu.memref_slice %arg4[%dma_wait3A] : memref<61440xf32, #tpu.memory_space<vmem>> -> memref<2048xf32, #tpu.memory_space<vmem>>
    %dma_wait3A_245 = tpu.memref_slice %arg2[%add3A_243] : memref<1966080xf32, #tpu.memory_space<hbm>> -> memref<2048xf32, #tpu.memory_space<hbm>>
    %dma_wait3A_246 = arith.constant 0 : i32
    %dma_wait3A_247 = tpu.memref_slice %arg4[%dma_wait3A_246] : memref<61440xf32, #tpu.memory_space<vmem>> -> memref<2048xf32, #tpu.memory_space<vmem>>
    %dma_wait3A_248 = tpu.memref_slice %arg2[%add3A_243] : memref<1966080xf32, #tpu.memory_space<hbm>> -> memref<2048xf32, #tpu.memory_space<hbm>>
    tpu.wait_dma2 semaphore(%arg6 : memref<!tpu.dma_semaphore, #tpu.memory_space<semaphore_mem>>) src(%dma_wait3A_248 : memref<2048xf32, #tpu.memory_space<hbm>>) dst(%dma_wait3A_247 : memref<2048xf32, #tpu.memory_space<vmem>>)
    %add3A_249 = arith.constant 65536 : i32
    %add3A_250 = arith.addi %add3A_249, %mul3A_2 : i32
    %dma_wait3A_251 = arith.constant 2048 : i32
    %dma_wait3A_252 = tpu.memref_slice %arg4[%dma_wait3A_251] : memref<61440xf32, #tpu.memory_space<vmem>> -> memref<2048xf32, #tpu.memory_space<vmem>>
    %dma_wait3A_253 = tpu.memref_slice %arg2[%add3A_250] : memref<1966080xf32, #tpu.memory_space<hbm>> -> memref<2048xf32, #tpu.memory_space<hbm>>
    %dma_wait3A_254 = arith.constant 2048 : i32
    %dma_wait3A_255 = tpu.memref_slice %arg4[%dma_wait3A_254] : memref<61440xf32, #tpu.memory_space<vmem>> -> memref<2048xf32, #tpu.memory_space<vmem>>
    %dma_wait3A_256 = tpu.memref_slice %arg2[%add3A_250] : memref<1966080xf32, #tpu.memory_space<hbm>> -> memref<2048xf32, #tpu.memory_space<hbm>>
    tpu.wait_dma2 semaphore(%arg6 : memref<!tpu.dma_semaphore, #tpu.memory_space<semaphore_mem>>) src(%dma_wait3A_256 : memref<2048xf32, #tpu.memory_space<hbm>>) dst(%dma_wait3A_255 : memref<2048xf32, #tpu.memory_space<vmem>>)
    %add3A_257 = arith.constant 131072 : i32
    %add3A_258 = arith.addi %add3A_257, %mul3A_2 : i32
    %dma_wait3A_259 = arith.constant 4096 : i32
    %dma_wait3A_260 = tpu.memref_slice %arg4[%dma_wait3A_259] : memref<61440xf32, #tpu.memory_space<vmem>> -> memref<2048xf32, #tpu.memory_space<vmem>>
    %dma_wait3A_261 = tpu.memref_slice %arg2[%add3A_258] : memref<1966080xf32, #tpu.memory_space<hbm>> -> memref<2048xf32, #tpu.memory_space<hbm>>
    %dma_wait3A_262 = arith.constant 4096 : i32
    %dma_wait3A_263 = tpu.memref_slice %arg4[%dma_wait3A_262] : memref<61440xf32, #tpu.memory_space<vmem>> -> memref<2048xf32, #tpu.memory_space<vmem>>
    %dma_wait3A_264 = tpu.memref_slice %arg2[%add3A_258] : memref<1966080xf32, #tpu.memory_space<hbm>> -> memref<2048xf32, #tpu.memory_space<hbm>>
    tpu.wait_dma2 semaphore(%arg6 : memref<!tpu.dma_semaphore, #tpu.memory_space<semaphore_mem>>) src(%dma_wait3A_264 : memref<2048xf32, #tpu.memory_space<hbm>>) dst(%dma_wait3A_263 : memref<2048xf32, #tpu.memory_space<vmem>>)
    %add3A_265 = arith.constant 196608 : i32
    %add3A_266 = arith.addi %add3A_265, %mul3A_2 : i32
    %dma_wait3A_267 = arith.constant 6144 : i32
    %dma_wait3A_268 = tpu.memref_slice %arg4[%dma_wait3A_267] : memref<61440xf32, #tpu.memory_space<vmem>> -> memref<2048xf32, #tpu.memory_space<vmem>>
    %dma_wait3A_269 = tpu.memref_slice %arg2[%add3A_266] : memref<1966080xf32, #tpu.memory_space<hbm>> -> memref<2048xf32, #tpu.memory_space<hbm>>
    %dma_wait3A_270 = arith.constant 6144 : i32
    %dma_wait3A_271 = tpu.memref_slice %arg4[%dma_wait3A_270] : memref<61440xf32, #tpu.memory_space<vmem>> -> memref<2048xf32, #tpu.memory_space<vmem>>
    %dma_wait3A_272 = tpu.memref_slice %arg2[%add3A_266] : memref<1966080xf32, #tpu.memory_space<hbm>> -> memref<2048xf32, #tpu.memory_space<hbm>>
    tpu.wait_dma2 semaphore(%arg6 : memref<!tpu.dma_semaphore, #tpu.memory_space<semaphore_mem>>) src(%dma_wait3A_272 : memref<2048xf32, #tpu.memory_space<hbm>>) dst(%dma_wait3A_271 : memref<2048xf32, #tpu.memory_space<vmem>>)
    %add3A_273 = arith.constant 262144 : i32
    %add3A_274 = arith.addi %add3A_273, %mul3A_2 : i32
    %dma_wait3A_275 = arith.constant 8192 : i32
    %dma_wait3A_276 = tpu.memref_slice %arg4[%dma_wait3A_275] : memref<61440xf32, #tpu.memory_space<vmem>> -> memref<2048xf32, #tpu.memory_space<vmem>>
    %dma_wait3A_277 = tpu.memref_slice %arg2[%add3A_274] : memref<1966080xf32, #tpu.memory_space<hbm>> -> memref<2048xf32, #tpu.memory_space<hbm>>
    %dma_wait3A_278 = arith.constant 8192 : i32
    %dma_wait3A_279 = tpu.memref_slice %arg4[%dma_wait3A_278] : memref<61440xf32, #tpu.memory_space<vmem>> -> memref<2048xf32, #tpu.memory_space<vmem>>
    %dma_wait3A_280 = tpu.memref_slice %arg2[%add3A_274] : memref<1966080xf32, #tpu.memory_space<hbm>> -> memref<2048xf32, #tpu.memory_space<hbm>>
    tpu.wait_dma2 semaphore(%arg6 : memref<!tpu.dma_semaphore, #tpu.memory_space<semaphore_mem>>) src(%dma_wait3A_280 : memref<2048xf32, #tpu.memory_space<hbm>>) dst(%dma_wait3A_279 : memref<2048xf32, #tpu.memory_space<vmem>>)
    %add3A_281 = arith.constant 327680 : i32
    %add3A_282 = arith.addi %add3A_281, %mul3A_2 : i32
    %dma_wait3A_283 = arith.constant 10240 : i32
    %dma_wait3A_284 = tpu.memref_slice %arg4[%dma_wait3A_283] : memref<61440xf32, #tpu.memory_space<vmem>> -> memref<2048xf32, #tpu.memory_space<vmem>>
    %dma_wait3A_285 = tpu.memref_slice %arg2[%add3A_282] : memref<1966080xf32, #tpu.memory_space<hbm>> -> memref<2048xf32, #tpu.memory_space<hbm>>
    %dma_wait3A_286 = arith.constant 10240 : i32
    %dma_wait3A_287 = tpu.memref_slice %arg4[%dma_wait3A_286] : memref<61440xf32, #tpu.memory_space<vmem>> -> memref<2048xf32, #tpu.memory_space<vmem>>
    %dma_wait3A_288 = tpu.memref_slice %arg2[%add3A_282] : memref<1966080xf32, #tpu.memory_space<hbm>> -> memref<2048xf32, #tpu.memory_space<hbm>>
    tpu.wait_dma2 semaphore(%arg6 : memref<!tpu.dma_semaphore, #tpu.memory_space<semaphore_mem>>) src(%dma_wait3A_288 : memref<2048xf32, #tpu.memory_space<hbm>>) dst(%dma_wait3A_287 : memref<2048xf32, #tpu.memory_space<vmem>>)
    %add3A_289 = arith.constant 393216 : i32
    %add3A_290 = arith.addi %add3A_289, %mul3A_2 : i32
    %dma_wait3A_291 = arith.constant 12288 : i32
    %dma_wait3A_292 = tpu.memref_slice %arg4[%dma_wait3A_291] : memref<61440xf32, #tpu.memory_space<vmem>> -> memref<2048xf32, #tpu.memory_space<vmem>>
    %dma_wait3A_293 = tpu.memref_slice %arg2[%add3A_290] : memref<1966080xf32, #tpu.memory_space<hbm>> -> memref<2048xf32, #tpu.memory_space<hbm>>
    %dma_wait3A_294 = arith.constant 12288 : i32
    %dma_wait3A_295 = tpu.memref_slice %arg4[%dma_wait3A_294] : memref<61440xf32, #tpu.memory_space<vmem>> -> memref<2048xf32, #tpu.memory_space<vmem>>
    %dma_wait3A_296 = tpu.memref_slice %arg2[%add3A_290] : memref<1966080xf32, #tpu.memory_space<hbm>> -> memref<2048xf32, #tpu.memory_space<hbm>>
    tpu.wait_dma2 semaphore(%arg6 : memref<!tpu.dma_semaphore, #tpu.memory_space<semaphore_mem>>) src(%dma_wait3A_296 : memref<2048xf32, #tpu.memory_space<hbm>>) dst(%dma_wait3A_295 : memref<2048xf32, #tpu.memory_space<vmem>>)
    %add3A_297 = arith.constant 458752 : i32
    %add3A_298 = arith.addi %add3A_297, %mul3A_2 : i32
    %dma_wait3A_299 = arith.constant 14336 : i32
    %dma_wait3A_300 = tpu.memref_slice %arg4[%dma_wait3A_299] : memref<61440xf32, #tpu.memory_space<vmem>> -> memref<2048xf32, #tpu.memory_space<vmem>>
    %dma_wait3A_301 = tpu.memref_slice %arg2[%add3A_298] : memref<1966080xf32, #tpu.memory_space<hbm>> -> memref<2048xf32, #tpu.memory_space<hbm>>
    %dma_wait3A_302 = arith.constant 14336 : i32
    %dma_wait3A_303 = tpu.memref_slice %arg4[%dma_wait3A_302] : memref<61440xf32, #tpu.memory_space<vmem>> -> memref<2048xf32, #tpu.memory_space<vmem>>
    %dma_wait3A_304 = tpu.memref_slice %arg2[%add3A_298] : memref<1966080xf32, #tpu.memory_space<hbm>> -> memref<2048xf32, #tpu.memory_space<hbm>>
    tpu.wait_dma2 semaphore(%arg6 : memref<!tpu.dma_semaphore, #tpu.memory_space<semaphore_mem>>) src(%dma_wait3A_304 : memref<2048xf32, #tpu.memory_space<hbm>>) dst(%dma_wait3A_303 : memref<2048xf32, #tpu.memory_space<vmem>>)
    %add3A_305 = arith.constant 524288 : i32
    %add3A_306 = arith.addi %add3A_305, %mul3A_2 : i32
    %dma_wait3A_307 = arith.constant 16384 : i32
    %dma_wait3A_308 = tpu.memref_slice %arg4[%dma_wait3A_307] : memref<61440xf32, #tpu.memory_space<vmem>> -> memref<2048xf32, #tpu.memory_space<vmem>>
    %dma_wait3A_309 = tpu.memref_slice %arg2[%add3A_306] : memref<1966080xf32, #tpu.memory_space<hbm>> -> memref<2048xf32, #tpu.memory_space<hbm>>
    %dma_wait3A_310 = arith.constant 16384 : i32
    %dma_wait3A_311 = tpu.memref_slice %arg4[%dma_wait3A_310] : memref<61440xf32, #tpu.memory_space<vmem>> -> memref<2048xf32, #tpu.memory_space<vmem>>
    %dma_wait3A_312 = tpu.memref_slice %arg2[%add3A_306] : memref<1966080xf32, #tpu.memory_space<hbm>> -> memref<2048xf32, #tpu.memory_space<hbm>>
    tpu.wait_dma2 semaphore(%arg6 : memref<!tpu.dma_semaphore, #tpu.memory_space<semaphore_mem>>) src(%dma_wait3A_312 : memref<2048xf32, #tpu.memory_space<hbm>>) dst(%dma_wait3A_311 : memref<2048xf32, #tpu.memory_space<vmem>>)
    %add3A_313 = arith.constant 589824 : i32
    %add3A_314 = arith.addi %add3A_313, %mul3A_2 : i32
    %dma_wait3A_315 = arith.constant 18432 : i32
    %dma_wait3A_316 = tpu.memref_slice %arg4[%dma_wait3A_315] : memref<61440xf32, #tpu.memory_space<vmem>> -> memref<2048xf32, #tpu.memory_space<vmem>>
    %dma_wait3A_317 = tpu.memref_slice %arg2[%add3A_314] : memref<1966080xf32, #tpu.memory_space<hbm>> -> memref<2048xf32, #tpu.memory_space<hbm>>
    %dma_wait3A_318 = arith.constant 18432 : i32
    %dma_wait3A_319 = tpu.memref_slice %arg4[%dma_wait3A_318] : memref<61440xf32, #tpu.memory_space<vmem>> -> memref<2048xf32, #tpu.memory_space<vmem>>
    %dma_wait3A_320 = tpu.memref_slice %arg2[%add3A_314] : memref<1966080xf32, #tpu.memory_space<hbm>> -> memref<2048xf32, #tpu.memory_space<hbm>>
    tpu.wait_dma2 semaphore(%arg6 : memref<!tpu.dma_semaphore, #tpu.memory_space<semaphore_mem>>) src(%dma_wait3A_320 : memref<2048xf32, #tpu.memory_space<hbm>>) dst(%dma_wait3A_319 : memref<2048xf32, #tpu.memory_space<vmem>>)
    %add3A_321 = arith.constant 655360 : i32
    %add3A_322 = arith.addi %add3A_321, %mul3A_2 : i32
    %dma_wait3A_323 = arith.constant 20480 : i32
    %dma_wait3A_324 = tpu.memref_slice %arg4[%dma_wait3A_323] : memref<61440xf32, #tpu.memory_space<vmem>> -> memref<2048xf32, #tpu.memory_space<vmem>>
    %dma_wait3A_325 = tpu.memref_slice %arg2[%add3A_322] : memref<1966080xf32, #tpu.memory_space<hbm>> -> memref<2048xf32, #tpu.memory_space<hbm>>
    %dma_wait3A_326 = arith.constant 20480 : i32
    %dma_wait3A_327 = tpu.memref_slice %arg4[%dma_wait3A_326] : memref<61440xf32, #tpu.memory_space<vmem>> -> memref<2048xf32, #tpu.memory_space<vmem>>
    %dma_wait3A_328 = tpu.memref_slice %arg2[%add3A_322] : memref<1966080xf32, #tpu.memory_space<hbm>> -> memref<2048xf32, #tpu.memory_space<hbm>>
    tpu.wait_dma2 semaphore(%arg6 : memref<!tpu.dma_semaphore, #tpu.memory_space<semaphore_mem>>) src(%dma_wait3A_328 : memref<2048xf32, #tpu.memory_space<hbm>>) dst(%dma_wait3A_327 : memref<2048xf32, #tpu.memory_space<vmem>>)
    %add3A_329 = arith.constant 720896 : i32
    %add3A_330 = arith.addi %add3A_329, %mul3A_2 : i32
    %dma_wait3A_331 = arith.constant 22528 : i32
    %dma_wait3A_332 = tpu.memref_slice %arg4[%dma_wait3A_331] : memref<61440xf32, #tpu.memory_space<vmem>> -> memref<2048xf32, #tpu.memory_space<vmem>>
    %dma_wait3A_333 = tpu.memref_slice %arg2[%add3A_330] : memref<1966080xf32, #tpu.memory_space<hbm>> -> memref<2048xf32, #tpu.memory_space<hbm>>
    %dma_wait3A_334 = arith.constant 22528 : i32
    %dma_wait3A_335 = tpu.memref_slice %arg4[%dma_wait3A_334] : memref<61440xf32, #tpu.memory_space<vmem>> -> memref<2048xf32, #tpu.memory_space<vmem>>
    %dma_wait3A_336 = tpu.memref_slice %arg2[%add3A_330] : memref<1966080xf32, #tpu.memory_space<hbm>> -> memref<2048xf32, #tpu.memory_space<hbm>>
    tpu.wait_dma2 semaphore(%arg6 : memref<!tpu.dma_semaphore, #tpu.memory_space<semaphore_mem>>) src(%dma_wait3A_336 : memref<2048xf32, #tpu.memory_space<hbm>>) dst(%dma_wait3A_335 : memref<2048xf32, #tpu.memory_space<vmem>>)
    %add3A_337 = arith.constant 786432 : i32
    %add3A_338 = arith.addi %add3A_337, %mul3A_2 : i32
    %dma_wait3A_339 = arith.constant 24576 : i32
    %dma_wait3A_340 = tpu.memref_slice %arg4[%dma_wait3A_339] : memref<61440xf32, #tpu.memory_space<vmem>> -> memref<2048xf32, #tpu.memory_space<vmem>>
    %dma_wait3A_341 = tpu.memref_slice %arg2[%add3A_338] : memref<1966080xf32, #tpu.memory_space<hbm>> -> memref<2048xf32, #tpu.memory_space<hbm>>
    %dma_wait3A_342 = arith.constant 24576 : i32
    %dma_wait3A_343 = tpu.memref_slice %arg4[%dma_wait3A_342] : memref<61440xf32, #tpu.memory_space<vmem>> -> memref<2048xf32, #tpu.memory_space<vmem>>
    %dma_wait3A_344 = tpu.memref_slice %arg2[%add3A_338] : memref<1966080xf32, #tpu.memory_space<hbm>> -> memref<2048xf32, #tpu.memory_space<hbm>>
    tpu.wait_dma2 semaphore(%arg6 : memref<!tpu.dma_semaphore, #tpu.memory_space<semaphore_mem>>) src(%dma_wait3A_344 : memref<2048xf32, #tpu.memory_space<hbm>>) dst(%dma_wait3A_343 : memref<2048xf32, #tpu.memory_space<vmem>>)
    %add3A_345 = arith.constant 851968 : i32
    %add3A_346 = arith.addi %add3A_345, %mul3A_2 : i32
    %dma_wait3A_347 = arith.constant 26624 : i32
    %dma_wait3A_348 = tpu.memref_slice %arg4[%dma_wait3A_347] : memref<61440xf32, #tpu.memory_space<vmem>> -> memref<2048xf32, #tpu.memory_space<vmem>>
    %dma_wait3A_349 = tpu.memref_slice %arg2[%add3A_346] : memref<1966080xf32, #tpu.memory_space<hbm>> -> memref<2048xf32, #tpu.memory_space<hbm>>
    %dma_wait3A_350 = arith.constant 26624 : i32
    %dma_wait3A_351 = tpu.memref_slice %arg4[%dma_wait3A_350] : memref<61440xf32, #tpu.memory_space<vmem>> -> memref<2048xf32, #tpu.memory_space<vmem>>
    %dma_wait3A_352 = tpu.memref_slice %arg2[%add3A_346] : memref<1966080xf32, #tpu.memory_space<hbm>> -> memref<2048xf32, #tpu.memory_space<hbm>>
    tpu.wait_dma2 semaphore(%arg6 : memref<!tpu.dma_semaphore, #tpu.memory_space<semaphore_mem>>) src(%dma_wait3A_352 : memref<2048xf32, #tpu.memory_space<hbm>>) dst(%dma_wait3A_351 : memref<2048xf32, #tpu.memory_space<vmem>>)
    %add3A_353 = arith.constant 917504 : i32
    %add3A_354 = arith.addi %add3A_353, %mul3A_2 : i32
    %dma_wait3A_355 = arith.constant 28672 : i32
    %dma_wait3A_356 = tpu.memref_slice %arg4[%dma_wait3A_355] : memref<61440xf32, #tpu.memory_space<vmem>> -> memref<2048xf32, #tpu.memory_space<vmem>>
    %dma_wait3A_357 = tpu.memref_slice %arg2[%add3A_354] : memref<1966080xf32, #tpu.memory_space<hbm>> -> memref<2048xf32, #tpu.memory_space<hbm>>
    %dma_wait3A_358 = arith.constant 28672 : i32
    %dma_wait3A_359 = tpu.memref_slice %arg4[%dma_wait3A_358] : memref<61440xf32, #tpu.memory_space<vmem>> -> memref<2048xf32, #tpu.memory_space<vmem>>
    %dma_wait3A_360 = tpu.memref_slice %arg2[%add3A_354] : memref<1966080xf32, #tpu.memory_space<hbm>> -> memref<2048xf32, #tpu.memory_space<hbm>>
    tpu.wait_dma2 semaphore(%arg6 : memref<!tpu.dma_semaphore, #tpu.memory_space<semaphore_mem>>) src(%dma_wait3A_360 : memref<2048xf32, #tpu.memory_space<hbm>>) dst(%dma_wait3A_359 : memref<2048xf32, #tpu.memory_space<vmem>>)
    %add3A_361 = arith.constant 983040 : i32
    %add3A_362 = arith.addi %add3A_361, %mul3A_2 : i32
    %dma_wait3A_363 = arith.constant 30720 : i32
    %dma_wait3A_364 = tpu.memref_slice %arg4[%dma_wait3A_363] : memref<61440xf32, #tpu.memory_space<vmem>> -> memref<2048xf32, #tpu.memory_space<vmem>>
    %dma_wait3A_365 = tpu.memref_slice %arg2[%add3A_362] : memref<1966080xf32, #tpu.memory_space<hbm>> -> memref<2048xf32, #tpu.memory_space<hbm>>
    %dma_wait3A_366 = arith.constant 30720 : i32
    %dma_wait3A_367 = tpu.memref_slice %arg4[%dma_wait3A_366] : memref<61440xf32, #tpu.memory_space<vmem>> -> memref<2048xf32, #tpu.memory_space<vmem>>
    %dma_wait3A_368 = tpu.memref_slice %arg2[%add3A_362] : memref<1966080xf32, #tpu.memory_space<hbm>> -> memref<2048xf32, #tpu.memory_space<hbm>>
    tpu.wait_dma2 semaphore(%arg6 : memref<!tpu.dma_semaphore, #tpu.memory_space<semaphore_mem>>) src(%dma_wait3A_368 : memref<2048xf32, #tpu.memory_space<hbm>>) dst(%dma_wait3A_367 : memref<2048xf32, #tpu.memory_space<vmem>>)
    %add3A_369 = arith.constant 1048576 : i32
    %add3A_370 = arith.addi %add3A_369, %mul3A_2 : i32
    %dma_wait3A_371 = arith.constant 32768 : i32
    %dma_wait3A_372 = tpu.memref_slice %arg4[%dma_wait3A_371] : memref<61440xf32, #tpu.memory_space<vmem>> -> memref<2048xf32, #tpu.memory_space<vmem>>
    %dma_wait3A_373 = tpu.memref_slice %arg2[%add3A_370] : memref<1966080xf32, #tpu.memory_space<hbm>> -> memref<2048xf32, #tpu.memory_space<hbm>>
    %dma_wait3A_374 = arith.constant 32768 : i32
    %dma_wait3A_375 = tpu.memref_slice %arg4[%dma_wait3A_374] : memref<61440xf32, #tpu.memory_space<vmem>> -> memref<2048xf32, #tpu.memory_space<vmem>>
    %dma_wait3A_376 = tpu.memref_slice %arg2[%add3A_370] : memref<1966080xf32, #tpu.memory_space<hbm>> -> memref<2048xf32, #tpu.memory_space<hbm>>
    tpu.wait_dma2 semaphore(%arg6 : memref<!tpu.dma_semaphore, #tpu.memory_space<semaphore_mem>>) src(%dma_wait3A_376 : memref<2048xf32, #tpu.memory_space<hbm>>) dst(%dma_wait3A_375 : memref<2048xf32, #tpu.memory_space<vmem>>)
    %add3A_377 = arith.constant 1114112 : i32
    %add3A_378 = arith.addi %add3A_377, %mul3A_2 : i32
    %dma_wait3A_379 = arith.constant 34816 : i32
    %dma_wait3A_380 = tpu.memref_slice %arg4[%dma_wait3A_379] : memref<61440xf32, #tpu.memory_space<vmem>> -> memref<2048xf32, #tpu.memory_space<vmem>>
    %dma_wait3A_381 = tpu.memref_slice %arg2[%add3A_378] : memref<1966080xf32, #tpu.memory_space<hbm>> -> memref<2048xf32, #tpu.memory_space<hbm>>
    %dma_wait3A_382 = arith.constant 34816 : i32
    %dma_wait3A_383 = tpu.memref_slice %arg4[%dma_wait3A_382] : memref<61440xf32, #tpu.memory_space<vmem>> -> memref<2048xf32, #tpu.memory_space<vmem>>
    %dma_wait3A_384 = tpu.memref_slice %arg2[%add3A_378] : memref<1966080xf32, #tpu.memory_space<hbm>> -> memref<2048xf32, #tpu.memory_space<hbm>>
    tpu.wait_dma2 semaphore(%arg6 : memref<!tpu.dma_semaphore, #tpu.memory_space<semaphore_mem>>) src(%dma_wait3A_384 : memref<2048xf32, #tpu.memory_space<hbm>>) dst(%dma_wait3A_383 : memref<2048xf32, #tpu.memory_space<vmem>>)
    %add3A_385 = arith.constant 1179648 : i32
    %add3A_386 = arith.addi %add3A_385, %mul3A_2 : i32
    %dma_wait3A_387 = arith.constant 36864 : i32
    %dma_wait3A_388 = tpu.memref_slice %arg4[%dma_wait3A_387] : memref<61440xf32, #tpu.memory_space<vmem>> -> memref<2048xf32, #tpu.memory_space<vmem>>
    %dma_wait3A_389 = tpu.memref_slice %arg2[%add3A_386] : memref<1966080xf32, #tpu.memory_space<hbm>> -> memref<2048xf32, #tpu.memory_space<hbm>>
    %dma_wait3A_390 = arith.constant 36864 : i32
    %dma_wait3A_391 = tpu.memref_slice %arg4[%dma_wait3A_390] : memref<61440xf32, #tpu.memory_space<vmem>> -> memref<2048xf32, #tpu.memory_space<vmem>>
    %dma_wait3A_392 = tpu.memref_slice %arg2[%add3A_386] : memref<1966080xf32, #tpu.memory_space<hbm>> -> memref<2048xf32, #tpu.memory_space<hbm>>
    tpu.wait_dma2 semaphore(%arg6 : memref<!tpu.dma_semaphore, #tpu.memory_space<semaphore_mem>>) src(%dma_wait3A_392 : memref<2048xf32, #tpu.memory_space<hbm>>) dst(%dma_wait3A_391 : memref<2048xf32, #tpu.memory_space<vmem>>)
    %add3A_393 = arith.constant 1245184 : i32
    %add3A_394 = arith.addi %add3A_393, %mul3A_2 : i32
    %dma_wait3A_395 = arith.constant 38912 : i32
    %dma_wait3A_396 = tpu.memref_slice %arg4[%dma_wait3A_395] : memref<61440xf32, #tpu.memory_space<vmem>> -> memref<2048xf32, #tpu.memory_space<vmem>>
    %dma_wait3A_397 = tpu.memref_slice %arg2[%add3A_394] : memref<1966080xf32, #tpu.memory_space<hbm>> -> memref<2048xf32, #tpu.memory_space<hbm>>
    %dma_wait3A_398 = arith.constant 38912 : i32
    %dma_wait3A_399 = tpu.memref_slice %arg4[%dma_wait3A_398] : memref<61440xf32, #tpu.memory_space<vmem>> -> memref<2048xf32, #tpu.memory_space<vmem>>
    %dma_wait3A_400 = tpu.memref_slice %arg2[%add3A_394] : memref<1966080xf32, #tpu.memory_space<hbm>> -> memref<2048xf32, #tpu.memory_space<hbm>>
    tpu.wait_dma2 semaphore(%arg6 : memref<!tpu.dma_semaphore, #tpu.memory_space<semaphore_mem>>) src(%dma_wait3A_400 : memref<2048xf32, #tpu.memory_space<hbm>>) dst(%dma_wait3A_399 : memref<2048xf32, #tpu.memory_space<vmem>>)
    %add3A_401 = arith.constant 1310720 : i32
    %add3A_402 = arith.addi %add3A_401, %mul3A_2 : i32
    %dma_wait3A_403 = arith.constant 40960 : i32
    %dma_wait3A_404 = tpu.memref_slice %arg4[%dma_wait3A_403] : memref<61440xf32, #tpu.memory_space<vmem>> -> memref<2048xf32, #tpu.memory_space<vmem>>
    %dma_wait3A_405 = tpu.memref_slice %arg2[%add3A_402] : memref<1966080xf32, #tpu.memory_space<hbm>> -> memref<2048xf32, #tpu.memory_space<hbm>>
    %dma_wait3A_406 = arith.constant 40960 : i32
    %dma_wait3A_407 = tpu.memref_slice %arg4[%dma_wait3A_406] : memref<61440xf32, #tpu.memory_space<vmem>> -> memref<2048xf32, #tpu.memory_space<vmem>>
    %dma_wait3A_408 = tpu.memref_slice %arg2[%add3A_402] : memref<1966080xf32, #tpu.memory_space<hbm>> -> memref<2048xf32, #tpu.memory_space<hbm>>
    tpu.wait_dma2 semaphore(%arg6 : memref<!tpu.dma_semaphore, #tpu.memory_space<semaphore_mem>>) src(%dma_wait3A_408 : memref<2048xf32, #tpu.memory_space<hbm>>) dst(%dma_wait3A_407 : memref<2048xf32, #tpu.memory_space<vmem>>)
    %add3A_409 = arith.constant 1376256 : i32
    %add3A_410 = arith.addi %add3A_409, %mul3A_2 : i32
    %dma_wait3A_411 = arith.constant 43008 : i32
    %dma_wait3A_412 = tpu.memref_slice %arg4[%dma_wait3A_411] : memref<61440xf32, #tpu.memory_space<vmem>> -> memref<2048xf32, #tpu.memory_space<vmem>>
    %dma_wait3A_413 = tpu.memref_slice %arg2[%add3A_410] : memref<1966080xf32, #tpu.memory_space<hbm>> -> memref<2048xf32, #tpu.memory_space<hbm>>
    %dma_wait3A_414 = arith.constant 43008 : i32
    %dma_wait3A_415 = tpu.memref_slice %arg4[%dma_wait3A_414] : memref<61440xf32, #tpu.memory_space<vmem>> -> memref<2048xf32, #tpu.memory_space<vmem>>
    %dma_wait3A_416 = tpu.memref_slice %arg2[%add3A_410] : memref<1966080xf32, #tpu.memory_space<hbm>> -> memref<2048xf32, #tpu.memory_space<hbm>>
    tpu.wait_dma2 semaphore(%arg6 : memref<!tpu.dma_semaphore, #tpu.memory_space<semaphore_mem>>) src(%dma_wait3A_416 : memref<2048xf32, #tpu.memory_space<hbm>>) dst(%dma_wait3A_415 : memref<2048xf32, #tpu.memory_space<vmem>>)
    %add3A_417 = arith.constant 1441792 : i32
    %add3A_418 = arith.addi %add3A_417, %mul3A_2 : i32
    %dma_wait3A_419 = arith.constant 45056 : i32
    %dma_wait3A_420 = tpu.memref_slice %arg4[%dma_wait3A_419] : memref<61440xf32, #tpu.memory_space<vmem>> -> memref<2048xf32, #tpu.memory_space<vmem>>
    %dma_wait3A_421 = tpu.memref_slice %arg2[%add3A_418] : memref<1966080xf32, #tpu.memory_space<hbm>> -> memref<2048xf32, #tpu.memory_space<hbm>>
    %dma_wait3A_422 = arith.constant 45056 : i32
    %dma_wait3A_423 = tpu.memref_slice %arg4[%dma_wait3A_422] : memref<61440xf32, #tpu.memory_space<vmem>> -> memref<2048xf32, #tpu.memory_space<vmem>>
    %dma_wait3A_424 = tpu.memref_slice %arg2[%add3A_418] : memref<1966080xf32, #tpu.memory_space<hbm>> -> memref<2048xf32, #tpu.memory_space<hbm>>
    tpu.wait_dma2 semaphore(%arg6 : memref<!tpu.dma_semaphore, #tpu.memory_space<semaphore_mem>>) src(%dma_wait3A_424 : memref<2048xf32, #tpu.memory_space<hbm>>) dst(%dma_wait3A_423 : memref<2048xf32, #tpu.memory_space<vmem>>)
    %add3A_425 = arith.constant 1507328 : i32
    %add3A_426 = arith.addi %add3A_425, %mul3A_2 : i32
    %dma_wait3A_427 = arith.constant 47104 : i32
    %dma_wait3A_428 = tpu.memref_slice %arg4[%dma_wait3A_427] : memref<61440xf32, #tpu.memory_space<vmem>> -> memref<2048xf32, #tpu.memory_space<vmem>>
    %dma_wait3A_429 = tpu.memref_slice %arg2[%add3A_426] : memref<1966080xf32, #tpu.memory_space<hbm>> -> memref<2048xf32, #tpu.memory_space<hbm>>
    %dma_wait3A_430 = arith.constant 47104 : i32
    %dma_wait3A_431 = tpu.memref_slice %arg4[%dma_wait3A_430] : memref<61440xf32, #tpu.memory_space<vmem>> -> memref<2048xf32, #tpu.memory_space<vmem>>
    %dma_wait3A_432 = tpu.memref_slice %arg2[%add3A_426] : memref<1966080xf32, #tpu.memory_space<hbm>> -> memref<2048xf32, #tpu.memory_space<hbm>>
    tpu.wait_dma2 semaphore(%arg6 : memref<!tpu.dma_semaphore, #tpu.memory_space<semaphore_mem>>) src(%dma_wait3A_432 : memref<2048xf32, #tpu.memory_space<hbm>>) dst(%dma_wait3A_431 : memref<2048xf32, #tpu.memory_space<vmem>>)
    %add3A_433 = arith.constant 1572864 : i32
    %add3A_434 = arith.addi %add3A_433, %mul3A_2 : i32
    %dma_wait3A_435 = arith.constant 49152 : i32
    %dma_wait3A_436 = tpu.memref_slice %arg4[%dma_wait3A_435] : memref<61440xf32, #tpu.memory_space<vmem>> -> memref<2048xf32, #tpu.memory_space<vmem>>
    %dma_wait3A_437 = tpu.memref_slice %arg2[%add3A_434] : memref<1966080xf32, #tpu.memory_space<hbm>> -> memref<2048xf32, #tpu.memory_space<hbm>>
    %dma_wait3A_438 = arith.constant 49152 : i32
    %dma_wait3A_439 = tpu.memref_slice %arg4[%dma_wait3A_438] : memref<61440xf32, #tpu.memory_space<vmem>> -> memref<2048xf32, #tpu.memory_space<vmem>>
    %dma_wait3A_440 = tpu.memref_slice %arg2[%add3A_434] : memref<1966080xf32, #tpu.memory_space<hbm>> -> memref<2048xf32, #tpu.memory_space<hbm>>
    tpu.wait_dma2 semaphore(%arg6 : memref<!tpu.dma_semaphore, #tpu.memory_space<semaphore_mem>>) src(%dma_wait3A_440 : memref<2048xf32, #tpu.memory_space<hbm>>) dst(%dma_wait3A_439 : memref<2048xf32, #tpu.memory_space<vmem>>)
    %add3A_441 = arith.constant 1638400 : i32
    %add3A_442 = arith.addi %add3A_441, %mul3A_2 : i32
    %dma_wait3A_443 = arith.constant 51200 : i32
    %dma_wait3A_444 = tpu.memref_slice %arg4[%dma_wait3A_443] : memref<61440xf32, #tpu.memory_space<vmem>> -> memref<2048xf32, #tpu.memory_space<vmem>>
    %dma_wait3A_445 = tpu.memref_slice %arg2[%add3A_442] : memref<1966080xf32, #tpu.memory_space<hbm>> -> memref<2048xf32, #tpu.memory_space<hbm>>
    %dma_wait3A_446 = arith.constant 51200 : i32
    %dma_wait3A_447 = tpu.memref_slice %arg4[%dma_wait3A_446] : memref<61440xf32, #tpu.memory_space<vmem>> -> memref<2048xf32, #tpu.memory_space<vmem>>
    %dma_wait3A_448 = tpu.memref_slice %arg2[%add3A_442] : memref<1966080xf32, #tpu.memory_space<hbm>> -> memref<2048xf32, #tpu.memory_space<hbm>>
    tpu.wait_dma2 semaphore(%arg6 : memref<!tpu.dma_semaphore, #tpu.memory_space<semaphore_mem>>) src(%dma_wait3A_448 : memref<2048xf32, #tpu.memory_space<hbm>>) dst(%dma_wait3A_447 : memref<2048xf32, #tpu.memory_space<vmem>>)
    %add3A_449 = arith.constant 1703936 : i32
    %add3A_450 = arith.addi %add3A_449, %mul3A_2 : i32
    %dma_wait3A_451 = arith.constant 53248 : i32
    %dma_wait3A_452 = tpu.memref_slice %arg4[%dma_wait3A_451] : memref<61440xf32, #tpu.memory_space<vmem>> -> memref<2048xf32, #tpu.memory_space<vmem>>
    %dma_wait3A_453 = tpu.memref_slice %arg2[%add3A_450] : memref<1966080xf32, #tpu.memory_space<hbm>> -> memref<2048xf32, #tpu.memory_space<hbm>>
    %dma_wait3A_454 = arith.constant 53248 : i32
    %dma_wait3A_455 = tpu.memref_slice %arg4[%dma_wait3A_454] : memref<61440xf32, #tpu.memory_space<vmem>> -> memref<2048xf32, #tpu.memory_space<vmem>>
    %dma_wait3A_456 = tpu.memref_slice %arg2[%add3A_450] : memref<1966080xf32, #tpu.memory_space<hbm>> -> memref<2048xf32, #tpu.memory_space<hbm>>
    tpu.wait_dma2 semaphore(%arg6 : memref<!tpu.dma_semaphore, #tpu.memory_space<semaphore_mem>>) src(%dma_wait3A_456 : memref<2048xf32, #tpu.memory_space<hbm>>) dst(%dma_wait3A_455 : memref<2048xf32, #tpu.memory_space<vmem>>)
    %add3A_457 = arith.constant 1769472 : i32
    %add3A_458 = arith.addi %add3A_457, %mul3A_2 : i32
    %dma_wait3A_459 = arith.constant 55296 : i32
    %dma_wait3A_460 = tpu.memref_slice %arg4[%dma_wait3A_459] : memref<61440xf32, #tpu.memory_space<vmem>> -> memref<2048xf32, #tpu.memory_space<vmem>>
    %dma_wait3A_461 = tpu.memref_slice %arg2[%add3A_458] : memref<1966080xf32, #tpu.memory_space<hbm>> -> memref<2048xf32, #tpu.memory_space<hbm>>
    %dma_wait3A_462 = arith.constant 55296 : i32
    %dma_wait3A_463 = tpu.memref_slice %arg4[%dma_wait3A_462] : memref<61440xf32, #tpu.memory_space<vmem>> -> memref<2048xf32, #tpu.memory_space<vmem>>
    %dma_wait3A_464 = tpu.memref_slice %arg2[%add3A_458] : memref<1966080xf32, #tpu.memory_space<hbm>> -> memref<2048xf32, #tpu.memory_space<hbm>>
    tpu.wait_dma2 semaphore(%arg6 : memref<!tpu.dma_semaphore, #tpu.memory_space<semaphore_mem>>) src(%dma_wait3A_464 : memref<2048xf32, #tpu.memory_space<hbm>>) dst(%dma_wait3A_463 : memref<2048xf32, #tpu.memory_space<vmem>>)
    %add3A_465 = arith.constant 1835008 : i32
    %add3A_466 = arith.addi %add3A_465, %mul3A_2 : i32
    %dma_wait3A_467 = arith.constant 57344 : i32
    %dma_wait3A_468 = tpu.memref_slice %arg4[%dma_wait3A_467] : memref<61440xf32, #tpu.memory_space<vmem>> -> memref<2048xf32, #tpu.memory_space<vmem>>
    %dma_wait3A_469 = tpu.memref_slice %arg2[%add3A_466] : memref<1966080xf32, #tpu.memory_space<hbm>> -> memref<2048xf32, #tpu.memory_space<hbm>>
    %dma_wait3A_470 = arith.constant 57344 : i32
    %dma_wait3A_471 = tpu.memref_slice %arg4[%dma_wait3A_470] : memref<61440xf32, #tpu.memory_space<vmem>> -> memref<2048xf32, #tpu.memory_space<vmem>>
    %dma_wait3A_472 = tpu.memref_slice %arg2[%add3A_466] : memref<1966080xf32, #tpu.memory_space<hbm>> -> memref<2048xf32, #tpu.memory_space<hbm>>
    tpu.wait_dma2 semaphore(%arg6 : memref<!tpu.dma_semaphore, #tpu.memory_space<semaphore_mem>>) src(%dma_wait3A_472 : memref<2048xf32, #tpu.memory_space<hbm>>) dst(%dma_wait3A_471 : memref<2048xf32, #tpu.memory_space<vmem>>)
    %add3A_473 = arith.constant 1900544 : i32
    %add3A_474 = arith.addi %add3A_473, %mul3A_2 : i32
    %dma_wait3A_475 = arith.constant 59392 : i32
    %dma_wait3A_476 = tpu.memref_slice %arg4[%dma_wait3A_475] : memref<61440xf32, #tpu.memory_space<vmem>> -> memref<2048xf32, #tpu.memory_space<vmem>>
    %dma_wait3A_477 = tpu.memref_slice %arg2[%add3A_474] : memref<1966080xf32, #tpu.memory_space<hbm>> -> memref<2048xf32, #tpu.memory_space<hbm>>
    %dma_wait3A_478 = arith.constant 59392 : i32
    %dma_wait3A_479 = tpu.memref_slice %arg4[%dma_wait3A_478] : memref<61440xf32, #tpu.memory_space<vmem>> -> memref<2048xf32, #tpu.memory_space<vmem>>
    %dma_wait3A_480 = tpu.memref_slice %arg2[%add3A_474] : memref<1966080xf32, #tpu.memory_space<hbm>> -> memref<2048xf32, #tpu.memory_space<hbm>>
    tpu.wait_dma2 semaphore(%arg6 : memref<!tpu.dma_semaphore, #tpu.memory_space<semaphore_mem>>) src(%dma_wait3A_480 : memref<2048xf32, #tpu.memory_space<hbm>>) dst(%dma_wait3A_479 : memref<2048xf32, #tpu.memory_space<vmem>>)
    %add3A_481 = arith.constant 1 : i32
    %add3A_482 = arith.constant 1 : i32
    %add3A_483 = arith.addi %add3A_481, %add3A_482 : i32
    %ge3A = arith.constant 30 : i32
    %ge3A_484 = arith.cmpi sge, %add3A_483, %ge3A : i32
    %add3A_485 = arith.constant 0 : i32
    %add3A_486 = arith.constant 1 : i32
    %add3A_487 = arith.addi %add3A_485, %add3A_486 : i32
    %jit3A = arith.constant 0 : i32
    %select_n3A = arith.select %ge3A_484, %add3A_487, %jit3A : i32
    %add3A_488 = arith.constant 1 : i32
    %add3A_489 = arith.addi %select_n3A, %add3A_488 : i32
    %select_n3A_490 = arith.select %ge3A_484, %add3A_489, %add3A_483 : i32
    %add3A_491 = arith.constant 1 : i32
    %add3A_492 = arith.addi %select_n3A_490, %add3A_491 : i32
    %ge3A_493 = arith.constant 30 : i32
    %ge3A_494 = arith.cmpi sge, %add3A_492, %ge3A_493 : i32
    %or3A = arith.ori %ge3A_484, %ge3A_494 : i1
    %add3A_495 = arith.constant 1 : i32
    %add3A_496 = arith.addi %select_n3A, %add3A_495 : i32
    %select_n3A_497 = arith.select %ge3A_494, %add3A_496, %select_n3A : i32
    %add3A_498 = arith.constant 1 : i32
    %add3A_499 = arith.addi %select_n3A_497, %add3A_498 : i32
    %select_n3A_500 = arith.select %ge3A_494, %add3A_499, %add3A_492 : i32
    %add3A_501 = arith.constant 1 : i32
    %add3A_502 = arith.addi %select_n3A_500, %add3A_501 : i32
    %ge3A_503 = arith.constant 30 : i32
    %ge3A_504 = arith.cmpi sge, %add3A_502, %ge3A_503 : i32
    %or3A_505 = arith.ori %or3A, %ge3A_504 : i1
    %add3A_506 = arith.constant 1 : i32
    %add3A_507 = arith.addi %select_n3A_497, %add3A_506 : i32
    %select_n3A_508 = arith.select %ge3A_504, %add3A_507, %select_n3A_497 : i32
    %add3A_509 = arith.constant 1 : i32
    %add3A_510 = arith.addi %select_n3A_508, %add3A_509 : i32
    %select_n3A_511 = arith.select %ge3A_504, %add3A_510, %add3A_502 : i32
    %add3A_512 = arith.constant 1 : i32
    %add3A_513 = arith.addi %select_n3A_511, %add3A_512 : i32
    %ge3A_514 = arith.constant 30 : i32
    %ge3A_515 = arith.cmpi sge, %add3A_513, %ge3A_514 : i32
    %or3A_516 = arith.ori %or3A_505, %ge3A_515 : i1
    %add3A_517 = arith.constant 1 : i32
    %add3A_518 = arith.addi %select_n3A_508, %add3A_517 : i32
    %select_n3A_519 = arith.select %ge3A_515, %add3A_518, %select_n3A_508 : i32
    %add3A_520 = arith.constant 1 : i32
    %add3A_521 = arith.addi %select_n3A_519, %add3A_520 : i32
    %select_n3A_522 = arith.select %ge3A_515, %add3A_521, %add3A_513 : i32
    %add3A_523 = arith.constant 1 : i32
    %add3A_524 = arith.addi %select_n3A_522, %add3A_523 : i32
    %ge3A_525 = arith.constant 30 : i32
    %ge3A_526 = arith.cmpi sge, %add3A_524, %ge3A_525 : i32
    %add3A_527 = arith.constant 1 : i32
    %add3A_528 = arith.addi %select_n3A_519, %add3A_527 : i32
    %select_n3A_529 = arith.select %ge3A_526, %add3A_528, %select_n3A_519 : i32
    %add3A_530 = arith.constant 1 : i32
    %add3A_531 = arith.addi %select_n3A_529, %add3A_530 : i32
    %select_n3A_532 = arith.select %ge3A_526, %add3A_531, %add3A_524 : i32
    %not3A = arith.constant true
    %not3A_533 = arith.xori %or3A_516, %not3A : i1
    %convert_element_type3A = arith.extui %not3A_533 : i1 to i32
    %cond3A = arith.constant 0 : i32
    %cond3A_534 = arith.constant 1 : i32
    %cond3A_535 = arith.constant 0 : i32
    %cond3A_536 = arith.cmpi ne, %convert_element_type3A, %cond3A_535 : i32
    scf.if %cond3A_536 {
      %mul3A_909 = arith.constant 2048 : i32
      %mul3A_910 = arith.muli %cond3A, %mul3A_909 : i32
      %mul3A_911 = arith.constant 2048 : i32
      %mul3A_912 = arith.muli %cond3A_534, %mul3A_911 : i32
      %parallel_loop3A = arith.constant 0 : i32
      %parallel_loop3A_913 = arith.constant 128 : i32
      %parallel_loop3A_914 = arith.constant 1 : i32
      scf.for %parallel_loop3A_915 = %parallel_loop3A to %parallel_loop3A_913 step %parallel_loop3A_914  : i32 {
        %parallel_loop3A_916 = arith.constant 16 : i32
        %parallel_loop3A_917 = arith.muli %parallel_loop3A_915, %parallel_loop3A_916 : i32
        %parallel_loop3A_918 = tpu.assume_multiple %parallel_loop3A_917, 16 : i32
        %parallel_loop3A_919 = arith.addi %mul3A_910, %parallel_loop3A_918 : i32
        %parallel_loop3A_920 = arith.index_cast %parallel_loop3A_919 : i32 to index
        %parallel_loop3A_921 = tpu.vector_load %arg4[%parallel_loop3A_920] {strides = array<i32>} : memref<61440xf32, #tpu.memory_space<vmem>>, vector<16xf32>,
        %parallel_loop3A_922 = arith.constant 0 : i32
        %parallel_loop3A_923 = arith.addi %mul3A_912, %parallel_loop3A_922 : i32
        %parallel_loop3A_924 = arith.addi %parallel_loop3A_923, %parallel_loop3A_918 : i32
        %parallel_loop3A_925 = arith.index_cast %parallel_loop3A_924 : i32 to index
        %parallel_loop3A_926 = tpu.vector_load %arg4[%parallel_loop3A_925] {strides = array<i32>} : memref<61440xf32, #tpu.memory_space<vmem>>, vector<16xf32>,
        %parallel_loop3A_927 = arith.addf %parallel_loop3A_921, %parallel_loop3A_926 : vector<16xf32>
        %parallel_loop3A_928 = arith.constant 0 : i32
        %parallel_loop3A_929 = arith.addi %parallel_loop3A_928, %parallel_loop3A_918 : i32
        %parallel_loop3A_930 = arith.index_cast %parallel_loop3A_929 : i32 to index
        %parallel_loop3A_931 = tpu.vector_load %arg5[%parallel_loop3A_930] {strides = array<i32>} : memref<20480xf32, #tpu.memory_space<vmem>>, vector<16xf32>,
        tpu.vector_store %arg5[%parallel_loop3A_930], %parallel_loop3A_927 {strides = array<i32>} : memref<20480xf32, #tpu.memory_space<vmem>>, vector<16xf32>,
        %parallel_loop3A_932 = arith.constant 2048 : i32
        %parallel_loop3A_933 = arith.addi %mul3A_912, %parallel_loop3A_932 : i32
        %parallel_loop3A_934 = arith.addi %parallel_loop3A_933, %parallel_loop3A_918 : i32
        %parallel_loop3A_935 = arith.index_cast %parallel_loop3A_934 : i32 to index
        %parallel_loop3A_936 = tpu.vector_load %arg4[%parallel_loop3A_935] {strides = array<i32>} : memref<61440xf32, #tpu.memory_space<vmem>>, vector<16xf32>,
        %parallel_loop3A_937 = arith.addf %parallel_loop3A_921, %parallel_loop3A_936 : vector<16xf32>
        %parallel_loop3A_938 = arith.constant 2048 : i32
        %parallel_loop3A_939 = arith.addi %parallel_loop3A_938, %parallel_loop3A_918 : i32
        %parallel_loop3A_940 = arith.index_cast %parallel_loop3A_939 : i32 to index
        %parallel_loop3A_941 = tpu.vector_load %arg5[%parallel_loop3A_940] {strides = array<i32>} : memref<20480xf32, #tpu.memory_space<vmem>>, vector<16xf32>,
        tpu.vector_store %arg5[%parallel_loop3A_940], %parallel_loop3A_937 {strides = array<i32>} : memref<20480xf32, #tpu.memory_space<vmem>>, vector<16xf32>,
        %parallel_loop3A_942 = arith.constant 4096 : i32
        %parallel_loop3A_943 = arith.addi %mul3A_912, %parallel_loop3A_942 : i32
        %parallel_loop3A_944 = arith.addi %parallel_loop3A_943, %parallel_loop3A_918 : i32
        %parallel_loop3A_945 = arith.index_cast %parallel_loop3A_944 : i32 to index
        %parallel_loop3A_946 = tpu.vector_load %arg4[%parallel_loop3A_945] {strides = array<i32>} : memref<61440xf32, #tpu.memory_space<vmem>>, vector<16xf32>,
        %parallel_loop3A_947 = arith.addf %parallel_loop3A_921, %parallel_loop3A_946 : vector<16xf32>
        %parallel_loop3A_948 = arith.constant 4096 : i32
        %parallel_loop3A_949 = arith.addi %parallel_loop3A_948, %parallel_loop3A_918 : i32
        %parallel_loop3A_950 = arith.index_cast %parallel_loop3A_949 : i32 to index
        %parallel_loop3A_951 = tpu.vector_load %arg5[%parallel_loop3A_950] {strides = array<i32>} : memref<20480xf32, #tpu.memory_space<vmem>>, vector<16xf32>,
        tpu.vector_store %arg5[%parallel_loop3A_950], %parallel_loop3A_947 {strides = array<i32>} : memref<20480xf32, #tpu.memory_space<vmem>>, vector<16xf32>,
        %parallel_loop3A_952 = arith.constant 6144 : i32
        %parallel_loop3A_953 = arith.addi %mul3A_912, %parallel_loop3A_952 : i32
        %parallel_loop3A_954 = arith.addi %parallel_loop3A_953, %parallel_loop3A_918 : i32
        %parallel_loop3A_955 = arith.index_cast %parallel_loop3A_954 : i32 to index
        %parallel_loop3A_956 = tpu.vector_load %arg4[%parallel_loop3A_955] {strides = array<i32>} : memref<61440xf32, #tpu.memory_space<vmem>>, vector<16xf32>,
        %parallel_loop3A_957 = arith.addf %parallel_loop3A_921, %parallel_loop3A_956 : vector<16xf32>
        %parallel_loop3A_958 = arith.constant 6144 : i32
        %parallel_loop3A_959 = arith.addi %parallel_loop3A_958, %parallel_loop3A_918 : i32
        %parallel_loop3A_960 = arith.index_cast %parallel_loop3A_959 : i32 to index
        %parallel_loop3A_961 = tpu.vector_load %arg5[%parallel_loop3A_960] {strides = array<i32>} : memref<20480xf32, #tpu.memory_space<vmem>>, vector<16xf32>,
        tpu.vector_store %arg5[%parallel_loop3A_960], %parallel_loop3A_957 {strides = array<i32>} : memref<20480xf32, #tpu.memory_space<vmem>>, vector<16xf32>,
        %parallel_loop3A_962 = arith.constant 8192 : i32
        %parallel_loop3A_963 = arith.addi %mul3A_912, %parallel_loop3A_962 : i32
        %parallel_loop3A_964 = arith.addi %parallel_loop3A_963, %parallel_loop3A_918 : i32
        %parallel_loop3A_965 = arith.index_cast %parallel_loop3A_964 : i32 to index
        %parallel_loop3A_966 = tpu.vector_load %arg4[%parallel_loop3A_965] {strides = array<i32>} : memref<61440xf32, #tpu.memory_space<vmem>>, vector<16xf32>,
        %parallel_loop3A_967 = arith.addf %parallel_loop3A_921, %parallel_loop3A_966 : vector<16xf32>
        %parallel_loop3A_968 = arith.constant 8192 : i32
        %parallel_loop3A_969 = arith.addi %parallel_loop3A_968, %parallel_loop3A_918 : i32
        %parallel_loop3A_970 = arith.index_cast %parallel_loop3A_969 : i32 to index
        %parallel_loop3A_971 = tpu.vector_load %arg5[%parallel_loop3A_970] {strides = array<i32>} : memref<20480xf32, #tpu.memory_space<vmem>>, vector<16xf32>,
        tpu.vector_store %arg5[%parallel_loop3A_970], %parallel_loop3A_967 {strides = array<i32>} : memref<20480xf32, #tpu.memory_space<vmem>>, vector<16xf32>,
      } {sc.loop_unroll_factor = 8 : i64, sc.parallel_access}
    } else {
    }
    %convert_element_type3A_537 = arith.extui %or3A_516 : i1 to i32
    %cond3A_538 = arith.constant 0 : i32
    %cond3A_539 = arith.constant 1 : i32
    %cond3A_540 = arith.constant 0 : i32
    %cond3A_541 = arith.cmpi ne, %convert_element_type3A_537, %cond3A_540 : i32
    scf.if %cond3A_541 {
      %mul3A_909 = arith.constant 2048 : i32
      %mul3A_910 = arith.muli %cond3A_538, %mul3A_909 : i32
      %mul3A_911 = arith.constant 2048 : i32
      %mul3A_912 = arith.muli %cond3A_539, %mul3A_911 : i32
      %parallel_loop3A = arith.constant 0 : i32
      %parallel_loop3A_913 = arith.constant 128 : i32
      %parallel_loop3A_914 = arith.constant 1 : i32
      scf.for %parallel_loop3A_943 = %parallel_loop3A to %parallel_loop3A_913 step %parallel_loop3A_914  : i32 {
        %parallel_loop3A_944 = arith.constant 16 : i32
        %parallel_loop3A_945 = arith.muli %parallel_loop3A_943, %parallel_loop3A_944 : i32
        %parallel_loop3A_946 = tpu.assume_multiple %parallel_loop3A_945, 16 : i32
        %parallel_loop3A_947 = arith.addi %mul3A_910, %parallel_loop3A_946 : i32
        %parallel_loop3A_948 = arith.index_cast %parallel_loop3A_947 : i32 to index
        %parallel_loop3A_949 = tpu.vector_load %arg4[%parallel_loop3A_948] {strides = array<i32>} : memref<61440xf32, #tpu.memory_space<vmem>>, vector<16xf32>,
        %parallel_loop3A_950 = arith.addi %mul3A_912, %parallel_loop3A_946 : i32
        %parallel_loop3A_951 = arith.index_cast %parallel_loop3A_950 : i32 to index
        %parallel_loop3A_952 = tpu.vector_load %arg4[%parallel_loop3A_951] {strides = array<i32>} : memref<61440xf32, #tpu.memory_space<vmem>>, vector<16xf32>,
        %parallel_loop3A_953 = arith.addf %parallel_loop3A_949, %parallel_loop3A_952 : vector<16xf32>
        %parallel_loop3A_954 = arith.constant 0 : i32
        %parallel_loop3A_955 = arith.addi %parallel_loop3A_954, %parallel_loop3A_946 : i32
        %parallel_loop3A_956 = arith.index_cast %parallel_loop3A_955 : i32 to index
        %parallel_loop3A_957 = tpu.vector_load %arg5[%parallel_loop3A_956] {strides = array<i32>} : memref<20480xf32, #tpu.memory_space<vmem>>, vector<16xf32>,
        tpu.vector_store %arg5[%parallel_loop3A_956], %parallel_loop3A_953 {strides = array<i32>} : memref<20480xf32, #tpu.memory_space<vmem>>, vector<16xf32>,
      } {sc.loop_unroll_factor = 8 : i64, sc.parallel_access}
      %mul3A_915 = arith.constant 2048 : i32
      %mul3A_916 = arith.muli %select_n3A, %mul3A_915 : i32
      %mul3A_917 = arith.constant 2048 : i32
      %mul3A_918 = arith.muli %select_n3A_490, %mul3A_917 : i32
      %parallel_loop3A_919 = arith.constant 0 : i32
      %parallel_loop3A_920 = arith.constant 128 : i32
      %parallel_loop3A_921 = arith.constant 1 : i32
      scf.for %parallel_loop3A_943 = %parallel_loop3A_919 to %parallel_loop3A_920 step %parallel_loop3A_921  : i32 {
        %parallel_loop3A_944 = arith.constant 16 : i32
        %parallel_loop3A_945 = arith.muli %parallel_loop3A_943, %parallel_loop3A_944 : i32
        %parallel_loop3A_946 = tpu.assume_multiple %parallel_loop3A_945, 16 : i32
        %parallel_loop3A_947 = arith.addi %mul3A_916, %parallel_loop3A_946 : i32
        %parallel_loop3A_948 = arith.index_cast %parallel_loop3A_947 : i32 to index
        %parallel_loop3A_949 = tpu.vector_load %arg4[%parallel_loop3A_948] {strides = array<i32>} : memref<61440xf32, #tpu.memory_space<vmem>>, vector<16xf32>,
        %parallel_loop3A_950 = arith.addi %mul3A_918, %parallel_loop3A_946 : i32
        %parallel_loop3A_951 = arith.index_cast %parallel_loop3A_950 : i32 to index
        %parallel_loop3A_952 = tpu.vector_load %arg4[%parallel_loop3A_951] {strides = array<i32>} : memref<61440xf32, #tpu.memory_space<vmem>>, vector<16xf32>,
        %parallel_loop3A_953 = arith.addf %parallel_loop3A_949, %parallel_loop3A_952 : vector<16xf32>
        %parallel_loop3A_954 = arith.constant 2048 : i32
        %parallel_loop3A_955 = arith.addi %parallel_loop3A_954, %parallel_loop3A_946 : i32
        %parallel_loop3A_956 = arith.index_cast %parallel_loop3A_955 : i32 to index
        %parallel_loop3A_957 = tpu.vector_load %arg5[%parallel_loop3A_956] {strides = array<i32>} : memref<20480xf32, #tpu.memory_space<vmem>>, vector<16xf32>,
        tpu.vector_store %arg5[%parallel_loop3A_956], %parallel_loop3A_953 {strides = array<i32>} : memref<20480xf32, #tpu.memory_space<vmem>>, vector<16xf32>,
      } {sc.loop_unroll_factor = 8 : i64, sc.parallel_access}
      %mul3A_922 = arith.constant 2048 : i32
      %mul3A_923 = arith.muli %select_n3A_497, %mul3A_922 : i32
      %mul3A_924 = arith.constant 2048 : i32
      %mul3A_925 = arith.muli %select_n3A_500, %mul3A_924 : i32
      %parallel_loop3A_926 = arith.constant 0 : i32
      %parallel_loop3A_927 = arith.constant 128 : i32
      %parallel_loop3A_928 = arith.constant 1 : i32
      scf.for %parallel_loop3A_943 = %parallel_loop3A_926 to %parallel_loop3A_927 step %parallel_loop3A_928  : i32 {
        %parallel_loop3A_944 = arith.constant 16 : i32
        %parallel_loop3A_945 = arith.muli %parallel_loop3A_943, %parallel_loop3A_944 : i32
        %parallel_loop3A_946 = tpu.assume_multiple %parallel_loop3A_945, 16 : i32
        %parallel_loop3A_947 = arith.addi %mul3A_923, %parallel_loop3A_946 : i32
        %parallel_loop3A_948 = arith.index_cast %parallel_loop3A_947 : i32 to index
        %parallel_loop3A_949 = tpu.vector_load %arg4[%parallel_loop3A_948] {strides = array<i32>} : memref<61440xf32, #tpu.memory_space<vmem>>, vector<16xf32>,
        %parallel_loop3A_950 = arith.addi %mul3A_925, %parallel_loop3A_946 : i32
        %parallel_loop3A_951 = arith.index_cast %parallel_loop3A_950 : i32 to index
        %parallel_loop3A_952 = tpu.vector_load %arg4[%parallel_loop3A_951] {strides = array<i32>} : memref<61440xf32, #tpu.memory_space<vmem>>, vector<16xf32>,
        %parallel_loop3A_953 = arith.addf %parallel_loop3A_949, %parallel_loop3A_952 : vector<16xf32>
        %parallel_loop3A_954 = arith.constant 4096 : i32
        %parallel_loop3A_955 = arith.addi %parallel_loop3A_954, %parallel_loop3A_946 : i32
        %parallel_loop3A_956 = arith.index_cast %parallel_loop3A_955 : i32 to index
        %parallel_loop3A_957 = tpu.vector_load %arg5[%parallel_loop3A_956] {strides = array<i32>} : memref<20480xf32, #tpu.memory_space<vmem>>, vector<16xf32>,
        tpu.vector_store %arg5[%parallel_loop3A_956], %parallel_loop3A_953 {strides = array<i32>} : memref<20480xf32, #tpu.memory_space<vmem>>, vector<16xf32>,
      } {sc.loop_unroll_factor = 8 : i64, sc.parallel_access}
      %mul3A_929 = arith.constant 2048 : i32
      %mul3A_930 = arith.muli %select_n3A_508, %mul3A_929 : i32
      %mul3A_931 = arith.constant 2048 : i32
      %mul3A_932 = arith.muli %select_n3A_511, %mul3A_931 : i32
      %parallel_loop3A_933 = arith.constant 0 : i32
      %parallel_loop3A_934 = arith.constant 128 : i32
      %parallel_loop3A_935 = arith.constant 1 : i32
      scf.for %parallel_loop3A_943 = %parallel_loop3A_933 to %parallel_loop3A_934 step %parallel_loop3A_935  : i32 {
        %parallel_loop3A_944 = arith.constant 16 : i32
        %parallel_loop3A_945 = arith.muli %parallel_loop3A_943, %parallel_loop3A_944 : i32
        %parallel_loop3A_946 = tpu.assume_multiple %parallel_loop3A_945, 16 : i32
        %parallel_loop3A_947 = arith.addi %mul3A_930, %parallel_loop3A_946 : i32
        %parallel_loop3A_948 = arith.index_cast %parallel_loop3A_947 : i32 to index
        %parallel_loop3A_949 = tpu.vector_load %arg4[%parallel_loop3A_948] {strides = array<i32>} : memref<61440xf32, #tpu.memory_space<vmem>>, vector<16xf32>,
        %parallel_loop3A_950 = arith.addi %mul3A_932, %parallel_loop3A_946 : i32
        %parallel_loop3A_951 = arith.index_cast %parallel_loop3A_950 : i32 to index
        %parallel_loop3A_952 = tpu.vector_load %arg4[%parallel_loop3A_951] {strides = array<i32>} : memref<61440xf32, #tpu.memory_space<vmem>>, vector<16xf32>,
        %parallel_loop3A_953 = arith.addf %parallel_loop3A_949, %parallel_loop3A_952 : vector<16xf32>
        %parallel_loop3A_954 = arith.constant 6144 : i32
        %parallel_loop3A_955 = arith.addi %parallel_loop3A_954, %parallel_loop3A_946 : i32
        %parallel_loop3A_956 = arith.index_cast %parallel_loop3A_955 : i32 to index
        %parallel_loop3A_957 = tpu.vector_load %arg5[%parallel_loop3A_956] {strides = array<i32>} : memref<20480xf32, #tpu.memory_space<vmem>>, vector<16xf32>,
        tpu.vector_store %arg5[%parallel_loop3A_956], %parallel_loop3A_953 {strides = array<i32>} : memref<20480xf32, #tpu.memory_space<vmem>>, vector<16xf32>,
      } {sc.loop_unroll_factor = 8 : i64, sc.parallel_access}
      %mul3A_936 = arith.constant 2048 : i32
      %mul3A_937 = arith.muli %select_n3A_519, %mul3A_936 : i32
      %mul3A_938 = arith.constant 2048 : i32
      %mul3A_939 = arith.muli %select_n3A_522, %mul3A_938 : i32
      %parallel_loop3A_940 = arith.constant 0 : i32
      %parallel_loop3A_941 = arith.constant 128 : i32
      %parallel_loop3A_942 = arith.constant 1 : i32
      scf.for %parallel_loop3A_943 = %parallel_loop3A_940 to %parallel_loop3A_941 step %parallel_loop3A_942  : i32 {
        %parallel_loop3A_944 = arith.constant 16 : i32
        %parallel_loop3A_945 = arith.muli %parallel_loop3A_943, %parallel_loop3A_944 : i32
        %parallel_loop3A_946 = tpu.assume_multiple %parallel_loop3A_945, 16 : i32
        %parallel_loop3A_947 = arith.addi %mul3A_937, %parallel_loop3A_946 : i32
        %parallel_loop3A_948 = arith.index_cast %parallel_loop3A_947 : i32 to index
        %parallel_loop3A_949 = tpu.vector_load %arg4[%parallel_loop3A_948] {strides = array<i32>} : memref<61440xf32, #tpu.memory_space<vmem>>, vector<16xf32>,
        %parallel_loop3A_950 = arith.addi %mul3A_939, %parallel_loop3A_946 : i32
        %parallel_loop3A_951 = arith.index_cast %parallel_loop3A_950 : i32 to index
        %parallel_loop3A_952 = tpu.vector_load %arg4[%parallel_loop3A_951] {strides = array<i32>} : memref<61440xf32, #tpu.memory_space<vmem>>, vector<16xf32>,
        %parallel_loop3A_953 = arith.addf %parallel_loop3A_949, %parallel_loop3A_952 : vector<16xf32>
        %parallel_loop3A_954 = arith.constant 8192 : i32
        %parallel_loop3A_955 = arith.addi %parallel_loop3A_954, %parallel_loop3A_946 : i32
        %parallel_loop3A_956 = arith.index_cast %parallel_loop3A_955 : i32 to index
        %parallel_loop3A_957 = tpu.vector_load %arg5[%parallel_loop3A_956] {strides = array<i32>} : memref<20480xf32, #tpu.memory_space<vmem>>, vector<16xf32>,
        tpu.vector_store %arg5[%parallel_loop3A_956], %parallel_loop3A_953 {strides = array<i32>} : memref<20480xf32, #tpu.memory_space<vmem>>, vector<16xf32>,
      } {sc.loop_unroll_factor = 8 : i64, sc.parallel_access}
    } else {
    }
    %add3A_542 = arith.constant 0 : i32
    %add3A_543 = arith.addi %add3A_542, %mul3A_2 : i32
    %dma_start3A_544 = arith.constant 0 : i32
    %dma_start3A_545 = tpu.memref_slice %arg5[%dma_start3A_544] : memref<20480xf32, #tpu.memory_space<vmem>> -> memref<2048xf32, #tpu.memory_space<vmem>>
    %dma_start3A_546 = tpu.memref_slice %arg3[%add3A_543] : memref<28508160xf32, #tpu.memory_space<hbm>> -> memref<2048xf32, #tpu.memory_space<hbm>>
    %dma_start3A_547 = tpu.memref_slice %arg3[%add3A_543] : memref<28508160xf32, #tpu.memory_space<hbm>> -> memref<2048xf32, #tpu.memory_space<hbm>>
    %dma_start3A_548 = arith.constant 0 : i32
    %dma_start3A_549 = tpu.memref_slice %arg5[%dma_start3A_548] : memref<20480xf32, #tpu.memory_space<vmem>> -> memref<2048xf32, #tpu.memory_space<vmem>>
    tpu.enqueue_dma source(%dma_start3A_549 : memref<2048xf32, #tpu.memory_space<vmem>>) target(%dma_start3A_547 : memref<2048xf32, #tpu.memory_space<hbm>>) target_semaphore(%arg6 : memref<!tpu.dma_semaphore, #tpu.memory_space<semaphore_mem>>)
    %add3A_550 = arith.constant 65536 : i32
    %add3A_551 = arith.addi %add3A_550, %mul3A_2 : i32
    %dma_start3A_552 = arith.constant 2048 : i32
    %dma_start3A_553 = tpu.memref_slice %arg5[%dma_start3A_552] : memref<20480xf32, #tpu.memory_space<vmem>> -> memref<2048xf32, #tpu.memory_space<vmem>>
    %dma_start3A_554 = tpu.memref_slice %arg3[%add3A_551] : memref<28508160xf32, #tpu.memory_space<hbm>> -> memref<2048xf32, #tpu.memory_space<hbm>>
    %dma_start3A_555 = tpu.memref_slice %arg3[%add3A_551] : memref<28508160xf32, #tpu.memory_space<hbm>> -> memref<2048xf32, #tpu.memory_space<hbm>>
    %dma_start3A_556 = arith.constant 2048 : i32
    %dma_start3A_557 = tpu.memref_slice %arg5[%dma_start3A_556] : memref<20480xf32, #tpu.memory_space<vmem>> -> memref<2048xf32, #tpu.memory_space<vmem>>
    tpu.enqueue_dma source(%dma_start3A_557 : memref<2048xf32, #tpu.memory_space<vmem>>) target(%dma_start3A_555 : memref<2048xf32, #tpu.memory_space<hbm>>) target_semaphore(%arg6 : memref<!tpu.dma_semaphore, #tpu.memory_space<semaphore_mem>>)
    %add3A_558 = arith.constant 131072 : i32
    %add3A_559 = arith.addi %add3A_558, %mul3A_2 : i32
    %dma_start3A_560 = arith.constant 4096 : i32
    %dma_start3A_561 = tpu.memref_slice %arg5[%dma_start3A_560] : memref<20480xf32, #tpu.memory_space<vmem>> -> memref<2048xf32, #tpu.memory_space<vmem>>
    %dma_start3A_562 = tpu.memref_slice %arg3[%add3A_559] : memref<28508160xf32, #tpu.memory_space<hbm>> -> memref<2048xf32, #tpu.memory_space<hbm>>
    %dma_start3A_563 = tpu.memref_slice %arg3[%add3A_559] : memref<28508160xf32, #tpu.memory_space<hbm>> -> memref<2048xf32, #tpu.memory_space<hbm>>
    %dma_start3A_564 = arith.constant 4096 : i32
    %dma_start3A_565 = tpu.memref_slice %arg5[%dma_start3A_564] : memref<20480xf32, #tpu.memory_space<vmem>> -> memref<2048xf32, #tpu.memory_space<vmem>>
    tpu.enqueue_dma source(%dma_start3A_565 : memref<2048xf32, #tpu.memory_space<vmem>>) target(%dma_start3A_563 : memref<2048xf32, #tpu.memory_space<hbm>>) target_semaphore(%arg6 : memref<!tpu.dma_semaphore, #tpu.memory_space<semaphore_mem>>)
    %add3A_566 = arith.constant 196608 : i32
    %add3A_567 = arith.addi %add3A_566, %mul3A_2 : i32
    %dma_start3A_568 = arith.constant 6144 : i32
    %dma_start3A_569 = tpu.memref_slice %arg5[%dma_start3A_568] : memref<20480xf32, #tpu.memory_space<vmem>> -> memref<2048xf32, #tpu.memory_space<vmem>>
    %dma_start3A_570 = tpu.memref_slice %arg3[%add3A_567] : memref<28508160xf32, #tpu.memory_space<hbm>> -> memref<2048xf32, #tpu.memory_space<hbm>>
    %dma_start3A_571 = tpu.memref_slice %arg3[%add3A_567] : memref<28508160xf32, #tpu.memory_space<hbm>> -> memref<2048xf32, #tpu.memory_space<hbm>>
    %dma_start3A_572 = arith.constant 6144 : i32
    %dma_start3A_573 = tpu.memref_slice %arg5[%dma_start3A_572] : memref<20480xf32, #tpu.memory_space<vmem>> -> memref<2048xf32, #tpu.memory_space<vmem>>
    tpu.enqueue_dma source(%dma_start3A_573 : memref<2048xf32, #tpu.memory_space<vmem>>) target(%dma_start3A_571 : memref<2048xf32, #tpu.memory_space<hbm>>) target_semaphore(%arg6 : memref<!tpu.dma_semaphore, #tpu.memory_space<semaphore_mem>>)
    %add3A_574 = arith.constant 262144 : i32
    %add3A_575 = arith.addi %add3A_574, %mul3A_2 : i32
    %dma_start3A_576 = arith.constant 8192 : i32
    %dma_start3A_577 = tpu.memref_slice %arg5[%dma_start3A_576] : memref<20480xf32, #tpu.memory_space<vmem>> -> memref<2048xf32, #tpu.memory_space<vmem>>
    %dma_start3A_578 = tpu.memref_slice %arg3[%add3A_575] : memref<28508160xf32, #tpu.memory_space<hbm>> -> memref<2048xf32, #tpu.memory_space<hbm>>
    %dma_start3A_579 = tpu.memref_slice %arg3[%add3A_575] : memref<28508160xf32, #tpu.memory_space<hbm>> -> memref<2048xf32, #tpu.memory_space<hbm>>
    %dma_start3A_580 = arith.constant 8192 : i32
    %dma_start3A_581 = tpu.memref_slice %arg5[%dma_start3A_580] : memref<20480xf32, #tpu.memory_space<vmem>> -> memref<2048xf32, #tpu.memory_space<vmem>>
    tpu.enqueue_dma source(%dma_start3A_581 : memref<2048xf32, #tpu.memory_space<vmem>>) target(%dma_start3A_579 : memref<2048xf32, #tpu.memory_space<hbm>>) target_semaphore(%arg6 : memref<!tpu.dma_semaphore, #tpu.memory_space<semaphore_mem>>)
    %add3A_582 = arith.constant 1 : i32
    %add3A_583 = arith.addi %select_n3A_532, %add3A_582 : i32
    %ge3A_584 = arith.constant 30 : i32
    %ge3A_585 = arith.cmpi sge, %add3A_583, %ge3A_584 : i32
    %add3A_586 = arith.constant 1 : i32
    %add3A_587 = arith.addi %select_n3A_529, %add3A_586 : i32
    %select_n3A_588 = arith.select %ge3A_585, %add3A_587, %select_n3A_529 : i32
    %add3A_589 = arith.constant 1 : i32
    %add3A_590 = arith.addi %select_n3A_588, %add3A_589 : i32
    %select_n3A_591 = arith.select %ge3A_585, %add3A_590, %add3A_583 : i32
    %add3A_592 = arith.constant 1 : i32
    %add3A_593 = arith.addi %select_n3A_591, %add3A_592 : i32
    %ge3A_594 = arith.constant 30 : i32
    %ge3A_595 = arith.cmpi sge, %add3A_593, %ge3A_594 : i32
    %or3A_596 = arith.ori %ge3A_585, %ge3A_595 : i1
    %add3A_597 = arith.constant 1 : i32
    %add3A_598 = arith.addi %select_n3A_588, %add3A_597 : i32
    %select_n3A_599 = arith.select %ge3A_595, %add3A_598, %select_n3A_588 : i32
    %add3A_600 = arith.constant 1 : i32
    %add3A_601 = arith.addi %select_n3A_599, %add3A_600 : i32
    %select_n3A_602 = arith.select %ge3A_595, %add3A_601, %add3A_593 : i32
    %add3A_603 = arith.constant 1 : i32
    %add3A_604 = arith.addi %select_n3A_602, %add3A_603 : i32
    %ge3A_605 = arith.constant 30 : i32
    %ge3A_606 = arith.cmpi sge, %add3A_604, %ge3A_605 : i32
    %or3A_607 = arith.ori %or3A_596, %ge3A_606 : i1
    %add3A_608 = arith.constant 1 : i32
    %add3A_609 = arith.addi %select_n3A_599, %add3A_608 : i32
    %select_n3A_610 = arith.select %ge3A_606, %add3A_609, %select_n3A_599 : i32
    %add3A_611 = arith.constant 1 : i32
    %add3A_612 = arith.addi %select_n3A_610, %add3A_611 : i32
    %select_n3A_613 = arith.select %ge3A_606, %add3A_612, %add3A_604 : i32
    %add3A_614 = arith.constant 1 : i32
    %add3A_615 = arith.addi %select_n3A_613, %add3A_614 : i32
    %ge3A_616 = arith.constant 30 : i32
    %ge3A_617 = arith.cmpi sge, %add3A_615, %ge3A_616 : i32
    %or3A_618 = arith.ori %or3A_607, %ge3A_617 : i1
    %add3A_619 = arith.constant 1 : i32
    %add3A_620 = arith.addi %select_n3A_610, %add3A_619 : i32
    %select_n3A_621 = arith.select %ge3A_617, %add3A_620, %select_n3A_610 : i32
    %add3A_622 = arith.constant 1 : i32
    %add3A_623 = arith.addi %select_n3A_621, %add3A_622 : i32
    %select_n3A_624 = arith.select %ge3A_617, %add3A_623, %add3A_615 : i32
    %add3A_625 = arith.constant 1 : i32
    %add3A_626 = arith.addi %select_n3A_624, %add3A_625 : i32
    %ge3A_627 = arith.constant 30 : i32
    %ge3A_628 = arith.cmpi sge, %add3A_626, %ge3A_627 : i32
    %add3A_629 = arith.constant 1 : i32
    %add3A_630 = arith.addi %select_n3A_621, %add3A_629 : i32
    %select_n3A_631 = arith.select %ge3A_628, %add3A_630, %select_n3A_621 : i32
    %add3A_632 = arith.constant 1 : i32
    %add3A_633 = arith.addi %select_n3A_631, %add3A_632 : i32
    %select_n3A_634 = arith.select %ge3A_628, %add3A_633, %add3A_626 : i32
    %not3A_635 = arith.constant true
    %not3A_636 = arith.xori %or3A_618, %not3A_635 : i1
    %convert_element_type3A_637 = arith.extui %not3A_636 : i1 to i32
    %cond3A_638 = arith.constant 0 : i32
    %cond3A_639 = arith.cmpi ne, %convert_element_type3A_637, %cond3A_638 : i32
    scf.if %cond3A_639 {
      %mul3A_909 = arith.constant 2048 : i32
      %mul3A_910 = arith.muli %select_n3A_529, %mul3A_909 : i32
      %mul3A_911 = arith.constant 2048 : i32
      %mul3A_912 = arith.muli %select_n3A_532, %mul3A_911 : i32
      %parallel_loop3A = arith.constant 0 : i32
      %parallel_loop3A_913 = arith.constant 128 : i32
      %parallel_loop3A_914 = arith.constant 1 : i32
      scf.for %parallel_loop3A_915 = %parallel_loop3A to %parallel_loop3A_913 step %parallel_loop3A_914  : i32 {
        %parallel_loop3A_916 = arith.constant 16 : i32
        %parallel_loop3A_917 = arith.muli %parallel_loop3A_915, %parallel_loop3A_916 : i32
        %parallel_loop3A_918 = tpu.assume_multiple %parallel_loop3A_917, 16 : i32
        %parallel_loop3A_919 = arith.addi %mul3A_910, %parallel_loop3A_918 : i32
        %parallel_loop3A_920 = arith.index_cast %parallel_loop3A_919 : i32 to index
        %parallel_loop3A_921 = tpu.vector_load %arg4[%parallel_loop3A_920] {strides = array<i32>} : memref<61440xf32, #tpu.memory_space<vmem>>, vector<16xf32>,
        %parallel_loop3A_922 = arith.constant 0 : i32
        %parallel_loop3A_923 = arith.addi %mul3A_912, %parallel_loop3A_922 : i32
        %parallel_loop3A_924 = arith.addi %parallel_loop3A_923, %parallel_loop3A_918 : i32
        %parallel_loop3A_925 = arith.index_cast %parallel_loop3A_924 : i32 to index
        %parallel_loop3A_926 = tpu.vector_load %arg4[%parallel_loop3A_925] {strides = array<i32>} : memref<61440xf32, #tpu.memory_space<vmem>>, vector<16xf32>,
        %parallel_loop3A_927 = arith.addf %parallel_loop3A_921, %parallel_loop3A_926 : vector<16xf32>
        %parallel_loop3A_928 = arith.constant 10240 : i32
        %parallel_loop3A_929 = arith.addi %parallel_loop3A_928, %parallel_loop3A_918 : i32
        %parallel_loop3A_930 = arith.index_cast %parallel_loop3A_929 : i32 to index
        %parallel_loop3A_931 = tpu.vector_load %arg5[%parallel_loop3A_930] {strides = array<i32>} : memref<20480xf32, #tpu.memory_space<vmem>>, vector<16xf32>,
        tpu.vector_store %arg5[%parallel_loop3A_930], %parallel_loop3A_927 {strides = array<i32>} : memref<20480xf32, #tpu.memory_space<vmem>>, vector<16xf32>,
        %parallel_loop3A_932 = arith.constant 2048 : i32
        %parallel_loop3A_933 = arith.addi %mul3A_912, %parallel_loop3A_932 : i32
        %parallel_loop3A_934 = arith.addi %parallel_loop3A_933, %parallel_loop3A_918 : i32
        %parallel_loop3A_935 = arith.index_cast %parallel_loop3A_934 : i32 to index
        %parallel_loop3A_936 = tpu.vector_load %arg4[%parallel_loop3A_935] {strides = array<i32>} : memref<61440xf32, #tpu.memory_space<vmem>>, vector<16xf32>,
        %parallel_loop3A_937 = arith.addf %parallel_loop3A_921, %parallel_loop3A_936 : vector<16xf32>
        %parallel_loop3A_938 = arith.constant 12288 : i32
        %parallel_loop3A_939 = arith.addi %parallel_loop3A_938, %parallel_loop3A_918 : i32
        %parallel_loop3A_940 = arith.index_cast %parallel_loop3A_939 : i32 to index
        %parallel_loop3A_941 = tpu.vector_load %arg5[%parallel_loop3A_940] {strides = array<i32>} : memref<20480xf32, #tpu.memory_space<vmem>>, vector<16xf32>,
        tpu.vector_store %arg5[%parallel_loop3A_940], %parallel_loop3A_937 {strides = array<i32>} : memref<20480xf32, #tpu.memory_space<vmem>>, vector<16xf32>,
        %parallel_loop3A_942 = arith.constant 4096 : i32
        %parallel_loop3A_943 = arith.addi %mul3A_912, %parallel_loop3A_942 : i32
        %parallel_loop3A_944 = arith.addi %parallel_loop3A_943, %parallel_loop3A_918 : i32
        %parallel_loop3A_945 = arith.index_cast %parallel_loop3A_944 : i32 to index
        %parallel_loop3A_946 = tpu.vector_load %arg4[%parallel_loop3A_945] {strides = array<i32>} : memref<61440xf32, #tpu.memory_space<vmem>>, vector<16xf32>,
        %parallel_loop3A_947 = arith.addf %parallel_loop3A_921, %parallel_loop3A_946 : vector<16xf32>
        %parallel_loop3A_948 = arith.constant 14336 : i32
        %parallel_loop3A_949 = arith.addi %parallel_loop3A_948, %parallel_loop3A_918 : i32
        %parallel_loop3A_950 = arith.index_cast %parallel_loop3A_949 : i32 to index
        %parallel_loop3A_951 = tpu.vector_load %arg5[%parallel_loop3A_950] {strides = array<i32>} : memref<20480xf32, #tpu.memory_space<vmem>>, vector<16xf32>,
        tpu.vector_store %arg5[%parallel_loop3A_950], %parallel_loop3A_947 {strides = array<i32>} : memref<20480xf32, #tpu.memory_space<vmem>>, vector<16xf32>,
        %parallel_loop3A_952 = arith.constant 6144 : i32
        %parallel_loop3A_953 = arith.addi %mul3A_912, %parallel_loop3A_952 : i32
        %parallel_loop3A_954 = arith.addi %parallel_loop3A_953, %parallel_loop3A_918 : i32
        %parallel_loop3A_955 = arith.index_cast %parallel_loop3A_954 : i32 to index
        %parallel_loop3A_956 = tpu.vector_load %arg4[%parallel_loop3A_955] {strides = array<i32>} : memref<61440xf32, #tpu.memory_space<vmem>>, vector<16xf32>,
        %parallel_loop3A_957 = arith.addf %parallel_loop3A_921, %parallel_loop3A_956 : vector<16xf32>
        %parallel_loop3A_958 = arith.constant 16384 : i32
        %parallel_loop3A_959 = arith.addi %parallel_loop3A_958, %parallel_loop3A_918 : i32
        %parallel_loop3A_960 = arith.index_cast %parallel_loop3A_959 : i32 to index
        %parallel_loop3A_961 = tpu.vector_load %arg5[%parallel_loop3A_960] {strides = array<i32>} : memref<20480xf32, #tpu.memory_space<vmem>>, vector<16xf32>,
        tpu.vector_store %arg5[%parallel_loop3A_960], %parallel_loop3A_957 {strides = array<i32>} : memref<20480xf32, #tpu.memory_space<vmem>>, vector<16xf32>,
        %parallel_loop3A_962 = arith.constant 8192 : i32
        %parallel_loop3A_963 = arith.addi %mul3A_912, %parallel_loop3A_962 : i32
        %parallel_loop3A_964 = arith.addi %parallel_loop3A_963, %parallel_loop3A_918 : i32
        %parallel_loop3A_965 = arith.index_cast %parallel_loop3A_964 : i32 to index
        %parallel_loop3A_966 = tpu.vector_load %arg4[%parallel_loop3A_965] {strides = array<i32>} : memref<61440xf32, #tpu.memory_space<vmem>>, vector<16xf32>,
        %parallel_loop3A_967 = arith.addf %parallel_loop3A_921, %parallel_loop3A_966 : vector<16xf32>
        %parallel_loop3A_968 = arith.constant 18432 : i32
        %parallel_loop3A_969 = arith.addi %parallel_loop3A_968, %parallel_loop3A_918 : i32
        %parallel_loop3A_970 = arith.index_cast %parallel_loop3A_969 : i32 to index
        %parallel_loop3A_971 = tpu.vector_load %arg5[%parallel_loop3A_970] {strides = array<i32>} : memref<20480xf32, #tpu.memory_space<vmem>>, vector<16xf32>,
        tpu.vector_store %arg5[%parallel_loop3A_970], %parallel_loop3A_967 {strides = array<i32>} : memref<20480xf32, #tpu.memory_space<vmem>>, vector<16xf32>,
      } {sc.loop_unroll_factor = 8 : i64, sc.parallel_access}
    } else {
    }
    %convert_element_type3A_640 = arith.extui %or3A_618 : i1 to i32
    %cond3A_641 = arith.constant 0 : i32
    %cond3A_642 = arith.cmpi ne, %convert_element_type3A_640, %cond3A_641 : i32
    scf.if %cond3A_642 {
      %mul3A_909 = arith.constant 2048 : i32
      %mul3A_910 = arith.muli %select_n3A_529, %mul3A_909 : i32
      %mul3A_911 = arith.constant 2048 : i32
      %mul3A_912 = arith.muli %select_n3A_532, %mul3A_911 : i32
      %parallel_loop3A = arith.constant 0 : i32
      %parallel_loop3A_913 = arith.constant 128 : i32
      %parallel_loop3A_914 = arith.constant 1 : i32
      scf.for %parallel_loop3A_943 = %parallel_loop3A to %parallel_loop3A_913 step %parallel_loop3A_914  : i32 {
        %parallel_loop3A_944 = arith.constant 16 : i32
        %parallel_loop3A_945 = arith.muli %parallel_loop3A_943, %parallel_loop3A_944 : i32
        %parallel_loop3A_946 = tpu.assume_multiple %parallel_loop3A_945, 16 : i32
        %parallel_loop3A_947 = arith.addi %mul3A_910, %parallel_loop3A_946 : i32
        %parallel_loop3A_948 = arith.index_cast %parallel_loop3A_947 : i32 to index
        %parallel_loop3A_949 = tpu.vector_load %arg4[%parallel_loop3A_948] {strides = array<i32>} : memref<61440xf32, #tpu.memory_space<vmem>>, vector<16xf32>,
        %parallel_loop3A_950 = arith.addi %mul3A_912, %parallel_loop3A_946 : i32
        %parallel_loop3A_951 = arith.index_cast %parallel_loop3A_950 : i32 to index
        %parallel_loop3A_952 = tpu.vector_load %arg4[%parallel_loop3A_951] {strides = array<i32>} : memref<61440xf32, #tpu.memory_space<vmem>>, vector<16xf32>,
        %parallel_loop3A_953 = arith.addf %parallel_loop3A_949, %parallel_loop3A_952 : vector<16xf32>
        %parallel_loop3A_954 = arith.constant 10240 : i32
        %parallel_loop3A_955 = arith.addi %parallel_loop3A_954, %parallel_loop3A_946 : i32
        %parallel_loop3A_956 = arith.index_cast %parallel_loop3A_955 : i32 to index
        %parallel_loop3A_957 = tpu.vector_load %arg5[%parallel_loop3A_956] {strides = array<i32>} : memref<20480xf32, #tpu.memory_space<vmem>>, vector<16xf32>,
        tpu.vector_store %arg5[%parallel_loop3A_956], %parallel_loop3A_953 {strides = array<i32>} : memref<20480xf32, #tpu.memory_space<vmem>>, vector<16xf32>,
      } {sc.loop_unroll_factor = 8 : i64, sc.parallel_access}
      %mul3A_915 = arith.constant 2048 : i32
      %mul3A_916 = arith.muli %select_n3A_588, %mul3A_915 : i32
      %mul3A_917 = arith.constant 2048 : i32
      %mul3A_918 = arith.muli %select_n3A_591, %mul3A_917 : i32
      %parallel_loop3A_919 = arith.constant 0 : i32
      %parallel_loop3A_920 = arith.constant 128 : i32
      %parallel_loop3A_921 = arith.constant 1 : i32
      scf.for %parallel_loop3A_943 = %parallel_loop3A_919 to %parallel_loop3A_920 step %parallel_loop3A_921  : i32 {
        %parallel_loop3A_944 = arith.constant 16 : i32
        %parallel_loop3A_945 = arith.muli %parallel_loop3A_943, %parallel_loop3A_944 : i32
        %parallel_loop3A_946 = tpu.assume_multiple %parallel_loop3A_945, 16 : i32
        %parallel_loop3A_947 = arith.addi %mul3A_916, %parallel_loop3A_946 : i32
        %parallel_loop3A_948 = arith.index_cast %parallel_loop3A_947 : i32 to index
        %parallel_loop3A_949 = tpu.vector_load %arg4[%parallel_loop3A_948] {strides = array<i32>} : memref<61440xf32, #tpu.memory_space<vmem>>, vector<16xf32>,
        %parallel_loop3A_950 = arith.addi %mul3A_918, %parallel_loop3A_946 : i32
        %parallel_loop3A_951 = arith.index_cast %parallel_loop3A_950 : i32 to index
        %parallel_loop3A_952 = tpu.vector_load %arg4[%parallel_loop3A_951] {strides = array<i32>} : memref<61440xf32, #tpu.memory_space<vmem>>, vector<16xf32>,
        %parallel_loop3A_953 = arith.addf %parallel_loop3A_949, %parallel_loop3A_952 : vector<16xf32>
        %parallel_loop3A_954 = arith.constant 12288 : i32
        %parallel_loop3A_955 = arith.addi %parallel_loop3A_954, %parallel_loop3A_946 : i32
        %parallel_loop3A_956 = arith.index_cast %parallel_loop3A_955 : i32 to index
        %parallel_loop3A_957 = tpu.vector_load %arg5[%parallel_loop3A_956] {strides = array<i32>} : memref<20480xf32, #tpu.memory_space<vmem>>, vector<16xf32>,
        tpu.vector_store %arg5[%parallel_loop3A_956], %parallel_loop3A_953 {strides = array<i32>} : memref<20480xf32, #tpu.memory_space<vmem>>, vector<16xf32>,
      } {sc.loop_unroll_factor = 8 : i64, sc.parallel_access}
      %mul3A_922 = arith.constant 2048 : i32
      %mul3A_923 = arith.muli %select_n3A_599, %mul3A_922 : i32
      %mul3A_924 = arith.constant 2048 : i32
      %mul3A_925 = arith.muli %select_n3A_602, %mul3A_924 : i32
      %parallel_loop3A_926 = arith.constant 0 : i32
      %parallel_loop3A_927 = arith.constant 128 : i32
      %parallel_loop3A_928 = arith.constant 1 : i32
      scf.for %parallel_loop3A_943 = %parallel_loop3A_926 to %parallel_loop3A_927 step %parallel_loop3A_928  : i32 {
        %parallel_loop3A_944 = arith.constant 16 : i32
        %parallel_loop3A_945 = arith.muli %parallel_loop3A_943, %parallel_loop3A_944 : i32
        %parallel_loop3A_946 = tpu.assume_multiple %parallel_loop3A_945, 16 : i32
        %parallel_loop3A_947 = arith.addi %mul3A_923, %parallel_loop3A_946 : i32
        %parallel_loop3A_948 = arith.index_cast %parallel_loop3A_947 : i32 to index
        %parallel_loop3A_949 = tpu.vector_load %arg4[%parallel_loop3A_948] {strides = array<i32>} : memref<61440xf32, #tpu.memory_space<vmem>>, vector<16xf32>,
        %parallel_loop3A_950 = arith.addi %mul3A_925, %parallel_loop3A_946 : i32
        %parallel_loop3A_951 = arith.index_cast %parallel_loop3A_950 : i32 to index
        %parallel_loop3A_952 = tpu.vector_load %arg4[%parallel_loop3A_951] {strides = array<i32>} : memref<61440xf32, #tpu.memory_space<vmem>>, vector<16xf32>,
        %parallel_loop3A_953 = arith.addf %parallel_loop3A_949, %parallel_loop3A_952 : vector<16xf32>
        %parallel_loop3A_954 = arith.constant 14336 : i32
        %parallel_loop3A_955 = arith.addi %parallel_loop3A_954, %parallel_loop3A_946 : i32
        %parallel_loop3A_956 = arith.index_cast %parallel_loop3A_955 : i32 to index
        %parallel_loop3A_957 = tpu.vector_load %arg5[%parallel_loop3A_956] {strides = array<i32>} : memref<20480xf32, #tpu.memory_space<vmem>>, vector<16xf32>,
        tpu.vector_store %arg5[%parallel_loop3A_956], %parallel_loop3A_953 {strides = array<i32>} : memref<20480xf32, #tpu.memory_space<vmem>>, vector<16xf32>,
      } {sc.loop_unroll_factor = 8 : i64, sc.parallel_access}
      %mul3A_929 = arith.constant 2048 : i32
      %mul3A_930 = arith.muli %select_n3A_610, %mul3A_929 : i32
      %mul3A_931 = arith.constant 2048 : i32
      %mul3A_932 = arith.muli %select_n3A_613, %mul3A_931 : i32
      %parallel_loop3A_933 = arith.constant 0 : i32
      %parallel_loop3A_934 = arith.constant 128 : i32
      %parallel_loop3A_935 = arith.constant 1 : i32
      scf.for %parallel_loop3A_943 = %parallel_loop3A_933 to %parallel_loop3A_934 step %parallel_loop3A_935  : i32 {
        %parallel_loop3A_944 = arith.constant 16 : i32
        %parallel_loop3A_945 = arith.muli %parallel_loop3A_943, %parallel_loop3A_944 : i32
        %parallel_loop3A_946 = tpu.assume_multiple %parallel_loop3A_945, 16 : i32
        %parallel_loop3A_947 = arith.addi %mul3A_930, %parallel_loop3A_946 : i32
        %parallel_loop3A_948 = arith.index_cast %parallel_loop3A_947 : i32 to index
        %parallel_loop3A_949 = tpu.vector_load %arg4[%parallel_loop3A_948] {strides = array<i32>} : memref<61440xf32, #tpu.memory_space<vmem>>, vector<16xf32>,
        %parallel_loop3A_950 = arith.addi %mul3A_932, %parallel_loop3A_946 : i32
        %parallel_loop3A_951 = arith.index_cast %parallel_loop3A_950 : i32 to index
        %parallel_loop3A_952 = tpu.vector_load %arg4[%parallel_loop3A_951] {strides = array<i32>} : memref<61440xf32, #tpu.memory_space<vmem>>, vector<16xf32>,
        %parallel_loop3A_953 = arith.addf %parallel_loop3A_949, %parallel_loop3A_952 : vector<16xf32>
        %parallel_loop3A_954 = arith.constant 16384 : i32
        %parallel_loop3A_955 = arith.addi %parallel_loop3A_954, %parallel_loop3A_946 : i32
        %parallel_loop3A_956 = arith.index_cast %parallel_loop3A_955 : i32 to index
        %parallel_loop3A_957 = tpu.vector_load %arg5[%parallel_loop3A_956] {strides = array<i32>} : memref<20480xf32, #tpu.memory_space<vmem>>, vector<16xf32>,
        tpu.vector_store %arg5[%parallel_loop3A_956], %parallel_loop3A_953 {strides = array<i32>} : memref<20480xf32, #tpu.memory_space<vmem>>, vector<16xf32>,
      } {sc.loop_unroll_factor = 8 : i64, sc.parallel_access}
      %mul3A_936 = arith.constant 2048 : i32
      %mul3A_937 = arith.muli %select_n3A_621, %mul3A_936 : i32
      %mul3A_938 = arith.constant 2048 : i32
      %mul3A_939 = arith.muli %select_n3A_624, %mul3A_938 : i32
      %parallel_loop3A_940 = arith.constant 0 : i32
      %parallel_loop3A_941 = arith.constant 128 : i32
      %parallel_loop3A_942 = arith.constant 1 : i32
      scf.for %parallel_loop3A_943 = %parallel_loop3A_940 to %parallel_loop3A_941 step %parallel_loop3A_942  : i32 {
        %parallel_loop3A_944 = arith.constant 16 : i32
        %parallel_loop3A_945 = arith.muli %parallel_loop3A_943, %parallel_loop3A_944 : i32
        %parallel_loop3A_946 = tpu.assume_multiple %parallel_loop3A_945, 16 : i32
        %parallel_loop3A_947 = arith.addi %mul3A_937, %parallel_loop3A_946 : i32
        %parallel_loop3A_948 = arith.index_cast %parallel_loop3A_947 : i32 to index
        %parallel_loop3A_949 = tpu.vector_load %arg4[%parallel_loop3A_948] {strides = array<i32>} : memref<61440xf32, #tpu.memory_space<vmem>>, vector<16xf32>,
        %parallel_loop3A_950 = arith.addi %mul3A_939, %parallel_loop3A_946 : i32
        %parallel_loop3A_951 = arith.index_cast %parallel_loop3A_950 : i32 to index
        %parallel_loop3A_952 = tpu.vector_load %arg4[%parallel_loop3A_951] {strides = array<i32>} : memref<61440xf32, #tpu.memory_space<vmem>>, vector<16xf32>,
        %parallel_loop3A_953 = arith.addf %parallel_loop3A_949, %parallel_loop3A_952 : vector<16xf32>
        %parallel_loop3A_954 = arith.constant 18432 : i32
        %parallel_loop3A_955 = arith.addi %parallel_loop3A_954, %parallel_loop3A_946 : i32
        %parallel_loop3A_956 = arith.index_cast %parallel_loop3A_955 : i32 to index
        %parallel_loop3A_957 = tpu.vector_load %arg5[%parallel_loop3A_956] {strides = array<i32>} : memref<20480xf32, #tpu.memory_space<vmem>>, vector<16xf32>,
        tpu.vector_store %arg5[%parallel_loop3A_956], %parallel_loop3A_953 {strides = array<i32>} : memref<20480xf32, #tpu.memory_space<vmem>>, vector<16xf32>,
      } {sc.loop_unroll_factor = 8 : i64, sc.parallel_access}
    } else {
    }
    %add3A_643 = arith.constant 327680 : i32
    %add3A_644 = arith.addi %add3A_643, %mul3A_2 : i32
    %dma_start3A_645 = arith.constant 10240 : i32
    %dma_start3A_646 = tpu.memref_slice %arg5[%dma_start3A_645] : memref<20480xf32, #tpu.memory_space<vmem>> -> memref<2048xf32, #tpu.memory_space<vmem>>
    %dma_start3A_647 = tpu.memref_slice %arg3[%add3A_644] : memref<28508160xf32, #tpu.memory_space<hbm>> -> memref<2048xf32, #tpu.memory_space<hbm>>
    %dma_start3A_648 = tpu.memref_slice %arg3[%add3A_644] : memref<28508160xf32, #tpu.memory_space<hbm>> -> memref<2048xf32, #tpu.memory_space<hbm>>
    %dma_start3A_649 = arith.constant 10240 : i32
    %dma_start3A_650 = tpu.memref_slice %arg5[%dma_start3A_649] : memref<20480xf32, #tpu.memory_space<vmem>> -> memref<2048xf32, #tpu.memory_space<vmem>>
    tpu.enqueue_dma source(%dma_start3A_650 : memref<2048xf32, #tpu.memory_space<vmem>>) target(%dma_start3A_648 : memref<2048xf32, #tpu.memory_space<hbm>>) target_semaphore(%arg7 : memref<!tpu.dma_semaphore, #tpu.memory_space<semaphore_mem>>)
    %add3A_651 = arith.constant 393216 : i32
    %add3A_652 = arith.addi %add3A_651, %mul3A_2 : i32
    %dma_start3A_653 = arith.constant 12288 : i32
    %dma_start3A_654 = tpu.memref_slice %arg5[%dma_start3A_653] : memref<20480xf32, #tpu.memory_space<vmem>> -> memref<2048xf32, #tpu.memory_space<vmem>>
    %dma_start3A_655 = tpu.memref_slice %arg3[%add3A_652] : memref<28508160xf32, #tpu.memory_space<hbm>> -> memref<2048xf32, #tpu.memory_space<hbm>>
    %dma_start3A_656 = tpu.memref_slice %arg3[%add3A_652] : memref<28508160xf32, #tpu.memory_space<hbm>> -> memref<2048xf32, #tpu.memory_space<hbm>>
    %dma_start3A_657 = arith.constant 12288 : i32
    %dma_start3A_658 = tpu.memref_slice %arg5[%dma_start3A_657] : memref<20480xf32, #tpu.memory_space<vmem>> -> memref<2048xf32, #tpu.memory_space<vmem>>
    tpu.enqueue_dma source(%dma_start3A_658 : memref<2048xf32, #tpu.memory_space<vmem>>) target(%dma_start3A_656 : memref<2048xf32, #tpu.memory_space<hbm>>) target_semaphore(%arg7 : memref<!tpu.dma_semaphore, #tpu.memory_space<semaphore_mem>>)
    %add3A_659 = arith.constant 458752 : i32
    %add3A_660 = arith.addi %add3A_659, %mul3A_2 : i32
    %dma_start3A_661 = arith.constant 14336 : i32
    %dma_start3A_662 = tpu.memref_slice %arg5[%dma_start3A_661] : memref<20480xf32, #tpu.memory_space<vmem>> -> memref<2048xf32, #tpu.memory_space<vmem>>
    %dma_start3A_663 = tpu.memref_slice %arg3[%add3A_660] : memref<28508160xf32, #tpu.memory_space<hbm>> -> memref<2048xf32, #tpu.memory_space<hbm>>
    %dma_start3A_664 = tpu.memref_slice %arg3[%add3A_660] : memref<28508160xf32, #tpu.memory_space<hbm>> -> memref<2048xf32, #tpu.memory_space<hbm>>
    %dma_start3A_665 = arith.constant 14336 : i32
    %dma_start3A_666 = tpu.memref_slice %arg5[%dma_start3A_665] : memref<20480xf32, #tpu.memory_space<vmem>> -> memref<2048xf32, #tpu.memory_space<vmem>>
    tpu.enqueue_dma source(%dma_start3A_666 : memref<2048xf32, #tpu.memory_space<vmem>>) target(%dma_start3A_664 : memref<2048xf32, #tpu.memory_space<hbm>>) target_semaphore(%arg7 : memref<!tpu.dma_semaphore, #tpu.memory_space<semaphore_mem>>)
    %add3A_667 = arith.constant 524288 : i32
    %add3A_668 = arith.addi %add3A_667, %mul3A_2 : i32
    %dma_start3A_669 = arith.constant 16384 : i32
    %dma_start3A_670 = tpu.memref_slice %arg5[%dma_start3A_669] : memref<20480xf32, #tpu.memory_space<vmem>> -> memref<2048xf32, #tpu.memory_space<vmem>>
    %dma_start3A_671 = tpu.memref_slice %arg3[%add3A_668] : memref<28508160xf32, #tpu.memory_space<hbm>> -> memref<2048xf32, #tpu.memory_space<hbm>>
    %dma_start3A_672 = tpu.memref_slice %arg3[%add3A_668] : memref<28508160xf32, #tpu.memory_space<hbm>> -> memref<2048xf32, #tpu.memory_space<hbm>>
    %dma_start3A_673 = arith.constant 16384 : i32
    %dma_start3A_674 = tpu.memref_slice %arg5[%dma_start3A_673] : memref<20480xf32, #tpu.memory_space<vmem>> -> memref<2048xf32, #tpu.memory_space<vmem>>
    tpu.enqueue_dma source(%dma_start3A_674 : memref<2048xf32, #tpu.memory_space<vmem>>) target(%dma_start3A_672 : memref<2048xf32, #tpu.memory_space<hbm>>) target_semaphore(%arg7 : memref<!tpu.dma_semaphore, #tpu.memory_space<semaphore_mem>>)
    %add3A_675 = arith.constant 589824 : i32
    %add3A_676 = arith.addi %add3A_675, %mul3A_2 : i32
    %dma_start3A_677 = arith.constant 18432 : i32
    %dma_start3A_678 = tpu.memref_slice %arg5[%dma_start3A_677] : memref<20480xf32, #tpu.memory_space<vmem>> -> memref<2048xf32, #tpu.memory_space<vmem>>
    %dma_start3A_679 = tpu.memref_slice %arg3[%add3A_676] : memref<28508160xf32, #tpu.memory_space<hbm>> -> memref<2048xf32, #tpu.memory_space<hbm>>
    %dma_start3A_680 = tpu.memref_slice %arg3[%add3A_676] : memref<28508160xf32, #tpu.memory_space<hbm>> -> memref<2048xf32, #tpu.memory_space<hbm>>
    %dma_start3A_681 = arith.constant 18432 : i32
    %dma_start3A_682 = tpu.memref_slice %arg5[%dma_start3A_681] : memref<20480xf32, #tpu.memory_space<vmem>> -> memref<2048xf32, #tpu.memory_space<vmem>>
    tpu.enqueue_dma source(%dma_start3A_682 : memref<2048xf32, #tpu.memory_space<vmem>>) target(%dma_start3A_680 : memref<2048xf32, #tpu.memory_space<hbm>>) target_semaphore(%arg7 : memref<!tpu.dma_semaphore, #tpu.memory_space<semaphore_mem>>)
    %scan3A = arith.constant 1 : i32
    %scan3A_683 = arith.constant 42 : i32
    %scan3A_684 = arith.addi %scan3A, %scan3A_683 : i32
    %scan3A_685 = arith.constant 1 : i32
    %scan3A_686:2 = scf.for %scan3A_909 = %scan3A to %scan3A_684 step %scan3A_685 iter_args(%scan3A_910 = %select_n3A_631, %scan3A_911 = %select_n3A_634) -> (i32, i32)  : i32 {
      %mul3A_912 = arith.constant 2 : i32
      %mul3A_913 = arith.muli %mul3A_912, %scan3A_909 : i32
      %sub3A = arith.constant 2 : i32
      %sub3A_914 = arith.subi %mul3A_913, %sub3A : i32
      %mul3A_915 = arith.constant 5 : i32
      %mul3A_916 = arith.muli %sub3A_914, %mul3A_915 : i32
      %add3A_917 = arith.constant 0 : i32
      %add3A_918 = arith.addi %mul3A_916, %add3A_917 : i32
      %mul3A_919 = arith.constant 65536 : i32
      %mul3A_920 = arith.muli %add3A_918, %mul3A_919 : i32
      %add3A_921 = arith.addi %mul3A_920, %mul3A_2 : i32
      %dma_wait3A_922 = arith.constant 0 : i32
      %dma_wait3A_923 = tpu.memref_slice %arg5[%dma_wait3A_922] : memref<20480xf32, #tpu.memory_space<vmem>> -> memref<2048xf32, #tpu.memory_space<vmem>>
      %dma_wait3A_924 = tpu.memref_slice %arg3[%add3A_921] : memref<28508160xf32, #tpu.memory_space<hbm>> -> memref<2048xf32, #tpu.memory_space<hbm>>
      %dma_wait3A_925 = tpu.memref_slice %arg3[%add3A_921] : memref<28508160xf32, #tpu.memory_space<hbm>> -> memref<2048xf32, #tpu.memory_space<hbm>>
      %dma_wait3A_926 = arith.constant 0 : i32
      %dma_wait3A_927 = tpu.memref_slice %arg5[%dma_wait3A_926] : memref<20480xf32, #tpu.memory_space<vmem>> -> memref<2048xf32, #tpu.memory_space<vmem>>
      tpu.wait_dma2 semaphore(%arg6 : memref<!tpu.dma_semaphore, #tpu.memory_space<semaphore_mem>>) src(%dma_wait3A_927 : memref<2048xf32, #tpu.memory_space<vmem>>) dst(%dma_wait3A_925 : memref<2048xf32, #tpu.memory_space<hbm>>)
      %mul3A_928 = arith.constant 5 : i32
      %mul3A_929 = arith.muli %sub3A_914, %mul3A_928 : i32
      %add3A_930 = arith.constant 1 : i32
      %add3A_931 = arith.addi %mul3A_929, %add3A_930 : i32
      %mul3A_932 = arith.constant 65536 : i32
      %mul3A_933 = arith.muli %add3A_931, %mul3A_932 : i32
      %add3A_934 = arith.addi %mul3A_933, %mul3A_2 : i32
      %dma_wait3A_935 = arith.constant 2048 : i32
      %dma_wait3A_936 = tpu.memref_slice %arg5[%dma_wait3A_935] : memref<20480xf32, #tpu.memory_space<vmem>> -> memref<2048xf32, #tpu.memory_space<vmem>>
      %dma_wait3A_937 = tpu.memref_slice %arg3[%add3A_934] : memref<28508160xf32, #tpu.memory_space<hbm>> -> memref<2048xf32, #tpu.memory_space<hbm>>
      %dma_wait3A_938 = tpu.memref_slice %arg3[%add3A_934] : memref<28508160xf32, #tpu.memory_space<hbm>> -> memref<2048xf32, #tpu.memory_space<hbm>>
      %dma_wait3A_939 = arith.constant 2048 : i32
      %dma_wait3A_940 = tpu.memref_slice %arg5[%dma_wait3A_939] : memref<20480xf32, #tpu.memory_space<vmem>> -> memref<2048xf32, #tpu.memory_space<vmem>>
      tpu.wait_dma2 semaphore(%arg6 : memref<!tpu.dma_semaphore, #tpu.memory_space<semaphore_mem>>) src(%dma_wait3A_940 : memref<2048xf32, #tpu.memory_space<vmem>>) dst(%dma_wait3A_938 : memref<2048xf32, #tpu.memory_space<hbm>>)
      %mul3A_941 = arith.constant 5 : i32
      %mul3A_942 = arith.muli %sub3A_914, %mul3A_941 : i32
      %add3A_943 = arith.constant 2 : i32
      %add3A_944 = arith.addi %mul3A_942, %add3A_943 : i32
      %mul3A_945 = arith.constant 65536 : i32
      %mul3A_946 = arith.muli %add3A_944, %mul3A_945 : i32
      %add3A_947 = arith.addi %mul3A_946, %mul3A_2 : i32
      %dma_wait3A_948 = arith.constant 4096 : i32
      %dma_wait3A_949 = tpu.memref_slice %arg5[%dma_wait3A_948] : memref<20480xf32, #tpu.memory_space<vmem>> -> memref<2048xf32, #tpu.memory_space<vmem>>
      %dma_wait3A_950 = tpu.memref_slice %arg3[%add3A_947] : memref<28508160xf32, #tpu.memory_space<hbm>> -> memref<2048xf32, #tpu.memory_space<hbm>>
      %dma_wait3A_951 = tpu.memref_slice %arg3[%add3A_947] : memref<28508160xf32, #tpu.memory_space<hbm>> -> memref<2048xf32, #tpu.memory_space<hbm>>
      %dma_wait3A_952 = arith.constant 4096 : i32
      %dma_wait3A_953 = tpu.memref_slice %arg5[%dma_wait3A_952] : memref<20480xf32, #tpu.memory_space<vmem>> -> memref<2048xf32, #tpu.memory_space<vmem>>
      tpu.wait_dma2 semaphore(%arg6 : memref<!tpu.dma_semaphore, #tpu.memory_space<semaphore_mem>>) src(%dma_wait3A_953 : memref<2048xf32, #tpu.memory_space<vmem>>) dst(%dma_wait3A_951 : memref<2048xf32, #tpu.memory_space<hbm>>)
      %mul3A_954 = arith.constant 5 : i32
      %mul3A_955 = arith.muli %sub3A_914, %mul3A_954 : i32
      %add3A_956 = arith.constant 3 : i32
      %add3A_957 = arith.addi %mul3A_955, %add3A_956 : i32
      %mul3A_958 = arith.constant 65536 : i32
      %mul3A_959 = arith.muli %add3A_957, %mul3A_958 : i32
      %add3A_960 = arith.addi %mul3A_959, %mul3A_2 : i32
      %dma_wait3A_961 = arith.constant 6144 : i32
      %dma_wait3A_962 = tpu.memref_slice %arg5[%dma_wait3A_961] : memref<20480xf32, #tpu.memory_space<vmem>> -> memref<2048xf32, #tpu.memory_space<vmem>>
      %dma_wait3A_963 = tpu.memref_slice %arg3[%add3A_960] : memref<28508160xf32, #tpu.memory_space<hbm>> -> memref<2048xf32, #tpu.memory_space<hbm>>
      %dma_wait3A_964 = tpu.memref_slice %arg3[%add3A_960] : memref<28508160xf32, #tpu.memory_space<hbm>> -> memref<2048xf32, #tpu.memory_space<hbm>>
      %dma_wait3A_965 = arith.constant 6144 : i32
      %dma_wait3A_966 = tpu.memref_slice %arg5[%dma_wait3A_965] : memref<20480xf32, #tpu.memory_space<vmem>> -> memref<2048xf32, #tpu.memory_space<vmem>>
      tpu.wait_dma2 semaphore(%arg6 : memref<!tpu.dma_semaphore, #tpu.memory_space<semaphore_mem>>) src(%dma_wait3A_966 : memref<2048xf32, #tpu.memory_space<vmem>>) dst(%dma_wait3A_964 : memref<2048xf32, #tpu.memory_space<hbm>>)
      %mul3A_967 = arith.constant 5 : i32
      %mul3A_968 = arith.muli %sub3A_914, %mul3A_967 : i32
      %add3A_969 = arith.constant 4 : i32
      %add3A_970 = arith.addi %mul3A_968, %add3A_969 : i32
      %mul3A_971 = arith.constant 65536 : i32
      %mul3A_972 = arith.muli %add3A_970, %mul3A_971 : i32
      %add3A_973 = arith.addi %mul3A_972, %mul3A_2 : i32
      %dma_wait3A_974 = arith.constant 8192 : i32
      %dma_wait3A_975 = tpu.memref_slice %arg5[%dma_wait3A_974] : memref<20480xf32, #tpu.memory_space<vmem>> -> memref<2048xf32, #tpu.memory_space<vmem>>
      %dma_wait3A_976 = tpu.memref_slice %arg3[%add3A_973] : memref<28508160xf32, #tpu.memory_space<hbm>> -> memref<2048xf32, #tpu.memory_space<hbm>>
      %dma_wait3A_977 = tpu.memref_slice %arg3[%add3A_973] : memref<28508160xf32, #tpu.memory_space<hbm>> -> memref<2048xf32, #tpu.memory_space<hbm>>
      %dma_wait3A_978 = arith.constant 8192 : i32
      %dma_wait3A_979 = tpu.memref_slice %arg5[%dma_wait3A_978] : memref<20480xf32, #tpu.memory_space<vmem>> -> memref<2048xf32, #tpu.memory_space<vmem>>
      tpu.wait_dma2 semaphore(%arg6 : memref<!tpu.dma_semaphore, #tpu.memory_space<semaphore_mem>>) src(%dma_wait3A_979 : memref<2048xf32, #tpu.memory_space<vmem>>) dst(%dma_wait3A_977 : memref<2048xf32, #tpu.memory_space<hbm>>)
      %add3A_980 = arith.constant 1 : i32
      %add3A_981 = arith.addi %scan3A_911, %add3A_980 : i32
      %ge3A_982 = arith.constant 30 : i32
      %ge3A_983 = arith.cmpi sge, %add3A_981, %ge3A_982 : i32
      %add3A_984 = arith.constant 1 : i32
      %add3A_985 = arith.addi %scan3A_910, %add3A_984 : i32
      %select_n3A_986 = arith.select %ge3A_983, %add3A_985, %scan3A_910 : i32
      %add3A_987 = arith.constant 1 : i32
      %add3A_988 = arith.addi %select_n3A_986, %add3A_987 : i32
      %select_n3A_989 = arith.select %ge3A_983, %add3A_988, %add3A_981 : i32
      %add3A_990 = arith.constant 1 : i32
      %add3A_991 = arith.addi %select_n3A_989, %add3A_990 : i32
      %ge3A_992 = arith.constant 30 : i32
      %ge3A_993 = arith.cmpi sge, %add3A_991, %ge3A_992 : i32
      %or3A_994 = arith.ori %ge3A_983, %ge3A_993 : i1
      %add3A_995 = arith.constant 1 : i32
      %add3A_996 = arith.addi %select_n3A_986, %add3A_995 : i32
      %select_n3A_997 = arith.select %ge3A_993, %add3A_996, %select_n3A_986 : i32
      %add3A_998 = arith.constant 1 : i32
      %add3A_999 = arith.addi %select_n3A_997, %add3A_998 : i32
      %select_n3A_1000 = arith.select %ge3A_993, %add3A_999, %add3A_991 : i32
      %add3A_1001 = arith.constant 1 : i32
      %add3A_1002 = arith.addi %select_n3A_1000, %add3A_1001 : i32
      %ge3A_1003 = arith.constant 30 : i32
      %ge3A_1004 = arith.cmpi sge, %add3A_1002, %ge3A_1003 : i32
      %or3A_1005 = arith.ori %or3A_994, %ge3A_1004 : i1
      %add3A_1006 = arith.constant 1 : i32
      %add3A_1007 = arith.addi %select_n3A_997, %add3A_1006 : i32
      %select_n3A_1008 = arith.select %ge3A_1004, %add3A_1007, %select_n3A_997 : i32
      %add3A_1009 = arith.constant 1 : i32
      %add3A_1010 = arith.addi %select_n3A_1008, %add3A_1009 : i32
      %select_n3A_1011 = arith.select %ge3A_1004, %add3A_1010, %add3A_1002 : i32
      %add3A_1012 = arith.constant 1 : i32
      %add3A_1013 = arith.addi %select_n3A_1011, %add3A_1012 : i32
      %ge3A_1014 = arith.constant 30 : i32
      %ge3A_1015 = arith.cmpi sge, %add3A_1013, %ge3A_1014 : i32
      %or3A_1016 = arith.ori %or3A_1005, %ge3A_1015 : i1
      %add3A_1017 = arith.constant 1 : i32
      %add3A_1018 = arith.addi %select_n3A_1008, %add3A_1017 : i32
      %select_n3A_1019 = arith.select %ge3A_1015, %add3A_1018, %select_n3A_1008 : i32
      %add3A_1020 = arith.constant 1 : i32
      %add3A_1021 = arith.addi %select_n3A_1019, %add3A_1020 : i32
      %select_n3A_1022 = arith.select %ge3A_1015, %add3A_1021, %add3A_1013 : i32
      %add3A_1023 = arith.constant 1 : i32
      %add3A_1024 = arith.addi %select_n3A_1022, %add3A_1023 : i32
      %ge3A_1025 = arith.constant 30 : i32
      %ge3A_1026 = arith.cmpi sge, %add3A_1024, %ge3A_1025 : i32
      %add3A_1027 = arith.constant 1 : i32
      %add3A_1028 = arith.addi %select_n3A_1019, %add3A_1027 : i32
      %select_n3A_1029 = arith.select %ge3A_1026, %add3A_1028, %select_n3A_1019 : i32
      %add3A_1030 = arith.constant 1 : i32
      %add3A_1031 = arith.addi %select_n3A_1029, %add3A_1030 : i32
      %select_n3A_1032 = arith.select %ge3A_1026, %add3A_1031, %add3A_1024 : i32
      %not3A_1033 = arith.constant true
      %not3A_1034 = arith.xori %or3A_1016, %not3A_1033 : i1
      %convert_element_type3A_1035 = arith.extui %not3A_1034 : i1 to i32
      %cond3A_1036 = arith.constant 0 : i32
      %cond3A_1037 = arith.cmpi ne, %convert_element_type3A_1035, %cond3A_1036 : i32
      scf.if %cond3A_1037 {
        %mul3A_1301 = arith.constant 2048 : i32
        %mul3A_1302 = arith.muli %scan3A_910, %mul3A_1301 : i32
        %mul3A_1303 = arith.constant 2048 : i32
        %mul3A_1304 = arith.muli %scan3A_911, %mul3A_1303 : i32
        %parallel_loop3A = arith.constant 0 : i32
        %parallel_loop3A_1305 = arith.constant 128 : i32
        %parallel_loop3A_1306 = arith.constant 1 : i32
        scf.for %parallel_loop3A_1307 = %parallel_loop3A to %parallel_loop3A_1305 step %parallel_loop3A_1306  : i32 {
          %parallel_loop3A_1308 = arith.constant 16 : i32
          %parallel_loop3A_1309 = arith.muli %parallel_loop3A_1307, %parallel_loop3A_1308 : i32
          %parallel_loop3A_1310 = tpu.assume_multiple %parallel_loop3A_1309, 16 : i32
          %parallel_loop3A_1311 = arith.addi %mul3A_1302, %parallel_loop3A_1310 : i32
          %parallel_loop3A_1312 = arith.index_cast %parallel_loop3A_1311 : i32 to index
          %parallel_loop3A_1313 = tpu.vector_load %arg4[%parallel_loop3A_1312] {strides = array<i32>} : memref<61440xf32, #tpu.memory_space<vmem>>, vector<16xf32>,
          %parallel_loop3A_1314 = arith.constant 0 : i32
          %parallel_loop3A_1315 = arith.addi %mul3A_1304, %parallel_loop3A_1314 : i32
          %parallel_loop3A_1316 = arith.addi %parallel_loop3A_1315, %parallel_loop3A_1310 : i32
          %parallel_loop3A_1317 = arith.index_cast %parallel_loop3A_1316 : i32 to index
          %parallel_loop3A_1318 = tpu.vector_load %arg4[%parallel_loop3A_1317] {strides = array<i32>} : memref<61440xf32, #tpu.memory_space<vmem>>, vector<16xf32>,
          %parallel_loop3A_1319 = arith.addf %parallel_loop3A_1313, %parallel_loop3A_1318 : vector<16xf32>
          %parallel_loop3A_1320 = arith.constant 0 : i32
          %parallel_loop3A_1321 = arith.addi %parallel_loop3A_1320, %parallel_loop3A_1310 : i32
          %parallel_loop3A_1322 = arith.index_cast %parallel_loop3A_1321 : i32 to index
          %parallel_loop3A_1323 = tpu.vector_load %arg5[%parallel_loop3A_1322] {strides = array<i32>} : memref<20480xf32, #tpu.memory_space<vmem>>, vector<16xf32>,
          tpu.vector_store %arg5[%parallel_loop3A_1322], %parallel_loop3A_1319 {strides = array<i32>} : memref<20480xf32, #tpu.memory_space<vmem>>, vector<16xf32>,
          %parallel_loop3A_1324 = arith.constant 2048 : i32
          %parallel_loop3A_1325 = arith.addi %mul3A_1304, %parallel_loop3A_1324 : i32
          %parallel_loop3A_1326 = arith.addi %parallel_loop3A_1325, %parallel_loop3A_1310 : i32
          %parallel_loop3A_1327 = arith.index_cast %parallel_loop3A_1326 : i32 to index
          %parallel_loop3A_1328 = tpu.vector_load %arg4[%parallel_loop3A_1327] {strides = array<i32>} : memref<61440xf32, #tpu.memory_space<vmem>>, vector<16xf32>,
          %parallel_loop3A_1329 = arith.addf %parallel_loop3A_1313, %parallel_loop3A_1328 : vector<16xf32>
          %parallel_loop3A_1330 = arith.constant 2048 : i32
          %parallel_loop3A_1331 = arith.addi %parallel_loop3A_1330, %parallel_loop3A_1310 : i32
          %parallel_loop3A_1332 = arith.index_cast %parallel_loop3A_1331 : i32 to index
          %parallel_loop3A_1333 = tpu.vector_load %arg5[%parallel_loop3A_1332] {strides = array<i32>} : memref<20480xf32, #tpu.memory_space<vmem>>, vector<16xf32>,
          tpu.vector_store %arg5[%parallel_loop3A_1332], %parallel_loop3A_1329 {strides = array<i32>} : memref<20480xf32, #tpu.memory_space<vmem>>, vector<16xf32>,
          %parallel_loop3A_1334 = arith.constant 4096 : i32
          %parallel_loop3A_1335 = arith.addi %mul3A_1304, %parallel_loop3A_1334 : i32
          %parallel_loop3A_1336 = arith.addi %parallel_loop3A_1335, %parallel_loop3A_1310 : i32
          %parallel_loop3A_1337 = arith.index_cast %parallel_loop3A_1336 : i32 to index
          %parallel_loop3A_1338 = tpu.vector_load %arg4[%parallel_loop3A_1337] {strides = array<i32>} : memref<61440xf32, #tpu.memory_space<vmem>>, vector<16xf32>,
          %parallel_loop3A_1339 = arith.addf %parallel_loop3A_1313, %parallel_loop3A_1338 : vector<16xf32>
          %parallel_loop3A_1340 = arith.constant 4096 : i32
          %parallel_loop3A_1341 = arith.addi %parallel_loop3A_1340, %parallel_loop3A_1310 : i32
          %parallel_loop3A_1342 = arith.index_cast %parallel_loop3A_1341 : i32 to index
          %parallel_loop3A_1343 = tpu.vector_load %arg5[%parallel_loop3A_1342] {strides = array<i32>} : memref<20480xf32, #tpu.memory_space<vmem>>, vector<16xf32>,
          tpu.vector_store %arg5[%parallel_loop3A_1342], %parallel_loop3A_1339 {strides = array<i32>} : memref<20480xf32, #tpu.memory_space<vmem>>, vector<16xf32>,
          %parallel_loop3A_1344 = arith.constant 6144 : i32
          %parallel_loop3A_1345 = arith.addi %mul3A_1304, %parallel_loop3A_1344 : i32
          %parallel_loop3A_1346 = arith.addi %parallel_loop3A_1345, %parallel_loop3A_1310 : i32
          %parallel_loop3A_1347 = arith.index_cast %parallel_loop3A_1346 : i32 to index
          %parallel_loop3A_1348 = tpu.vector_load %arg4[%parallel_loop3A_1347] {strides = array<i32>} : memref<61440xf32, #tpu.memory_space<vmem>>, vector<16xf32>,
          %parallel_loop3A_1349 = arith.addf %parallel_loop3A_1313, %parallel_loop3A_1348 : vector<16xf32>
          %parallel_loop3A_1350 = arith.constant 6144 : i32
          %parallel_loop3A_1351 = arith.addi %parallel_loop3A_1350, %parallel_loop3A_1310 : i32
          %parallel_loop3A_1352 = arith.index_cast %parallel_loop3A_1351 : i32 to index
          %parallel_loop3A_1353 = tpu.vector_load %arg5[%parallel_loop3A_1352] {strides = array<i32>} : memref<20480xf32, #tpu.memory_space<vmem>>, vector<16xf32>,
          tpu.vector_store %arg5[%parallel_loop3A_1352], %parallel_loop3A_1349 {strides = array<i32>} : memref<20480xf32, #tpu.memory_space<vmem>>, vector<16xf32>,
          %parallel_loop3A_1354 = arith.constant 8192 : i32
          %parallel_loop3A_1355 = arith.addi %mul3A_1304, %parallel_loop3A_1354 : i32
          %parallel_loop3A_1356 = arith.addi %parallel_loop3A_1355, %parallel_loop3A_1310 : i32
          %parallel_loop3A_1357 = arith.index_cast %parallel_loop3A_1356 : i32 to index
          %parallel_loop3A_1358 = tpu.vector_load %arg4[%parallel_loop3A_1357] {strides = array<i32>} : memref<61440xf32, #tpu.memory_space<vmem>>, vector<16xf32>,
          %parallel_loop3A_1359 = arith.addf %parallel_loop3A_1313, %parallel_loop3A_1358 : vector<16xf32>
          %parallel_loop3A_1360 = arith.constant 8192 : i32
          %parallel_loop3A_1361 = arith.addi %parallel_loop3A_1360, %parallel_loop3A_1310 : i32
          %parallel_loop3A_1362 = arith.index_cast %parallel_loop3A_1361 : i32 to index
          %parallel_loop3A_1363 = tpu.vector_load %arg5[%parallel_loop3A_1362] {strides = array<i32>} : memref<20480xf32, #tpu.memory_space<vmem>>, vector<16xf32>,
          tpu.vector_store %arg5[%parallel_loop3A_1362], %parallel_loop3A_1359 {strides = array<i32>} : memref<20480xf32, #tpu.memory_space<vmem>>, vector<16xf32>,
        } {sc.loop_unroll_factor = 8 : i64, sc.parallel_access}
      } else {
      }
      %convert_element_type3A_1038 = arith.extui %or3A_1016 : i1 to i32
      %cond3A_1039 = arith.constant 0 : i32
      %cond3A_1040 = arith.cmpi ne, %convert_element_type3A_1038, %cond3A_1039 : i32
      scf.if %cond3A_1040 {
        %mul3A_1301 = arith.constant 2048 : i32
        %mul3A_1302 = arith.muli %scan3A_910, %mul3A_1301 : i32
        %mul3A_1303 = arith.constant 2048 : i32
        %mul3A_1304 = arith.muli %scan3A_911, %mul3A_1303 : i32
        %parallel_loop3A = arith.constant 0 : i32
        %parallel_loop3A_1305 = arith.constant 128 : i32
        %parallel_loop3A_1306 = arith.constant 1 : i32
        scf.for %parallel_loop3A_1335 = %parallel_loop3A to %parallel_loop3A_1305 step %parallel_loop3A_1306  : i32 {
          %parallel_loop3A_1336 = arith.constant 16 : i32
          %parallel_loop3A_1337 = arith.muli %parallel_loop3A_1335, %parallel_loop3A_1336 : i32
          %parallel_loop3A_1338 = tpu.assume_multiple %parallel_loop3A_1337, 16 : i32
          %parallel_loop3A_1339 = arith.addi %mul3A_1302, %parallel_loop3A_1338 : i32
          %parallel_loop3A_1340 = arith.index_cast %parallel_loop3A_1339 : i32 to index
          %parallel_loop3A_1341 = tpu.vector_load %arg4[%parallel_loop3A_1340] {strides = array<i32>} : memref<61440xf32, #tpu.memory_space<vmem>>, vector<16xf32>,
          %parallel_loop3A_1342 = arith.addi %mul3A_1304, %parallel_loop3A_1338 : i32
          %parallel_loop3A_1343 = arith.index_cast %parallel_loop3A_1342 : i32 to index
          %parallel_loop3A_1344 = tpu.vector_load %arg4[%parallel_loop3A_1343] {strides = array<i32>} : memref<61440xf32, #tpu.memory_space<vmem>>, vector<16xf32>,
          %parallel_loop3A_1345 = arith.addf %parallel_loop3A_1341, %parallel_loop3A_1344 : vector<16xf32>
          %parallel_loop3A_1346 = arith.constant 0 : i32
          %parallel_loop3A_1347 = arith.addi %parallel_loop3A_1346, %parallel_loop3A_1338 : i32
          %parallel_loop3A_1348 = arith.index_cast %parallel_loop3A_1347 : i32 to index
          %parallel_loop3A_1349 = tpu.vector_load %arg5[%parallel_loop3A_1348] {strides = array<i32>} : memref<20480xf32, #tpu.memory_space<vmem>>, vector<16xf32>,
          tpu.vector_store %arg5[%parallel_loop3A_1348], %parallel_loop3A_1345 {strides = array<i32>} : memref<20480xf32, #tpu.memory_space<vmem>>, vector<16xf32>,
        } {sc.loop_unroll_factor = 8 : i64, sc.parallel_access}
        %mul3A_1307 = arith.constant 2048 : i32
        %mul3A_1308 = arith.muli %select_n3A_986, %mul3A_1307 : i32
        %mul3A_1309 = arith.constant 2048 : i32
        %mul3A_1310 = arith.muli %select_n3A_989, %mul3A_1309 : i32
        %parallel_loop3A_1311 = arith.constant 0 : i32
        %parallel_loop3A_1312 = arith.constant 128 : i32
        %parallel_loop3A_1313 = arith.constant 1 : i32
        scf.for %parallel_loop3A_1335 = %parallel_loop3A_1311 to %parallel_loop3A_1312 step %parallel_loop3A_1313  : i32 {
          %parallel_loop3A_1336 = arith.constant 16 : i32
          %parallel_loop3A_1337 = arith.muli %parallel_loop3A_1335, %parallel_loop3A_1336 : i32
          %parallel_loop3A_1338 = tpu.assume_multiple %parallel_loop3A_1337, 16 : i32
          %parallel_loop3A_1339 = arith.addi %mul3A_1308, %parallel_loop3A_1338 : i32
          %parallel_loop3A_1340 = arith.index_cast %parallel_loop3A_1339 : i32 to index
          %parallel_loop3A_1341 = tpu.vector_load %arg4[%parallel_loop3A_1340] {strides = array<i32>} : memref<61440xf32, #tpu.memory_space<vmem>>, vector<16xf32>,
          %parallel_loop3A_1342 = arith.addi %mul3A_1310, %parallel_loop3A_1338 : i32
          %parallel_loop3A_1343 = arith.index_cast %parallel_loop3A_1342 : i32 to index
          %parallel_loop3A_1344 = tpu.vector_load %arg4[%parallel_loop3A_1343] {strides = array<i32>} : memref<61440xf32, #tpu.memory_space<vmem>>, vector<16xf32>,
          %parallel_loop3A_1345 = arith.addf %parallel_loop3A_1341, %parallel_loop3A_1344 : vector<16xf32>
          %parallel_loop3A_1346 = arith.constant 2048 : i32
          %parallel_loop3A_1347 = arith.addi %parallel_loop3A_1346, %parallel_loop3A_1338 : i32
          %parallel_loop3A_1348 = arith.index_cast %parallel_loop3A_1347 : i32 to index
          %parallel_loop3A_1349 = tpu.vector_load %arg5[%parallel_loop3A_1348] {strides = array<i32>} : memref<20480xf32, #tpu.memory_space<vmem>>, vector<16xf32>,
          tpu.vector_store %arg5[%parallel_loop3A_1348], %parallel_loop3A_1345 {strides = array<i32>} : memref<20480xf32, #tpu.memory_space<vmem>>, vector<16xf32>,
        } {sc.loop_unroll_factor = 8 : i64, sc.parallel_access}
        %mul3A_1314 = arith.constant 2048 : i32
        %mul3A_1315 = arith.muli %select_n3A_997, %mul3A_1314 : i32
        %mul3A_1316 = arith.constant 2048 : i32
        %mul3A_1317 = arith.muli %select_n3A_1000, %mul3A_1316 : i32
        %parallel_loop3A_1318 = arith.constant 0 : i32
        %parallel_loop3A_1319 = arith.constant 128 : i32
        %parallel_loop3A_1320 = arith.constant 1 : i32
        scf.for %parallel_loop3A_1335 = %parallel_loop3A_1318 to %parallel_loop3A_1319 step %parallel_loop3A_1320  : i32 {
          %parallel_loop3A_1336 = arith.constant 16 : i32
          %parallel_loop3A_1337 = arith.muli %parallel_loop3A_1335, %parallel_loop3A_1336 : i32
          %parallel_loop3A_1338 = tpu.assume_multiple %parallel_loop3A_1337, 16 : i32
          %parallel_loop3A_1339 = arith.addi %mul3A_1315, %parallel_loop3A_1338 : i32
          %parallel_loop3A_1340 = arith.index_cast %parallel_loop3A_1339 : i32 to index
          %parallel_loop3A_1341 = tpu.vector_load %arg4[%parallel_loop3A_1340] {strides = array<i32>} : memref<61440xf32, #tpu.memory_space<vmem>>, vector<16xf32>,
          %parallel_loop3A_1342 = arith.addi %mul3A_1317, %parallel_loop3A_1338 : i32
          %parallel_loop3A_1343 = arith.index_cast %parallel_loop3A_1342 : i32 to index
          %parallel_loop3A_1344 = tpu.vector_load %arg4[%parallel_loop3A_1343] {strides = array<i32>} : memref<61440xf32, #tpu.memory_space<vmem>>, vector<16xf32>,
          %parallel_loop3A_1345 = arith.addf %parallel_loop3A_1341, %parallel_loop3A_1344 : vector<16xf32>
          %parallel_loop3A_1346 = arith.constant 4096 : i32
          %parallel_loop3A_1347 = arith.addi %parallel_loop3A_1346, %parallel_loop3A_1338 : i32
          %parallel_loop3A_1348 = arith.index_cast %parallel_loop3A_1347 : i32 to index
          %parallel_loop3A_1349 = tpu.vector_load %arg5[%parallel_loop3A_1348] {strides = array<i32>} : memref<20480xf32, #tpu.memory_space<vmem>>, vector<16xf32>,
          tpu.vector_store %arg5[%parallel_loop3A_1348], %parallel_loop3A_1345 {strides = array<i32>} : memref<20480xf32, #tpu.memory_space<vmem>>, vector<16xf32>,
        } {sc.loop_unroll_factor = 8 : i64, sc.parallel_access}
        %mul3A_1321 = arith.constant 2048 : i32
        %mul3A_1322 = arith.muli %select_n3A_1008, %mul3A_1321 : i32
        %mul3A_1323 = arith.constant 2048 : i32
        %mul3A_1324 = arith.muli %select_n3A_1011, %mul3A_1323 : i32
        %parallel_loop3A_1325 = arith.constant 0 : i32
        %parallel_loop3A_1326 = arith.constant 128 : i32
        %parallel_loop3A_1327 = arith.constant 1 : i32
        scf.for %parallel_loop3A_1335 = %parallel_loop3A_1325 to %parallel_loop3A_1326 step %parallel_loop3A_1327  : i32 {
          %parallel_loop3A_1336 = arith.constant 16 : i32
          %parallel_loop3A_1337 = arith.muli %parallel_loop3A_1335, %parallel_loop3A_1336 : i32
          %parallel_loop3A_1338 = tpu.assume_multiple %parallel_loop3A_1337, 16 : i32
          %parallel_loop3A_1339 = arith.addi %mul3A_1322, %parallel_loop3A_1338 : i32
          %parallel_loop3A_1340 = arith.index_cast %parallel_loop3A_1339 : i32 to index
          %parallel_loop3A_1341 = tpu.vector_load %arg4[%parallel_loop3A_1340] {strides = array<i32>} : memref<61440xf32, #tpu.memory_space<vmem>>, vector<16xf32>,
          %parallel_loop3A_1342 = arith.addi %mul3A_1324, %parallel_loop3A_1338 : i32
          %parallel_loop3A_1343 = arith.index_cast %parallel_loop3A_1342 : i32 to index
          %parallel_loop3A_1344 = tpu.vector_load %arg4[%parallel_loop3A_1343] {strides = array<i32>} : memref<61440xf32, #tpu.memory_space<vmem>>, vector<16xf32>,
          %parallel_loop3A_1345 = arith.addf %parallel_loop3A_1341, %parallel_loop3A_1344 : vector<16xf32>
          %parallel_loop3A_1346 = arith.constant 6144 : i32
          %parallel_loop3A_1347 = arith.addi %parallel_loop3A_1346, %parallel_loop3A_1338 : i32
          %parallel_loop3A_1348 = arith.index_cast %parallel_loop3A_1347 : i32 to index
          %parallel_loop3A_1349 = tpu.vector_load %arg5[%parallel_loop3A_1348] {strides = array<i32>} : memref<20480xf32, #tpu.memory_space<vmem>>, vector<16xf32>,
          tpu.vector_store %arg5[%parallel_loop3A_1348], %parallel_loop3A_1345 {strides = array<i32>} : memref<20480xf32, #tpu.memory_space<vmem>>, vector<16xf32>,
        } {sc.loop_unroll_factor = 8 : i64, sc.parallel_access}
        %mul3A_1328 = arith.constant 2048 : i32
        %mul3A_1329 = arith.muli %select_n3A_1019, %mul3A_1328 : i32
        %mul3A_1330 = arith.constant 2048 : i32
        %mul3A_1331 = arith.muli %select_n3A_1022, %mul3A_1330 : i32
        %parallel_loop3A_1332 = arith.constant 0 : i32
        %parallel_loop3A_1333 = arith.constant 128 : i32
        %parallel_loop3A_1334 = arith.constant 1 : i32
        scf.for %parallel_loop3A_1335 = %parallel_loop3A_1332 to %parallel_loop3A_1333 step %parallel_loop3A_1334  : i32 {
          %parallel_loop3A_1336 = arith.constant 16 : i32
          %parallel_loop3A_1337 = arith.muli %parallel_loop3A_1335, %parallel_loop3A_1336 : i32
          %parallel_loop3A_1338 = tpu.assume_multiple %parallel_loop3A_1337, 16 : i32
          %parallel_loop3A_1339 = arith.addi %mul3A_1329, %parallel_loop3A_1338 : i32
          %parallel_loop3A_1340 = arith.index_cast %parallel_loop3A_1339 : i32 to index
          %parallel_loop3A_1341 = tpu.vector_load %arg4[%parallel_loop3A_1340] {strides = array<i32>} : memref<61440xf32, #tpu.memory_space<vmem>>, vector<16xf32>,
          %parallel_loop3A_1342 = arith.addi %mul3A_1331, %parallel_loop3A_1338 : i32
          %parallel_loop3A_1343 = arith.index_cast %parallel_loop3A_1342 : i32 to index
          %parallel_loop3A_1344 = tpu.vector_load %arg4[%parallel_loop3A_1343] {strides = array<i32>} : memref<61440xf32, #tpu.memory_space<vmem>>, vector<16xf32>,
          %parallel_loop3A_1345 = arith.addf %parallel_loop3A_1341, %parallel_loop3A_1344 : vector<16xf32>
          %parallel_loop3A_1346 = arith.constant 8192 : i32
          %parallel_loop3A_1347 = arith.addi %parallel_loop3A_1346, %parallel_loop3A_1338 : i32
          %parallel_loop3A_1348 = arith.index_cast %parallel_loop3A_1347 : i32 to index
          %parallel_loop3A_1349 = tpu.vector_load %arg5[%parallel_loop3A_1348] {strides = array<i32>} : memref<20480xf32, #tpu.memory_space<vmem>>, vector<16xf32>,
          tpu.vector_store %arg5[%parallel_loop3A_1348], %parallel_loop3A_1345 {strides = array<i32>} : memref<20480xf32, #tpu.memory_space<vmem>>, vector<16xf32>,
        } {sc.loop_unroll_factor = 8 : i64, sc.parallel_access}
      } else {
      }
      %mul3A_1041 = arith.constant 5 : i32
      %mul3A_1042 = arith.muli %mul3A_913, %mul3A_1041 : i32
      %add3A_1043 = arith.constant 0 : i32
      %add3A_1044 = arith.addi %mul3A_1042, %add3A_1043 : i32
      %mul3A_1045 = arith.constant 65536 : i32
      %mul3A_1046 = arith.muli %add3A_1044, %mul3A_1045 : i32
      %add3A_1047 = arith.addi %mul3A_1046, %mul3A_2 : i32
      %dma_start3A_1048 = arith.constant 0 : i32
      %dma_start3A_1049 = tpu.memref_slice %arg5[%dma_start3A_1048] : memref<20480xf32, #tpu.memory_space<vmem>> -> memref<2048xf32, #tpu.memory_space<vmem>>
      %dma_start3A_1050 = tpu.memref_slice %arg3[%add3A_1047] : memref<28508160xf32, #tpu.memory_space<hbm>> -> memref<2048xf32, #tpu.memory_space<hbm>>
      %dma_start3A_1051 = tpu.memref_slice %arg3[%add3A_1047] : memref<28508160xf32, #tpu.memory_space<hbm>> -> memref<2048xf32, #tpu.memory_space<hbm>>
      %dma_start3A_1052 = arith.constant 0 : i32
      %dma_start3A_1053 = tpu.memref_slice %arg5[%dma_start3A_1052] : memref<20480xf32, #tpu.memory_space<vmem>> -> memref<2048xf32, #tpu.memory_space<vmem>>
      tpu.enqueue_dma source(%dma_start3A_1053 : memref<2048xf32, #tpu.memory_space<vmem>>) target(%dma_start3A_1051 : memref<2048xf32, #tpu.memory_space<hbm>>) target_semaphore(%arg6 : memref<!tpu.dma_semaphore, #tpu.memory_space<semaphore_mem>>)
      %mul3A_1054 = arith.constant 5 : i32
      %mul3A_1055 = arith.muli %mul3A_913, %mul3A_1054 : i32
      %add3A_1056 = arith.constant 1 : i32
      %add3A_1057 = arith.addi %mul3A_1055, %add3A_1056 : i32
      %mul3A_1058 = arith.constant 65536 : i32
      %mul3A_1059 = arith.muli %add3A_1057, %mul3A_1058 : i32
      %add3A_1060 = arith.addi %mul3A_1059, %mul3A_2 : i32
      %dma_start3A_1061 = arith.constant 2048 : i32
      %dma_start3A_1062 = tpu.memref_slice %arg5[%dma_start3A_1061] : memref<20480xf32, #tpu.memory_space<vmem>> -> memref<2048xf32, #tpu.memory_space<vmem>>
      %dma_start3A_1063 = tpu.memref_slice %arg3[%add3A_1060] : memref<28508160xf32, #tpu.memory_space<hbm>> -> memref<2048xf32, #tpu.memory_space<hbm>>
      %dma_start3A_1064 = tpu.memref_slice %arg3[%add3A_1060] : memref<28508160xf32, #tpu.memory_space<hbm>> -> memref<2048xf32, #tpu.memory_space<hbm>>
      %dma_start3A_1065 = arith.constant 2048 : i32
      %dma_start3A_1066 = tpu.memref_slice %arg5[%dma_start3A_1065] : memref<20480xf32, #tpu.memory_space<vmem>> -> memref<2048xf32, #tpu.memory_space<vmem>>
      tpu.enqueue_dma source(%dma_start3A_1066 : memref<2048xf32, #tpu.memory_space<vmem>>) target(%dma_start3A_1064 : memref<2048xf32, #tpu.memory_space<hbm>>) target_semaphore(%arg6 : memref<!tpu.dma_semaphore, #tpu.memory_space<semaphore_mem>>)
      %mul3A_1067 = arith.constant 5 : i32
      %mul3A_1068 = arith.muli %mul3A_913, %mul3A_1067 : i32
      %add3A_1069 = arith.constant 2 : i32
      %add3A_1070 = arith.addi %mul3A_1068, %add3A_1069 : i32
      %mul3A_1071 = arith.constant 65536 : i32
      %mul3A_1072 = arith.muli %add3A_1070, %mul3A_1071 : i32
      %add3A_1073 = arith.addi %mul3A_1072, %mul3A_2 : i32
      %dma_start3A_1074 = arith.constant 4096 : i32
      %dma_start3A_1075 = tpu.memref_slice %arg5[%dma_start3A_1074] : memref<20480xf32, #tpu.memory_space<vmem>> -> memref<2048xf32, #tpu.memory_space<vmem>>
      %dma_start3A_1076 = tpu.memref_slice %arg3[%add3A_1073] : memref<28508160xf32, #tpu.memory_space<hbm>> -> memref<2048xf32, #tpu.memory_space<hbm>>
      %dma_start3A_1077 = tpu.memref_slice %arg3[%add3A_1073] : memref<28508160xf32, #tpu.memory_space<hbm>> -> memref<2048xf32, #tpu.memory_space<hbm>>
      %dma_start3A_1078 = arith.constant 4096 : i32
      %dma_start3A_1079 = tpu.memref_slice %arg5[%dma_start3A_1078] : memref<20480xf32, #tpu.memory_space<vmem>> -> memref<2048xf32, #tpu.memory_space<vmem>>
      tpu.enqueue_dma source(%dma_start3A_1079 : memref<2048xf32, #tpu.memory_space<vmem>>) target(%dma_start3A_1077 : memref<2048xf32, #tpu.memory_space<hbm>>) target_semaphore(%arg6 : memref<!tpu.dma_semaphore, #tpu.memory_space<semaphore_mem>>)
      %mul3A_1080 = arith.constant 5 : i32
      %mul3A_1081 = arith.muli %mul3A_913, %mul3A_1080 : i32
      %add3A_1082 = arith.constant 3 : i32
      %add3A_1083 = arith.addi %mul3A_1081, %add3A_1082 : i32
      %mul3A_1084 = arith.constant 65536 : i32
      %mul3A_1085 = arith.muli %add3A_1083, %mul3A_1084 : i32
      %add3A_1086 = arith.addi %mul3A_1085, %mul3A_2 : i32
      %dma_start3A_1087 = arith.constant 6144 : i32
      %dma_start3A_1088 = tpu.memref_slice %arg5[%dma_start3A_1087] : memref<20480xf32, #tpu.memory_space<vmem>> -> memref<2048xf32, #tpu.memory_space<vmem>>
      %dma_start3A_1089 = tpu.memref_slice %arg3[%add3A_1086] : memref<28508160xf32, #tpu.memory_space<hbm>> -> memref<2048xf32, #tpu.memory_space<hbm>>
      %dma_start3A_1090 = tpu.memref_slice %arg3[%add3A_1086] : memref<28508160xf32, #tpu.memory_space<hbm>> -> memref<2048xf32, #tpu.memory_space<hbm>>
      %dma_start3A_1091 = arith.constant 6144 : i32
      %dma_start3A_1092 = tpu.memref_slice %arg5[%dma_start3A_1091] : memref<20480xf32, #tpu.memory_space<vmem>> -> memref<2048xf32, #tpu.memory_space<vmem>>
      tpu.enqueue_dma source(%dma_start3A_1092 : memref<2048xf32, #tpu.memory_space<vmem>>) target(%dma_start3A_1090 : memref<2048xf32, #tpu.memory_space<hbm>>) target_semaphore(%arg6 : memref<!tpu.dma_semaphore, #tpu.memory_space<semaphore_mem>>)
      %mul3A_1093 = arith.constant 5 : i32
      %mul3A_1094 = arith.muli %mul3A_913, %mul3A_1093 : i32
      %add3A_1095 = arith.constant 4 : i32
      %add3A_1096 = arith.addi %mul3A_1094, %add3A_1095 : i32
      %mul3A_1097 = arith.constant 65536 : i32
      %mul3A_1098 = arith.muli %add3A_1096, %mul3A_1097 : i32
      %add3A_1099 = arith.addi %mul3A_1098, %mul3A_2 : i32
      %dma_start3A_1100 = arith.constant 8192 : i32
      %dma_start3A_1101 = tpu.memref_slice %arg5[%dma_start3A_1100] : memref<20480xf32, #tpu.memory_space<vmem>> -> memref<2048xf32, #tpu.memory_space<vmem>>
      %dma_start3A_1102 = tpu.memref_slice %arg3[%add3A_1099] : memref<28508160xf32, #tpu.memory_space<hbm>> -> memref<2048xf32, #tpu.memory_space<hbm>>
      %dma_start3A_1103 = tpu.memref_slice %arg3[%add3A_1099] : memref<28508160xf32, #tpu.memory_space<hbm>> -> memref<2048xf32, #tpu.memory_space<hbm>>
      %dma_start3A_1104 = arith.constant 8192 : i32
      %dma_start3A_1105 = tpu.memref_slice %arg5[%dma_start3A_1104] : memref<20480xf32, #tpu.memory_space<vmem>> -> memref<2048xf32, #tpu.memory_space<vmem>>
      tpu.enqueue_dma source(%dma_start3A_1105 : memref<2048xf32, #tpu.memory_space<vmem>>) target(%dma_start3A_1103 : memref<2048xf32, #tpu.memory_space<hbm>>) target_semaphore(%arg6 : memref<!tpu.dma_semaphore, #tpu.memory_space<semaphore_mem>>)
      %sub3A_1106 = arith.constant 1 : i32
      %sub3A_1107 = arith.subi %mul3A_913, %sub3A_1106 : i32
      %mul3A_1108 = arith.constant 5 : i32
      %mul3A_1109 = arith.muli %sub3A_1107, %mul3A_1108 : i32
      %add3A_1110 = arith.constant 0 : i32
      %add3A_1111 = arith.addi %mul3A_1109, %add3A_1110 : i32
      %mul3A_1112 = arith.constant 65536 : i32
      %mul3A_1113 = arith.muli %add3A_1111, %mul3A_1112 : i32
      %add3A_1114 = arith.addi %mul3A_1113, %mul3A_2 : i32
      %dma_wait3A_1115 = arith.constant 10240 : i32
      %dma_wait3A_1116 = tpu.memref_slice %arg5[%dma_wait3A_1115] : memref<20480xf32, #tpu.memory_space<vmem>> -> memref<2048xf32, #tpu.memory_space<vmem>>
      %dma_wait3A_1117 = tpu.memref_slice %arg3[%add3A_1114] : memref<28508160xf32, #tpu.memory_space<hbm>> -> memref<2048xf32, #tpu.memory_space<hbm>>
      %dma_wait3A_1118 = tpu.memref_slice %arg3[%add3A_1114] : memref<28508160xf32, #tpu.memory_space<hbm>> -> memref<2048xf32, #tpu.memory_space<hbm>>
      %dma_wait3A_1119 = arith.constant 10240 : i32
      %dma_wait3A_1120 = tpu.memref_slice %arg5[%dma_wait3A_1119] : memref<20480xf32, #tpu.memory_space<vmem>> -> memref<2048xf32, #tpu.memory_space<vmem>>
      tpu.wait_dma2 semaphore(%arg7 : memref<!tpu.dma_semaphore, #tpu.memory_space<semaphore_mem>>) src(%dma_wait3A_1120 : memref<2048xf32, #tpu.memory_space<vmem>>) dst(%dma_wait3A_1118 : memref<2048xf32, #tpu.memory_space<hbm>>)
      %mul3A_1121 = arith.constant 5 : i32
      %mul3A_1122 = arith.muli %sub3A_1107, %mul3A_1121 : i32
      %add3A_1123 = arith.constant 1 : i32
      %add3A_1124 = arith.addi %mul3A_1122, %add3A_1123 : i32
      %mul3A_1125 = arith.constant 65536 : i32
      %mul3A_1126 = arith.muli %add3A_1124, %mul3A_1125 : i32
      %add3A_1127 = arith.addi %mul3A_1126, %mul3A_2 : i32
      %dma_wait3A_1128 = arith.constant 12288 : i32
      %dma_wait3A_1129 = tpu.memref_slice %arg5[%dma_wait3A_1128] : memref<20480xf32, #tpu.memory_space<vmem>> -> memref<2048xf32, #tpu.memory_space<vmem>>
      %dma_wait3A_1130 = tpu.memref_slice %arg3[%add3A_1127] : memref<28508160xf32, #tpu.memory_space<hbm>> -> memref<2048xf32, #tpu.memory_space<hbm>>
      %dma_wait3A_1131 = tpu.memref_slice %arg3[%add3A_1127] : memref<28508160xf32, #tpu.memory_space<hbm>> -> memref<2048xf32, #tpu.memory_space<hbm>>
      %dma_wait3A_1132 = arith.constant 12288 : i32
      %dma_wait3A_1133 = tpu.memref_slice %arg5[%dma_wait3A_1132] : memref<20480xf32, #tpu.memory_space<vmem>> -> memref<2048xf32, #tpu.memory_space<vmem>>
      tpu.wait_dma2 semaphore(%arg7 : memref<!tpu.dma_semaphore, #tpu.memory_space<semaphore_mem>>) src(%dma_wait3A_1133 : memref<2048xf32, #tpu.memory_space<vmem>>) dst(%dma_wait3A_1131 : memref<2048xf32, #tpu.memory_space<hbm>>)
      %mul3A_1134 = arith.constant 5 : i32
      %mul3A_1135 = arith.muli %sub3A_1107, %mul3A_1134 : i32
      %add3A_1136 = arith.constant 2 : i32
      %add3A_1137 = arith.addi %mul3A_1135, %add3A_1136 : i32
      %mul3A_1138 = arith.constant 65536 : i32
      %mul3A_1139 = arith.muli %add3A_1137, %mul3A_1138 : i32
      %add3A_1140 = arith.addi %mul3A_1139, %mul3A_2 : i32
      %dma_wait3A_1141 = arith.constant 14336 : i32
      %dma_wait3A_1142 = tpu.memref_slice %arg5[%dma_wait3A_1141] : memref<20480xf32, #tpu.memory_space<vmem>> -> memref<2048xf32, #tpu.memory_space<vmem>>
      %dma_wait3A_1143 = tpu.memref_slice %arg3[%add3A_1140] : memref<28508160xf32, #tpu.memory_space<hbm>> -> memref<2048xf32, #tpu.memory_space<hbm>>
      %dma_wait3A_1144 = tpu.memref_slice %arg3[%add3A_1140] : memref<28508160xf32, #tpu.memory_space<hbm>> -> memref<2048xf32, #tpu.memory_space<hbm>>
      %dma_wait3A_1145 = arith.constant 14336 : i32
      %dma_wait3A_1146 = tpu.memref_slice %arg5[%dma_wait3A_1145] : memref<20480xf32, #tpu.memory_space<vmem>> -> memref<2048xf32, #tpu.memory_space<vmem>>
      tpu.wait_dma2 semaphore(%arg7 : memref<!tpu.dma_semaphore, #tpu.memory_space<semaphore_mem>>) src(%dma_wait3A_1146 : memref<2048xf32, #tpu.memory_space<vmem>>) dst(%dma_wait3A_1144 : memref<2048xf32, #tpu.memory_space<hbm>>)
      %mul3A_1147 = arith.constant 5 : i32
      %mul3A_1148 = arith.muli %sub3A_1107, %mul3A_1147 : i32
      %add3A_1149 = arith.constant 3 : i32
      %add3A_1150 = arith.addi %mul3A_1148, %add3A_1149 : i32
      %mul3A_1151 = arith.constant 65536 : i32
      %mul3A_1152 = arith.muli %add3A_1150, %mul3A_1151 : i32
      %add3A_1153 = arith.addi %mul3A_1152, %mul3A_2 : i32
      %dma_wait3A_1154 = arith.constant 16384 : i32
      %dma_wait3A_1155 = tpu.memref_slice %arg5[%dma_wait3A_1154] : memref<20480xf32, #tpu.memory_space<vmem>> -> memref<2048xf32, #tpu.memory_space<vmem>>
      %dma_wait3A_1156 = tpu.memref_slice %arg3[%add3A_1153] : memref<28508160xf32, #tpu.memory_space<hbm>> -> memref<2048xf32, #tpu.memory_space<hbm>>
      %dma_wait3A_1157 = tpu.memref_slice %arg3[%add3A_1153] : memref<28508160xf32, #tpu.memory_space<hbm>> -> memref<2048xf32, #tpu.memory_space<hbm>>
      %dma_wait3A_1158 = arith.constant 16384 : i32
      %dma_wait3A_1159 = tpu.memref_slice %arg5[%dma_wait3A_1158] : memref<20480xf32, #tpu.memory_space<vmem>> -> memref<2048xf32, #tpu.memory_space<vmem>>
      tpu.wait_dma2 semaphore(%arg7 : memref<!tpu.dma_semaphore, #tpu.memory_space<semaphore_mem>>) src(%dma_wait3A_1159 : memref<2048xf32, #tpu.memory_space<vmem>>) dst(%dma_wait3A_1157 : memref<2048xf32, #tpu.memory_space<hbm>>)
      %mul3A_1160 = arith.constant 5 : i32
      %mul3A_1161 = arith.muli %sub3A_1107, %mul3A_1160 : i32
      %add3A_1162 = arith.constant 4 : i32
      %add3A_1163 = arith.addi %mul3A_1161, %add3A_1162 : i32
      %mul3A_1164 = arith.constant 65536 : i32
      %mul3A_1165 = arith.muli %add3A_1163, %mul3A_1164 : i32
      %add3A_1166 = arith.addi %mul3A_1165, %mul3A_2 : i32
      %dma_wait3A_1167 = arith.constant 18432 : i32
      %dma_wait3A_1168 = tpu.memref_slice %arg5[%dma_wait3A_1167] : memref<20480xf32, #tpu.memory_space<vmem>> -> memref<2048xf32, #tpu.memory_space<vmem>>
      %dma_wait3A_1169 = tpu.memref_slice %arg3[%add3A_1166] : memref<28508160xf32, #tpu.memory_space<hbm>> -> memref<2048xf32, #tpu.memory_space<hbm>>
      %dma_wait3A_1170 = tpu.memref_slice %arg3[%add3A_1166] : memref<28508160xf32, #tpu.memory_space<hbm>> -> memref<2048xf32, #tpu.memory_space<hbm>>
      %dma_wait3A_1171 = arith.constant 18432 : i32
      %dma_wait3A_1172 = tpu.memref_slice %arg5[%dma_wait3A_1171] : memref<20480xf32, #tpu.memory_space<vmem>> -> memref<2048xf32, #tpu.memory_space<vmem>>
      tpu.wait_dma2 semaphore(%arg7 : memref<!tpu.dma_semaphore, #tpu.memory_space<semaphore_mem>>) src(%dma_wait3A_1172 : memref<2048xf32, #tpu.memory_space<vmem>>) dst(%dma_wait3A_1170 : memref<2048xf32, #tpu.memory_space<hbm>>)
      %add3A_1173 = arith.constant 1 : i32
      %add3A_1174 = arith.addi %select_n3A_1032, %add3A_1173 : i32
      %ge3A_1175 = arith.constant 30 : i32
      %ge3A_1176 = arith.cmpi sge, %add3A_1174, %ge3A_1175 : i32
      %add3A_1177 = arith.constant 1 : i32
      %add3A_1178 = arith.addi %select_n3A_1029, %add3A_1177 : i32
      %select_n3A_1179 = arith.select %ge3A_1176, %add3A_1178, %select_n3A_1029 : i32
      %add3A_1180 = arith.constant 1 : i32
      %add3A_1181 = arith.addi %select_n3A_1179, %add3A_1180 : i32
      %select_n3A_1182 = arith.select %ge3A_1176, %add3A_1181, %add3A_1174 : i32
      %add3A_1183 = arith.constant 1 : i32
      %add3A_1184 = arith.addi %select_n3A_1182, %add3A_1183 : i32
      %ge3A_1185 = arith.constant 30 : i32
      %ge3A_1186 = arith.cmpi sge, %add3A_1184, %ge3A_1185 : i32
      %or3A_1187 = arith.ori %ge3A_1176, %ge3A_1186 : i1
      %add3A_1188 = arith.constant 1 : i32
      %add3A_1189 = arith.addi %select_n3A_1179, %add3A_1188 : i32
      %select_n3A_1190 = arith.select %ge3A_1186, %add3A_1189, %select_n3A_1179 : i32
      %add3A_1191 = arith.constant 1 : i32
      %add3A_1192 = arith.addi %select_n3A_1190, %add3A_1191 : i32
      %select_n3A_1193 = arith.select %ge3A_1186, %add3A_1192, %add3A_1184 : i32
      %add3A_1194 = arith.constant 1 : i32
      %add3A_1195 = arith.addi %select_n3A_1193, %add3A_1194 : i32
      %ge3A_1196 = arith.constant 30 : i32
      %ge3A_1197 = arith.cmpi sge, %add3A_1195, %ge3A_1196 : i32
      %or3A_1198 = arith.ori %or3A_1187, %ge3A_1197 : i1
      %add3A_1199 = arith.constant 1 : i32
      %add3A_1200 = arith.addi %select_n3A_1190, %add3A_1199 : i32
      %select_n3A_1201 = arith.select %ge3A_1197, %add3A_1200, %select_n3A_1190 : i32
      %add3A_1202 = arith.constant 1 : i32
      %add3A_1203 = arith.addi %select_n3A_1201, %add3A_1202 : i32
      %select_n3A_1204 = arith.select %ge3A_1197, %add3A_1203, %add3A_1195 : i32
      %add3A_1205 = arith.constant 1 : i32
      %add3A_1206 = arith.addi %select_n3A_1204, %add3A_1205 : i32
      %ge3A_1207 = arith.constant 30 : i32
      %ge3A_1208 = arith.cmpi sge, %add3A_1206, %ge3A_1207 : i32
      %or3A_1209 = arith.ori %or3A_1198, %ge3A_1208 : i1
      %add3A_1210 = arith.constant 1 : i32
      %add3A_1211 = arith.addi %select_n3A_1201, %add3A_1210 : i32
      %select_n3A_1212 = arith.select %ge3A_1208, %add3A_1211, %select_n3A_1201 : i32
      %add3A_1213 = arith.constant 1 : i32
      %add3A_1214 = arith.addi %select_n3A_1212, %add3A_1213 : i32
      %select_n3A_1215 = arith.select %ge3A_1208, %add3A_1214, %add3A_1206 : i32
      %add3A_1216 = arith.constant 1 : i32
      %add3A_1217 = arith.addi %select_n3A_1215, %add3A_1216 : i32
      %ge3A_1218 = arith.constant 30 : i32
      %ge3A_1219 = arith.cmpi sge, %add3A_1217, %ge3A_1218 : i32
      %add3A_1220 = arith.constant 1 : i32
      %add3A_1221 = arith.addi %select_n3A_1212, %add3A_1220 : i32
      %select_n3A_1222 = arith.select %ge3A_1219, %add3A_1221, %select_n3A_1212 : i32
      %add3A_1223 = arith.constant 1 : i32
      %add3A_1224 = arith.addi %select_n3A_1222, %add3A_1223 : i32
      %select_n3A_1225 = arith.select %ge3A_1219, %add3A_1224, %add3A_1217 : i32
      %not3A_1226 = arith.constant true
      %not3A_1227 = arith.xori %or3A_1209, %not3A_1226 : i1
      %convert_element_type3A_1228 = arith.extui %not3A_1227 : i1 to i32
      %cond3A_1229 = arith.constant 0 : i32
      %cond3A_1230 = arith.cmpi ne, %convert_element_type3A_1228, %cond3A_1229 : i32
      scf.if %cond3A_1230 {
        %mul3A_1301 = arith.constant 2048 : i32
        %mul3A_1302 = arith.muli %select_n3A_1029, %mul3A_1301 : i32
        %mul3A_1303 = arith.constant 2048 : i32
        %mul3A_1304 = arith.muli %select_n3A_1032, %mul3A_1303 : i32
        %parallel_loop3A = arith.constant 0 : i32
        %parallel_loop3A_1305 = arith.constant 128 : i32
        %parallel_loop3A_1306 = arith.constant 1 : i32
        scf.for %parallel_loop3A_1307 = %parallel_loop3A to %parallel_loop3A_1305 step %parallel_loop3A_1306  : i32 {
          %parallel_loop3A_1308 = arith.constant 16 : i32
          %parallel_loop3A_1309 = arith.muli %parallel_loop3A_1307, %parallel_loop3A_1308 : i32
          %parallel_loop3A_1310 = tpu.assume_multiple %parallel_loop3A_1309, 16 : i32
          %parallel_loop3A_1311 = arith.addi %mul3A_1302, %parallel_loop3A_1310 : i32
          %parallel_loop3A_1312 = arith.index_cast %parallel_loop3A_1311 : i32 to index
          %parallel_loop3A_1313 = tpu.vector_load %arg4[%parallel_loop3A_1312] {strides = array<i32>} : memref<61440xf32, #tpu.memory_space<vmem>>, vector<16xf32>,
          %parallel_loop3A_1314 = arith.constant 0 : i32
          %parallel_loop3A_1315 = arith.addi %mul3A_1304, %parallel_loop3A_1314 : i32
          %parallel_loop3A_1316 = arith.addi %parallel_loop3A_1315, %parallel_loop3A_1310 : i32
          %parallel_loop3A_1317 = arith.index_cast %parallel_loop3A_1316 : i32 to index
          %parallel_loop3A_1318 = tpu.vector_load %arg4[%parallel_loop3A_1317] {strides = array<i32>} : memref<61440xf32, #tpu.memory_space<vmem>>, vector<16xf32>,
          %parallel_loop3A_1319 = arith.addf %parallel_loop3A_1313, %parallel_loop3A_1318 : vector<16xf32>
          %parallel_loop3A_1320 = arith.constant 10240 : i32
          %parallel_loop3A_1321 = arith.addi %parallel_loop3A_1320, %parallel_loop3A_1310 : i32
          %parallel_loop3A_1322 = arith.index_cast %parallel_loop3A_1321 : i32 to index
          %parallel_loop3A_1323 = tpu.vector_load %arg5[%parallel_loop3A_1322] {strides = array<i32>} : memref<20480xf32, #tpu.memory_space<vmem>>, vector<16xf32>,
          tpu.vector_store %arg5[%parallel_loop3A_1322], %parallel_loop3A_1319 {strides = array<i32>} : memref<20480xf32, #tpu.memory_space<vmem>>, vector<16xf32>,
          %parallel_loop3A_1324 = arith.constant 2048 : i32
          %parallel_loop3A_1325 = arith.addi %mul3A_1304, %parallel_loop3A_1324 : i32
          %parallel_loop3A_1326 = arith.addi %parallel_loop3A_1325, %parallel_loop3A_1310 : i32
          %parallel_loop3A_1327 = arith.index_cast %parallel_loop3A_1326 : i32 to index
          %parallel_loop3A_1328 = tpu.vector_load %arg4[%parallel_loop3A_1327] {strides = array<i32>} : memref<61440xf32, #tpu.memory_space<vmem>>, vector<16xf32>,
          %parallel_loop3A_1329 = arith.addf %parallel_loop3A_1313, %parallel_loop3A_1328 : vector<16xf32>
          %parallel_loop3A_1330 = arith.constant 12288 : i32
          %parallel_loop3A_1331 = arith.addi %parallel_loop3A_1330, %parallel_loop3A_1310 : i32
          %parallel_loop3A_1332 = arith.index_cast %parallel_loop3A_1331 : i32 to index
          %parallel_loop3A_1333 = tpu.vector_load %arg5[%parallel_loop3A_1332] {strides = array<i32>} : memref<20480xf32, #tpu.memory_space<vmem>>, vector<16xf32>,
          tpu.vector_store %arg5[%parallel_loop3A_1332], %parallel_loop3A_1329 {strides = array<i32>} : memref<20480xf32, #tpu.memory_space<vmem>>, vector<16xf32>,
          %parallel_loop3A_1334 = arith.constant 4096 : i32
          %parallel_loop3A_1335 = arith.addi %mul3A_1304, %parallel_loop3A_1334 : i32
          %parallel_loop3A_1336 = arith.addi %parallel_loop3A_1335, %parallel_loop3A_1310 : i32
          %parallel_loop3A_1337 = arith.index_cast %parallel_loop3A_1336 : i32 to index
          %parallel_loop3A_1338 = tpu.vector_load %arg4[%parallel_loop3A_1337] {strides = array<i32>} : memref<61440xf32, #tpu.memory_space<vmem>>, vector<16xf32>,
          %parallel_loop3A_1339 = arith.addf %parallel_loop3A_1313, %parallel_loop3A_1338 : vector<16xf32>
          %parallel_loop3A_1340 = arith.constant 14336 : i32
          %parallel_loop3A_1341 = arith.addi %parallel_loop3A_1340, %parallel_loop3A_1310 : i32
          %parallel_loop3A_1342 = arith.index_cast %parallel_loop3A_1341 : i32 to index
          %parallel_loop3A_1343 = tpu.vector_load %arg5[%parallel_loop3A_1342] {strides = array<i32>} : memref<20480xf32, #tpu.memory_space<vmem>>, vector<16xf32>,
          tpu.vector_store %arg5[%parallel_loop3A_1342], %parallel_loop3A_1339 {strides = array<i32>} : memref<20480xf32, #tpu.memory_space<vmem>>, vector<16xf32>,
          %parallel_loop3A_1344 = arith.constant 6144 : i32
          %parallel_loop3A_1345 = arith.addi %mul3A_1304, %parallel_loop3A_1344 : i32
          %parallel_loop3A_1346 = arith.addi %parallel_loop3A_1345, %parallel_loop3A_1310 : i32
          %parallel_loop3A_1347 = arith.index_cast %parallel_loop3A_1346 : i32 to index
          %parallel_loop3A_1348 = tpu.vector_load %arg4[%parallel_loop3A_1347] {strides = array<i32>} : memref<61440xf32, #tpu.memory_space<vmem>>, vector<16xf32>,
          %parallel_loop3A_1349 = arith.addf %parallel_loop3A_1313, %parallel_loop3A_1348 : vector<16xf32>
          %parallel_loop3A_1350 = arith.constant 16384 : i32
          %parallel_loop3A_1351 = arith.addi %parallel_loop3A_1350, %parallel_loop3A_1310 : i32
          %parallel_loop3A_1352 = arith.index_cast %parallel_loop3A_1351 : i32 to index
          %parallel_loop3A_1353 = tpu.vector_load %arg5[%parallel_loop3A_1352] {strides = array<i32>} : memref<20480xf32, #tpu.memory_space<vmem>>, vector<16xf32>,
          tpu.vector_store %arg5[%parallel_loop3A_1352], %parallel_loop3A_1349 {strides = array<i32>} : memref<20480xf32, #tpu.memory_space<vmem>>, vector<16xf32>,
          %parallel_loop3A_1354 = arith.constant 8192 : i32
          %parallel_loop3A_1355 = arith.addi %mul3A_1304, %parallel_loop3A_1354 : i32
          %parallel_loop3A_1356 = arith.addi %parallel_loop3A_1355, %parallel_loop3A_1310 : i32
          %parallel_loop3A_1357 = arith.index_cast %parallel_loop3A_1356 : i32 to index
          %parallel_loop3A_1358 = tpu.vector_load %arg4[%parallel_loop3A_1357] {strides = array<i32>} : memref<61440xf32, #tpu.memory_space<vmem>>, vector<16xf32>,
          %parallel_loop3A_1359 = arith.addf %parallel_loop3A_1313, %parallel_loop3A_1358 : vector<16xf32>
          %parallel_loop3A_1360 = arith.constant 18432 : i32
          %parallel_loop3A_1361 = arith.addi %parallel_loop3A_1360, %parallel_loop3A_1310 : i32
          %parallel_loop3A_1362 = arith.index_cast %parallel_loop3A_1361 : i32 to index
          %parallel_loop3A_1363 = tpu.vector_load %arg5[%parallel_loop3A_1362] {strides = array<i32>} : memref<20480xf32, #tpu.memory_space<vmem>>, vector<16xf32>,
          tpu.vector_store %arg5[%parallel_loop3A_1362], %parallel_loop3A_1359 {strides = array<i32>} : memref<20480xf32, #tpu.memory_space<vmem>>, vector<16xf32>,
        } {sc.loop_unroll_factor = 8 : i64, sc.parallel_access}
      } else {
      }
      %convert_element_type3A_1231 = arith.extui %or3A_1209 : i1 to i32
      %cond3A_1232 = arith.constant 0 : i32
      %cond3A_1233 = arith.cmpi ne, %convert_element_type3A_1231, %cond3A_1232 : i32
      scf.if %cond3A_1233 {
        %mul3A_1301 = arith.constant 2048 : i32
        %mul3A_1302 = arith.muli %select_n3A_1029, %mul3A_1301 : i32
        %mul3A_1303 = arith.constant 2048 : i32
        %mul3A_1304 = arith.muli %select_n3A_1032, %mul3A_1303 : i32
        %parallel_loop3A = arith.constant 0 : i32
        %parallel_loop3A_1305 = arith.constant 128 : i32
        %parallel_loop3A_1306 = arith.constant 1 : i32
        scf.for %parallel_loop3A_1335 = %parallel_loop3A to %parallel_loop3A_1305 step %parallel_loop3A_1306  : i32 {
          %parallel_loop3A_1336 = arith.constant 16 : i32
          %parallel_loop3A_1337 = arith.muli %parallel_loop3A_1335, %parallel_loop3A_1336 : i32
          %parallel_loop3A_1338 = tpu.assume_multiple %parallel_loop3A_1337, 16 : i32
          %parallel_loop3A_1339 = arith.addi %mul3A_1302, %parallel_loop3A_1338 : i32
          %parallel_loop3A_1340 = arith.index_cast %parallel_loop3A_1339 : i32 to index
          %parallel_loop3A_1341 = tpu.vector_load %arg4[%parallel_loop3A_1340] {strides = array<i32>} : memref<61440xf32, #tpu.memory_space<vmem>>, vector<16xf32>,
          %parallel_loop3A_1342 = arith.addi %mul3A_1304, %parallel_loop3A_1338 : i32
          %parallel_loop3A_1343 = arith.index_cast %parallel_loop3A_1342 : i32 to index
          %parallel_loop3A_1344 = tpu.vector_load %arg4[%parallel_loop3A_1343] {strides = array<i32>} : memref<61440xf32, #tpu.memory_space<vmem>>, vector<16xf32>,
          %parallel_loop3A_1345 = arith.addf %parallel_loop3A_1341, %parallel_loop3A_1344 : vector<16xf32>
          %parallel_loop3A_1346 = arith.constant 10240 : i32
          %parallel_loop3A_1347 = arith.addi %parallel_loop3A_1346, %parallel_loop3A_1338 : i32
          %parallel_loop3A_1348 = arith.index_cast %parallel_loop3A_1347 : i32 to index
          %parallel_loop3A_1349 = tpu.vector_load %arg5[%parallel_loop3A_1348] {strides = array<i32>} : memref<20480xf32, #tpu.memory_space<vmem>>, vector<16xf32>,
          tpu.vector_store %arg5[%parallel_loop3A_1348], %parallel_loop3A_1345 {strides = array<i32>} : memref<20480xf32, #tpu.memory_space<vmem>>, vector<16xf32>,
        } {sc.loop_unroll_factor = 8 : i64, sc.parallel_access}
        %mul3A_1307 = arith.constant 2048 : i32
        %mul3A_1308 = arith.muli %select_n3A_1179, %mul3A_1307 : i32
        %mul3A_1309 = arith.constant 2048 : i32
        %mul3A_1310 = arith.muli %select_n3A_1182, %mul3A_1309 : i32
        %parallel_loop3A_1311 = arith.constant 0 : i32
        %parallel_loop3A_1312 = arith.constant 128 : i32
        %parallel_loop3A_1313 = arith.constant 1 : i32
        scf.for %parallel_loop3A_1335 = %parallel_loop3A_1311 to %parallel_loop3A_1312 step %parallel_loop3A_1313  : i32 {
          %parallel_loop3A_1336 = arith.constant 16 : i32
          %parallel_loop3A_1337 = arith.muli %parallel_loop3A_1335, %parallel_loop3A_1336 : i32
          %parallel_loop3A_1338 = tpu.assume_multiple %parallel_loop3A_1337, 16 : i32
          %parallel_loop3A_1339 = arith.addi %mul3A_1308, %parallel_loop3A_1338 : i32
          %parallel_loop3A_1340 = arith.index_cast %parallel_loop3A_1339 : i32 to index
          %parallel_loop3A_1341 = tpu.vector_load %arg4[%parallel_loop3A_1340] {strides = array<i32>} : memref<61440xf32, #tpu.memory_space<vmem>>, vector<16xf32>,
          %parallel_loop3A_1342 = arith.addi %mul3A_1310, %parallel_loop3A_1338 : i32
          %parallel_loop3A_1343 = arith.index_cast %parallel_loop3A_1342 : i32 to index
          %parallel_loop3A_1344 = tpu.vector_load %arg4[%parallel_loop3A_1343] {strides = array<i32>} : memref<61440xf32, #tpu.memory_space<vmem>>, vector<16xf32>,
          %parallel_loop3A_1345 = arith.addf %parallel_loop3A_1341, %parallel_loop3A_1344 : vector<16xf32>
          %parallel_loop3A_1346 = arith.constant 12288 : i32
          %parallel_loop3A_1347 = arith.addi %parallel_loop3A_1346, %parallel_loop3A_1338 : i32
          %parallel_loop3A_1348 = arith.index_cast %parallel_loop3A_1347 : i32 to index
          %parallel_loop3A_1349 = tpu.vector_load %arg5[%parallel_loop3A_1348] {strides = array<i32>} : memref<20480xf32, #tpu.memory_space<vmem>>, vector<16xf32>,
          tpu.vector_store %arg5[%parallel_loop3A_1348], %parallel_loop3A_1345 {strides = array<i32>} : memref<20480xf32, #tpu.memory_space<vmem>>, vector<16xf32>,
        } {sc.loop_unroll_factor = 8 : i64, sc.parallel_access}
        %mul3A_1314 = arith.constant 2048 : i32
        %mul3A_1315 = arith.muli %select_n3A_1190, %mul3A_1314 : i32
        %mul3A_1316 = arith.constant 2048 : i32
        %mul3A_1317 = arith.muli %select_n3A_1193, %mul3A_1316 : i32
        %parallel_loop3A_1318 = arith.constant 0 : i32
        %parallel_loop3A_1319 = arith.constant 128 : i32
        %parallel_loop3A_1320 = arith.constant 1 : i32
        scf.for %parallel_loop3A_1335 = %parallel_loop3A_1318 to %parallel_loop3A_1319 step %parallel_loop3A_1320  : i32 {
          %parallel_loop3A_1336 = arith.constant 16 : i32
          %parallel_loop3A_1337 = arith.muli %parallel_loop3A_1335, %parallel_loop3A_1336 : i32
          %parallel_loop3A_1338 = tpu.assume_multiple %parallel_loop3A_1337, 16 : i32
          %parallel_loop3A_1339 = arith.addi %mul3A_1315, %parallel_loop3A_1338 : i32
          %parallel_loop3A_1340 = arith.index_cast %parallel_loop3A_1339 : i32 to index
          %parallel_loop3A_1341 = tpu.vector_load %arg4[%parallel_loop3A_1340] {strides = array<i32>} : memref<61440xf32, #tpu.memory_space<vmem>>, vector<16xf32>,
          %parallel_loop3A_1342 = arith.addi %mul3A_1317, %parallel_loop3A_1338 : i32
          %parallel_loop3A_1343 = arith.index_cast %parallel_loop3A_1342 : i32 to index
          %parallel_loop3A_1344 = tpu.vector_load %arg4[%parallel_loop3A_1343] {strides = array<i32>} : memref<61440xf32, #tpu.memory_space<vmem>>, vector<16xf32>,
          %parallel_loop3A_1345 = arith.addf %parallel_loop3A_1341, %parallel_loop3A_1344 : vector<16xf32>
          %parallel_loop3A_1346 = arith.constant 14336 : i32
          %parallel_loop3A_1347 = arith.addi %parallel_loop3A_1346, %parallel_loop3A_1338 : i32
          %parallel_loop3A_1348 = arith.index_cast %parallel_loop3A_1347 : i32 to index
          %parallel_loop3A_1349 = tpu.vector_load %arg5[%parallel_loop3A_1348] {strides = array<i32>} : memref<20480xf32, #tpu.memory_space<vmem>>, vector<16xf32>,
          tpu.vector_store %arg5[%parallel_loop3A_1348], %parallel_loop3A_1345 {strides = array<i32>} : memref<20480xf32, #tpu.memory_space<vmem>>, vector<16xf32>,
        } {sc.loop_unroll_factor = 8 : i64, sc.parallel_access}
        %mul3A_1321 = arith.constant 2048 : i32
        %mul3A_1322 = arith.muli %select_n3A_1201, %mul3A_1321 : i32
        %mul3A_1323 = arith.constant 2048 : i32
        %mul3A_1324 = arith.muli %select_n3A_1204, %mul3A_1323 : i32
        %parallel_loop3A_1325 = arith.constant 0 : i32
        %parallel_loop3A_1326 = arith.constant 128 : i32
        %parallel_loop3A_1327 = arith.constant 1 : i32
        scf.for %parallel_loop3A_1335 = %parallel_loop3A_1325 to %parallel_loop3A_1326 step %parallel_loop3A_1327  : i32 {
          %parallel_loop3A_1336 = arith.constant 16 : i32
          %parallel_loop3A_1337 = arith.muli %parallel_loop3A_1335, %parallel_loop3A_1336 : i32
          %parallel_loop3A_1338 = tpu.assume_multiple %parallel_loop3A_1337, 16 : i32
          %parallel_loop3A_1339 = arith.addi %mul3A_1322, %parallel_loop3A_1338 : i32
          %parallel_loop3A_1340 = arith.index_cast %parallel_loop3A_1339 : i32 to index
          %parallel_loop3A_1341 = tpu.vector_load %arg4[%parallel_loop3A_1340] {strides = array<i32>} : memref<61440xf32, #tpu.memory_space<vmem>>, vector<16xf32>,
          %parallel_loop3A_1342 = arith.addi %mul3A_1324, %parallel_loop3A_1338 : i32
          %parallel_loop3A_1343 = arith.index_cast %parallel_loop3A_1342 : i32 to index
          %parallel_loop3A_1344 = tpu.vector_load %arg4[%parallel_loop3A_1343] {strides = array<i32>} : memref<61440xf32, #tpu.memory_space<vmem>>, vector<16xf32>,
          %parallel_loop3A_1345 = arith.addf %parallel_loop3A_1341, %parallel_loop3A_1344 : vector<16xf32>
          %parallel_loop3A_1346 = arith.constant 16384 : i32
          %parallel_loop3A_1347 = arith.addi %parallel_loop3A_1346, %parallel_loop3A_1338 : i32
          %parallel_loop3A_1348 = arith.index_cast %parallel_loop3A_1347 : i32 to index
          %parallel_loop3A_1349 = tpu.vector_load %arg5[%parallel_loop3A_1348] {strides = array<i32>} : memref<20480xf32, #tpu.memory_space<vmem>>, vector<16xf32>,
          tpu.vector_store %arg5[%parallel_loop3A_1348], %parallel_loop3A_1345 {strides = array<i32>} : memref<20480xf32, #tpu.memory_space<vmem>>, vector<16xf32>,
        } {sc.loop_unroll_factor = 8 : i64, sc.parallel_access}
        %mul3A_1328 = arith.constant 2048 : i32
        %mul3A_1329 = arith.muli %select_n3A_1212, %mul3A_1328 : i32
        %mul3A_1330 = arith.constant 2048 : i32
        %mul3A_1331 = arith.muli %select_n3A_1215, %mul3A_1330 : i32
        %parallel_loop3A_1332 = arith.constant 0 : i32
        %parallel_loop3A_1333 = arith.constant 128 : i32
        %parallel_loop3A_1334 = arith.constant 1 : i32
        scf.for %parallel_loop3A_1335 = %parallel_loop3A_1332 to %parallel_loop3A_1333 step %parallel_loop3A_1334  : i32 {
          %parallel_loop3A_1336 = arith.constant 16 : i32
          %parallel_loop3A_1337 = arith.muli %parallel_loop3A_1335, %parallel_loop3A_1336 : i32
          %parallel_loop3A_1338 = tpu.assume_multiple %parallel_loop3A_1337, 16 : i32
          %parallel_loop3A_1339 = arith.addi %mul3A_1329, %parallel_loop3A_1338 : i32
          %parallel_loop3A_1340 = arith.index_cast %parallel_loop3A_1339 : i32 to index
          %parallel_loop3A_1341 = tpu.vector_load %arg4[%parallel_loop3A_1340] {strides = array<i32>} : memref<61440xf32, #tpu.memory_space<vmem>>, vector<16xf32>,
          %parallel_loop3A_1342 = arith.addi %mul3A_1331, %parallel_loop3A_1338 : i32
          %parallel_loop3A_1343 = arith.index_cast %parallel_loop3A_1342 : i32 to index
          %parallel_loop3A_1344 = tpu.vector_load %arg4[%parallel_loop3A_1343] {strides = array<i32>} : memref<61440xf32, #tpu.memory_space<vmem>>, vector<16xf32>,
          %parallel_loop3A_1345 = arith.addf %parallel_loop3A_1341, %parallel_loop3A_1344 : vector<16xf32>
          %parallel_loop3A_1346 = arith.constant 18432 : i32
          %parallel_loop3A_1347 = arith.addi %parallel_loop3A_1346, %parallel_loop3A_1338 : i32
          %parallel_loop3A_1348 = arith.index_cast %parallel_loop3A_1347 : i32 to index
          %parallel_loop3A_1349 = tpu.vector_load %arg5[%parallel_loop3A_1348] {strides = array<i32>} : memref<20480xf32, #tpu.memory_space<vmem>>, vector<16xf32>,
          tpu.vector_store %arg5[%parallel_loop3A_1348], %parallel_loop3A_1345 {strides = array<i32>} : memref<20480xf32, #tpu.memory_space<vmem>>, vector<16xf32>,
        } {sc.loop_unroll_factor = 8 : i64, sc.parallel_access}
      } else {
      }
      %add3A_1234 = arith.constant 1 : i32
      %add3A_1235 = arith.addi %mul3A_913, %add3A_1234 : i32
      %mul3A_1236 = arith.constant 5 : i32
      %mul3A_1237 = arith.muli %add3A_1235, %mul3A_1236 : i32
      %add3A_1238 = arith.constant 0 : i32
      %add3A_1239 = arith.addi %mul3A_1237, %add3A_1238 : i32
      %mul3A_1240 = arith.constant 65536 : i32
      %mul3A_1241 = arith.muli %add3A_1239, %mul3A_1240 : i32
      %add3A_1242 = arith.addi %mul3A_1241, %mul3A_2 : i32
      %dma_start3A_1243 = arith.constant 10240 : i32
      %dma_start3A_1244 = tpu.memref_slice %arg5[%dma_start3A_1243] : memref<20480xf32, #tpu.memory_space<vmem>> -> memref<2048xf32, #tpu.memory_space<vmem>>
      %dma_start3A_1245 = tpu.memref_slice %arg3[%add3A_1242] : memref<28508160xf32, #tpu.memory_space<hbm>> -> memref<2048xf32, #tpu.memory_space<hbm>>
      %dma_start3A_1246 = tpu.memref_slice %arg3[%add3A_1242] : memref<28508160xf32, #tpu.memory_space<hbm>> -> memref<2048xf32, #tpu.memory_space<hbm>>
      %dma_start3A_1247 = arith.constant 10240 : i32
      %dma_start3A_1248 = tpu.memref_slice %arg5[%dma_start3A_1247] : memref<20480xf32, #tpu.memory_space<vmem>> -> memref<2048xf32, #tpu.memory_space<vmem>>
      tpu.enqueue_dma source(%dma_start3A_1248 : memref<2048xf32, #tpu.memory_space<vmem>>) target(%dma_start3A_1246 : memref<2048xf32, #tpu.memory_space<hbm>>) target_semaphore(%arg7 : memref<!tpu.dma_semaphore, #tpu.memory_space<semaphore_mem>>)
      %mul3A_1249 = arith.constant 5 : i32
      %mul3A_1250 = arith.muli %add3A_1235, %mul3A_1249 : i32
      %add3A_1251 = arith.constant 1 : i32
      %add3A_1252 = arith.addi %mul3A_1250, %add3A_1251 : i32
      %mul3A_1253 = arith.constant 65536 : i32
      %mul3A_1254 = arith.muli %add3A_1252, %mul3A_1253 : i32
      %add3A_1255 = arith.addi %mul3A_1254, %mul3A_2 : i32
      %dma_start3A_1256 = arith.constant 12288 : i32
      %dma_start3A_1257 = tpu.memref_slice %arg5[%dma_start3A_1256] : memref<20480xf32, #tpu.memory_space<vmem>> -> memref<2048xf32, #tpu.memory_space<vmem>>
      %dma_start3A_1258 = tpu.memref_slice %arg3[%add3A_1255] : memref<28508160xf32, #tpu.memory_space<hbm>> -> memref<2048xf32, #tpu.memory_space<hbm>>
      %dma_start3A_1259 = tpu.memref_slice %arg3[%add3A_1255] : memref<28508160xf32, #tpu.memory_space<hbm>> -> memref<2048xf32, #tpu.memory_space<hbm>>
      %dma_start3A_1260 = arith.constant 12288 : i32
      %dma_start3A_1261 = tpu.memref_slice %arg5[%dma_start3A_1260] : memref<20480xf32, #tpu.memory_space<vmem>> -> memref<2048xf32, #tpu.memory_space<vmem>>
      tpu.enqueue_dma source(%dma_start3A_1261 : memref<2048xf32, #tpu.memory_space<vmem>>) target(%dma_start3A_1259 : memref<2048xf32, #tpu.memory_space<hbm>>) target_semaphore(%arg7 : memref<!tpu.dma_semaphore, #tpu.memory_space<semaphore_mem>>)
      %mul3A_1262 = arith.constant 5 : i32
      %mul3A_1263 = arith.muli %add3A_1235, %mul3A_1262 : i32
      %add3A_1264 = arith.constant 2 : i32
      %add3A_1265 = arith.addi %mul3A_1263, %add3A_1264 : i32
      %mul3A_1266 = arith.constant 65536 : i32
      %mul3A_1267 = arith.muli %add3A_1265, %mul3A_1266 : i32
      %add3A_1268 = arith.addi %mul3A_1267, %mul3A_2 : i32
      %dma_start3A_1269 = arith.constant 14336 : i32
      %dma_start3A_1270 = tpu.memref_slice %arg5[%dma_start3A_1269] : memref<20480xf32, #tpu.memory_space<vmem>> -> memref<2048xf32, #tpu.memory_space<vmem>>
      %dma_start3A_1271 = tpu.memref_slice %arg3[%add3A_1268] : memref<28508160xf32, #tpu.memory_space<hbm>> -> memref<2048xf32, #tpu.memory_space<hbm>>
      %dma_start3A_1272 = tpu.memref_slice %arg3[%add3A_1268] : memref<28508160xf32, #tpu.memory_space<hbm>> -> memref<2048xf32, #tpu.memory_space<hbm>>
      %dma_start3A_1273 = arith.constant 14336 : i32
      %dma_start3A_1274 = tpu.memref_slice %arg5[%dma_start3A_1273] : memref<20480xf32, #tpu.memory_space<vmem>> -> memref<2048xf32, #tpu.memory_space<vmem>>
      tpu.enqueue_dma source(%dma_start3A_1274 : memref<2048xf32, #tpu.memory_space<vmem>>) target(%dma_start3A_1272 : memref<2048xf32, #tpu.memory_space<hbm>>) target_semaphore(%arg7 : memref<!tpu.dma_semaphore, #tpu.memory_space<semaphore_mem>>)
      %mul3A_1275 = arith.constant 5 : i32
      %mul3A_1276 = arith.muli %add3A_1235, %mul3A_1275 : i32
      %add3A_1277 = arith.constant 3 : i32
      %add3A_1278 = arith.addi %mul3A_1276, %add3A_1277 : i32
      %mul3A_1279 = arith.constant 65536 : i32
      %mul3A_1280 = arith.muli %add3A_1278, %mul3A_1279 : i32
      %add3A_1281 = arith.addi %mul3A_1280, %mul3A_2 : i32
      %dma_start3A_1282 = arith.constant 16384 : i32
      %dma_start3A_1283 = tpu.memref_slice %arg5[%dma_start3A_1282] : memref<20480xf32, #tpu.memory_space<vmem>> -> memref<2048xf32, #tpu.memory_space<vmem>>
      %dma_start3A_1284 = tpu.memref_slice %arg3[%add3A_1281] : memref<28508160xf32, #tpu.memory_space<hbm>> -> memref<2048xf32, #tpu.memory_space<hbm>>
      %dma_start3A_1285 = tpu.memref_slice %arg3[%add3A_1281] : memref<28508160xf32, #tpu.memory_space<hbm>> -> memref<2048xf32, #tpu.memory_space<hbm>>
      %dma_start3A_1286 = arith.constant 16384 : i32
      %dma_start3A_1287 = tpu.memref_slice %arg5[%dma_start3A_1286] : memref<20480xf32, #tpu.memory_space<vmem>> -> memref<2048xf32, #tpu.memory_space<vmem>>
      tpu.enqueue_dma source(%dma_start3A_1287 : memref<2048xf32, #tpu.memory_space<vmem>>) target(%dma_start3A_1285 : memref<2048xf32, #tpu.memory_space<hbm>>) target_semaphore(%arg7 : memref<!tpu.dma_semaphore, #tpu.memory_space<semaphore_mem>>)
      %mul3A_1288 = arith.constant 5 : i32
      %mul3A_1289 = arith.muli %add3A_1235, %mul3A_1288 : i32
      %add3A_1290 = arith.constant 4 : i32
      %add3A_1291 = arith.addi %mul3A_1289, %add3A_1290 : i32
      %mul3A_1292 = arith.constant 65536 : i32
      %mul3A_1293 = arith.muli %add3A_1291, %mul3A_1292 : i32
      %add3A_1294 = arith.addi %mul3A_1293, %mul3A_2 : i32
      %dma_start3A_1295 = arith.constant 18432 : i32
      %dma_start3A_1296 = tpu.memref_slice %arg5[%dma_start3A_1295] : memref<20480xf32, #tpu.memory_space<vmem>> -> memref<2048xf32, #tpu.memory_space<vmem>>
      %dma_start3A_1297 = tpu.memref_slice %arg3[%add3A_1294] : memref<28508160xf32, #tpu.memory_space<hbm>> -> memref<2048xf32, #tpu.memory_space<hbm>>
      %dma_start3A_1298 = tpu.memref_slice %arg3[%add3A_1294] : memref<28508160xf32, #tpu.memory_space<hbm>> -> memref<2048xf32, #tpu.memory_space<hbm>>
      %dma_start3A_1299 = arith.constant 18432 : i32
      %dma_start3A_1300 = tpu.memref_slice %arg5[%dma_start3A_1299] : memref<20480xf32, #tpu.memory_space<vmem>> -> memref<2048xf32, #tpu.memory_space<vmem>>
      tpu.enqueue_dma source(%dma_start3A_1300 : memref<2048xf32, #tpu.memory_space<vmem>>) target(%dma_start3A_1298 : memref<2048xf32, #tpu.memory_space<hbm>>) target_semaphore(%arg7 : memref<!tpu.dma_semaphore, #tpu.memory_space<semaphore_mem>>)
      scf.yield %select_n3A_1222, %select_n3A_1225 : i32, i32
    }
    %scan3A_687 = arith.constant 42 : i32
    %add3A_688 = arith.constant 27525120 : i32
    %add3A_689 = arith.addi %add3A_688, %mul3A_2 : i32
    %dma_wait3A_690 = arith.constant 0 : i32
    %dma_wait3A_691 = tpu.memref_slice %arg5[%dma_wait3A_690] : memref<20480xf32, #tpu.memory_space<vmem>> -> memref<2048xf32, #tpu.memory_space<vmem>>
    %dma_wait3A_692 = tpu.memref_slice %arg3[%add3A_689] : memref<28508160xf32, #tpu.memory_space<hbm>> -> memref<2048xf32, #tpu.memory_space<hbm>>
    %dma_wait3A_693 = tpu.memref_slice %arg3[%add3A_689] : memref<28508160xf32, #tpu.memory_space<hbm>> -> memref<2048xf32, #tpu.memory_space<hbm>>
    %dma_wait3A_694 = arith.constant 0 : i32
    %dma_wait3A_695 = tpu.memref_slice %arg5[%dma_wait3A_694] : memref<20480xf32, #tpu.memory_space<vmem>> -> memref<2048xf32, #tpu.memory_space<vmem>>
    tpu.wait_dma2 semaphore(%arg6 : memref<!tpu.dma_semaphore, #tpu.memory_space<semaphore_mem>>) src(%dma_wait3A_695 : memref<2048xf32, #tpu.memory_space<vmem>>) dst(%dma_wait3A_693 : memref<2048xf32, #tpu.memory_space<hbm>>)
    %add3A_696 = arith.constant 27590656 : i32
    %add3A_697 = arith.addi %add3A_696, %mul3A_2 : i32
    %dma_wait3A_698 = arith.constant 2048 : i32
    %dma_wait3A_699 = tpu.memref_slice %arg5[%dma_wait3A_698] : memref<20480xf32, #tpu.memory_space<vmem>> -> memref<2048xf32, #tpu.memory_space<vmem>>
    %dma_wait3A_700 = tpu.memref_slice %arg3[%add3A_697] : memref<28508160xf32, #tpu.memory_space<hbm>> -> memref<2048xf32, #tpu.memory_space<hbm>>
    %dma_wait3A_701 = tpu.memref_slice %arg3[%add3A_697] : memref<28508160xf32, #tpu.memory_space<hbm>> -> memref<2048xf32, #tpu.memory_space<hbm>>
    %dma_wait3A_702 = arith.constant 2048 : i32
    %dma_wait3A_703 = tpu.memref_slice %arg5[%dma_wait3A_702] : memref<20480xf32, #tpu.memory_space<vmem>> -> memref<2048xf32, #tpu.memory_space<vmem>>
    tpu.wait_dma2 semaphore(%arg6 : memref<!tpu.dma_semaphore, #tpu.memory_space<semaphore_mem>>) src(%dma_wait3A_703 : memref<2048xf32, #tpu.memory_space<vmem>>) dst(%dma_wait3A_701 : memref<2048xf32, #tpu.memory_space<hbm>>)
    %add3A_704 = arith.constant 27656192 : i32
    %add3A_705 = arith.addi %add3A_704, %mul3A_2 : i32
    %dma_wait3A_706 = arith.constant 4096 : i32
    %dma_wait3A_707 = tpu.memref_slice %arg5[%dma_wait3A_706] : memref<20480xf32, #tpu.memory_space<vmem>> -> memref<2048xf32, #tpu.memory_space<vmem>>
    %dma_wait3A_708 = tpu.memref_slice %arg3[%add3A_705] : memref<28508160xf32, #tpu.memory_space<hbm>> -> memref<2048xf32, #tpu.memory_space<hbm>>
    %dma_wait3A_709 = tpu.memref_slice %arg3[%add3A_705] : memref<28508160xf32, #tpu.memory_space<hbm>> -> memref<2048xf32, #tpu.memory_space<hbm>>
    %dma_wait3A_710 = arith.constant 4096 : i32
    %dma_wait3A_711 = tpu.memref_slice %arg5[%dma_wait3A_710] : memref<20480xf32, #tpu.memory_space<vmem>> -> memref<2048xf32, #tpu.memory_space<vmem>>
    tpu.wait_dma2 semaphore(%arg6 : memref<!tpu.dma_semaphore, #tpu.memory_space<semaphore_mem>>) src(%dma_wait3A_711 : memref<2048xf32, #tpu.memory_space<vmem>>) dst(%dma_wait3A_709 : memref<2048xf32, #tpu.memory_space<hbm>>)
    %add3A_712 = arith.constant 27721728 : i32
    %add3A_713 = arith.addi %add3A_712, %mul3A_2 : i32
    %dma_wait3A_714 = arith.constant 6144 : i32
    %dma_wait3A_715 = tpu.memref_slice %arg5[%dma_wait3A_714] : memref<20480xf32, #tpu.memory_space<vmem>> -> memref<2048xf32, #tpu.memory_space<vmem>>
    %dma_wait3A_716 = tpu.memref_slice %arg3[%add3A_713] : memref<28508160xf32, #tpu.memory_space<hbm>> -> memref<2048xf32, #tpu.memory_space<hbm>>
    %dma_wait3A_717 = tpu.memref_slice %arg3[%add3A_713] : memref<28508160xf32, #tpu.memory_space<hbm>> -> memref<2048xf32, #tpu.memory_space<hbm>>
    %dma_wait3A_718 = arith.constant 6144 : i32
    %dma_wait3A_719 = tpu.memref_slice %arg5[%dma_wait3A_718] : memref<20480xf32, #tpu.memory_space<vmem>> -> memref<2048xf32, #tpu.memory_space<vmem>>
    tpu.wait_dma2 semaphore(%arg6 : memref<!tpu.dma_semaphore, #tpu.memory_space<semaphore_mem>>) src(%dma_wait3A_719 : memref<2048xf32, #tpu.memory_space<vmem>>) dst(%dma_wait3A_717 : memref<2048xf32, #tpu.memory_space<hbm>>)
    %add3A_720 = arith.constant 27787264 : i32
    %add3A_721 = arith.addi %add3A_720, %mul3A_2 : i32
    %dma_wait3A_722 = arith.constant 8192 : i32
    %dma_wait3A_723 = tpu.memref_slice %arg5[%dma_wait3A_722] : memref<20480xf32, #tpu.memory_space<vmem>> -> memref<2048xf32, #tpu.memory_space<vmem>>
    %dma_wait3A_724 = tpu.memref_slice %arg3[%add3A_721] : memref<28508160xf32, #tpu.memory_space<hbm>> -> memref<2048xf32, #tpu.memory_space<hbm>>
    %dma_wait3A_725 = tpu.memref_slice %arg3[%add3A_721] : memref<28508160xf32, #tpu.memory_space<hbm>> -> memref<2048xf32, #tpu.memory_space<hbm>>
    %dma_wait3A_726 = arith.constant 8192 : i32
    %dma_wait3A_727 = tpu.memref_slice %arg5[%dma_wait3A_726] : memref<20480xf32, #tpu.memory_space<vmem>> -> memref<2048xf32, #tpu.memory_space<vmem>>
    tpu.wait_dma2 semaphore(%arg6 : memref<!tpu.dma_semaphore, #tpu.memory_space<semaphore_mem>>) src(%dma_wait3A_727 : memref<2048xf32, #tpu.memory_space<vmem>>) dst(%dma_wait3A_725 : memref<2048xf32, #tpu.memory_space<hbm>>)
    %add3A_728 = arith.constant 1 : i32
    %add3A_729 = arith.addi %scan3A_686#1, %add3A_728 : i32
    %ge3A_730 = arith.constant 30 : i32
    %ge3A_731 = arith.cmpi sge, %add3A_729, %ge3A_730 : i32
    %add3A_732 = arith.constant 1 : i32
    %add3A_733 = arith.addi %scan3A_686#0, %add3A_732 : i32
    %select_n3A_734 = arith.select %ge3A_731, %add3A_733, %scan3A_686#0 : i32
    %add3A_735 = arith.constant 1 : i32
    %add3A_736 = arith.addi %select_n3A_734, %add3A_735 : i32
    %select_n3A_737 = arith.select %ge3A_731, %add3A_736, %add3A_729 : i32
    %add3A_738 = arith.constant 1 : i32
    %add3A_739 = arith.addi %select_n3A_737, %add3A_738 : i32
    %ge3A_740 = arith.constant 30 : i32
    %ge3A_741 = arith.cmpi sge, %add3A_739, %ge3A_740 : i32
    %or3A_742 = arith.ori %ge3A_731, %ge3A_741 : i1
    %add3A_743 = arith.constant 1 : i32
    %add3A_744 = arith.addi %select_n3A_734, %add3A_743 : i32
    %select_n3A_745 = arith.select %ge3A_741, %add3A_744, %select_n3A_734 : i32
    %add3A_746 = arith.constant 1 : i32
    %add3A_747 = arith.addi %select_n3A_745, %add3A_746 : i32
    %select_n3A_748 = arith.select %ge3A_741, %add3A_747, %add3A_739 : i32
    %add3A_749 = arith.constant 1 : i32
    %add3A_750 = arith.addi %select_n3A_748, %add3A_749 : i32
    %ge3A_751 = arith.constant 30 : i32
    %ge3A_752 = arith.cmpi sge, %add3A_750, %ge3A_751 : i32
    %or3A_753 = arith.ori %or3A_742, %ge3A_752 : i1
    %add3A_754 = arith.constant 1 : i32
    %add3A_755 = arith.addi %select_n3A_745, %add3A_754 : i32
    %select_n3A_756 = arith.select %ge3A_752, %add3A_755, %select_n3A_745 : i32
    %add3A_757 = arith.constant 1 : i32
    %add3A_758 = arith.addi %select_n3A_756, %add3A_757 : i32
    %select_n3A_759 = arith.select %ge3A_752, %add3A_758, %add3A_750 : i32
    %add3A_760 = arith.constant 1 : i32
    %add3A_761 = arith.addi %select_n3A_759, %add3A_760 : i32
    %ge3A_762 = arith.constant 30 : i32
    %ge3A_763 = arith.cmpi sge, %add3A_761, %ge3A_762 : i32
    %or3A_764 = arith.ori %or3A_753, %ge3A_763 : i1
    %add3A_765 = arith.constant 1 : i32
    %add3A_766 = arith.addi %select_n3A_756, %add3A_765 : i32
    %select_n3A_767 = arith.select %ge3A_763, %add3A_766, %select_n3A_756 : i32
    %add3A_768 = arith.constant 1 : i32
    %add3A_769 = arith.addi %select_n3A_767, %add3A_768 : i32
    %select_n3A_770 = arith.select %ge3A_763, %add3A_769, %add3A_761 : i32
    %add3A_771 = arith.constant 1 : i32
    %add3A_772 = arith.addi %select_n3A_770, %add3A_771 : i32
    %ge3A_773 = arith.constant 30 : i32
    %ge3A_774 = arith.cmpi sge, %add3A_772, %ge3A_773 : i32
    %add3A_775 = arith.constant 1 : i32
    %add3A_776 = arith.addi %select_n3A_767, %add3A_775 : i32
    %select_n3A_777 = arith.select %ge3A_774, %add3A_776, %select_n3A_767 : i32
    %add3A_778 = arith.constant 1 : i32
    %add3A_779 = arith.addi %select_n3A_777, %add3A_778 : i32
    %select_n3A_780 = arith.select %ge3A_774, %add3A_779, %add3A_772 : i32
    %not3A_781 = arith.constant true
    %not3A_782 = arith.xori %or3A_764, %not3A_781 : i1
    %convert_element_type3A_783 = arith.extui %not3A_782 : i1 to i32
    %cond3A_784 = arith.constant 0 : i32
    %cond3A_785 = arith.cmpi ne, %convert_element_type3A_783, %cond3A_784 : i32
    scf.if %cond3A_785 {
      %mul3A_909 = arith.constant 2048 : i32
      %mul3A_910 = arith.muli %scan3A_686#0, %mul3A_909 : i32
      %mul3A_911 = arith.constant 2048 : i32
      %mul3A_912 = arith.muli %scan3A_686#1, %mul3A_911 : i32
      %parallel_loop3A = arith.constant 0 : i32
      %parallel_loop3A_913 = arith.constant 128 : i32
      %parallel_loop3A_914 = arith.constant 1 : i32
      scf.for %parallel_loop3A_915 = %parallel_loop3A to %parallel_loop3A_913 step %parallel_loop3A_914  : i32 {
        %parallel_loop3A_916 = arith.constant 16 : i32
        %parallel_loop3A_917 = arith.muli %parallel_loop3A_915, %parallel_loop3A_916 : i32
        %parallel_loop3A_918 = tpu.assume_multiple %parallel_loop3A_917, 16 : i32
        %parallel_loop3A_919 = arith.addi %mul3A_910, %parallel_loop3A_918 : i32
        %parallel_loop3A_920 = arith.index_cast %parallel_loop3A_919 : i32 to index
        %parallel_loop3A_921 = tpu.vector_load %arg4[%parallel_loop3A_920] {strides = array<i32>} : memref<61440xf32, #tpu.memory_space<vmem>>, vector<16xf32>,
        %parallel_loop3A_922 = arith.constant 0 : i32
        %parallel_loop3A_923 = arith.addi %mul3A_912, %parallel_loop3A_922 : i32
        %parallel_loop3A_924 = arith.addi %parallel_loop3A_923, %parallel_loop3A_918 : i32
        %parallel_loop3A_925 = arith.index_cast %parallel_loop3A_924 : i32 to index
        %parallel_loop3A_926 = tpu.vector_load %arg4[%parallel_loop3A_925] {strides = array<i32>} : memref<61440xf32, #tpu.memory_space<vmem>>, vector<16xf32>,
        %parallel_loop3A_927 = arith.addf %parallel_loop3A_921, %parallel_loop3A_926 : vector<16xf32>
        %parallel_loop3A_928 = arith.constant 0 : i32
        %parallel_loop3A_929 = arith.addi %parallel_loop3A_928, %parallel_loop3A_918 : i32
        %parallel_loop3A_930 = arith.index_cast %parallel_loop3A_929 : i32 to index
        %parallel_loop3A_931 = tpu.vector_load %arg5[%parallel_loop3A_930] {strides = array<i32>} : memref<20480xf32, #tpu.memory_space<vmem>>, vector<16xf32>,
        tpu.vector_store %arg5[%parallel_loop3A_930], %parallel_loop3A_927 {strides = array<i32>} : memref<20480xf32, #tpu.memory_space<vmem>>, vector<16xf32>,
        %parallel_loop3A_932 = arith.constant 2048 : i32
        %parallel_loop3A_933 = arith.addi %mul3A_912, %parallel_loop3A_932 : i32
        %parallel_loop3A_934 = arith.addi %parallel_loop3A_933, %parallel_loop3A_918 : i32
        %parallel_loop3A_935 = arith.index_cast %parallel_loop3A_934 : i32 to index
        %parallel_loop3A_936 = tpu.vector_load %arg4[%parallel_loop3A_935] {strides = array<i32>} : memref<61440xf32, #tpu.memory_space<vmem>>, vector<16xf32>,
        %parallel_loop3A_937 = arith.addf %parallel_loop3A_921, %parallel_loop3A_936 : vector<16xf32>
        %parallel_loop3A_938 = arith.constant 2048 : i32
        %parallel_loop3A_939 = arith.addi %parallel_loop3A_938, %parallel_loop3A_918 : i32
        %parallel_loop3A_940 = arith.index_cast %parallel_loop3A_939 : i32 to index
        %parallel_loop3A_941 = tpu.vector_load %arg5[%parallel_loop3A_940] {strides = array<i32>} : memref<20480xf32, #tpu.memory_space<vmem>>, vector<16xf32>,
        tpu.vector_store %arg5[%parallel_loop3A_940], %parallel_loop3A_937 {strides = array<i32>} : memref<20480xf32, #tpu.memory_space<vmem>>, vector<16xf32>,
        %parallel_loop3A_942 = arith.constant 4096 : i32
        %parallel_loop3A_943 = arith.addi %mul3A_912, %parallel_loop3A_942 : i32
        %parallel_loop3A_944 = arith.addi %parallel_loop3A_943, %parallel_loop3A_918 : i32
        %parallel_loop3A_945 = arith.index_cast %parallel_loop3A_944 : i32 to index
        %parallel_loop3A_946 = tpu.vector_load %arg4[%parallel_loop3A_945] {strides = array<i32>} : memref<61440xf32, #tpu.memory_space<vmem>>, vector<16xf32>,
        %parallel_loop3A_947 = arith.addf %parallel_loop3A_921, %parallel_loop3A_946 : vector<16xf32>
        %parallel_loop3A_948 = arith.constant 4096 : i32
        %parallel_loop3A_949 = arith.addi %parallel_loop3A_948, %parallel_loop3A_918 : i32
        %parallel_loop3A_950 = arith.index_cast %parallel_loop3A_949 : i32 to index
        %parallel_loop3A_951 = tpu.vector_load %arg5[%parallel_loop3A_950] {strides = array<i32>} : memref<20480xf32, #tpu.memory_space<vmem>>, vector<16xf32>,
        tpu.vector_store %arg5[%parallel_loop3A_950], %parallel_loop3A_947 {strides = array<i32>} : memref<20480xf32, #tpu.memory_space<vmem>>, vector<16xf32>,
        %parallel_loop3A_952 = arith.constant 6144 : i32
        %parallel_loop3A_953 = arith.addi %mul3A_912, %parallel_loop3A_952 : i32
        %parallel_loop3A_954 = arith.addi %parallel_loop3A_953, %parallel_loop3A_918 : i32
        %parallel_loop3A_955 = arith.index_cast %parallel_loop3A_954 : i32 to index
        %parallel_loop3A_956 = tpu.vector_load %arg4[%parallel_loop3A_955] {strides = array<i32>} : memref<61440xf32, #tpu.memory_space<vmem>>, vector<16xf32>,
        %parallel_loop3A_957 = arith.addf %parallel_loop3A_921, %parallel_loop3A_956 : vector<16xf32>
        %parallel_loop3A_958 = arith.constant 6144 : i32
        %parallel_loop3A_959 = arith.addi %parallel_loop3A_958, %parallel_loop3A_918 : i32
        %parallel_loop3A_960 = arith.index_cast %parallel_loop3A_959 : i32 to index
        %parallel_loop3A_961 = tpu.vector_load %arg5[%parallel_loop3A_960] {strides = array<i32>} : memref<20480xf32, #tpu.memory_space<vmem>>, vector<16xf32>,
        tpu.vector_store %arg5[%parallel_loop3A_960], %parallel_loop3A_957 {strides = array<i32>} : memref<20480xf32, #tpu.memory_space<vmem>>, vector<16xf32>,
        %parallel_loop3A_962 = arith.constant 8192 : i32
        %parallel_loop3A_963 = arith.addi %mul3A_912, %parallel_loop3A_962 : i32
        %parallel_loop3A_964 = arith.addi %parallel_loop3A_963, %parallel_loop3A_918 : i32
        %parallel_loop3A_965 = arith.index_cast %parallel_loop3A_964 : i32 to index
        %parallel_loop3A_966 = tpu.vector_load %arg4[%parallel_loop3A_965] {strides = array<i32>} : memref<61440xf32, #tpu.memory_space<vmem>>, vector<16xf32>,
        %parallel_loop3A_967 = arith.addf %parallel_loop3A_921, %parallel_loop3A_966 : vector<16xf32>
        %parallel_loop3A_968 = arith.constant 8192 : i32
        %parallel_loop3A_969 = arith.addi %parallel_loop3A_968, %parallel_loop3A_918 : i32
        %parallel_loop3A_970 = arith.index_cast %parallel_loop3A_969 : i32 to index
        %parallel_loop3A_971 = tpu.vector_load %arg5[%parallel_loop3A_970] {strides = array<i32>} : memref<20480xf32, #tpu.memory_space<vmem>>, vector<16xf32>,
        tpu.vector_store %arg5[%parallel_loop3A_970], %parallel_loop3A_967 {strides = array<i32>} : memref<20480xf32, #tpu.memory_space<vmem>>, vector<16xf32>,
      } {sc.loop_unroll_factor = 8 : i64, sc.parallel_access}
    } else {
    }
    %convert_element_type3A_786 = arith.extui %or3A_764 : i1 to i32
    %cond3A_787 = arith.constant 0 : i32
    %cond3A_788 = arith.cmpi ne, %convert_element_type3A_786, %cond3A_787 : i32
    scf.if %cond3A_788 {
      %mul3A_909 = arith.constant 2048 : i32
      %mul3A_910 = arith.muli %scan3A_686#0, %mul3A_909 : i32
      %mul3A_911 = arith.constant 2048 : i32
      %mul3A_912 = arith.muli %scan3A_686#1, %mul3A_911 : i32
      %parallel_loop3A = arith.constant 0 : i32
      %parallel_loop3A_913 = arith.constant 128 : i32
      %parallel_loop3A_914 = arith.constant 1 : i32
      scf.for %parallel_loop3A_943 = %parallel_loop3A to %parallel_loop3A_913 step %parallel_loop3A_914  : i32 {
        %parallel_loop3A_944 = arith.constant 16 : i32
        %parallel_loop3A_945 = arith.muli %parallel_loop3A_943, %parallel_loop3A_944 : i32
        %parallel_loop3A_946 = tpu.assume_multiple %parallel_loop3A_945, 16 : i32
        %parallel_loop3A_947 = arith.addi %mul3A_910, %parallel_loop3A_946 : i32
        %parallel_loop3A_948 = arith.index_cast %parallel_loop3A_947 : i32 to index
        %parallel_loop3A_949 = tpu.vector_load %arg4[%parallel_loop3A_948] {strides = array<i32>} : memref<61440xf32, #tpu.memory_space<vmem>>, vector<16xf32>,
        %parallel_loop3A_950 = arith.addi %mul3A_912, %parallel_loop3A_946 : i32
        %parallel_loop3A_951 = arith.index_cast %parallel_loop3A_950 : i32 to index
        %parallel_loop3A_952 = tpu.vector_load %arg4[%parallel_loop3A_951] {strides = array<i32>} : memref<61440xf32, #tpu.memory_space<vmem>>, vector<16xf32>,
        %parallel_loop3A_953 = arith.addf %parallel_loop3A_949, %parallel_loop3A_952 : vector<16xf32>
        %parallel_loop3A_954 = arith.constant 0 : i32
        %parallel_loop3A_955 = arith.addi %parallel_loop3A_954, %parallel_loop3A_946 : i32
        %parallel_loop3A_956 = arith.index_cast %parallel_loop3A_955 : i32 to index
        %parallel_loop3A_957 = tpu.vector_load %arg5[%parallel_loop3A_956] {strides = array<i32>} : memref<20480xf32, #tpu.memory_space<vmem>>, vector<16xf32>,
        tpu.vector_store %arg5[%parallel_loop3A_956], %parallel_loop3A_953 {strides = array<i32>} : memref<20480xf32, #tpu.memory_space<vmem>>, vector<16xf32>,
      } {sc.loop_unroll_factor = 8 : i64, sc.parallel_access}
      %mul3A_915 = arith.constant 2048 : i32
      %mul3A_916 = arith.muli %select_n3A_734, %mul3A_915 : i32
      %mul3A_917 = arith.constant 2048 : i32
      %mul3A_918 = arith.muli %select_n3A_737, %mul3A_917 : i32
      %parallel_loop3A_919 = arith.constant 0 : i32
      %parallel_loop3A_920 = arith.constant 128 : i32
      %parallel_loop3A_921 = arith.constant 1 : i32
      scf.for %parallel_loop3A_943 = %parallel_loop3A_919 to %parallel_loop3A_920 step %parallel_loop3A_921  : i32 {
        %parallel_loop3A_944 = arith.constant 16 : i32
        %parallel_loop3A_945 = arith.muli %parallel_loop3A_943, %parallel_loop3A_944 : i32
        %parallel_loop3A_946 = tpu.assume_multiple %parallel_loop3A_945, 16 : i32
        %parallel_loop3A_947 = arith.addi %mul3A_916, %parallel_loop3A_946 : i32
        %parallel_loop3A_948 = arith.index_cast %parallel_loop3A_947 : i32 to index
        %parallel_loop3A_949 = tpu.vector_load %arg4[%parallel_loop3A_948] {strides = array<i32>} : memref<61440xf32, #tpu.memory_space<vmem>>, vector<16xf32>,
        %parallel_loop3A_950 = arith.addi %mul3A_918, %parallel_loop3A_946 : i32
        %parallel_loop3A_951 = arith.index_cast %parallel_loop3A_950 : i32 to index
        %parallel_loop3A_952 = tpu.vector_load %arg4[%parallel_loop3A_951] {strides = array<i32>} : memref<61440xf32, #tpu.memory_space<vmem>>, vector<16xf32>,
        %parallel_loop3A_953 = arith.addf %parallel_loop3A_949, %parallel_loop3A_952 : vector<16xf32>
        %parallel_loop3A_954 = arith.constant 2048 : i32
        %parallel_loop3A_955 = arith.addi %parallel_loop3A_954, %parallel_loop3A_946 : i32
        %parallel_loop3A_956 = arith.index_cast %parallel_loop3A_955 : i32 to index
        %parallel_loop3A_957 = tpu.vector_load %arg5[%parallel_loop3A_956] {strides = array<i32>} : memref<20480xf32, #tpu.memory_space<vmem>>, vector<16xf32>,
        tpu.vector_store %arg5[%parallel_loop3A_956], %parallel_loop3A_953 {strides = array<i32>} : memref<20480xf32, #tpu.memory_space<vmem>>, vector<16xf32>,
      } {sc.loop_unroll_factor = 8 : i64, sc.parallel_access}
      %mul3A_922 = arith.constant 2048 : i32
      %mul3A_923 = arith.muli %select_n3A_745, %mul3A_922 : i32
      %mul3A_924 = arith.constant 2048 : i32
      %mul3A_925 = arith.muli %select_n3A_748, %mul3A_924 : i32
      %parallel_loop3A_926 = arith.constant 0 : i32
      %parallel_loop3A_927 = arith.constant 128 : i32
      %parallel_loop3A_928 = arith.constant 1 : i32
      scf.for %parallel_loop3A_943 = %parallel_loop3A_926 to %parallel_loop3A_927 step %parallel_loop3A_928  : i32 {
        %parallel_loop3A_944 = arith.constant 16 : i32
        %parallel_loop3A_945 = arith.muli %parallel_loop3A_943, %parallel_loop3A_944 : i32
        %parallel_loop3A_946 = tpu.assume_multiple %parallel_loop3A_945, 16 : i32
        %parallel_loop3A_947 = arith.addi %mul3A_923, %parallel_loop3A_946 : i32
        %parallel_loop3A_948 = arith.index_cast %parallel_loop3A_947 : i32 to index
        %parallel_loop3A_949 = tpu.vector_load %arg4[%parallel_loop3A_948] {strides = array<i32>} : memref<61440xf32, #tpu.memory_space<vmem>>, vector<16xf32>,
        %parallel_loop3A_950 = arith.addi %mul3A_925, %parallel_loop3A_946 : i32
        %parallel_loop3A_951 = arith.index_cast %parallel_loop3A_950 : i32 to index
        %parallel_loop3A_952 = tpu.vector_load %arg4[%parallel_loop3A_951] {strides = array<i32>} : memref<61440xf32, #tpu.memory_space<vmem>>, vector<16xf32>,
        %parallel_loop3A_953 = arith.addf %parallel_loop3A_949, %parallel_loop3A_952 : vector<16xf32>
        %parallel_loop3A_954 = arith.constant 4096 : i32
        %parallel_loop3A_955 = arith.addi %parallel_loop3A_954, %parallel_loop3A_946 : i32
        %parallel_loop3A_956 = arith.index_cast %parallel_loop3A_955 : i32 to index
        %parallel_loop3A_957 = tpu.vector_load %arg5[%parallel_loop3A_956] {strides = array<i32>} : memref<20480xf32, #tpu.memory_space<vmem>>, vector<16xf32>,
        tpu.vector_store %arg5[%parallel_loop3A_956], %parallel_loop3A_953 {strides = array<i32>} : memref<20480xf32, #tpu.memory_space<vmem>>, vector<16xf32>,
      } {sc.loop_unroll_factor = 8 : i64, sc.parallel_access}
      %mul3A_929 = arith.constant 2048 : i32
      %mul3A_930 = arith.muli %select_n3A_756, %mul3A_929 : i32
      %mul3A_931 = arith.constant 2048 : i32
      %mul3A_932 = arith.muli %select_n3A_759, %mul3A_931 : i32
      %parallel_loop3A_933 = arith.constant 0 : i32
      %parallel_loop3A_934 = arith.constant 128 : i32
      %parallel_loop3A_935 = arith.constant 1 : i32
      scf.for %parallel_loop3A_943 = %parallel_loop3A_933 to %parallel_loop3A_934 step %parallel_loop3A_935  : i32 {
        %parallel_loop3A_944 = arith.constant 16 : i32
        %parallel_loop3A_945 = arith.muli %parallel_loop3A_943, %parallel_loop3A_944 : i32
        %parallel_loop3A_946 = tpu.assume_multiple %parallel_loop3A_945, 16 : i32
        %parallel_loop3A_947 = arith.addi %mul3A_930, %parallel_loop3A_946 : i32
        %parallel_loop3A_948 = arith.index_cast %parallel_loop3A_947 : i32 to index
        %parallel_loop3A_949 = tpu.vector_load %arg4[%parallel_loop3A_948] {strides = array<i32>} : memref<61440xf32, #tpu.memory_space<vmem>>, vector<16xf32>,
        %parallel_loop3A_950 = arith.addi %mul3A_932, %parallel_loop3A_946 : i32
        %parallel_loop3A_951 = arith.index_cast %parallel_loop3A_950 : i32 to index
        %parallel_loop3A_952 = tpu.vector_load %arg4[%parallel_loop3A_951] {strides = array<i32>} : memref<61440xf32, #tpu.memory_space<vmem>>, vector<16xf32>,
        %parallel_loop3A_953 = arith.addf %parallel_loop3A_949, %parallel_loop3A_952 : vector<16xf32>
        %parallel_loop3A_954 = arith.constant 6144 : i32
        %parallel_loop3A_955 = arith.addi %parallel_loop3A_954, %parallel_loop3A_946 : i32
        %parallel_loop3A_956 = arith.index_cast %parallel_loop3A_955 : i32 to index
        %parallel_loop3A_957 = tpu.vector_load %arg5[%parallel_loop3A_956] {strides = array<i32>} : memref<20480xf32, #tpu.memory_space<vmem>>, vector<16xf32>,
        tpu.vector_store %arg5[%parallel_loop3A_956], %parallel_loop3A_953 {strides = array<i32>} : memref<20480xf32, #tpu.memory_space<vmem>>, vector<16xf32>,
      } {sc.loop_unroll_factor = 8 : i64, sc.parallel_access}
      %mul3A_936 = arith.constant 2048 : i32
      %mul3A_937 = arith.muli %select_n3A_767, %mul3A_936 : i32
      %mul3A_938 = arith.constant 2048 : i32
      %mul3A_939 = arith.muli %select_n3A_770, %mul3A_938 : i32
      %parallel_loop3A_940 = arith.constant 0 : i32
      %parallel_loop3A_941 = arith.constant 128 : i32
      %parallel_loop3A_942 = arith.constant 1 : i32
      scf.for %parallel_loop3A_943 = %parallel_loop3A_940 to %parallel_loop3A_941 step %parallel_loop3A_942  : i32 {
        %parallel_loop3A_944 = arith.constant 16 : i32
        %parallel_loop3A_945 = arith.muli %parallel_loop3A_943, %parallel_loop3A_944 : i32
        %parallel_loop3A_946 = tpu.assume_multiple %parallel_loop3A_945, 16 : i32
        %parallel_loop3A_947 = arith.addi %mul3A_937, %parallel_loop3A_946 : i32
        %parallel_loop3A_948 = arith.index_cast %parallel_loop3A_947 : i32 to index
        %parallel_loop3A_949 = tpu.vector_load %arg4[%parallel_loop3A_948] {strides = array<i32>} : memref<61440xf32, #tpu.memory_space<vmem>>, vector<16xf32>,
        %parallel_loop3A_950 = arith.addi %mul3A_939, %parallel_loop3A_946 : i32
        %parallel_loop3A_951 = arith.index_cast %parallel_loop3A_950 : i32 to index
        %parallel_loop3A_952 = tpu.vector_load %arg4[%parallel_loop3A_951] {strides = array<i32>} : memref<61440xf32, #tpu.memory_space<vmem>>, vector<16xf32>,
        %parallel_loop3A_953 = arith.addf %parallel_loop3A_949, %parallel_loop3A_952 : vector<16xf32>
        %parallel_loop3A_954 = arith.constant 8192 : i32
        %parallel_loop3A_955 = arith.addi %parallel_loop3A_954, %parallel_loop3A_946 : i32
        %parallel_loop3A_956 = arith.index_cast %parallel_loop3A_955 : i32 to index
        %parallel_loop3A_957 = tpu.vector_load %arg5[%parallel_loop3A_956] {strides = array<i32>} : memref<20480xf32, #tpu.memory_space<vmem>>, vector<16xf32>,
        tpu.vector_store %arg5[%parallel_loop3A_956], %parallel_loop3A_953 {strides = array<i32>} : memref<20480xf32, #tpu.memory_space<vmem>>, vector<16xf32>,
      } {sc.loop_unroll_factor = 8 : i64, sc.parallel_access}
    } else {
    }
    %add3A_789 = arith.constant 28180480 : i32
    %add3A_790 = arith.addi %add3A_789, %mul3A_2 : i32
    %dma_start3A_791 = arith.constant 0 : i32
    %dma_start3A_792 = tpu.memref_slice %arg5[%dma_start3A_791] : memref<20480xf32, #tpu.memory_space<vmem>> -> memref<2048xf32, #tpu.memory_space<vmem>>
    %dma_start3A_793 = tpu.memref_slice %arg3[%add3A_790] : memref<28508160xf32, #tpu.memory_space<hbm>> -> memref<2048xf32, #tpu.memory_space<hbm>>
    %dma_start3A_794 = tpu.memref_slice %arg3[%add3A_790] : memref<28508160xf32, #tpu.memory_space<hbm>> -> memref<2048xf32, #tpu.memory_space<hbm>>
    %dma_start3A_795 = arith.constant 0 : i32
    %dma_start3A_796 = tpu.memref_slice %arg5[%dma_start3A_795] : memref<20480xf32, #tpu.memory_space<vmem>> -> memref<2048xf32, #tpu.memory_space<vmem>>
    tpu.enqueue_dma source(%dma_start3A_796 : memref<2048xf32, #tpu.memory_space<vmem>>) target(%dma_start3A_794 : memref<2048xf32, #tpu.memory_space<hbm>>) target_semaphore(%arg6 : memref<!tpu.dma_semaphore, #tpu.memory_space<semaphore_mem>>)
    %add3A_797 = arith.constant 28246016 : i32
    %add3A_798 = arith.addi %add3A_797, %mul3A_2 : i32
    %dma_start3A_799 = arith.constant 2048 : i32
    %dma_start3A_800 = tpu.memref_slice %arg5[%dma_start3A_799] : memref<20480xf32, #tpu.memory_space<vmem>> -> memref<2048xf32, #tpu.memory_space<vmem>>
    %dma_start3A_801 = tpu.memref_slice %arg3[%add3A_798] : memref<28508160xf32, #tpu.memory_space<hbm>> -> memref<2048xf32, #tpu.memory_space<hbm>>
    %dma_start3A_802 = tpu.memref_slice %arg3[%add3A_798] : memref<28508160xf32, #tpu.memory_space<hbm>> -> memref<2048xf32, #tpu.memory_space<hbm>>
    %dma_start3A_803 = arith.constant 2048 : i32
    %dma_start3A_804 = tpu.memref_slice %arg5[%dma_start3A_803] : memref<20480xf32, #tpu.memory_space<vmem>> -> memref<2048xf32, #tpu.memory_space<vmem>>
    tpu.enqueue_dma source(%dma_start3A_804 : memref<2048xf32, #tpu.memory_space<vmem>>) target(%dma_start3A_802 : memref<2048xf32, #tpu.memory_space<hbm>>) target_semaphore(%arg6 : memref<!tpu.dma_semaphore, #tpu.memory_space<semaphore_mem>>)
    %add3A_805 = arith.constant 28311552 : i32
    %add3A_806 = arith.addi %add3A_805, %mul3A_2 : i32
    %dma_start3A_807 = arith.constant 4096 : i32
    %dma_start3A_808 = tpu.memref_slice %arg5[%dma_start3A_807] : memref<20480xf32, #tpu.memory_space<vmem>> -> memref<2048xf32, #tpu.memory_space<vmem>>
    %dma_start3A_809 = tpu.memref_slice %arg3[%add3A_806] : memref<28508160xf32, #tpu.memory_space<hbm>> -> memref<2048xf32, #tpu.memory_space<hbm>>
    %dma_start3A_810 = tpu.memref_slice %arg3[%add3A_806] : memref<28508160xf32, #tpu.memory_space<hbm>> -> memref<2048xf32, #tpu.memory_space<hbm>>
    %dma_start3A_811 = arith.constant 4096 : i32
    %dma_start3A_812 = tpu.memref_slice %arg5[%dma_start3A_811] : memref<20480xf32, #tpu.memory_space<vmem>> -> memref<2048xf32, #tpu.memory_space<vmem>>
    tpu.enqueue_dma source(%dma_start3A_812 : memref<2048xf32, #tpu.memory_space<vmem>>) target(%dma_start3A_810 : memref<2048xf32, #tpu.memory_space<hbm>>) target_semaphore(%arg6 : memref<!tpu.dma_semaphore, #tpu.memory_space<semaphore_mem>>)
    %add3A_813 = arith.constant 28377088 : i32
    %add3A_814 = arith.addi %add3A_813, %mul3A_2 : i32
    %dma_start3A_815 = arith.constant 6144 : i32
    %dma_start3A_816 = tpu.memref_slice %arg5[%dma_start3A_815] : memref<20480xf32, #tpu.memory_space<vmem>> -> memref<2048xf32, #tpu.memory_space<vmem>>
    %dma_start3A_817 = tpu.memref_slice %arg3[%add3A_814] : memref<28508160xf32, #tpu.memory_space<hbm>> -> memref<2048xf32, #tpu.memory_space<hbm>>
    %dma_start3A_818 = tpu.memref_slice %arg3[%add3A_814] : memref<28508160xf32, #tpu.memory_space<hbm>> -> memref<2048xf32, #tpu.memory_space<hbm>>
    %dma_start3A_819 = arith.constant 6144 : i32
    %dma_start3A_820 = tpu.memref_slice %arg5[%dma_start3A_819] : memref<20480xf32, #tpu.memory_space<vmem>> -> memref<2048xf32, #tpu.memory_space<vmem>>
    tpu.enqueue_dma source(%dma_start3A_820 : memref<2048xf32, #tpu.memory_space<vmem>>) target(%dma_start3A_818 : memref<2048xf32, #tpu.memory_space<hbm>>) target_semaphore(%arg6 : memref<!tpu.dma_semaphore, #tpu.memory_space<semaphore_mem>>)
    %add3A_821 = arith.constant 28442624 : i32
    %add3A_822 = arith.addi %add3A_821, %mul3A_2 : i32
    %dma_start3A_823 = arith.constant 8192 : i32
    %dma_start3A_824 = tpu.memref_slice %arg5[%dma_start3A_823] : memref<20480xf32, #tpu.memory_space<vmem>> -> memref<2048xf32, #tpu.memory_space<vmem>>
    %dma_start3A_825 = tpu.memref_slice %arg3[%add3A_822] : memref<28508160xf32, #tpu.memory_space<hbm>> -> memref<2048xf32, #tpu.memory_space<hbm>>
    %dma_start3A_826 = tpu.memref_slice %arg3[%add3A_822] : memref<28508160xf32, #tpu.memory_space<hbm>> -> memref<2048xf32, #tpu.memory_space<hbm>>
    %dma_start3A_827 = arith.constant 8192 : i32
    %dma_start3A_828 = tpu.memref_slice %arg5[%dma_start3A_827] : memref<20480xf32, #tpu.memory_space<vmem>> -> memref<2048xf32, #tpu.memory_space<vmem>>
    tpu.enqueue_dma source(%dma_start3A_828 : memref<2048xf32, #tpu.memory_space<vmem>>) target(%dma_start3A_826 : memref<2048xf32, #tpu.memory_space<hbm>>) target_semaphore(%arg6 : memref<!tpu.dma_semaphore, #tpu.memory_space<semaphore_mem>>)
    %add3A_829 = arith.constant 28180480 : i32
    %add3A_830 = arith.addi %add3A_829, %mul3A_2 : i32
    %dma_wait3A_831 = arith.constant 0 : i32
    %dma_wait3A_832 = tpu.memref_slice %arg5[%dma_wait3A_831] : memref<20480xf32, #tpu.memory_space<vmem>> -> memref<2048xf32, #tpu.memory_space<vmem>>
    %dma_wait3A_833 = tpu.memref_slice %arg3[%add3A_830] : memref<28508160xf32, #tpu.memory_space<hbm>> -> memref<2048xf32, #tpu.memory_space<hbm>>
    %dma_wait3A_834 = tpu.memref_slice %arg3[%add3A_830] : memref<28508160xf32, #tpu.memory_space<hbm>> -> memref<2048xf32, #tpu.memory_space<hbm>>
    %dma_wait3A_835 = arith.constant 0 : i32
    %dma_wait3A_836 = tpu.memref_slice %arg5[%dma_wait3A_835] : memref<20480xf32, #tpu.memory_space<vmem>> -> memref<2048xf32, #tpu.memory_space<vmem>>
    tpu.wait_dma2 semaphore(%arg6 : memref<!tpu.dma_semaphore, #tpu.memory_space<semaphore_mem>>) src(%dma_wait3A_836 : memref<2048xf32, #tpu.memory_space<vmem>>) dst(%dma_wait3A_834 : memref<2048xf32, #tpu.memory_space<hbm>>)
    %add3A_837 = arith.constant 28246016 : i32
    %add3A_838 = arith.addi %add3A_837, %mul3A_2 : i32
    %dma_wait3A_839 = arith.constant 2048 : i32
    %dma_wait3A_840 = tpu.memref_slice %arg5[%dma_wait3A_839] : memref<20480xf32, #tpu.memory_space<vmem>> -> memref<2048xf32, #tpu.memory_space<vmem>>
    %dma_wait3A_841 = tpu.memref_slice %arg3[%add3A_838] : memref<28508160xf32, #tpu.memory_space<hbm>> -> memref<2048xf32, #tpu.memory_space<hbm>>
    %dma_wait3A_842 = tpu.memref_slice %arg3[%add3A_838] : memref<28508160xf32, #tpu.memory_space<hbm>> -> memref<2048xf32, #tpu.memory_space<hbm>>
    %dma_wait3A_843 = arith.constant 2048 : i32
    %dma_wait3A_844 = tpu.memref_slice %arg5[%dma_wait3A_843] : memref<20480xf32, #tpu.memory_space<vmem>> -> memref<2048xf32, #tpu.memory_space<vmem>>
    tpu.wait_dma2 semaphore(%arg6 : memref<!tpu.dma_semaphore, #tpu.memory_space<semaphore_mem>>) src(%dma_wait3A_844 : memref<2048xf32, #tpu.memory_space<vmem>>) dst(%dma_wait3A_842 : memref<2048xf32, #tpu.memory_space<hbm>>)
    %add3A_845 = arith.constant 28311552 : i32
    %add3A_846 = arith.addi %add3A_845, %mul3A_2 : i32
    %dma_wait3A_847 = arith.constant 4096 : i32
    %dma_wait3A_848 = tpu.memref_slice %arg5[%dma_wait3A_847] : memref<20480xf32, #tpu.memory_space<vmem>> -> memref<2048xf32, #tpu.memory_space<vmem>>
    %dma_wait3A_849 = tpu.memref_slice %arg3[%add3A_846] : memref<28508160xf32, #tpu.memory_space<hbm>> -> memref<2048xf32, #tpu.memory_space<hbm>>
    %dma_wait3A_850 = tpu.memref_slice %arg3[%add3A_846] : memref<28508160xf32, #tpu.memory_space<hbm>> -> memref<2048xf32, #tpu.memory_space<hbm>>
    %dma_wait3A_851 = arith.constant 4096 : i32
    %dma_wait3A_852 = tpu.memref_slice %arg5[%dma_wait3A_851] : memref<20480xf32, #tpu.memory_space<vmem>> -> memref<2048xf32, #tpu.memory_space<vmem>>
    tpu.wait_dma2 semaphore(%arg6 : memref<!tpu.dma_semaphore, #tpu.memory_space<semaphore_mem>>) src(%dma_wait3A_852 : memref<2048xf32, #tpu.memory_space<vmem>>) dst(%dma_wait3A_850 : memref<2048xf32, #tpu.memory_space<hbm>>)
    %add3A_853 = arith.constant 28377088 : i32
    %add3A_854 = arith.addi %add3A_853, %mul3A_2 : i32
    %dma_wait3A_855 = arith.constant 6144 : i32
    %dma_wait3A_856 = tpu.memref_slice %arg5[%dma_wait3A_855] : memref<20480xf32, #tpu.memory_space<vmem>> -> memref<2048xf32, #tpu.memory_space<vmem>>
    %dma_wait3A_857 = tpu.memref_slice %arg3[%add3A_854] : memref<28508160xf32, #tpu.memory_space<hbm>> -> memref<2048xf32, #tpu.memory_space<hbm>>
    %dma_wait3A_858 = tpu.memref_slice %arg3[%add3A_854] : memref<28508160xf32, #tpu.memory_space<hbm>> -> memref<2048xf32, #tpu.memory_space<hbm>>
    %dma_wait3A_859 = arith.constant 6144 : i32
    %dma_wait3A_860 = tpu.memref_slice %arg5[%dma_wait3A_859] : memref<20480xf32, #tpu.memory_space<vmem>> -> memref<2048xf32, #tpu.memory_space<vmem>>
    tpu.wait_dma2 semaphore(%arg6 : memref<!tpu.dma_semaphore, #tpu.memory_space<semaphore_mem>>) src(%dma_wait3A_860 : memref<2048xf32, #tpu.memory_space<vmem>>) dst(%dma_wait3A_858 : memref<2048xf32, #tpu.memory_space<hbm>>)
    %add3A_861 = arith.constant 28442624 : i32
    %add3A_862 = arith.addi %add3A_861, %mul3A_2 : i32
    %dma_wait3A_863 = arith.constant 8192 : i32
    %dma_wait3A_864 = tpu.memref_slice %arg5[%dma_wait3A_863] : memref<20480xf32, #tpu.memory_space<vmem>> -> memref<2048xf32, #tpu.memory_space<vmem>>
    %dma_wait3A_865 = tpu.memref_slice %arg3[%add3A_862] : memref<28508160xf32, #tpu.memory_space<hbm>> -> memref<2048xf32, #tpu.memory_space<hbm>>
    %dma_wait3A_866 = tpu.memref_slice %arg3[%add3A_862] : memref<28508160xf32, #tpu.memory_space<hbm>> -> memref<2048xf32, #tpu.memory_space<hbm>>
    %dma_wait3A_867 = arith.constant 8192 : i32
    %dma_wait3A_868 = tpu.memref_slice %arg5[%dma_wait3A_867] : memref<20480xf32, #tpu.memory_space<vmem>> -> memref<2048xf32, #tpu.memory_space<vmem>>
    tpu.wait_dma2 semaphore(%arg6 : memref<!tpu.dma_semaphore, #tpu.memory_space<semaphore_mem>>) src(%dma_wait3A_868 : memref<2048xf32, #tpu.memory_space<vmem>>) dst(%dma_wait3A_866 : memref<2048xf32, #tpu.memory_space<hbm>>)
    %add3A_869 = arith.constant 27852800 : i32
    %add3A_870 = arith.addi %add3A_869, %mul3A_2 : i32
    %dma_wait3A_871 = arith.constant 10240 : i32
    %dma_wait3A_872 = tpu.memref_slice %arg5[%dma_wait3A_871] : memref<20480xf32, #tpu.memory_space<vmem>> -> memref<2048xf32, #tpu.memory_space<vmem>>
    %dma_wait3A_873 = tpu.memref_slice %arg3[%add3A_870] : memref<28508160xf32, #tpu.memory_space<hbm>> -> memref<2048xf32, #tpu.memory_space<hbm>>
    %dma_wait3A_874 = tpu.memref_slice %arg3[%add3A_870] : memref<28508160xf32, #tpu.memory_space<hbm>> -> memref<2048xf32, #tpu.memory_space<hbm>>
    %dma_wait3A_875 = arith.constant 10240 : i32
    %dma_wait3A_876 = tpu.memref_slice %arg5[%dma_wait3A_875] : memref<20480xf32, #tpu.memory_space<vmem>> -> memref<2048xf32, #tpu.memory_space<vmem>>
    tpu.wait_dma2 semaphore(%arg7 : memref<!tpu.dma_semaphore, #tpu.memory_space<semaphore_mem>>) src(%dma_wait3A_876 : memref<2048xf32, #tpu.memory_space<vmem>>) dst(%dma_wait3A_874 : memref<2048xf32, #tpu.memory_space<hbm>>)
    %add3A_877 = arith.constant 27918336 : i32
    %add3A_878 = arith.addi %add3A_877, %mul3A_2 : i32
    %dma_wait3A_879 = arith.constant 12288 : i32
    %dma_wait3A_880 = tpu.memref_slice %arg5[%dma_wait3A_879] : memref<20480xf32, #tpu.memory_space<vmem>> -> memref<2048xf32, #tpu.memory_space<vmem>>
    %dma_wait3A_881 = tpu.memref_slice %arg3[%add3A_878] : memref<28508160xf32, #tpu.memory_space<hbm>> -> memref<2048xf32, #tpu.memory_space<hbm>>
    %dma_wait3A_882 = tpu.memref_slice %arg3[%add3A_878] : memref<28508160xf32, #tpu.memory_space<hbm>> -> memref<2048xf32, #tpu.memory_space<hbm>>
    %dma_wait3A_883 = arith.constant 12288 : i32
    %dma_wait3A_884 = tpu.memref_slice %arg5[%dma_wait3A_883] : memref<20480xf32, #tpu.memory_space<vmem>> -> memref<2048xf32, #tpu.memory_space<vmem>>
    tpu.wait_dma2 semaphore(%arg7 : memref<!tpu.dma_semaphore, #tpu.memory_space<semaphore_mem>>) src(%dma_wait3A_884 : memref<2048xf32, #tpu.memory_space<vmem>>) dst(%dma_wait3A_882 : memref<2048xf32, #tpu.memory_space<hbm>>)
    %add3A_885 = arith.constant 27983872 : i32
    %add3A_886 = arith.addi %add3A_885, %mul3A_2 : i32
    %dma_wait3A_887 = arith.constant 14336 : i32
    %dma_wait3A_888 = tpu.memref_slice %arg5[%dma_wait3A_887] : memref<20480xf32, #tpu.memory_space<vmem>> -> memref<2048xf32, #tpu.memory_space<vmem>>
    %dma_wait3A_889 = tpu.memref_slice %arg3[%add3A_886] : memref<28508160xf32, #tpu.memory_space<hbm>> -> memref<2048xf32, #tpu.memory_space<hbm>>
    %dma_wait3A_890 = tpu.memref_slice %arg3[%add3A_886] : memref<28508160xf32, #tpu.memory_space<hbm>> -> memref<2048xf32, #tpu.memory_space<hbm>>
    %dma_wait3A_891 = arith.constant 14336 : i32
    %dma_wait3A_892 = tpu.memref_slice %arg5[%dma_wait3A_891] : memref<20480xf32, #tpu.memory_space<vmem>> -> memref<2048xf32, #tpu.memory_space<vmem>>
    tpu.wait_dma2 semaphore(%arg7 : memref<!tpu.dma_semaphore, #tpu.memory_space<semaphore_mem>>) src(%dma_wait3A_892 : memref<2048xf32, #tpu.memory_space<vmem>>) dst(%dma_wait3A_890 : memref<2048xf32, #tpu.memory_space<hbm>>)
    %add3A_893 = arith.constant 28049408 : i32
    %add3A_894 = arith.addi %add3A_893, %mul3A_2 : i32
    %dma_wait3A_895 = arith.constant 16384 : i32
    %dma_wait3A_896 = tpu.memref_slice %arg5[%dma_wait3A_895] : memref<20480xf32, #tpu.memory_space<vmem>> -> memref<2048xf32, #tpu.memory_space<vmem>>
    %dma_wait3A_897 = tpu.memref_slice %arg3[%add3A_894] : memref<28508160xf32, #tpu.memory_space<hbm>> -> memref<2048xf32, #tpu.memory_space<hbm>>
    %dma_wait3A_898 = tpu.memref_slice %arg3[%add3A_894] : memref<28508160xf32, #tpu.memory_space<hbm>> -> memref<2048xf32, #tpu.memory_space<hbm>>
    %dma_wait3A_899 = arith.constant 16384 : i32
    %dma_wait3A_900 = tpu.memref_slice %arg5[%dma_wait3A_899] : memref<20480xf32, #tpu.memory_space<vmem>> -> memref<2048xf32, #tpu.memory_space<vmem>>
    tpu.wait_dma2 semaphore(%arg7 : memref<!tpu.dma_semaphore, #tpu.memory_space<semaphore_mem>>) src(%dma_wait3A_900 : memref<2048xf32, #tpu.memory_space<vmem>>) dst(%dma_wait3A_898 : memref<2048xf32, #tpu.memory_space<hbm>>)
    %add3A_901 = arith.constant 28114944 : i32
    %add3A_902 = arith.addi %add3A_901, %mul3A_2 : i32
    %dma_wait3A_903 = arith.constant 18432 : i32
    %dma_wait3A_904 = tpu.memref_slice %arg5[%dma_wait3A_903] : memref<20480xf32, #tpu.memory_space<vmem>> -> memref<2048xf32, #tpu.memory_space<vmem>>
    %dma_wait3A_905 = tpu.memref_slice %arg3[%add3A_902] : memref<28508160xf32, #tpu.memory_space<hbm>> -> memref<2048xf32, #tpu.memory_space<hbm>>
    %dma_wait3A_906 = tpu.memref_slice %arg3[%add3A_902] : memref<28508160xf32, #tpu.memory_space<hbm>> -> memref<2048xf32, #tpu.memory_space<hbm>>
    %dma_wait3A_907 = arith.constant 18432 : i32
    %dma_wait3A_908 = tpu.memref_slice %arg5[%dma_wait3A_907] : memref<20480xf32, #tpu.memory_space<vmem>> -> memref<2048xf32, #tpu.memory_space<vmem>>
    tpu.wait_dma2 semaphore(%arg7 : memref<!tpu.dma_semaphore, #tpu.memory_space<semaphore_mem>>) src(%dma_wait3A_908 : memref<2048xf32, #tpu.memory_space<vmem>>) dst(%dma_wait3A_906 : memref<2048xf32, #tpu.memory_space<hbm>>)
    return
  }
}

</mosaic_0001>

<sc_bundles>
// kernel: kernel.3.cloned.1.call-start
scs
__scs_entry_jumppad:
0x0: {  	(pc) =	sbr.rel $0x88, $3  }
0x1: {  	(tag) =	ssettag $0x0;
	lr =	simm.s32 $0x1  }
0x2: {  	[smem:$0x3FA0] =	sst lr;
	_ =	strace $0xD0000000  }
0x3: {  	_ = 	snop  }
0x4: {  	_ = 	snop  }
0x5: {  	_ = 	snop  }
0x6: {  	_ = 	snop  }
0x7: {  	_ = 	snop  }
__scs_overlays_trampoline_lowered:
0x8: {  	[smem:$0x3FAF] =	sst s0  }
0x9: {  	[smem:$0x3FB0] =	sst s1  }
0xa: {  	[smem:$0x3FB1] =	sst s2  }
0xb: {  	[smem:$0x3FB2] =	sst s3  }
0xc: {  	[smem:$0x3FB3] =	sst s4  }
0xd: {  	[smem:$0x3FB4] =	sst s5  }
0xe: {  	[smem:$0x3FB5] =	sst s6  }
0xf: {  	[smem:$0x3FB6] =	sst s7  }
0x10: {  	[smem:$0x3FB7] =	sst s8  }
0x11: {  	[smem:$0x3FB8] =	sst s9;
	s0 =	simm.s32 @!p0 $0x0  }
0x12: {  	s1 =	sld [smem:$0x3F9E];
	s0 =	simm.s32 @p0 $0x1  }
0x13: {  	[smem:$0x3FB9] =	sst s0;
	s0 =	simm.s32 @!p1 $0x0  }
0x14: {  	s2 =	sld [smem:$0x3F9D];
	s0 =	simm.s32 @p1 $0x1  }
0x15: {  	[smem:$0x3FBA] =	sst s0;
	s0 =	simm.s32 @!p2 $0x0  }
0x16: {  	s3 =	sld [smem:$0x3FDB];
	s0 =	simm.s32 @p2 $0x1  }
0x17: {  	s4 =	simm.s32 $0x1BF5;
	[smem:$0x3FBC] =	sst s0  }
0x18: {  	s0 =	sld [smem:$0x3F9F];
	_ =	swait.ge [sflag:s4], $0x0  }
0x19: {  	s7 =	sld [smem:$0x3FA0]  }
0x1a: {  	s8 =	sadd.s32 $0xFFFFE003, lr  }
0x1b: {  	s9 =	sadd.s32 $0xFFFFFEF7, lr;
	s5 =	simm.s32 $0xFFFFFFFF;
	p2 =	slt.u32 s8, $0xFFFFF086  }
0x1c: {  	p1 =	slt.u32 s9, $0xF7A;
	s5 =	simm.s32 @!p2 $0x0  }
0x1d: {  	s5 =	simm.s32 @p1 $0x1;
	p0 =	seq.s32 s7, s2  }
0x1e: {  	s7 =	smul.u32 @!p0 $0xF7A, s2;
	p2 =	seq.s32 @!p0 s5, $0x0  }
0x1f: {  	s9 =	smul.u32 $0xF7A, s1;
	s8 =	simm.s32 @!p0 $0x1BF5;
	p2 =	por !p2, p0  }
0x20: {  	[sflag:s8] =	ssyncset.s32 @!p0 $0xFFFFF086;
	s6 =	sadd.s32 @!p0 s3, s7;
	s7 =	simm.s32 @!p0 $0x108  }
0x21: {  	s3 =	sadd.s32 s3, s9;
	s6 =	sadd.s32 @!p0 $0x88, s6;
	s7 =	simm.s32 @p2 $0x1082  }
0x22: {  	[simem:s7], [sflag:s8] =	dma.local @!p0 [hbm:s6], $0xF7A  }
0x23: {  	s9 =	sor.u32 $0xD0000000, s2;
	s6 =	simm.s32 $0x108;
	_ =	swait.ge @!p0 [sflag:s8], $0x0  }
0x24: {  	s3 =	sadd.s32 $0x88, s3;
	s6 =	simm.s32 @!p1 $0x1082;
	[sflag:s4] =	ssyncset.s32 $0xFFFFF086  }
0x25: {  	[simem:s6], [sflag:s4] =	dma.local [hbm:s3], $0xF7A  }
0x26: {  	[smem:$0x3FA0] =	sst s1;
	(tag) =	ssettag s2;
	_ =	strace s9  }
0x27: {  	s1 =	sld [smem:$0x3FB0]  }
0x28: {  	s2 =	sld [smem:$0x3FB1]  }
0x29: {  	s4 =	sld [smem:$0x3FB3]  }
0x2a: {  	p0 =	seq.s32 s5, $0x0;
	s5 =	sld [smem:$0x3FB4]  }
0x2b: {  	s6 =	sld [smem:$0x3FB5]  }
0x2c: {  	s7 =	sld [smem:$0x3FB6]  }
0x2d: {  	s3 =	simm.s32 $0x108;
	s8 =	sld [smem:$0x3FB7]  }
0x2e: {  	s3 =	simm.s32 @!p0 $0x1082;
	s9 =	sld [smem:$0x3FB8]  }
0x2f: {  	lr =	sadd.s32 s0, s3;
	s0 =	sld [smem:$0x3FAF]  }
0x30: {  	s3 =	sld [smem:$0x3FB2]  }
0x31: {  	[smem:$0x3FBB] =	sst s10  }
0x32: {  	s10 =	sld [smem:$0x3FB9];
	_ =	sdelay $0x3  }
0x33: {  	p0 =	seq.s32 s10, $0x1;
	s10 =	sld [smem:$0x3FBB];
	_ =	sdelay $0x3  }
0x34: {  	[smem:$0x3FBB] =	sst s10  }
0x35: {  	s10 =	sld [smem:$0x3FBA];
	_ =	sdelay $0x3  }
0x36: {  	p1 =	seq.s32 s10, $0x1;
	s10 =	sld [smem:$0x3FBB];
	_ =	sdelay $0x3  }
0x37: {  	[smem:$0x3FBB] =	sst s10  }
0x38: {  	s10 =	sld [smem:$0x3FBC]  }
0x39: {  	_ = 	snop;
	(pc) =	sbr.ind lr, $3  }
0x3a: {  	_ = 	snop  }
0x3b: {  	_ = 	snop  }
0x3c: {  	p2 =	seq.s32 s10, $0x1;
	s10 =	sld [smem:$0x3FBB]  }
0x3d: {  	_ =	shalt  }
0x3e: {  	_ =	shalt  }
0x3f: {  	_ =	shalt  }
0x40: {  	_ =	shalt  }
0x41: {  	_ =	shalt  }
0x42: {  	_ =	shalt  }
0x43: {  	_ =	shalt  }
0x44: {  	_ =	shalt  }
0x45: {  	_ =	shalt  }
0x46: {  	_ =	shalt  }
0x47: {  	_ =	shalt  }
0x48: {  	_ =	shalt  }
0x49: {  	_ =	shalt  }
0x4a: {  	_ =	shalt  }
0x4b: {  	_ =	shalt  }
0x4c: {  	_ =	shalt  }
0x4d: {  	_ =	shalt  }
0x4e: {  	_ =	shalt  }
0x4f: {  	_ =	shalt  }
0x50: {  	_ =	shalt  }
0x51: {  	_ =	shalt  }
0x52: {  	_ =	shalt  }
0x53: {  	_ =	shalt  }
0x54: {  	_ =	shalt  }
0x55: {  	_ =	shalt  }
0x56: {  	_ =	shalt  }
0x57: {  	_ =	shalt  }
0x58: {  	_ =	shalt  }
0x59: {  	_ =	shalt  }
0x5a: {  	_ =	shalt  }
0x5b: {  	_ =	shalt  }
0x5c: {  	_ =	shalt  }
0x5d: {  	_ =	shalt  }
0x5e: {  	_ =	shalt  }
0x5f: {  	_ =	shalt  }
0x60: {  	_ =	shalt  }
0x61: {  	_ =	shalt  }
0x62: {  	_ =	shalt  }
0x63: {  	_ =	shalt  }
0x64: {  	_ =	shalt  }
0x65: {  	_ =	shalt  }
0x66: {  	_ =	shalt  }
0x67: {  	_ =	shalt  }
0x68: {  	_ =	shalt  }
0x69: {  	_ =	shalt  }
0x6a: {  	_ =	shalt  }
0x6b: {  	_ =	shalt  }
0x6c: {  	_ =	shalt  }
0x6d: {  	_ =	shalt  }
0x6e: {  	_ =	shalt  }
0x6f: {  	_ =	shalt  }
0x70: {  	_ =	shalt  }
0x71: {  	_ =	shalt  }
0x72: {  	_ =	shalt  }
0x73: {  	_ =	shalt  }
0x74: {  	_ =	shalt  }
0x75: {  	_ =	shalt  }
0x76: {  	_ =	shalt  }
0x77: {  	_ =	shalt  }
0x78: {  	_ =	shalt  }
0x79: {  	_ =	shalt  }
0x7a: {  	_ =	shalt  }
0x7b: {  	_ =	shalt  }
0x7c: {  	_ =	shalt  }
0x7d: {  	_ =	shalt  }
0x7e: {  	_ =	shalt  }
0x7f: {  	_ =	shalt  }
0x80: {  	_ =	shalt  }
0x81: {  	_ =	shalt  }
0x82: {  	_ =	shalt  }
0x83: {  	_ =	shalt  }
0x84: {  	_ =	shalt  }
0x85: {  	_ =	shalt  }
0x86: {  	_ =	shalt  }
0x87: {  	_ =	shalt  }
.Lfunc_end0:
.L_simem_size_0:
called_computation_lowered:
.L_overlay_start_0:
0x88: {  	s2 =	sld [smem:$0x3FD9]  }
0x89: {  	s3 =	sld [smem:$0x3FFE];
	_ =	sdelay $0x1  }
0x8a: {  	s1 =	srdreg.scid  }
0x8b: {  	s0 =	sand.u32 $0x1, s1  }
0x8c: {  	s18 =	sshll.u32 s0, $0xA;
	s2 =	sadd.s32 s3, s2  }
0x8d: {  	s2 =	sadd.s32 s2, s18  }
0x8e: {  	[smem:$0x3FC7] =	sst s2  }
0x8f: {  	_ = 	snop  }
0x90: {  	s2 =	sld [smem:$0x3FC9]  }
0x91: {  	s19 =	sld [smem:$0x3FD0];
	(tm) =	ssettm $0x1  }
0x92: {  	s4 =	sld [smem:$0x3FFB];
	_ =	sdelay $0x3  }
0x93: {  	_ =	strace s4  }
0x94: {  	s4 =	sld [smem:$0x3FFC];
	_ =	sdelay $0x3  }
0x95: {  	_ =	strace s4  }
0x96: {  	s4 =	sld [smem:$0x3FFD];
	_ =	sdelay $0x3  }
0x97: {  	_ =	strace s4  }
0x98: {  	_ =	strace $0x8FFFFFFF  }
0x99: {  	s20 =	sld [smem:$0x3FDB];
	_ =	sdelay $0x1  }
0x9a: {  	s5 =	simm.s32 $_scs_section_size  }
0x9b: {  	s6 =	simm.s32 $_size__tile_overlayer_lowered;
	s7 =	simm.s32 $_tile_overlayer_lowered  }
0x9c: {  	s23 =	simm.s32 $0x1BFF;
	s22 =	sshll.u32 s7, $0x1;
	s4 =	sadd.s32 s5, s20  }
0x9d: {  	s8 =	simm.s32 $0x0;
	s21 =	sshll.u32 s6, $0x1;
	s6 =	sadd.s32 s22, s4  }
0x9e: {  	[timem:s8], [sflag:s23] =	dma.local [hbm:s6], s21  }
0x9f: {  	_ =	swait.ge [sflag:s23], s21  }
0xa0: {  	s5 =	ssub.s32 $0x0, s21;
	[sflag:s23] =	ssyncset.done $0x0  }
0xa1: {  	[sflag:s23] =	ssyncadd.s32 s5;
	_ =	sdelay $0x1  }
0xa2: {  	s24 =	simm.s32 $0x1B8B  }
0xa3: {  	_ =	swait.ge [sflag:s24], $0x1  }
0xa4: {  	[sflag:s24] =	ssyncset.done $0x0  }
0xa5: {  	s25 =	simm.s32 $0x1B8E;
	[sflag:s24] =	ssyncadd.s32 $0xFFFFFFFF  }
0xa6: {  	s26 =	simm.s32 $execute0_lowered;
	[smem:$0x3FD2] =	sst s25  }
0xa7: {  	s5 =	sshll.u32 s26, $0x1;
	_ =	strace $0x80000046;
	[dreg:$0x1] =	wrdreg $0xFFFFFFFF  }
0xa8: {  	s28 =	simm.s32 $_size_execute0_lowered;
	s4 =	sadd.s32 s4, s5;
	[dreg:$0x0] =	wrdreg $0x0  }
0xa9: {  	s5 =	sshll.u32 s28, $0x1;
	[dreg:$0x2] =	wrdreg s4  }
0xaa: {  	[dreg:$0x3] =	wrdreg s5  }
0xab: {  	[dreg:$0x4] =	wrdreg $0xC0  }
0xac: {  	_ =	task [dreg:s8], $0x5FFFF  }
0xad: {  	[dreg:$0x1] =	wrdreg $0xFFFFFFFF  }
0xae: {  	[dreg:$0x0] =	wrdreg $0x60  }
0xaf: {  	[dreg:$0x2] =	wrdreg s2  }
0xb0: {  	[dreg:$0x3] =	wrdreg s19  }
0xb1: {  	[dreg:$0x4] =	wrdreg $0x9  }
0xb2: {  	_ =	task.clear_ibuf [dreg:s8], $0x5FFFF;
	_ =	strace $0x90000046  }
0xb3: {  	s29 =	simm.s32 $0x9;
	_ =	strace $0x80000048  }
0xb4: {  	_ =	swait.ge [sflag:s29], $0x1  }
0xb5: {  	[sflag:s29] =	ssyncadd.s32 $0xFFFFFFFF  }
0xb6: {  	_ =	strace $0x90000048  }
0xb7: {  	_ =	sfence  }
0xb8: {  	s30 =	sld [smem:$0x0];
	_ =	sdelay $0x2  }
0xb9: {  	s31 =	sshll.u32 s1, $0xD;
	s1 =	sshrl.u32 s1, $0x2  }
0xba: {  	s3 =	sand.u32 $0x4000, s31;
	s1 =	sadd.s32 s1, s30  }
0xbb: {  	s0 =	sor.u32 s3, s0;
	s1 =	sshll.u32 s1, $0x11  }
0xbc: {  	s0 =	sor.u32 s1, s0  }
0xbd: {  	s0 =	sadd.s32 $0x8F2B, s0  }
0xbe: {  	[sflag:s0] =	ssyncadd.remote.s32 $0x1  }
0xbf: {  	_ =	sfence.sel $0xFFFF  }
0xc0: {  	[dreg:$0x0] =	wrdreg $0xFFFFFFFF;
	(pc) =	sbr.abs _section_cstart, $3  }
0xc1: {  	[dreg:$0x1] =	wrdreg $0xFFFFFFFF  }
0xc2: {  	_ =	task.clear_ibuf [dreg:s8], $0x2FFFF;
	_ =	strace $0x9FFFFFFF  }
0xc3: {  	(tm) =	ssettm $0x7FFFFFFF  }
tec
execute0_lowered:
.L_overlay_start_1:
0x0: {  	(tag) =	ssettag $0x1  }
0x1: {  	s0 =	rddreg [dreg:$0x0];
	s1 =	srdreg.scid  }
0x2: {  	s2 =	rddreg [dreg:$0x1];
	s1 =	sand.u32 $0x1, s1  }
0x3: {  	s3 =	simm.s32 $0x0;
	s4 =	stileid.u32;
	s5 =	ssub.s32 $0x2, s1  }
0x4: {  	s4 =	sshll.u32 s4, $0xC;
	s1 =	sshll.u32 s1, $0xB;
	s6 =	sshrl.u32 s5, $0x1  }
0x5: {  	[smem:$0x7FF] =	sst s3;
	s4 =	sor.u32 s1, s4;
	s1 =	ssub.s32 s5, s6  }
0x6: {  	_ =	strace $0x80000047;
	s19 =	sshrl.u32 s4, $0x3;
	s1 =	smax.u32 s1, $0x1  }
0x7: {  	s15 =	sadd.s32 s0, s19;
	s20 =	sor.u32 $0x2000, s19;
	[dreg:$0x17] =	wrdreg s1  }
0x8: {  	s7 =	sor.u32 $0x4000, s19;
	s8 =	sadd.s32 s0, s20;
	[dreg:$0x3] =	wrdreg s15  }
0x9: {  	s22 =	sor.u32 $0x6000, s19;
	s21 =	sadd.s32 s0, s7;
	[dreg:$0x4] =	wrdreg s8  }
0xa: {  	s23 =	sor.u32 $0x8000, s19;
	s9 =	sadd.s32 s0, s22;
	[dreg:$0x5] =	wrdreg s21  }
0xb: {  	s10 =	sor.u32 $0xA000, s19;
	s11 =	sadd.s32 s0, s23;
	[dreg:$0x6] =	wrdreg s9  }
0xc: {  	s25 =	sor.u32 $0xC000, s19;
	s24 =	sadd.s32 s0, s10;
	[dreg:$0x7] =	wrdreg s11  }
0xd: {  	s26 =	sor.u32 $0xE000, s19;
	s12 =	sadd.s32 s0, s25;
	[dreg:$0x8] =	wrdreg s24  }
0xe: {  	s13 =	sor.u32 $0x10000, s19;
	s14 =	sadd.s32 s0, s26;
	[dreg:$0x9] =	wrdreg s12  }
0xf: {  	s31 =	sor.u32 $0x12000, s19;
	s30 =	sadd.s32 s0, s13;
	[dreg:$0xa] =	wrdreg s14  }
0x10: {  	s0 =	sadd.s32 s0, s31;
	[dreg:$0xb] =	wrdreg s30  }
0x11: {  	s6 =	sadd.s32 s2, s20;
	[dreg:$0xc] =	wrdreg s0  }
0x12: {  	s7 =	sadd.s32 s2, s7;
	[dreg:$0xe] =	wrdreg s6  }
0x13: {  	s16 =	sadd.s32 s2, s10;
	[dreg:$0xf] =	wrdreg s7  }
0x14: {  	s17 =	sadd.s32 s2, s25;
	[dreg:$0x12] =	wrdreg s16  }
0x15: {  	s18 =	sadd.s32 s2, s26;
	[dreg:$0x13] =	wrdreg s17  }
0x16: {  	s20 =	sadd.s32 s2, s31;
	[dreg:$0x14] =	wrdreg s18  }
0x17: {  	s25 =	sadd.s32 $0x1C000, s15;
	[dreg:$0x16] =	wrdreg s20  }
0x18: {  	s26 =	sadd.s32 $0x1E000, s15;
	[dreg:$0x1c] =	wrdreg s25  }
0x19: {  	s31 =	sadd.s32 $0x22000, s15;
	[dreg:$0x1d] =	wrdreg s26  }
0x1a: {  	s5 =	sadd.s32 $0x24000, s15;
	[dreg:$0x1f] =	wrdreg s31  }
0x1b: {  	s10 =	sadd.s32 $0x2E000, s15;
	[smem:$0x7ED] =	sst s5  }
0x1c: {  	s8 =	sadd.s32 s2, s22;
	[smem:$0x7F2] =	sst s10  }
0x1d: {  	s9 =	sadd.s32 s2, s23;
	[dreg:$0x10] =	wrdreg s8  }
0x1e: {  	s0 =	sadd.s32 s2, s19;
	s19 =	sadd.s32 s2, s13;
	[dreg:$0x11] =	wrdreg s9  }
0x1f: {  	s21 =	sadd.s32 $0x14000, s15;
	[dreg:$0x15] =	wrdreg s19  }
0x20: {  	s22 =	sadd.s32 $0x16000, s15;
	[dreg:$0x18] =	wrdreg s21  }
0x21: {  	s23 =	sadd.s32 $0x18000, s15;
	[dreg:$0x19] =	wrdreg s22  }
0x22: {  	s24 =	sadd.s32 $0x1A000, s15;
	[dreg:$0x1a] =	wrdreg s23  }
0x23: {  	s30 =	sadd.s32 $0x20000, s15;
	[dreg:$0x1b] =	wrdreg s24  }
0x24: {  	s6 =	sadd.s32 $0x26000, s15;
	[dreg:$0x1e] =	wrdreg s30  }
0x25: {  	s7 =	sadd.s32 $0x28000, s15;
	[smem:$0x7EE] =	sst s6  }
0x26: {  	s11 =	sadd.s32 $0x30000, s15;
	[smem:$0x7EF] =	sst s7  }
0x27: {  	s12 =	sadd.s32 $0x32000, s15;
	[smem:$0x7F3] =	sst s11  }
0x28: {  	s13 =	sadd.s32 $0x34000, s15;
	[smem:$0x7F4] =	sst s12  }
0x29: {  	s29 =	sadd.s32 $0x2000, s2;
	s14 =	sadd.s32 $0x36000, s15;
	[smem:$0x7F5] =	sst s13  }
0x2a: {  	s28 =	sor.u32 $0x90000, s4;
	s16 =	sadd.s32 $0x38000, s15;
	[smem:$0x7F6] =	sst s14  }
0x2b: {  	s1 =	simm.s32 $0x0;
	s17 =	sadd.s32 $0x3A000, s15;
	[smem:$0x7F7] =	sst s16  }
0x2c: {  	s20 =	sor.u32 $0x20000, s4;
	s25 =	sor.u32 $0x70000, s4;
	[smem:$0x7F8] =	sst s17  }
0x2d: {  	s26 =	sor.u32 $0x80000, s4;
	s8 =	sadd.s32 $0x2A000, s15;
	[dreg:$0xd] =	wrdreg s0  }
0x2e: {  	s9 =	sadd.s32 $0x2C000, s15;
	s21 =	sor.u32 $0x30000, s4;
	[smem:$0x7F0] =	sst s8  }
0x2f: {  	s22 =	sor.u32 $0x40000, s4;
	s18 =	sadd.s32 $0x35C000, s0;
	[smem:$0x7F1] =	sst s9  }
0x30: {  	s23 =	sor.u32 $0x50000, s4;
	s19 =	sadd.s32 $0x35E000, s0;
	[smem:$0x7F9] =	sst s18  }
0x31: {  	s24 =	sor.u32 $0x60000, s4;
	s30 =	sadd.s32 $0x360000, s0;
	[smem:$0x7FA] =	sst s19  }
0x32: {  	s31 =	sadd.s32 $0x362000, s0;
	s0 =	sadd.s32 $0x364000, s0;
	[smem:$0x7FB] =	sst s30  }
0x33: {  	s7 =	simm.s32 $0x1;
	s11 =	simm.s32 $0x10800;
	[smem:$0x7FC] =	sst s31  }
0x34: {  	s12 =	simm.s32 $0x11000;
	[smem:$0x7FD] =	sst s0;
	s19 =	simm.s32 $0x2  }
.LBB2_1:
0x35: {  	[smem:$0x7EC] =	sst s1  }
0x36: {  	s0 =	rddreg [dreg:$0x3]  }
0x37: {  	s13 =	rddreg [dreg:$0x4]  }
0x38: {  	[tilespmem:s3], [sflag:$0x1] =	stream.linear.gather [hbm4b:s0+s3], $0x800, $0x38;
	[tilespmem:$0x14000] =	vst v63  }
0x39: {  	s14 =	simm.s32 $0x800;
	s15 =	rddreg [dreg:$0x5]  }
0x3a: {  	[tilespmem:s14], [sflag:$0x1] =	stream.linear.gather [hbm4b:s13+s3], $0x800, $0x38;
	[tilespmem:$0x14000] =	vst v63  }
0x3b: {  	s16 =	simm.s32 $0x1000;
	s17 =	rddreg [dreg:$0x6]  }
0x3c: {  	[tilespmem:s16], [sflag:$0x1] =	stream.linear.gather [hbm4b:s15+s3], $0x800, $0x38;
	[tilespmem:$0x14000] =	vst v63  }
0x3d: {  	s1 =	simm.s32 $0x1800;
	s18 =	rddreg [dreg:$0x7]  }
0x3e: {  	[tilespmem:s1], [sflag:$0x1] =	stream.linear.gather [hbm4b:s17+s3], $0x800, $0x38;
	[tilespmem:$0x14000] =	vst v63  }
0x3f: {  	s5 =	simm.s32 $0x2000;
	s30 =	rddreg [dreg:$0x8]  }
0x40: {  	[tilespmem:s5], [sflag:$0x1] =	stream.linear.gather [hbm4b:s18+s3], $0x800, $0x38;
	[tilespmem:$0x14000] =	vst v63  }
0x41: {  	s31 =	simm.s32 $0x2800;
	s6 =	rddreg [dreg:$0x9]  }
0x42: {  	[tilespmem:s31], [sflag:$0x1] =	stream.linear.gather [hbm4b:s30+s3], $0x800, $0x38;
	[tilespmem:$0x14000] =	vst v63  }
0x43: {  	s8 =	simm.s32 $0x3000;
	s9 =	rddreg [dreg:$0xa]  }
0x44: {  	[tilespmem:s8], [sflag:$0x1] =	stream.linear.gather [hbm4b:s6+s3], $0x800, $0x38;
	[tilespmem:$0x14000] =	vst v63  }
0x45: {  	s10 =	simm.s32 $0x3800;
	s13 =	rddreg [dreg:$0xb]  }
0x46: {  	[tilespmem:s10], [sflag:$0x1] =	stream.linear.gather [hbm4b:s9+s3], $0x800, $0x38;
	[tilespmem:$0x14000] =	vst v63  }
0x47: {  	s14 =	simm.s32 $0x4000;
	s15 =	rddreg [dreg:$0xc]  }
0x48: {  	[tilespmem:s14], [sflag:$0x1] =	stream.linear.gather [hbm4b:s13+s3], $0x800, $0x38;
	[tilespmem:$0x14000] =	vst v63  }
0x49: {  	s16 =	simm.s32 $0x4800;
	s17 =	rddreg [dreg:$0x18]  }
0x4a: {  	[tilespmem:s16], [sflag:$0x1] =	stream.linear.gather [hbm4b:s15+s3], $0x800, $0x38;
	[tilespmem:$0x14000] =	vst v63  }
0x4b: {  	s18 =	simm.s32 $0x5000;
	s30 =	rddreg [dreg:$0x19]  }
0x4c: {  	[tilespmem:s18], [sflag:$0x1] =	stream.linear.gather [hbm4b:s17+s3], $0x800, $0x38;
	[tilespmem:$0x14000] =	vst v63  }
0x4d: {  	s31 =	simm.s32 $0x5800;
	s6 =	rddreg [dreg:$0x1a]  }
0x4e: {  	[tilespmem:s31], [sflag:$0x1] =	stream.linear.gather [hbm4b:s30+s3], $0x800, $0x38;
	[tilespmem:$0x14000] =	vst v63  }
0x4f: {  	s8 =	simm.s32 $0x6000;
	s9 =	rddreg [dreg:$0x1b]  }
0x50: {  	[tilespmem:s8], [sflag:$0x1] =	stream.linear.gather [hbm4b:s6+s3], $0x800, $0x38;
	[tilespmem:$0x14000] =	vst v63  }
0x51: {  	s10 =	simm.s32 $0x6800;
	s13 =	rddreg [dreg:$0x1c]  }
0x52: {  	[tilespmem:s10], [sflag:$0x1] =	stream.linear.gather [hbm4b:s9+s3], $0x800, $0x38;
	[tilespmem:$0x14000] =	vst v63  }
0x53: {  	s14 =	simm.s32 $0x7000;
	s15 =	rddreg [dreg:$0x1d]  }
0x54: {  	[tilespmem:s14], [sflag:$0x1] =	stream.linear.gather [hbm4b:s13+s3], $0x800, $0x38;
	[tilespmem:$0x14000] =	vst v63  }
0x55: {  	s16 =	simm.s32 $0x7800;
	s17 =	rddreg [dreg:$0x1e]  }
0x56: {  	[tilespmem:s16], [sflag:$0x1] =	stream.linear.gather [hbm4b:s15+s3], $0x800, $0x38;
	[tilespmem:$0x14000] =	vst v63  }
0x57: {  	s18 =	simm.s32 $0x8000;
	s30 =	rddreg [dreg:$0x1f]  }
0x58: {  	[tilespmem:s18], [sflag:$0x1] =	stream.linear.gather [hbm4b:s17+s3], $0x800, $0x38;
	[tilespmem:$0x14000] =	vst v63  }
0x59: {  	s31 =	simm.s32 $0x8800;
	s6 =	sld [smem:$0x7ED]  }
0x5a: {  	[tilespmem:s31], [sflag:$0x1] =	stream.linear.gather [hbm4b:s30+s3], $0x800, $0x38;
	[tilespmem:$0x14000] =	vst v63  }
0x5b: {  	s8 =	simm.s32 $0x9000;
	s9 =	sld [smem:$0x7EE]  }
0x5c: {  	[tilespmem:s8], [sflag:$0x1] =	stream.linear.gather [hbm4b:s6+s3], $0x800, $0x38;
	[tilespmem:$0x14000] =	vst v63  }
0x5d: {  	s10 =	simm.s32 $0x9800;
	s13 =	sld [smem:$0x7EF]  }
0x5e: {  	[tilespmem:s10], [sflag:$0x1] =	stream.linear.gather [hbm4b:s9+s3], $0x800, $0x38;
	[tilespmem:$0x14000] =	vst v63  }
0x5f: {  	s14 =	simm.s32 $0xA000;
	s15 =	sld [smem:$0x7F0]  }
0x60: {  	[tilespmem:s14], [sflag:$0x1] =	stream.linear.gather [hbm4b:s13+s3], $0x800, $0x38;
	[tilespmem:$0x14000] =	vst v63  }
0x61: {  	s16 =	simm.s32 $0xA800;
	s17 =	sld [smem:$0x7F1]  }
0x62: {  	[tilespmem:s16], [sflag:$0x1] =	stream.linear.gather [hbm4b:s15+s3], $0x800, $0x38;
	[tilespmem:$0x14000] =	vst v63  }
0x63: {  	s18 =	simm.s32 $0xB000;
	s30 =	sld [smem:$0x7F2]  }
0x64: {  	[tilespmem:s18], [sflag:$0x1] =	stream.linear.gather [hbm4b:s17+s3], $0x800, $0x38;
	[tilespmem:$0x14000] =	vst v63  }
0x65: {  	s31 =	simm.s32 $0xB800;
	s6 =	sld [smem:$0x7F3]  }
0x66: {  	[tilespmem:s31], [sflag:$0x1] =	stream.linear.gather [hbm4b:s30+s3], $0x800, $0x38;
	[tilespmem:$0x14000] =	vst v63  }
0x67: {  	s8 =	simm.s32 $0xC000;
	s9 =	sld [smem:$0x7F4]  }
0x68: {  	[tilespmem:s8], [sflag:$0x1] =	stream.linear.gather [hbm4b:s6+s3], $0x800, $0x38;
	[tilespmem:$0x14000] =	vst v63  }
0x69: {  	s10 =	simm.s32 $0xC800;
	s13 =	sld [smem:$0x7F5]  }
0x6a: {  	[tilespmem:s10], [sflag:$0x1] =	stream.linear.gather [hbm4b:s9+s3], $0x800, $0x38;
	[tilespmem:$0x14000] =	vst v63  }
0x6b: {  	s14 =	simm.s32 $0xD000;
	s15 =	sld [smem:$0x7F6]  }
0x6c: {  	[tilespmem:s14], [sflag:$0x1] =	stream.linear.gather [hbm4b:s13+s3], $0x800, $0x38;
	[tilespmem:$0x14000] =	vst v63  }
0x6d: {  	s16 =	simm.s32 $0xD800;
	s17 =	sld [smem:$0x7F7]  }
0x6e: {  	[tilespmem:s16], [sflag:$0x1] =	stream.linear.gather [hbm4b:s15+s3], $0x800, $0x38;
	[tilespmem:$0x14000] =	vst v63  }
0x6f: {  	s18 =	simm.s32 $0xE000;
	s30 =	sld [smem:$0x7F8]  }
0x70: {  	[tilespmem:s18], [sflag:$0x1] =	stream.linear.gather [hbm4b:s17+s3], $0x800, $0x38;
	[tilespmem:$0x14000] =	vst v63  }
0x71: {  	s31 =	simm.s32 $0xE800  }
0x72: {  	[tilespmem:s31], [sflag:$0x1] =	stream.linear.gather [hbm4b:s30+s3], $0x800, $0x38;
	[tilespmem:$0x14000] =	vst v63  }
0x73: {  	_ =	swait.ge [sflag:s7], $0x800  }
0x74: {  	[sflag:s7] =	ssyncset.done $0x0  }
0x75: {  	[sflag:s7] =	ssyncadd.s32 $0xFFFFF800  }
0x76: {  	_ =	swait.ge [sflag:s7], $0x800  }
0x77: {  	[sflag:s7] =	ssyncset.done $0x0  }
0x78: {  	[sflag:s7] =	ssyncadd.s32 $0xFFFFF800  }
0x79: {  	_ =	swait.ge [sflag:s7], $0x800  }
0x7a: {  	[sflag:s7] =	ssyncset.done $0x0  }
0x7b: {  	[sflag:s7] =	ssyncadd.s32 $0xFFFFF800  }
0x7c: {  	_ =	swait.ge [sflag:s7], $0x800  }
0x7d: {  	[sflag:s7] =	ssyncset.done $0x0  }
0x7e: {  	[sflag:s7] =	ssyncadd.s32 $0xFFFFF800  }
0x7f: {  	_ =	swait.ge [sflag:s7], $0x800  }
0x80: {  	[sflag:s7] =	ssyncset.done $0x0  }
0x81: {  	[sflag:s7] =	ssyncadd.s32 $0xFFFFF800  }
0x82: {  	_ =	swait.ge [sflag:s7], $0x800  }
0x83: {  	[sflag:s7] =	ssyncset.done $0x0  }
0x84: {  	[sflag:s7] =	ssyncadd.s32 $0xFFFFF800  }
0x85: {  	_ =	swait.ge [sflag:s7], $0x800  }
0x86: {  	[sflag:s7] =	ssyncset.done $0x0  }
0x87: {  	[sflag:s7] =	ssyncadd.s32 $0xFFFFF800  }
0x88: {  	_ =	swait.ge [sflag:s7], $0x800  }
0x89: {  	[sflag:s7] =	ssyncset.done $0x0  }
0x8a: {  	[sflag:s7] =	ssyncadd.s32 $0xFFFFF800  }
0x8b: {  	_ =	swait.ge [sflag:s7], $0x800  }
0x8c: {  	[sflag:s7] =	ssyncset.done $0x0  }
0x8d: {  	[sflag:s7] =	ssyncadd.s32 $0xFFFFF800  }
0x8e: {  	_ =	swait.ge [sflag:s7], $0x800  }
0x8f: {  	[sflag:s7] =	ssyncset.done $0x0  }
0x90: {  	[sflag:s7] =	ssyncadd.s32 $0xFFFFF800  }
0x91: {  	_ =	swait.ge [sflag:s7], $0x800  }
0x92: {  	[sflag:s7] =	ssyncset.done $0x0  }
0x93: {  	[sflag:s7] =	ssyncadd.s32 $0xFFFFF800  }
0x94: {  	_ =	swait.ge [sflag:s7], $0x800  }
0x95: {  	[sflag:s7] =	ssyncset.done $0x0  }
0x96: {  	[sflag:s7] =	ssyncadd.s32 $0xFFFFF800  }
0x97: {  	_ =	swait.ge [sflag:s7], $0x800  }
0x98: {  	[sflag:s7] =	ssyncset.done $0x0  }
0x99: {  	[sflag:s7] =	ssyncadd.s32 $0xFFFFF800  }
0x9a: {  	_ =	swait.ge [sflag:s7], $0x800  }
0x9b: {  	[sflag:s7] =	ssyncset.done $0x0  }
0x9c: {  	[sflag:s7] =	ssyncadd.s32 $0xFFFFF800  }
0x9d: {  	_ =	swait.ge [sflag:s7], $0x800  }
0x9e: {  	[sflag:s7] =	ssyncset.done $0x0  }
0x9f: {  	[sflag:s7] =	ssyncadd.s32 $0xFFFFF800  }
0xa0: {  	_ =	swait.ge [sflag:s7], $0x800  }
0xa1: {  	[sflag:s7] =	ssyncset.done $0x0  }
0xa2: {  	[sflag:s7] =	ssyncadd.s32 $0xFFFFF800  }
0xa3: {  	_ =	swait.ge [sflag:s7], $0x800  }
0xa4: {  	[sflag:s7] =	ssyncset.done $0x0  }
0xa5: {  	[sflag:s7] =	ssyncadd.s32 $0xFFFFF800  }
0xa6: {  	_ =	swait.ge [sflag:s7], $0x800  }
0xa7: {  	[sflag:s7] =	ssyncset.done $0x0  }
0xa8: {  	[sflag:s7] =	ssyncadd.s32 $0xFFFFF800  }
0xa9: {  	_ =	swait.ge [sflag:s7], $0x800  }
0xaa: {  	[sflag:s7] =	ssyncset.done $0x0  }
0xab: {  	[sflag:s7] =	ssyncadd.s32 $0xFFFFF800  }
0xac: {  	_ =	swait.ge [sflag:s7], $0x800  }
0xad: {  	[sflag:s7] =	ssyncset.done $0x0  }
0xae: {  	[sflag:s7] =	ssyncadd.s32 $0xFFFFF800  }
0xaf: {  	_ =	swait.ge [sflag:s7], $0x800  }
0xb0: {  	[sflag:s7] =	ssyncset.done $0x0  }
0xb1: {  	[sflag:s7] =	ssyncadd.s32 $0xFFFFF800  }
0xb2: {  	_ =	swait.ge [sflag:s7], $0x800  }
0xb3: {  	[sflag:s7] =	ssyncset.done $0x0  }
0xb4: {  	[sflag:s7] =	ssyncadd.s32 $0xFFFFF800  }
0xb5: {  	_ =	swait.ge [sflag:s7], $0x800  }
0xb6: {  	[sflag:s7] =	ssyncset.done $0x0  }
0xb7: {  	[sflag:s7] =	ssyncadd.s32 $0xFFFFF800  }
0xb8: {  	_ =	swait.ge [sflag:s7], $0x800  }
0xb9: {  	[sflag:s7] =	ssyncset.done $0x0  }
0xba: {  	[sflag:s7] =	ssyncadd.s32 $0xFFFFF800  }
0xbb: {  	_ =	swait.ge [sflag:s7], $0x800  }
0xbc: {  	[sflag:s7] =	ssyncset.done $0x0  }
0xbd: {  	[sflag:s7] =	ssyncadd.s32 $0xFFFFF800  }
0xbe: {  	_ =	swait.ge [sflag:s7], $0x800  }
0xbf: {  	[sflag:s7] =	ssyncset.done $0x0  }
0xc0: {  	[sflag:s7] =	ssyncadd.s32 $0xFFFFF800  }
0xc1: {  	_ =	swait.ge [sflag:s7], $0x800  }
0xc2: {  	[sflag:s7] =	ssyncset.done $0x0  }
0xc3: {  	[sflag:s7] =	ssyncadd.s32 $0xFFFFF800  }
0xc4: {  	_ =	swait.ge [sflag:s7], $0x800  }
0xc5: {  	[sflag:s7] =	ssyncset.done $0x0  }
0xc6: {  	[sflag:s7] =	ssyncadd.s32 $0xFFFFF800  }
0xc7: {  	_ =	swait.ge [sflag:s7], $0x800  }
0xc8: {  	[sflag:s7] =	ssyncset.done $0x0  }
0xc9: {  	[sflag:s7] =	ssyncadd.s32 $0xFFFFF800  }
0xca: {  	_ =	swait.ge [sflag:s7], $0x800  }
0xcb: {  	[sflag:s7] =	ssyncset.done $0x0  }
0xcc: {  	[sflag:s7] =	ssyncadd.s32 $0xFFFFF800  }
0xcd: {  	v0 =	vld [tilespmem:s1+$0xFFFFE870]  }
0xce: {  	v1 =	vld [tilespmem:s1+$0xFFFFF070]  }
0xcf: {  	v2 =	vld [tilespmem:s1+$0xFFFFF000]  }
0xd0: {  	v3 =	vld [tilespmem:s1+$0xFFFFE810]  }
0xd1: {  	v4 =	vld [tilespmem:s1+$0xFFFFF010]  }
0xd2: {  	v5 =	vld [tilespmem:s1+$0xFFFFE820]  }
0xd3: {  	v6 =	vld [tilespmem:s1+$0xFFFFF020]  }
0xd4: {  	v8 =	vld [tilespmem:s1+$0xFFFFE830]  }
0xd5: {  	v7 =	vld [tilespmem:s1+$0xFFFFF030]  }
0xd6: {  	v9 =	vld [tilespmem:s1+$0xFFFFE840]  }
0xd7: {  	v10 =	vld [tilespmem:s1+$0xFFFFF040]  }
0xd8: {  	v11 =	vld [tilespmem:s1+$0xFFFFE850]  }
0xd9: {  	v12 =	vld [tilespmem:s1+$0xFFFFF050]  }
0xda: {  	s5 =	simm.s32 $0x1880;
	v13 =	vld [tilespmem:s1+$0xFFFFE860]  }
0xdb: {  	v19 =	vld [tilespmem:s5+$0xFFFFE870]  }
0xdc: {  	v20 =	vld [tilespmem:s5+$0xFFFFF000];
	v1 =	vadd.f32 v1, v0  }
0xdd: {  	s0 =	simm.s32 $0x10040;
	v21 =	vld [tilespmem:s5+$0xFFFFF010]  }
0xde: {  	[tilespmem:s0+$0xFFFFF030] =	vst v1;
	v1 =	vadd.f32 v4, v3;
	v4 =	vld [tilespmem:s1+$0xFFFFF060]  }
0xdf: {  	v15 =	vadd.f32 v6, v5;
	v14 =	vld [tilespmem:s1+$0xFFFFF870]  }
0xe0: {  	v6 =	vld [tilespmem:s1+$0xFFFFE800];
	[tilespmem:s0+$0xFFFFEFD0] =	vst v1;
	v1 =	vadd.f32 v7, v8  }
0xe1: {  	[tilespmem:s0+$0xFFFFEFE0] =	vst v15;
	v7 =	vadd.f32 v10, v9;
	v10 =	vld [tilespmem:s1+$0xFFFFF810]  }
0xe2: {  	[tilespmem:s0+$0xFFFFEFF0] =	vst v1;
	v1 =	vadd.f32 v12, v11;
	v12 =	vld [tilespmem:s1+$0xFFFFF820]  }
0xe3: {  	[tilespmem:s0+$0xFFFFF000] =	vst v7;
	v7 =	vld [tilespmem:s1+$0xFFFFF830];
	v4 =	vadd.f32 v4, v13  }
0xe4: {  	v14 =	vadd.f32 v14, v0;
	[tilespmem:s0+$0xFFFFF010] =	vst v1;
	v1 =	vld [tilespmem:s1+$0xFFFFF840]  }
0xe5: {  	v2 =	vadd.f32 v2, v6;
	v15 =	vld [tilespmem:s1+$0xFFFFF850];
	[tilespmem:s0+$0xFFFFF020] =	vst v4  }
0xe6: {  	[tilespmem:s0+$0xFFFFF830] =	vst v14;
	v4 =	vadd.f32 v10, v3;
	v10 =	vld [tilespmem:s1+$0xFFFFF860]  }
0xe7: {  	[tilespmem:s0+$0xFFFFEFC0] =	vst v2;
	v14 =	vld [tilespmem:s1+$0x70];
	v2 =	vadd.f32 v12, v5  }
0xe8: {  	v12 =	vld [tilespmem:s1+$0xFFFFF800];
	[tilespmem:s0+$0xFFFFF7D0] =	vst v4;
	v4 =	vadd.f32 v7, v8  }
0xe9: {  	v7 =	vld [tilespmem:s1+$0x10];
	[tilespmem:s0+$0xFFFFF7E0] =	vst v2;
	v1 =	vadd.f32 v1, v9  }
0xea: {  	v2 =	vld [tilespmem:s1+$0x20];
	[tilespmem:s0+$0xFFFFF7F0] =	vst v4;
	v4 =	vadd.f32 v15, v11  }
0xeb: {  	v15 =	vld [tilespmem:s1+$0x30];
	[tilespmem:s0+$0xFFFFF800] =	vst v1;
	v1 =	vadd.f32 v10, v13  }
0xec: {  	v10 =	vadd.f32 v14, v0;
	v14 =	vld [tilespmem:s1+$0x40];
	[tilespmem:s0+$0xFFFFF810] =	vst v4  }
0xed: {  	v4 =	vadd.f32 v12, v6;
	v12 =	vld [tilespmem:s1+$0x50];
	[tilespmem:s0+$0xFFFFF820] =	vst v1  }
0xee: {  	[tilespmem:s0+$0x30] =	vst v10;
	v1 =	vadd.f32 v7, v3;
	v7 =	vld [tilespmem:s1+$0x60]  }
0xef: {  	[tilespmem:s0+$0xFFFFF7C0] =	vst v4;
	v10 =	vld [tilespmem:s1+$0x870];
	v2 =	vadd.f32 v2, v5  }
0xf0: {  	v4 =	vld [tilespmem:s1+$0x0];
	[tilespmem:s0+$0xFFFFFFD0] =	vst v1;
	v1 =	vadd.f32 v15, v8  }
0xf1: {  	v15 =	vld [tilespmem:s1+$0x810];
	[tilespmem:s0+$0xFFFFFFE0] =	vst v2;
	v2 =	vadd.f32 v14, v9  }
0xf2: {  	v14 =	vld [tilespmem:s1+$0x820];
	[tilespmem:s0+$0xFFFFFFF0] =	vst v1;
	v1 =	vadd.f32 v12, v11  }
0xf3: {  	v12 =	vld [tilespmem:s1+$0x830];
	[tilespmem:s0+$0x0] =	vst v2;
	v2 =	vadd.f32 v7, v13  }
0xf4: {  	v7 =	vadd.f32 v10, v0;
	v10 =	vld [tilespmem:s1+$0x840];
	[tilespmem:s0+$0x10] =	vst v1  }
0xf5: {  	v1 =	vadd.f32 v4, v6;
	v4 =	vld [tilespmem:s1+$0x850];
	[tilespmem:s0+$0x20] =	vst v2  }
0xf6: {  	[tilespmem:s0+$0x830] =	vst v7;
	v2 =	vadd.f32 v15, v3;
	v7 =	vld [tilespmem:s1+$0x860]  }
0xf7: {  	[tilespmem:s0+$0xFFFFFFC0] =	vst v1;
	v15 =	vld [tilespmem:s1+$0x1070];
	v1 =	vadd.f32 v14, v5  }
0xf8: {  	v14 =	vld [tilespmem:s1+$0x800];
	[tilespmem:s0+$0x7D0] =	vst v2;
	v2 =	vadd.f32 v12, v8  }
0xf9: {  	v12 =	vld [tilespmem:s1+$0x1010];
	[tilespmem:s0+$0x7E0] =	vst v1  }
0xfa: {  	v1 =	vadd.f32 v10, v9;
	v10 =	vld [tilespmem:s1+$0x1020];
	[tilespmem:s0+$0x7F0] =	vst v2  }
0xfb: {  	v2 =	vadd.f32 v4, v11;
	v4 =	vld [tilespmem:s1+$0x1030]  }
0xfc: {  	[tilespmem:s0+$0x800] =	vst v1;
	v1 =	vadd.f32 v7, v13;
	v7 =	vld [tilespmem:s5+$0xFFFFE810]  }
0xfd: {  	v16 =	vld [tilespmem:s1+$0x1040]  }
0xfe: {  	[tilespmem:s0+$0x810] =	vst v2;
	v2 =	vld [tilespmem:s5+$0xFFFFF070]  }
0xff: {  	v0 =	vadd.f32 v15, v0;
	v15 =	vld [tilespmem:s5+$0xFFFFF020]  }
0x100: {  	v17 =	vld [tilespmem:s1+$0x1050]  }
0x101: {  	[tilespmem:s0+$0x820] =	vst v1;
	v1 =	vld [tilespmem:s5+$0xFFFFE820]  }
0x102: {  	v18 =	vld [tilespmem:s1+$0x1060];
	v3 =	vadd.f32 v12, v3  }
0x103: {  	[tilespmem:s0+$0x1030] =	vst v0;
	v0 =	vadd.f32 v14, v6;
	v12 =	vld [tilespmem:s5+$0xFFFFF030]  }
0x104: {  	[tilespmem:s0+$0xFD0] =	vst v3;
	v3 =	vld [tilespmem:s5+$0xFFFFE840];
	v22 =	vadd.f32 v2, v19  }
0x105: {  	s6 =	simm.s32 $0x100C0;
	[tilespmem:s0+$0x7C0] =	vst v0;
	v0 =	vadd.f32 v10, v5;
	v4 =	vadd.f32 v4, v8;
	v8 =	vld [tilespmem:s5+$0xFFFFF040]  }
0x106: {  	v2 =	vld [tilespmem:s5+$0xFFFFE830];
	[tilespmem:s6+$0xFFFFF030] =	vst v22  }
0x107: {  	[tilespmem:s0+$0xFE0] =	vst v0;
	v0 =	vadd.f32 v16, v9;
	v10 =	vld [tilespmem:s5+$0xFFFFF870]  }
0x108: {  	[tilespmem:s0+$0xFF0] =	vst v4;
	v5 =	vadd.f32 v17, v11;
	v4 =	vld [tilespmem:s5+$0xFFFFE850]  }
0x109: {  	v9 =	vld [tilespmem:s5+$0xFFFFF050];
	v11 =	vadd.f32 v21, v7;
	[tilespmem:s0+$0x1000] =	vst v0  }
0x10a: {  	v0 =	vadd.f32 v18, v13;
	[tilespmem:s0+$0x1010] =	vst v5;
	v5 =	vld [tilespmem:s5+$0xFFFFE860]  }
0x10b: {  	v14 =	vadd.f32 v15, v1;
	v13 =	vld [tilespmem:s5+$0xFFFFF060];
	[tilespmem:s6+$0xFFFFEFD0] =	vst v11  }
0x10c: {  	[tilespmem:s0+$0x1020] =	vst v0;
	v0 =	vld [tilespmem:s5+$0xFFFFE800];
	v10 =	vadd.f32 v10, v19  }
0x10d: {  	[tilespmem:s6+$0xFFFFEFE0] =	vst v14;
	v8 =	vadd.f32 v8, v3  }
0x10e: {  	[tilespmem:s6+$0xFFFFF830] =	vst v10;
	v10 =	vadd.f32 v12, v2;
	v12 =	vld [tilespmem:s5+$0xFFFFF810]  }
0x10f: {  	v9 =	vadd.f32 v9, v4;
	[tilespmem:s6+$0xFFFFF000] =	vst v8;
	v11 =	vld [tilespmem:s5+$0x70]  }
0x110: {  	v13 =	vadd.f32 v13, v5;
	[tilespmem:s6+$0xFFFFEFF0] =	vst v10;
	v10 =	vld [tilespmem:s5+$0xFFFFF820]  }
0x111: {  	[tilespmem:s6+$0xFFFFF010] =	vst v9;
	v9 =	vadd.f32 v20, v0;
	v8 =	vld [tilespmem:s5+$0xFFFFF830]  }
0x112: {  	v14 =	vld [tilespmem:s5+$0xFFFFF840];
	[tilespmem:s6+$0xFFFFF020] =	vst v13  }
0x113: {  	v15 =	vld [tilespmem:s5+$0xFFFFF850];
	[tilespmem:s6+$0xFFFFEFC0] =	vst v9;
	v9 =	vadd.f32 v12, v7  }
0x114: {  	v12 =	vld [tilespmem:s5+$0xFFFFF860];
	v11 =	vadd.f32 v11, v19  }
0x115: {  	v13 =	vld [tilespmem:s5+$0xFFFFF800];
	v10 =	vadd.f32 v10, v1;
	[tilespmem:s6+$0xFFFFF7D0] =	vst v9  }
0x116: {  	[tilespmem:s6+$0x30] =	vst v11;
	v8 =	vadd.f32 v8, v2;
	v11 =	vld [tilespmem:s5+$0x10]  }
0x117: {  	v9 =	vld [tilespmem:s5+$0x870];
	[tilespmem:s6+$0xFFFFF7E0] =	vst v10;
	v10 =	vadd.f32 v14, v3  }
0x118: {  	v14 =	vld [tilespmem:s5+$0x20];
	[tilespmem:s6+$0xFFFFF7F0] =	vst v8;
	v8 =	vadd.f32 v15, v4  }
0x119: {  	v15 =	vld [tilespmem:s5+$0x30];
	[tilespmem:s6+$0xFFFFF800] =	vst v10;
	v10 =	vadd.f32 v12, v5  }
0x11a: {  	v12 =	vadd.f32 v13, v0;
	v13 =	vld [tilespmem:s5+$0x40];
	[tilespmem:s6+$0xFFFFF810] =	vst v8  }
0x11b: {  	v8 =	vld [tilespmem:s5+$0x50];
	[tilespmem:s6+$0xFFFFF820] =	vst v10;
	v10 =	vadd.f32 v11, v7  }
0x11c: {  	[tilespmem:s6+$0xFFFFF7C0] =	vst v12;
	v9 =	vadd.f32 v9, v19;
	v11 =	vld [tilespmem:s5+$0x60]  }
0x11d: {  	v12 =	vld [tilespmem:s5+$0x0];
	v14 =	vadd.f32 v14, v1;
	[tilespmem:s6+$0xFFFFFFD0] =	vst v10  }
0x11e: {  	[tilespmem:s6+$0x830] =	vst v9;
	v9 =	vadd.f32 v15, v2;
	v15 =	vld [tilespmem:s5+$0x810]  }
0x11f: {  	v10 =	vld [tilespmem:s5+$0x1070];
	[tilespmem:s6+$0xFFFFFFE0] =	vst v14;
	v13 =	vadd.f32 v13, v3  }
0x120: {  	v14 =	vld [tilespmem:s5+$0x820];
	[tilespmem:s6+$0xFFFFFFF0] =	vst v9;
	v8 =	vadd.f32 v8, v4  }
0x121: {  	v9 =	vld [tilespmem:s5+$0x830];
	[tilespmem:s6+$0x0] =	vst v13;
	v11 =	vadd.f32 v11, v5  }
0x122: {  	v12 =	vadd.f32 v12, v0;
	v13 =	vld [tilespmem:s5+$0x840];
	[tilespmem:s6+$0x10] =	vst v8  }
0x123: {  	v8 =	vld [tilespmem:s5+$0x850];
	[tilespmem:s6+$0x20] =	vst v11;
	v11 =	vadd.f32 v15, v7  }
0x124: {  	[tilespmem:s6+$0xFFFFFFC0] =	vst v12;
	v10 =	vadd.f32 v10, v19;
	v12 =	vld [tilespmem:s5+$0x860]  }
0x125: {  	v15 =	vld [tilespmem:s5+$0x800];
	v14 =	vadd.f32 v14, v1;
	[tilespmem:s6+$0x7D0] =	vst v11  }
0x126: {  	v62 =	vld [tilespmem:s1+$0x1000];
	[tilespmem:s6+$0x1030] =	vst v10;
	v9 =	vadd.f32 v9, v2  }
0x127: {  	v63 =	vld [tilespmem:s5+$0x1010];
	[tilespmem:s6+$0x7E0] =	vst v14;
	v10 =	vadd.f32 v13, v3  }
0x128: {  	v11 =	vld [tilespmem:s5+$0x1020];
	[tilespmem:s6+$0x7F0] =	vst v9;
	v9 =	vadd.f32 v8, v4  }
0x129: {  	v8 =	vld [tilespmem:s5+$0x1030];
	[tilespmem:s6+$0x800] =	vst v10;
	v12 =	vadd.f32 v12, v5  }
0x12a: {  	v14 =	vadd.f32 v15, v0;
	v10 =	vld [tilespmem:s5+$0x1040];
	[tilespmem:s6+$0x810] =	vst v9  }
0x12b: {  	v13 =	vadd.f32 v62, v6;
	v9 =	vld [tilespmem:s5+$0x1050];
	[tilespmem:s6+$0x820] =	vst v12  }
0x12c: {  	s13 =	simm.s32 $0x1900;
	s1 =	simm.s32 $0x8;
	[tilespmem:s6+$0x7C0] =	vst v14;
	v6 =	vadd.f32 v63, v7;
	v12 =	vld [tilespmem:s5+$0x1060]  }
.LBB2_2:
0x12d: {  	v7 =	vld [tilespmem:s13+$0xFFFFE870];
	v1 =	vadd.f32 v11, v1;
	[tilespmem:s0+$0xFC0] =	vst v13;
	s0 =	smov.u32 s6  }
0x12e: {  	s1 =	sadd.s32 $0x8, s1;
	v11 =	vld [tilespmem:s13+$0xFFFFF070];
	[tilespmem:s6+$0xFD0] =	vst v6;
	v2 =	vadd.f32 v8, v2  }
0x12f: {  	p0 =	slt.u32 s1, $0x78;
	v8 =	vld [tilespmem:s13+$0xFFFFF000];
	[tilespmem:s6+$0xFE0] =	vst v1;
	v1 =	vadd.f32 v10, v3  }
0x130: {  	v6 =	vld [tilespmem:s13+$0xFFFFE810];
	[tilespmem:s6+$0xFF0] =	vst v2;
	v2 =	vadd.f32 v9, v4  }
0x131: {  	v3 =	vld [tilespmem:s13+$0xFFFFF010];
	[tilespmem:s6+$0x1000] =	vst v1;
	v4 =	vadd.f32 v12, v5  }
0x132: {  	v1 =	vld [tilespmem:s13+$0xFFFFE820];
	[tilespmem:s6+$0x1010] =	vst v2  }
0x133: {  	v5 =	vld [tilespmem:s13+$0xFFFFF020];
	v9 =	vadd.f32 v11, v7;
	[tilespmem:s6+$0x1020] =	vst v4  }
0x134: {  	s6 =	sadd.s32 $0x80, s6;
	v2 =	vld [tilespmem:s13+$0xFFFFE830]  }
0x135: {  	v10 =	vld [tilespmem:s13+$0xFFFFF030];
	[tilespmem:s6+$0xFFFFF030] =	vst v9  }
0x136: {  	v4 =	vadd.f32 v3, v6;
	v9 =	vld [tilespmem:s13+$0xFFFFF870]  }
0x137: {  	v3 =	vld [tilespmem:s13+$0xFFFFE840]  }
0x138: {  	[tilespmem:s6+$0xFFFFEFD0] =	vst v4;
	v5 =	vadd.f32 v5, v1;
	v11 =	vld [tilespmem:s13+$0xFFFFF040]  }
0x139: {  	v4 =	vld [tilespmem:s13+$0xFFFFE850]  }
0x13a: {  	[tilespmem:s6+$0xFFFFEFE0] =	vst v5;
	v10 =	vadd.f32 v10, v2;
	v12 =	vld [tilespmem:s13+$0xFFFFF050]  }
0x13b: {  	v5 =	vld [tilespmem:s13+$0xFFFFE860];
	v9 =	vadd.f32 v9, v7  }
0x13c: {  	[tilespmem:s6+$0xFFFFEFF0] =	vst v10;
	v10 =	vld [tilespmem:s13+$0xFFFFF060]  }
0x13d: {  	v14 =	vld [tilespmem:s13+$0xFFFFE800];
	v11 =	vadd.f32 v11, v3;
	[tilespmem:s6+$0xFFFFF830] =	vst v9  }
0x13e: {  	v9 =	vld [tilespmem:s13+$0x70]  }
0x13f: {  	v13 =	vld [tilespmem:s13+$0xFFFFF810];
	[tilespmem:s6+$0xFFFFF000] =	vst v11;
	v11 =	vadd.f32 v12, v4  }
0x140: {  	v12 =	vld [tilespmem:s13+$0xFFFFF820]  }
0x141: {  	v15 =	vld [tilespmem:s13+$0xFFFFF830];
	[tilespmem:s6+$0xFFFFF010] =	vst v11;
	v10 =	vadd.f32 v10, v5  }
0x142: {  	v8 =	vadd.f32 v8, v14;
	v11 =	vld [tilespmem:s13+$0xFFFFF840]  }
0x143: {  	v16 =	vld [tilespmem:s13+$0xFFFFF850];
	[tilespmem:s6+$0xFFFFF020] =	vst v10;
	v9 =	vadd.f32 v9, v7  }
0x144: {  	[tilespmem:s6+$0xFFFFEFC0] =	vst v8;
	v8 =	vadd.f32 v13, v6;
	v10 =	vld [tilespmem:s13+$0xFFFFF860]  }
0x145: {  	v13 =	vld [tilespmem:s13+$0xFFFFF800];
	v12 =	vadd.f32 v12, v1;
	[tilespmem:s6+$0x30] =	vst v9  }
0x146: {  	[tilespmem:s6+$0xFFFFF7D0] =	vst v8;
	v8 =	vadd.f32 v15, v2;
	v9 =	vld [tilespmem:s13+$0x870]  }
0x147: {  	v15 =	vld [tilespmem:s13+$0x10];
	[tilespmem:s6+$0xFFFFF7E0] =	vst v12;
	v11 =	vadd.f32 v11, v3  }
0x148: {  	v12 =	vld [tilespmem:s13+$0x20];
	[tilespmem:s6+$0xFFFFF7F0] =	vst v8;
	v8 =	vadd.f32 v16, v4  }
0x149: {  	v16 =	vld [tilespmem:s13+$0x30];
	[tilespmem:s6+$0xFFFFF800] =	vst v11;
	v10 =	vadd.f32 v10, v5  }
0x14a: {  	v11 =	vadd.f32 v13, v14;
	v13 =	vld [tilespmem:s13+$0x40];
	[tilespmem:s6+$0xFFFFF810] =	vst v8  }
0x14b: {  	v8 =	vld [tilespmem:s13+$0x50];
	[tilespmem:s6+$0xFFFFF820] =	vst v10;
	v9 =	vadd.f32 v9, v7  }
0x14c: {  	[tilespmem:s6+$0xFFFFF7C0] =	vst v11;
	v10 =	vadd.f32 v15, v6;
	v11 =	vld [tilespmem:s13+$0x60]  }
0x14d: {  	v15 =	vld [tilespmem:s13+$0x0];
	v12 =	vadd.f32 v12, v1;
	[tilespmem:s6+$0x830] =	vst v9  }
0x14e: {  	[tilespmem:s6+$0xFFFFFFD0] =	vst v10;
	v9 =	vadd.f32 v16, v2;
	v10 =	vld [tilespmem:s13+$0x1070]  }
0x14f: {  	v16 =	vld [tilespmem:s13+$0x810];
	[tilespmem:s6+$0xFFFFFFE0] =	vst v12;
	v12 =	vadd.f32 v13, v3  }
0x150: {  	v13 =	vld [tilespmem:s13+$0x820];
	[tilespmem:s6+$0xFFFFFFF0] =	vst v9;
	v8 =	vadd.f32 v8, v4  }
0x151: {  	v9 =	vld [tilespmem:s13+$0x830];
	[tilespmem:s6+$0x0] =	vst v12;
	v11 =	vadd.f32 v11, v5  }
0x152: {  	v12 =	vadd.f32 v15, v14;
	v15 =	vld [tilespmem:s13+$0x840];
	[tilespmem:s6+$0x10] =	vst v8  }
0x153: {  	v8 =	vld [tilespmem:s13+$0x850];
	[tilespmem:s6+$0x20] =	vst v11;
	v7 =	vadd.f32 v10, v7  }
0x154: {  	[tilespmem:s6+$0xFFFFFFC0] =	vst v12;
	v10 =	vadd.f32 v16, v6;
	v12 =	vld [tilespmem:s13+$0x860]  }
0x155: {  	v16 =	vld [tilespmem:s13+$0x800];
	v11 =	vadd.f32 v13, v1;
	[tilespmem:s6+$0x1030] =	vst v7  }
0x156: {  	[tilespmem:s6+$0x7D0] =	vst v10;
	v7 =	vadd.f32 v9, v2;
	v13 =	vld [tilespmem:s5+$0x1000];
	s5 =	smov.u32 s13  }
0x157: {  	v17 =	vld [tilespmem:s13+$0x1010];
	[tilespmem:s6+$0x7E0] =	vst v11;
	v9 =	vadd.f32 v15, v3  }
.Ltmp0:
0x158: {  	v11 =	vld [tilespmem:s13+$0x1020];
	[tilespmem:s6+$0x7F0] =	vst v7;
	v7 =	vadd.f32 v8, v4;
	(pc) =	sbr.rel @p0 .LBB2_2-.Ltmp0, $4  }
0x159: {  	v8 =	vld [tilespmem:s13+$0x1030];
	[tilespmem:s6+$0x800] =	vst v9;
	v12 =	vadd.f32 v12, v5  }
0x15a: {  	v15 =	vadd.f32 v16, v14;
	v10 =	vld [tilespmem:s13+$0x1040];
	[tilespmem:s6+$0x810] =	vst v7  }
0x15b: {  	v9 =	vld [tilespmem:s13+$0x1050];
	[tilespmem:s6+$0x820] =	vst v12;
	v13 =	vadd.f32 v13, v0;
	v0 =	vmov v14  }
0x15c: {  	s13 =	sadd.s32 $0x80, s13;
	[tilespmem:s6+$0x7C0] =	vst v15;
	v6 =	vadd.f32 v17, v6;
	v12 =	vld [tilespmem:s5+$0x1060]  }
0x15d: {  	v1 =	vadd.f32 v11, v1;
	[tilespmem:s0+$0xFC0] =	vst v13;
	v7 =	vld [tilespmem:s5+$0x1000]  }
0x15e: {  	[tilespmem:s6+$0xFD0] =	vst v6;
	v2 =	vadd.f32 v8, v2  }
0x15f: {  	[tilespmem:s6+$0xFE0] =	vst v1;
	v1 =	vadd.f32 v10, v3  }
0x160: {  	[tilespmem:s6+$0xFF0] =	vst v2;
	v2 =	vadd.f32 v9, v4  }
0x161: {  	[tilespmem:s6+$0x1000] =	vst v1;
	v1 =	vadd.f32 v12, v5  }
0x162: {  	[tilespmem:s6+$0x1010] =	vst v2;
	v0 =	vadd.f32 v7, v0  }
0x163: {  	[tilespmem:s6+$0x1020] =	vst v1  }
0x164: {  	[tilespmem:s6+$0xFC0] =	vst v0  }
0x165: {  	s13 =	simm.s32 $0x0;
	s14 =	simm.s32 $0xF000;
	s1 =	rddreg [dreg:$0xd]  }
0x166: {  	[hbm4b:s1+s13] =	stream.linear.scatter [tilespmem:s14], [sflag:$0x1], $0x800, $0x38;
	[tilespmem:$0x14000] =	vst v63  }
0x167: {  	s16 =	simm.s32 $0xF800;
	s15 =	rddreg [dreg:$0xe]  }
0x168: {  	[hbm4b:s15+s13] =	stream.linear.scatter [tilespmem:s16], [sflag:$0x1], $0x800, $0x38;
	[tilespmem:$0x14000] =	vst v63  }
0x169: {  	s18 =	simm.s32 $0x10000;
	s17 =	rddreg [dreg:$0xf]  }
0x16a: {  	[hbm4b:s17+s13] =	stream.linear.scatter [tilespmem:s18], [sflag:$0x1], $0x800, $0x38;
	[tilespmem:$0x14000] =	vst v63  }
0x16b: {  	s30 =	rddreg [dreg:$0x10]  }
0x16c: {  	[hbm4b:s30+s13] =	stream.linear.scatter [tilespmem:s11], [sflag:$0x1], $0x800, $0x38;
	[tilespmem:$0x14000] =	vst v63  }
0x16d: {  	s0 =	simm.s32 $0x0;
	s31 =	rddreg [dreg:$0x11]  }
0x16e: {  	[hbm4b:s31+s13] =	stream.linear.scatter [tilespmem:s12], [sflag:$0x1], $0x800, $0x38;
	[tilespmem:$0x14000] =	vst v63  }
0x16f: {  	v0 =	vld [tilespmem:s0+$0x70]  }
0x170: {  	v1 =	vld [tilespmem:s0+$0x5070]  }
0x171: {  	v2 =	vld [tilespmem:s0+$0x0]  }
0x172: {  	v3 =	vld [tilespmem:s0+$0x3000]  }
0x173: {  	v4 =	vld [tilespmem:s0+$0x3800]  }
0x174: {  	v5 =	vld [tilespmem:s0+$0x4000]  }
0x175: {  	v6 =	vld [tilespmem:s0+$0x4800]  }
0x176: {  	v7 =	vld [tilespmem:s0+$0x5000]  }
0x177: {  	v8 =	vld [tilespmem:s0+$0x10]  }
0x178: {  	v9 =	vld [tilespmem:s0+$0x3010]  }
0x179: {  	v10 =	vld [tilespmem:s0+$0x3810]  }
0x17a: {  	v11 =	vld [tilespmem:s0+$0x4010]  }
0x17b: {  	v63 =	vld [tilespmem:s0+$0x4810]  }
0x17c: {  	v13 =	vld [tilespmem:s0+$0x5010];
	v1 =	vadd.f32 v1, v0  }
0x17d: {  	v14 =	vld [tilespmem:s0+$0x20];
	v3 =	vadd.f32 v3, v2  }
0x17e: {  	[tilespmem:s0+$0x13870] =	vst v1;
	v1 =	vadd.f32 v4, v2;
	v4 =	vld [tilespmem:s0+$0x3020]  }
0x17f: {  	[tilespmem:s0+$0x11800] =	vst v3;
	v3 =	vadd.f32 v5, v2;
	v5 =	vld [tilespmem:s0+$0x3820]  }
0x180: {  	[tilespmem:s0+$0x12000] =	vst v1;
	v1 =	vadd.f32 v6, v2;
	v6 =	vld [tilespmem:s0+$0x4020]  }
0x181: {  	[tilespmem:s0+$0x12800] =	vst v3;
	v2 =	vadd.f32 v7, v2;
	v3 =	vld [tilespmem:s0+$0x4820]  }
0x182: {  	v7 =	vld [tilespmem:s0+$0x5020];
	[tilespmem:s0+$0x13000] =	vst v1;
	v1 =	vadd.f32 v9, v8  }
0x183: {  	[tilespmem:s0+$0x13800] =	vst v2;
	v2 =	vadd.f32 v10, v8;
	v9 =	vld [tilespmem:s0+$0x30]  }
0x184: {  	v10 =	vld [tilespmem:s0+$0x3030];
	[tilespmem:s0+$0x11810] =	vst v1;
	v1 =	vadd.f32 v11, v8  }
0x185: {  	[tilespmem:s0+$0x12010] =	vst v2;
	v2 =	vadd.f32 v63, v8;
	v11 =	vld [tilespmem:s0+$0x3830]  }
0x186: {  	[tilespmem:s0+$0x12810] =	vst v1;
	v1 =	vadd.f32 v13, v8;
	v8 =	vld [tilespmem:s0+$0x4030]  }
0x187: {  	[tilespmem:s0+$0x13010] =	vst v2;
	v2 =	vadd.f32 v4, v14;
	v4 =	vld [tilespmem:s0+$0x4830]  }
0x188: {  	[tilespmem:s0+$0x13810] =	vst v1;
	v1 =	vadd.f32 v5, v14;
	v5 =	vld [tilespmem:s0+$0x5030]  }
0x189: {  	[tilespmem:s0+$0x11820] =	vst v2;
	v2 =	vadd.f32 v6, v14;
	v6 =	vld [tilespmem:s0+$0x40]  }
0x18a: {  	[tilespmem:s0+$0x12020] =	vst v1;
	v1 =	vadd.f32 v3, v14;
	v3 =	vld [tilespmem:s0+$0x3040]  }
0x18b: {  	[tilespmem:s0+$0x12820] =	vst v2;
	v2 =	vadd.f32 v7, v14;
	v7 =	vld [tilespmem:s0+$0x3840]  }
0x18c: {  	[tilespmem:s0+$0x13020] =	vst v1;
	v1 =	vadd.f32 v10, v9;
	v10 =	vld [tilespmem:s0+$0x4040]  }
0x18d: {  	[tilespmem:s0+$0x13820] =	vst v2;
	v2 =	vadd.f32 v11, v9;
	v11 =	vld [tilespmem:s0+$0x4840]  }
0x18e: {  	[tilespmem:s0+$0x11830] =	vst v1;
	v1 =	vadd.f32 v8, v9;
	v8 =	vld [tilespmem:s0+$0x5040]  }
0x18f: {  	[tilespmem:s0+$0x12030] =	vst v2;
	v2 =	vadd.f32 v4, v9;
	v4 =	vld [tilespmem:s0+$0x50]  }
0x190: {  	[tilespmem:s0+$0x12830] =	vst v1;
	v1 =	vadd.f32 v5, v9;
	v5 =	vld [tilespmem:s0+$0x3050]  }
0x191: {  	[tilespmem:s0+$0x13030] =	vst v2;
	v2 =	vadd.f32 v3, v6;
	v3 =	vld [tilespmem:s0+$0x3850]  }
0x192: {  	v9 =	vld [tilespmem:s0+$0x4850];
	[tilespmem:s0+$0x13830] =	vst v1;
	v1 =	vadd.f32 v7, v6  }
0x193: {  	v7 =	vld [tilespmem:s0+$0x4050];
	[tilespmem:s0+$0x11840] =	vst v2;
	v2 =	vadd.f32 v10, v6  }
0x194: {  	v10 =	vadd.f32 v11, v6;
	v11 =	vld [tilespmem:s0+$0x5050];
	[tilespmem:s0+$0x12040] =	vst v1  }
0x195: {  	[tilespmem:s0+$0x12840] =	vst v2;
	v2 =	vadd.f32 v8, v6;
	v1 =	vld [tilespmem:s0+$0x60]  }
0x196: {  	[tilespmem:s0+$0x13040] =	vst v10;
	v8 =	vld [tilespmem:s0+$0x3060];
	v5 =	vadd.f32 v5, v4  }
0x197: {  	v10 =	vld [tilespmem:s0+$0x3860];
	[tilespmem:s0+$0x13840] =	vst v2;
	v2 =	vadd.f32 v3, v4  }
0x198: {  	[tilespmem:s0+$0x11850] =	vst v5;
	v3 =	vadd.f32 v7, v4;
	v5 =	vld [tilespmem:s0+$0x4060]  }
0x199: {  	v6 =	vld [tilespmem:s0+$0x4860];
	v7 =	vadd.f32 v11, v4;
	[tilespmem:s0+$0x12050] =	vst v2  }
0x19a: {  	v2 =	vadd.f32 v9, v4;
	[tilespmem:s0+$0x12850] =	vst v3;
	v3 =	vld [tilespmem:s0+$0x5060]  }
0x19b: {  	v4 =	vld [tilespmem:s0+$0x3070];
	v9 =	vadd.f32 v8, v1;
	[tilespmem:s0+$0x13850] =	vst v7  }
0x19c: {  	v8 =	vadd.f32 v10, v1;
	[tilespmem:s0+$0x13050] =	vst v2;
	v2 =	vld [tilespmem:s0+$0x3870]  }
0x19d: {  	s5 =	simm.s32 $0x200;
	s1 =	simm.s32 $0x0;
	[tilespmem:s0+$0x11860] =	vst v9;
	v7 =	vadd.f32 v5, v1;
	v5 =	vld [tilespmem:s0+$0x4070]  }
.LBB2_4:
0x19e: {  	s6 =	sshra.s32 s5, $0x2;
	[tilespmem:s0+$0x12060] =	vst v8;
	v6 =	vadd.f32 v6, v1;
	v8 =	vld [tilespmem:s0+$0x4870]  }
0x19f: {  	s1 =	sadd.s32 $0x8, s1;
	v9 =	vld [tilespmem:s6+$0x70];
	[tilespmem:s0+$0x12860] =	vst v7;
	v1 =	vadd.f32 v3, v1  }
0x1a0: {  	p0 =	slt.u32 s1, $0x78;
	v3 =	vld [tilespmem:s6+$0x5070];
	[tilespmem:s0+$0x13060] =	vst v6;
	v4 =	vadd.f32 v4, v0  }
0x1a1: {  	v6 =	vld [tilespmem:s6+$0x0];
	[tilespmem:s0+$0x13860] =	vst v1;
	v1 =	vadd.f32 v2, v0  }
0x1a2: {  	v2 =	vld [tilespmem:s6+$0x3000];
	[tilespmem:s0+$0x11870] =	vst v4;
	v4 =	vadd.f32 v5, v0  }
0x1a3: {  	v5 =	vld [tilespmem:s6+$0x3800];
	[tilespmem:s0+$0x12070] =	vst v1;
	v1 =	vadd.f32 v8, v0  }
0x1a4: {  	v7 =	vld [tilespmem:s6+$0x4000];
	[tilespmem:s0+$0x12870] =	vst v4;
	v0 =	vmov v9  }
0x1a5: {  	v4 =	vld [tilespmem:s6+$0x4800];
	v3 =	vadd.f32 v3, v0;
	[tilespmem:s0+$0x13070] =	vst v1;
	s0 =	smov.u32 s6  }
0x1a6: {  	v1 =	vld [tilespmem:s0+$0x5000]  }
0x1a7: {  	v2 =	vadd.f32 v2, v6;
	v8 =	vld [tilespmem:s0+$0x10];
	[tilespmem:s0+$0x13870] =	vst v3  }
0x1a8: {  	v3 =	vadd.f32 v5, v6;
	v5 =	vld [tilespmem:s0+$0x3010]  }
0x1a9: {  	[tilespmem:s0+$0x11800] =	vst v2;
	v2 =	vadd.f32 v7, v6;
	v7 =	vld [tilespmem:s0+$0x3810]  }
0x1aa: {  	[tilespmem:s0+$0x12000] =	vst v3;
	v3 =	vadd.f32 v4, v6;
	v4 =	vld [tilespmem:s0+$0x4010]  }
0x1ab: {  	[tilespmem:s0+$0x12800] =	vst v2;
	v1 =	vadd.f32 v1, v6;
	v2 =	vld [tilespmem:s0+$0x4810]  }
0x1ac: {  	[tilespmem:s0+$0x13000] =	vst v3;
	v3 =	vld [tilespmem:s0+$0x5010]  }
0x1ad: {  	[tilespmem:s0+$0x13800] =	vst v1;
	v1 =	vadd.f32 v5, v8;
	v5 =	vld [tilespmem:s0+$0x20]  }
0x1ae: {  	v6 =	vadd.f32 v7, v8;
	v7 =	vld [tilespmem:s0+$0x3020]  }
0x1af: {  	[tilespmem:s0+$0x11810] =	vst v1;
	v1 =	vadd.f32 v4, v8;
	v4 =	vld [tilespmem:s0+$0x3820]  }
0x1b0: {  	[tilespmem:s0+$0x12010] =	vst v6;
	v2 =	vadd.f32 v2, v8;
	v6 =	vld [tilespmem:s0+$0x4020]  }
0x1b1: {  	[tilespmem:s0+$0x12810] =	vst v1;
	v1 =	vadd.f32 v3, v8;
	v3 =	vld [tilespmem:s0+$0x4820]  }
0x1b2: {  	[tilespmem:s0+$0x13010] =	vst v2;
	v2 =	vld [tilespmem:s0+$0x5020]  }
0x1b3: {  	[tilespmem:s0+$0x13810] =	vst v1;
	v1 =	vadd.f32 v7, v5;
	v7 =	vld [tilespmem:s0+$0x30]  }
0x1b4: {  	v4 =	vadd.f32 v4, v5;
	v8 =	vld [tilespmem:s0+$0x3030]  }
0x1b5: {  	[tilespmem:s0+$0x11820] =	vst v1;
	v1 =	vadd.f32 v6, v5;
	v6 =	vld [tilespmem:s0+$0x3830]  }
0x1b6: {  	[tilespmem:s0+$0x12020] =	vst v4;
	v3 =	vadd.f32 v3, v5;
	v4 =	vld [tilespmem:s0+$0x4030]  }
0x1b7: {  	[tilespmem:s0+$0x12820] =	vst v1;
	v1 =	vadd.f32 v2, v5;
	v2 =	vld [tilespmem:s0+$0x4830]  }
0x1b8: {  	[tilespmem:s0+$0x13020] =	vst v3;
	v3 =	vld [tilespmem:s0+$0x5030]  }
0x1b9: {  	[tilespmem:s0+$0x13820] =	vst v1;
	v1 =	vadd.f32 v8, v7;
	v5 =	vld [tilespmem:s0+$0x40]  }
0x1ba: {  	v6 =	vadd.f32 v6, v7;
	v8 =	vld [tilespmem:s0+$0x3040]  }
0x1bb: {  	[tilespmem:s0+$0x11830] =	vst v1;
	v1 =	vadd.f32 v4, v7;
	v4 =	vld [tilespmem:s0+$0x3840]  }
0x1bc: {  	[tilespmem:s0+$0x12030] =	vst v6;
	v2 =	vadd.f32 v2, v7;
	v6 =	vld [tilespmem:s0+$0x4040]  }
0x1bd: {  	[tilespmem:s0+$0x12830] =	vst v1;
	v1 =	vadd.f32 v3, v7;
	v3 =	vld [tilespmem:s0+$0x4840]  }
0x1be: {  	[tilespmem:s0+$0x13030] =	vst v2;
	v2 =	vld [tilespmem:s0+$0x5040]  }
0x1bf: {  	[tilespmem:s0+$0x13830] =	vst v1;
	v1 =	vadd.f32 v8, v5;
	v7 =	vld [tilespmem:s0+$0x50]  }
0x1c0: {  	v4 =	vadd.f32 v4, v5;
	v8 =	vld [tilespmem:s0+$0x3050]  }
0x1c1: {  	[tilespmem:s0+$0x11840] =	vst v1;
	v1 =	vadd.f32 v6, v5;
	v6 =	vld [tilespmem:s0+$0x3850]  }
0x1c2: {  	[tilespmem:s0+$0x12040] =	vst v4;
	v3 =	vadd.f32 v3, v5;
	v4 =	vld [tilespmem:s0+$0x4050]  }
0x1c3: {  	[tilespmem:s0+$0x12840] =	vst v1;
	v1 =	vadd.f32 v2, v5;
	v2 =	vld [tilespmem:s0+$0x4850]  }
0x1c4: {  	[tilespmem:s0+$0x13040] =	vst v3;
	v3 =	vld [tilespmem:s0+$0x5050]  }
0x1c5: {  	[tilespmem:s0+$0x13840] =	vst v1;
	v5 =	vadd.f32 v8, v7;
	v1 =	vld [tilespmem:s0+$0x60]  }
0x1c6: {  	v6 =	vadd.f32 v6, v7;
	v8 =	vld [tilespmem:s0+$0x3060]  }
0x1c7: {  	[tilespmem:s0+$0x11850] =	vst v5;
	v4 =	vadd.f32 v4, v7;
	v5 =	vld [tilespmem:s0+$0x3860]  }
0x1c8: {  	[tilespmem:s0+$0x12050] =	vst v6;
	v2 =	vadd.f32 v2, v7;
	v9 =	vld [tilespmem:s0+$0x4060]  }
.Ltmp1:
0x1c9: {  	[tilespmem:s0+$0x12850] =	vst v4;
	v4 =	vadd.f32 v3, v7;
	v6 =	vld [tilespmem:s0+$0x4860];
	(pc) =	sbr.rel @p0 .LBB2_4-.Ltmp1, $4  }
0x1ca: {  	[tilespmem:s0+$0x13050] =	vst v2;
	v3 =	vld [tilespmem:s0+$0x5060]  }
0x1cb: {  	[tilespmem:s0+$0x13850] =	vst v4;
	v7 =	vadd.f32 v8, v1;
	v4 =	vld [tilespmem:s0+$0x3070]  }
0x1cc: {  	v8 =	vadd.f32 v5, v1;
	v2 =	vld [tilespmem:s0+$0x3870]  }
0x1cd: {  	s5 =	sadd.s32 $0x200, s5;
	[tilespmem:s0+$0x11860] =	vst v7;
	v7 =	vadd.f32 v9, v1;
	v5 =	vld [tilespmem:s0+$0x4070]  }
0x1ce: {  	[tilespmem:s0+$0x12060] =	vst v8;
	v6 =	vadd.f32 v6, v1;
	v58 =	vld [tilespmem:s0+$0x4870]  }
0x1cf: {  	[tilespmem:s0+$0x12860] =	vst v7;
	v59 =	vadd.f32 v3, v1  }
0x1d0: {  	[tilespmem:s0+$0x13060] =	vst v6;
	v60 =	vadd.f32 v4, v0  }
0x1d1: {  	[tilespmem:s0+$0x13860] =	vst v59;
	v61 =	vadd.f32 v2, v0  }
0x1d2: {  	[tilespmem:s0+$0x11870] =	vst v60;
	v62 =	vadd.f32 v5, v0  }
0x1d3: {  	[tilespmem:s0+$0x12070] =	vst v61;
	v63 =	vadd.f32 v58, v0  }
0x1d4: {  	[tilespmem:s0+$0x12870] =	vst v62  }
0x1d5: {  	[tilespmem:s0+$0x13070] =	vst v63  }
0x1d6: {  	s14 =	simm.s32 $0x0;
	s1 =	simm.s32 $0x11800;
	s0 =	rddreg [dreg:$0x12]  }
0x1d7: {  	[hbm4b:s0+s14] =	stream.linear.scatter [tilespmem:s1], [sflag:$0x2], $0x800, $0x38;
	[tilespmem:$0x14000] =	vst v63  }
0x1d8: {  	s10 =	simm.s32 $0x12000;
	s9 =	rddreg [dreg:$0x13]  }
0x1d9: {  	[hbm4b:s9+s14] =	stream.linear.scatter [tilespmem:s10], [sflag:$0x2], $0x800, $0x38;
	[tilespmem:$0x14000] =	vst v63  }
0x1da: {  	s15 =	simm.s32 $0x12800;
	s13 =	rddreg [dreg:$0x14]  }
0x1db: {  	[hbm4b:s13+s14] =	stream.linear.scatter [tilespmem:s15], [sflag:$0x2], $0x800, $0x38;
	[tilespmem:$0x14000] =	vst v63  }
.Ltmp2:
0x1dc: {  	_ = 	snop;
	(pc) =	sbr.rel .LBB2_6-.Ltmp2, $4  }
0x1dd: {  	s17 =	simm.s32 $0x13000;
	s30 =	simm.s32 $0x13800;
	s16 =	rddreg [dreg:$0x15]  }
0x1de: {  	[hbm4b:s16+s14] =	stream.linear.scatter [tilespmem:s17], [sflag:$0x2], $0x800, $0x38;
	[tilespmem:$0x14000] =	vst v63  }
0x1df: {  	s31 =	simm.s32 $0x1;
	s8 =	simm.s32 $0xB;
	s18 =	rddreg [dreg:$0x16]  }
0x1e0: {  	[hbm4b:s18+s14] =	stream.linear.scatter [tilespmem:s30], [sflag:$0x2], $0x800, $0x38;
	[tilespmem:$0x14000] =	vst v63  }
.LBB2_36:
0x1e1: {  	s0 =	sadd.s32 s23, s1  }
0x1e2: {  	s0 =	sshrl.u32 s0, $0x3  }
0x1e3: {  	s6 =	simm.s32 $0x11800;
	s8 =	sadd.s32 s24, s1;
	s0 =	sadd.s32 s2, s0  }
0x1e4: {  	[hbm4b:s0+s3] =	stream.linear.scatter [tilespmem:s6], [sflag:$0x2], $0x800, $0x38;
	[tilespmem:$0x14000] =	vst v63  }
0x1e5: {  	s0 =	sshrl.u32 s8, $0x3  }
0x1e6: {  	s9 =	simm.s32 $0x12000;
	s10 =	sadd.s32 s25, s1;
	s0 =	sadd.s32 s2, s0  }
0x1e7: {  	[hbm4b:s0+s3] =	stream.linear.scatter [tilespmem:s9], [sflag:$0x2], $0x800, $0x38;
	[tilespmem:$0x14000] =	vst v63  }
0x1e8: {  	s0 =	sshrl.u32 s10, $0x3  }
0x1e9: {  	s13 =	simm.s32 $0x12800;
	s16 =	sadd.s32 s26, s1;
	s0 =	sadd.s32 s2, s0  }
0x1ea: {  	[hbm4b:s0+s3] =	stream.linear.scatter [tilespmem:s13], [sflag:$0x2], $0x800, $0x38;
	[tilespmem:$0x14000] =	vst v63  }
0x1eb: {  	s17 =	simm.s32 $0x13000;
	s31 =	sadd.s32 $0x1, s31;
	s0 =	sshrl.u32 s16, $0x3  }
0x1ec: {  	s18 =	sadd.s32 s28, s1;
	p1 =	sne.s32 s31, $0x2B;
	s0 =	sadd.s32 s2, s0  }
0x1ed: {  	[hbm4b:s0+s3] =	stream.linear.scatter [tilespmem:s17], [sflag:$0x2], $0x800, $0x38;
	[tilespmem:$0x14000] =	vst v63  }
.Ltmp3:
0x1ee: {  	s0 =	sshrl.u32 s18, $0x3;
	(pc) =	sbr.rel @!p1 .LBB2_37-.Ltmp3, $4  }
0x1ef: {  	s30 =	simm.s32 $0x13800;
	s8 =	sadd.s32 $0x1, s15;
	s0 =	sadd.s32 s2, s0  }
0x1f0: {  	[hbm4b:s0+s3] =	stream.linear.scatter [tilespmem:s30], [sflag:$0x2], $0x800, $0x38;
	[tilespmem:$0x14000] =	vst v63  }
0x1f1: {  	p0 =	sgt.s32 s8, $0x1D;
	s0 =	sadd.s32 $0x2, s14  }
0x1f2: {  	s14 =	smov.u32 @p0 s5;
	s8 =	smov.u32 @p0 s0  }
.LBB2_6:
0x1f3: {  	s16 =	sadd.s32 $0x1, s8  }
0x1f4: {  	s0 =	simm.s32 $0x1;
	p0 =	sgt.s32 s16, $0x1D  }
0x1f5: {  	s0 =	simm.s32 @!p0 $0x0  }
0x1f6: {  	s6 =	sadd.s32 s0, s14  }
0x1f7: {  	s0 =	sadd.s32 $0x1, s6  }
0x1f8: {  	s16 =	smov.u32 @p0 s0  }
0x1f9: {  	s5 =	sadd.s32 $0x1, s16  }
0x1fa: {  	s13 =	smov.u32 s6;
	p1 =	sgt.s32 s5, $0x1D  }
0x1fb: {  	s13 =	smov.u32 @p1 s0  }
0x1fc: {  	s0 =	smov.u32 s5;
	s9 =	sadd.s32 $0x1, s13  }
0x1fd: {  	s0 =	smov.u32 @p1 s9  }
0x1fe: {  	_ =	swait.ge [sflag:s7], $0x800;
	s10 =	sadd.s32 $0x1, s0  }
0x1ff: {  	[sflag:s7] =	ssyncset.done $0x0;
	s1 =	smov.u32 s13;
	p1 =	sgt.s32 s10, $0x1D  }
0x200: {  	[sflag:s7] =	ssyncadd.s32 $0xFFFFF800;
	s1 =	smov.u32 @p1 s9  }
0x201: {  	_ =	swait.ge [sflag:s7], $0x800;
	s30 =	smov.u32 s10;
	s9 =	sadd.s32 $0x1, s1  }
0x202: {  	[sflag:s7] =	ssyncset.done $0x0;
	s30 =	smov.u32 @p1 s9;
	p1 =	sgt.s32 @!p0 s5, $0x1D  }
0x203: {  	[sflag:s7] =	ssyncadd.s32 $0xFFFFF800;
	p0 =	por p0, p1  }
0x204: {  	_ =	swait.ge [sflag:s7], $0x800;
	p2 =	sgt.s32 @!p0 s10, $0x1D  }
0x205: {  	[sflag:s7] =	ssyncset.done $0x0;
	s5 =	sadd.s32 $0x1, s30;
	p0 =	por p0, p2  }
0x206: {  	[sflag:s7] =	ssyncadd.s32 $0xFFFFF800;
	p2 =	slt.s32 @!p0 s5, $0x1E  }
0x207: {  	s17 =	sshll.u32 s8, $0xD;
	_ =	swait.ge [sflag:s7], $0x800;
	p0 =	por p0, !p2  }
.Ltmp4:
0x208: {  	s8 =	sshra.s32 s17, $0x2;
	[sflag:s7] =	ssyncset.done $0x0;
	(pc) =	sbr.rel @p0 .LBB2_7-.Ltmp4, $4  }
0x209: {  	[sflag:s7] =	ssyncadd.s32 $0xFFFFF800;
	s18 =	smov.u32 s1;
	p1 =	sgt.s32 s5, $0x1D  }
0x20a: {  	s14 =	sshll.u32 s14, $0xD;
	_ =	swait.ge [sflag:s7], $0x800;
	s18 =	smov.u32 @p1 s9  }
0x20b: {  	[sflag:s7] =	ssyncset.done $0x0;
	s9 =	sshra.s32 s14, $0x2;
	s15 =	sadd.s32 $0x1, s18  }
0x20c: {  	[sflag:s7] =	ssyncadd.s32 $0xFFFFF800;
	s17 =	sadd.s32 $0x40, s9;
	s5 =	smov.u32 @p1 s15  }
0x20d: {  	v0 =	vld [tilespmem:s17+$0x30]  }
0x20e: {  	v3 =	vld [tilespmem:s17+$0xFFFFFFD0]  }
0x20f: {  	v5 =	vld [tilespmem:s17+$0xFFFFFFE0]  }
0x210: {  	v8 =	vld [tilespmem:s17+$0xFFFFFFF0]  }
0x211: {  	v9 =	vld [tilespmem:s17+$0x0]  }
0x212: {  	v11 =	vld [tilespmem:s17+$0x10]  }
0x213: {  	s14 =	sadd.s32 $0x1040, s8;
	v13 =	vld [tilespmem:s17+$0x20]  }
0x214: {  	v1 =	vld [tilespmem:s14+$0xFFFFF030]  }
0x215: {  	v2 =	vld [tilespmem:s14+$0xFFFFEFC0]  }
0x216: {  	v4 =	vld [tilespmem:s14+$0xFFFFEFD0]  }
0x217: {  	v6 =	vld [tilespmem:s14+$0xFFFFEFE0]  }
0x218: {  	v7 =	vld [tilespmem:s14+$0xFFFFEFF0]  }
0x219: {  	v10 =	vld [tilespmem:s14+$0xFFFFF000]  }
0x21a: {  	s6 =	sadd.s32 $0x80, s17;
	v12 =	vld [tilespmem:s14+$0xFFFFF010]  }
0x21b: {  	v19 =	vld [tilespmem:s6+$0x30];
	s13 =	sadd.s32 $0x80, s14  }
0x21c: {  	v20 =	vld [tilespmem:s13+$0xFFFFEFC0];
	v1 =	vadd.f32 v1, v0  }
0x21d: {  	s0 =	simm.s32 $0x10040;
	v21 =	vld [tilespmem:s13+$0xFFFFEFD0]  }
0x21e: {  	[tilespmem:s0+$0xFFFFF030] =	vst v1;
	v1 =	vadd.f32 v4, v3;
	v4 =	vld [tilespmem:s14+$0xFFFFF020]  }
0x21f: {  	v15 =	vadd.f32 v6, v5;
	v14 =	vld [tilespmem:s14+$0xFFFFF830]  }
0x220: {  	v6 =	vld [tilespmem:s17+$0xFFFFFFC0];
	[tilespmem:s0+$0xFFFFEFD0] =	vst v1;
	v1 =	vadd.f32 v7, v8  }
0x221: {  	[tilespmem:s0+$0xFFFFEFE0] =	vst v15;
	v7 =	vadd.f32 v10, v9;
	v10 =	vld [tilespmem:s14+$0xFFFFF7D0]  }
0x222: {  	[tilespmem:s0+$0xFFFFEFF0] =	vst v1;
	v1 =	vadd.f32 v12, v11;
	v12 =	vld [tilespmem:s14+$0xFFFFF7E0]  }
0x223: {  	[tilespmem:s0+$0xFFFFF000] =	vst v7;
	v7 =	vld [tilespmem:s14+$0xFFFFF7F0];
	v4 =	vadd.f32 v4, v13  }
0x224: {  	v14 =	vadd.f32 v14, v0;
	[tilespmem:s0+$0xFFFFF010] =	vst v1;
	v1 =	vld [tilespmem:s14+$0xFFFFF800]  }
0x225: {  	v2 =	vadd.f32 v2, v6;
	v15 =	vld [tilespmem:s14+$0xFFFFF810];
	[tilespmem:s0+$0xFFFFF020] =	vst v4  }
0x226: {  	[tilespmem:s0+$0xFFFFF830] =	vst v14;
	v4 =	vadd.f32 v10, v3;
	v10 =	vld [tilespmem:s14+$0xFFFFF820]  }
0x227: {  	[tilespmem:s0+$0xFFFFEFC0] =	vst v2;
	v14 =	vld [tilespmem:s14+$0x30];
	v2 =	vadd.f32 v12, v5  }
0x228: {  	v12 =	vld [tilespmem:s14+$0xFFFFF7C0];
	[tilespmem:s0+$0xFFFFF7D0] =	vst v4;
	v4 =	vadd.f32 v7, v8  }
0x229: {  	v7 =	vld [tilespmem:s14+$0xFFFFFFD0];
	[tilespmem:s0+$0xFFFFF7E0] =	vst v2;
	v1 =	vadd.f32 v1, v9  }
0x22a: {  	v2 =	vld [tilespmem:s14+$0xFFFFFFE0];
	[tilespmem:s0+$0xFFFFF7F0] =	vst v4;
	v4 =	vadd.f32 v15, v11  }
0x22b: {  	v15 =	vld [tilespmem:s14+$0xFFFFFFF0];
	[tilespmem:s0+$0xFFFFF800] =	vst v1;
	v1 =	vadd.f32 v10, v13  }
0x22c: {  	v10 =	vadd.f32 v14, v0;
	v14 =	vld [tilespmem:s14+$0x0];
	[tilespmem:s0+$0xFFFFF810] =	vst v4  }
0x22d: {  	v4 =	vadd.f32 v12, v6;
	v12 =	vld [tilespmem:s14+$0x10];
	[tilespmem:s0+$0xFFFFF820] =	vst v1  }
0x22e: {  	[tilespmem:s0+$0x30] =	vst v10;
	v1 =	vadd.f32 v7, v3;
	v7 =	vld [tilespmem:s14+$0x20]  }
0x22f: {  	[tilespmem:s0+$0xFFFFF7C0] =	vst v4;
	v10 =	vld [tilespmem:s14+$0x830];
	v2 =	vadd.f32 v2, v5  }
0x230: {  	v4 =	vld [tilespmem:s14+$0xFFFFFFC0];
	[tilespmem:s0+$0xFFFFFFD0] =	vst v1;
	v1 =	vadd.f32 v15, v8  }
0x231: {  	v15 =	vld [tilespmem:s14+$0x7D0];
	[tilespmem:s0+$0xFFFFFFE0] =	vst v2;
	v2 =	vadd.f32 v14, v9  }
0x232: {  	v14 =	vld [tilespmem:s14+$0x7E0];
	[tilespmem:s0+$0xFFFFFFF0] =	vst v1;
	v1 =	vadd.f32 v12, v11  }
0x233: {  	v12 =	vld [tilespmem:s14+$0x7F0];
	[tilespmem:s0+$0x0] =	vst v2;
	v2 =	vadd.f32 v7, v13  }
0x234: {  	v7 =	vadd.f32 v10, v0;
	v10 =	vld [tilespmem:s14+$0x800];
	[tilespmem:s0+$0x10] =	vst v1  }
0x235: {  	v1 =	vadd.f32 v4, v6;
	v4 =	vld [tilespmem:s14+$0x810];
	[tilespmem:s0+$0x20] =	vst v2  }
0x236: {  	[tilespmem:s0+$0x830] =	vst v7;
	v2 =	vadd.f32 v15, v3;
	v7 =	vld [tilespmem:s14+$0x820]  }
0x237: {  	[tilespmem:s0+$0xFFFFFFC0] =	vst v1;
	v15 =	vld [tilespmem:s14+$0x1030];
	v1 =	vadd.f32 v14, v5  }
0x238: {  	v14 =	vld [tilespmem:s14+$0x7C0];
	[tilespmem:s0+$0x7D0] =	vst v2;
	v2 =	vadd.f32 v12, v8  }
0x239: {  	v12 =	vld [tilespmem:s14+$0xFD0];
	[tilespmem:s0+$0x7E0] =	vst v1  }
0x23a: {  	v1 =	vadd.f32 v10, v9;
	v10 =	vld [tilespmem:s14+$0xFE0];
	[tilespmem:s0+$0x7F0] =	vst v2  }
0x23b: {  	v2 =	vadd.f32 v4, v11;
	v4 =	vld [tilespmem:s14+$0xFF0]  }
0x23c: {  	[tilespmem:s0+$0x800] =	vst v1;
	v1 =	vadd.f32 v7, v13;
	v7 =	vld [tilespmem:s6+$0xFFFFFFD0]  }
0x23d: {  	v16 =	vld [tilespmem:s14+$0x1000]  }
0x23e: {  	[tilespmem:s0+$0x810] =	vst v2;
	v2 =	vld [tilespmem:s13+$0xFFFFF030]  }
0x23f: {  	v0 =	vadd.f32 v15, v0;
	v15 =	vld [tilespmem:s13+$0xFFFFEFE0]  }
0x240: {  	v17 =	vld [tilespmem:s14+$0x1010]  }
0x241: {  	[tilespmem:s0+$0x820] =	vst v1;
	v1 =	vld [tilespmem:s6+$0xFFFFFFE0]  }
0x242: {  	v18 =	vld [tilespmem:s14+$0x1020];
	v3 =	vadd.f32 v12, v3  }
0x243: {  	[tilespmem:s0+$0x1030] =	vst v0;
	v0 =	vadd.f32 v14, v6;
	v12 =	vld [tilespmem:s13+$0xFFFFEFF0]  }
0x244: {  	[tilespmem:s0+$0xFD0] =	vst v3;
	v3 =	vld [tilespmem:s6+$0x0];
	v22 =	vadd.f32 v2, v19  }
0x245: {  	s1 =	simm.s32 $0x100C0;
	[tilespmem:s0+$0x7C0] =	vst v0;
	v0 =	vadd.f32 v10, v5;
	v4 =	vadd.f32 v4, v8;
	v8 =	vld [tilespmem:s13+$0xFFFFF000]  }
0x246: {  	v2 =	vld [tilespmem:s6+$0xFFFFFFF0];
	[tilespmem:s1+$0xFFFFF030] =	vst v22  }
0x247: {  	[tilespmem:s0+$0xFE0] =	vst v0;
	v0 =	vadd.f32 v16, v9;
	v10 =	vld [tilespmem:s13+$0xFFFFF830]  }
0x248: {  	[tilespmem:s0+$0xFF0] =	vst v4;
	v5 =	vadd.f32 v17, v11;
	v4 =	vld [tilespmem:s6+$0x10]  }
0x249: {  	v9 =	vld [tilespmem:s13+$0xFFFFF010];
	v11 =	vadd.f32 v21, v7;
	[tilespmem:s0+$0x1000] =	vst v0  }
0x24a: {  	v0 =	vadd.f32 v18, v13;
	[tilespmem:s0+$0x1010] =	vst v5;
	v5 =	vld [tilespmem:s6+$0x20]  }
0x24b: {  	v14 =	vadd.f32 v15, v1;
	v13 =	vld [tilespmem:s13+$0xFFFFF020];
	[tilespmem:s1+$0xFFFFEFD0] =	vst v11  }
0x24c: {  	[tilespmem:s0+$0x1020] =	vst v0;
	v0 =	vld [tilespmem:s6+$0xFFFFFFC0];
	v10 =	vadd.f32 v10, v19  }
0x24d: {  	[tilespmem:s1+$0xFFFFEFE0] =	vst v14;
	v8 =	vadd.f32 v8, v3  }
0x24e: {  	[tilespmem:s1+$0xFFFFF830] =	vst v10;
	v10 =	vadd.f32 v12, v2;
	v12 =	vld [tilespmem:s13+$0xFFFFF7D0]  }
0x24f: {  	v9 =	vadd.f32 v9, v4;
	[tilespmem:s1+$0xFFFFF000] =	vst v8;
	v11 =	vld [tilespmem:s13+$0x30]  }
0x250: {  	v13 =	vadd.f32 v13, v5;
	[tilespmem:s1+$0xFFFFEFF0] =	vst v10;
	v10 =	vld [tilespmem:s13+$0xFFFFF7E0]  }
0x251: {  	[tilespmem:s1+$0xFFFFF010] =	vst v9;
	v9 =	vadd.f32 v20, v0;
	v8 =	vld [tilespmem:s13+$0xFFFFF7F0]  }
0x252: {  	v14 =	vld [tilespmem:s13+$0xFFFFF800];
	[tilespmem:s1+$0xFFFFF020] =	vst v13  }
0x253: {  	v15 =	vld [tilespmem:s13+$0xFFFFF810];
	[tilespmem:s1+$0xFFFFEFC0] =	vst v9;
	v9 =	vadd.f32 v12, v7  }
0x254: {  	v12 =	vld [tilespmem:s13+$0xFFFFF820];
	v11 =	vadd.f32 v11, v19  }
0x255: {  	v13 =	vld [tilespmem:s13+$0xFFFFF7C0];
	v10 =	vadd.f32 v10, v1;
	[tilespmem:s1+$0xFFFFF7D0] =	vst v9  }
0x256: {  	[tilespmem:s1+$0x30] =	vst v11;
	v8 =	vadd.f32 v8, v2;
	v11 =	vld [tilespmem:s13+$0xFFFFFFD0]  }
0x257: {  	v9 =	vld [tilespmem:s13+$0x830];
	[tilespmem:s1+$0xFFFFF7E0] =	vst v10;
	v10 =	vadd.f32 v14, v3  }
0x258: {  	v14 =	vld [tilespmem:s13+$0xFFFFFFE0];
	[tilespmem:s1+$0xFFFFF7F0] =	vst v8;
	v8 =	vadd.f32 v15, v4  }
0x259: {  	v15 =	vld [tilespmem:s13+$0xFFFFFFF0];
	[tilespmem:s1+$0xFFFFF800] =	vst v10;
	v10 =	vadd.f32 v12, v5  }
0x25a: {  	v12 =	vadd.f32 v13, v0;
	v13 =	vld [tilespmem:s13+$0x0];
	[tilespmem:s1+$0xFFFFF810] =	vst v8  }
0x25b: {  	v8 =	vld [tilespmem:s13+$0x10];
	[tilespmem:s1+$0xFFFFF820] =	vst v10;
	v10 =	vadd.f32 v11, v7  }
0x25c: {  	[tilespmem:s1+$0xFFFFF7C0] =	vst v12;
	v9 =	vadd.f32 v9, v19;
	v11 =	vld [tilespmem:s13+$0x20]  }
0x25d: {  	v12 =	vld [tilespmem:s13+$0xFFFFFFC0];
	v14 =	vadd.f32 v14, v1;
	[tilespmem:s1+$0xFFFFFFD0] =	vst v10  }
0x25e: {  	[tilespmem:s1+$0x830] =	vst v9;
	v9 =	vadd.f32 v15, v2;
	v15 =	vld [tilespmem:s13+$0x7D0]  }
0x25f: {  	v10 =	vld [tilespmem:s13+$0x1030];
	[tilespmem:s1+$0xFFFFFFE0] =	vst v14;
	v13 =	vadd.f32 v13, v3  }
0x260: {  	v14 =	vld [tilespmem:s13+$0x7E0];
	[tilespmem:s1+$0xFFFFFFF0] =	vst v9;
	v8 =	vadd.f32 v8, v4  }
0x261: {  	v9 =	vld [tilespmem:s13+$0x7F0];
	[tilespmem:s1+$0x0] =	vst v13;
	v11 =	vadd.f32 v11, v5  }
0x262: {  	v12 =	vadd.f32 v12, v0;
	v13 =	vld [tilespmem:s13+$0x800];
	[tilespmem:s1+$0x10] =	vst v8  }
0x263: {  	v8 =	vld [tilespmem:s13+$0x810];
	[tilespmem:s1+$0x20] =	vst v11;
	v11 =	vadd.f32 v15, v7  }
0x264: {  	[tilespmem:s1+$0xFFFFFFC0] =	vst v12;
	v10 =	vadd.f32 v10, v19;
	v12 =	vld [tilespmem:s13+$0x820]  }
0x265: {  	v15 =	vld [tilespmem:s13+$0x7C0];
	v14 =	vadd.f32 v14, v1;
	[tilespmem:s1+$0x7D0] =	vst v11  }
0x266: {  	v62 =	vld [tilespmem:s14+$0xFC0];
	[tilespmem:s1+$0x1030] =	vst v10;
	v9 =	vadd.f32 v9, v2  }
0x267: {  	v63 =	vld [tilespmem:s13+$0xFD0];
	[tilespmem:s1+$0x7E0] =	vst v14;
	v10 =	vadd.f32 v13, v3  }
0x268: {  	v11 =	vld [tilespmem:s13+$0xFE0];
	[tilespmem:s1+$0x7F0] =	vst v9;
	v9 =	vadd.f32 v8, v4  }
0x269: {  	v8 =	vld [tilespmem:s13+$0xFF0];
	[tilespmem:s1+$0x800] =	vst v10;
	v12 =	vadd.f32 v12, v5  }
0x26a: {  	v14 =	vadd.f32 v15, v0;
	v10 =	vld [tilespmem:s13+$0x1000];
	[tilespmem:s1+$0x810] =	vst v9  }
0x26b: {  	v13 =	vadd.f32 v62, v6;
	v9 =	vld [tilespmem:s13+$0x1010];
	[tilespmem:s1+$0x820] =	vst v12  }
0x26c: {  	s30 =	sadd.s32 $0x80, s6;
	s16 =	smov.u32 s13;
	s14 =	simm.s32 $0x8;
	[tilespmem:s1+$0x7C0] =	vst v14;
	v6 =	vadd.f32 v63, v7;
	v12 =	vld [tilespmem:s13+$0x1020]  }
.LBB2_19:
0x26d: {  	v7 =	vld [tilespmem:s30+$0x30];
	v1 =	vadd.f32 v11, v1;
	s13 =	sadd.s32 $0x80, s13;
	[tilespmem:s0+$0xFC0] =	vst v13;
	s0 =	smov.u32 s1  }
0x26e: {  	s14 =	sadd.s32 $0x8, s14;
	v11 =	vld [tilespmem:s13+$0xFFFFF030];
	[tilespmem:s1+$0xFD0] =	vst v6;
	v2 =	vadd.f32 v8, v2  }
0x26f: {  	p0 =	slt.u32 s14, $0x78;
	v8 =	vld [tilespmem:s13+$0xFFFFEFC0];
	[tilespmem:s1+$0xFE0] =	vst v1;
	v1 =	vadd.f32 v10, v3  }
0x270: {  	v6 =	vld [tilespmem:s30+$0xFFFFFFD0];
	[tilespmem:s1+$0xFF0] =	vst v2;
	v2 =	vadd.f32 v9, v4  }
0x271: {  	v3 =	vld [tilespmem:s13+$0xFFFFEFD0];
	[tilespmem:s1+$0x1000] =	vst v1;
	v4 =	vadd.f32 v12, v5  }
0x272: {  	v1 =	vld [tilespmem:s30+$0xFFFFFFE0];
	[tilespmem:s1+$0x1010] =	vst v2  }
0x273: {  	v5 =	vld [tilespmem:s13+$0xFFFFEFE0];
	v9 =	vadd.f32 v11, v7;
	[tilespmem:s1+$0x1020] =	vst v4  }
0x274: {  	s1 =	sadd.s32 $0x80, s1;
	v2 =	vld [tilespmem:s30+$0xFFFFFFF0]  }
0x275: {  	v10 =	vld [tilespmem:s13+$0xFFFFEFF0];
	[tilespmem:s1+$0xFFFFF030] =	vst v9  }
0x276: {  	v4 =	vadd.f32 v3, v6;
	v9 =	vld [tilespmem:s13+$0xFFFFF830]  }
0x277: {  	v3 =	vld [tilespmem:s30+$0x0]  }
0x278: {  	[tilespmem:s1+$0xFFFFEFD0] =	vst v4;
	v5 =	vadd.f32 v5, v1;
	v11 =	vld [tilespmem:s13+$0xFFFFF000]  }
0x279: {  	v4 =	vld [tilespmem:s30+$0x10]  }
0x27a: {  	[tilespmem:s1+$0xFFFFEFE0] =	vst v5;
	v10 =	vadd.f32 v10, v2;
	v12 =	vld [tilespmem:s13+$0xFFFFF010]  }
0x27b: {  	v5 =	vld [tilespmem:s30+$0x20];
	v9 =	vadd.f32 v9, v7  }
0x27c: {  	[tilespmem:s1+$0xFFFFEFF0] =	vst v10;
	v10 =	vld [tilespmem:s13+$0xFFFFF020]  }
0x27d: {  	v14 =	vld [tilespmem:s30+$0xFFFFFFC0];
	v11 =	vadd.f32 v11, v3;
	[tilespmem:s1+$0xFFFFF830] =	vst v9  }
0x27e: {  	v9 =	vld [tilespmem:s13+$0x30]  }
0x27f: {  	v13 =	vld [tilespmem:s13+$0xFFFFF7D0];
	[tilespmem:s1+$0xFFFFF000] =	vst v11;
	v11 =	vadd.f32 v12, v4  }
0x280: {  	v12 =	vld [tilespmem:s13+$0xFFFFF7E0]  }
0x281: {  	v15 =	vld [tilespmem:s13+$0xFFFFF7F0];
	[tilespmem:s1+$0xFFFFF010] =	vst v11;
	v10 =	vadd.f32 v10, v5  }
0x282: {  	v8 =	vadd.f32 v8, v14;
	v11 =	vld [tilespmem:s13+$0xFFFFF800]  }
0x283: {  	v16 =	vld [tilespmem:s13+$0xFFFFF810];
	[tilespmem:s1+$0xFFFFF020] =	vst v10;
	v9 =	vadd.f32 v9, v7  }
0x284: {  	[tilespmem:s1+$0xFFFFEFC0] =	vst v8;
	v8 =	vadd.f32 v13, v6;
	v10 =	vld [tilespmem:s13+$0xFFFFF820]  }
0x285: {  	v13 =	vld [tilespmem:s13+$0xFFFFF7C0];
	v12 =	vadd.f32 v12, v1;
	[tilespmem:s1+$0x30] =	vst v9  }
0x286: {  	[tilespmem:s1+$0xFFFFF7D0] =	vst v8;
	v8 =	vadd.f32 v15, v2;
	v9 =	vld [tilespmem:s13+$0x830]  }
0x287: {  	v15 =	vld [tilespmem:s13+$0xFFFFFFD0];
	[tilespmem:s1+$0xFFFFF7E0] =	vst v12;
	v11 =	vadd.f32 v11, v3  }
0x288: {  	v12 =	vld [tilespmem:s13+$0xFFFFFFE0];
	[tilespmem:s1+$0xFFFFF7F0] =	vst v8;
	v8 =	vadd.f32 v16, v4  }
0x289: {  	v16 =	vld [tilespmem:s13+$0xFFFFFFF0];
	[tilespmem:s1+$0xFFFFF800] =	vst v11;
	v10 =	vadd.f32 v10, v5  }
0x28a: {  	v11 =	vadd.f32 v13, v14;
	v13 =	vld [tilespmem:s13+$0x0];
	[tilespmem:s1+$0xFFFFF810] =	vst v8  }
0x28b: {  	v8 =	vld [tilespmem:s13+$0x10];
	[tilespmem:s1+$0xFFFFF820] =	vst v10;
	v9 =	vadd.f32 v9, v7  }
0x28c: {  	[tilespmem:s1+$0xFFFFF7C0] =	vst v11;
	v10 =	vadd.f32 v15, v6;
	v11 =	vld [tilespmem:s13+$0x20]  }
0x28d: {  	v15 =	vld [tilespmem:s13+$0xFFFFFFC0];
	v12 =	vadd.f32 v12, v1;
	[tilespmem:s1+$0x830] =	vst v9  }
0x28e: {  	[tilespmem:s1+$0xFFFFFFD0] =	vst v10;
	v9 =	vadd.f32 v16, v2;
	v10 =	vld [tilespmem:s13+$0x1030]  }
0x28f: {  	v16 =	vld [tilespmem:s13+$0x7D0];
	[tilespmem:s1+$0xFFFFFFE0] =	vst v12;
	v12 =	vadd.f32 v13, v3  }
0x290: {  	v13 =	vld [tilespmem:s13+$0x7E0];
	[tilespmem:s1+$0xFFFFFFF0] =	vst v9;
	v8 =	vadd.f32 v8, v4  }
0x291: {  	v9 =	vld [tilespmem:s13+$0x7F0];
	[tilespmem:s1+$0x0] =	vst v12;
	v11 =	vadd.f32 v11, v5  }
0x292: {  	v12 =	vadd.f32 v15, v14;
	v15 =	vld [tilespmem:s13+$0x800];
	[tilespmem:s1+$0x10] =	vst v8  }
0x293: {  	v8 =	vld [tilespmem:s13+$0x810];
	[tilespmem:s1+$0x20] =	vst v11;
	v7 =	vadd.f32 v10, v7  }
0x294: {  	[tilespmem:s1+$0xFFFFFFC0] =	vst v12;
	v10 =	vadd.f32 v16, v6;
	v12 =	vld [tilespmem:s13+$0x820]  }
0x295: {  	v16 =	vld [tilespmem:s13+$0x7C0];
	v11 =	vadd.f32 v13, v1;
	[tilespmem:s1+$0x1030] =	vst v7  }
0x296: {  	[tilespmem:s1+$0x7D0] =	vst v10;
	v7 =	vadd.f32 v9, v2;
	v13 =	vld [tilespmem:s16+$0xFC0];
	s16 =	smov.u32 s13  }
0x297: {  	v17 =	vld [tilespmem:s13+$0xFD0];
	[tilespmem:s1+$0x7E0] =	vst v11;
	v9 =	vadd.f32 v15, v3  }
.Ltmp5:
0x298: {  	v11 =	vld [tilespmem:s13+$0xFE0];
	[tilespmem:s1+$0x7F0] =	vst v7;
	v7 =	vadd.f32 v8, v4;
	(pc) =	sbr.rel @p0 .LBB2_19-.Ltmp5, $4  }
0x299: {  	v8 =	vld [tilespmem:s13+$0xFF0];
	[tilespmem:s1+$0x800] =	vst v9;
	v12 =	vadd.f32 v12, v5  }
0x29a: {  	v15 =	vadd.f32 v16, v14;
	v10 =	vld [tilespmem:s13+$0x1000];
	[tilespmem:s1+$0x810] =	vst v7  }
0x29b: {  	v9 =	vld [tilespmem:s13+$0x1010];
	[tilespmem:s1+$0x820] =	vst v12;
	v13 =	vadd.f32 v13, v0;
	v0 =	vmov v14  }
0x29c: {  	s30 =	sadd.s32 $0x80, s30;
	[tilespmem:s1+$0x7C0] =	vst v15;
	v6 =	vadd.f32 v17, v6;
	v12 =	vld [tilespmem:s13+$0x1020]  }
0x29d: {  	v1 =	vadd.f32 v11, v1;
	[tilespmem:s0+$0xFC0] =	vst v13;
	v7 =	vld [tilespmem:s16+$0xFC0]  }
0x29e: {  	[tilespmem:s1+$0xFD0] =	vst v6;
	v2 =	vadd.f32 v8, v2  }
0x29f: {  	[tilespmem:s1+$0xFE0] =	vst v1;
	v61 =	vadd.f32 v10, v3  }
.Ltmp6:
0x2a0: {  	[tilespmem:s1+$0xFF0] =	vst v2;
	v62 =	vadd.f32 v9, v4;
	(pc) =	sbr.rel .LBB2_21-.Ltmp6, $4  }
0x2a1: {  	[tilespmem:s1+$0x1000] =	vst v61;
	v63 =	vadd.f32 v12, v5  }
0x2a2: {  	[tilespmem:s1+$0x1010] =	vst v62;
	v0 =	vadd.f32 v7, v0  }
0x2a3: {  	[tilespmem:s1+$0x1020] =	vst v63  }
0x2a4: {  	[tilespmem:s1+$0xFC0] =	vst v0  }
.LBB2_7:
0x2a5: {  	v1 =	vld [tilespmem:s17+$0x30]  }
0x2a6: {  	v3 =	vld [tilespmem:s17+$0xFFFFFFD0]  }
0x2a7: {  	v5 =	vld [tilespmem:s17+$0xFFFFFFE0]  }
0x2a8: {  	v7 =	vld [tilespmem:s17+$0xFFFFFFF0]  }
0x2a9: {  	s8 =	sadd.s32 $0x40, s8;
	v9 =	vld [tilespmem:s17+$0x0]  }
0x2aa: {  	v2 =	vld [tilespmem:s8+$0x30]  }
0x2ab: {  	v4 =	vld [tilespmem:s8+$0xFFFFFFD0]  }
0x2ac: {  	v6 =	vld [tilespmem:s8+$0xFFFFFFE0]  }
0x2ad: {  	v8 =	vld [tilespmem:s8+$0xFFFFFFF0]  }
0x2ae: {  	v0 =	vld [tilespmem:s8+$0xFFFFFFC0]  }
0x2af: {  	v10 =	vld [tilespmem:s8+$0x0];
	v2 =	vadd.f32 v2, v1  }
0x2b0: {  	s14 =	simm.s32 $0xF040;
	v4 =	vadd.f32 v4, v3;
	v1 =	vld [tilespmem:s17+$0x10]  }
0x2b1: {  	v5 =	vadd.f32 v6, v5;
	v3 =	vld [tilespmem:s8+$0x10];
	[tilespmem:s14+$0x30] =	vst v2  }
0x2b2: {  	v6 =	vadd.f32 v8, v7;
	[tilespmem:s14+$0xFFFFFFD0] =	vst v4;
	v2 =	vld [tilespmem:s17+$0x20]  }
0x2b3: {  	[tilespmem:s14+$0xFFFFFFE0] =	vst v5;
	v5 =	vld [tilespmem:s8+$0x20]  }
0x2b4: {  	s9 =	simm.s32 $0x0;
	v4 =	vld [tilespmem:s17+$0xFFFFFFC0];
	[tilespmem:s14+$0xFFFFFFF0] =	vst v6;
	v6 =	vadd.f32 v10, v9;
	s17 =	sadd.s32 $0x80, s17  }
.LBB2_8:
0x2b5: {  	v7 =	vld [tilespmem:s17+$0x30];
	s8 =	sadd.s32 $0x80, s8  }
0x2b6: {  	s9 =	sadd.s32 $0x8, s9;
	v8 =	vld [tilespmem:s8+$0x30];
	[tilespmem:s14+$0x0] =	vst v6;
	v1 =	vadd.f32 v3, v1  }
0x2b7: {  	p0 =	slt.u32 s9, $0x78;
	v3 =	vld [tilespmem:s8+$0xFFFFFFC0]  }
0x2b8: {  	v6 =	vld [tilespmem:s17+$0xFFFFFFD0];
	[tilespmem:s14+$0x10] =	vst v1;
	v1 =	vadd.f32 v5, v2  }
0x2b9: {  	v2 =	vld [tilespmem:s8+$0xFFFFFFD0];
	v9 =	vadd.f32 v0, v4  }
0x2ba: {  	v4 =	vld [tilespmem:s17+$0xFFFFFFE0];
	[tilespmem:s14+$0x20] =	vst v1  }
0x2bb: {  	v1 =	vld [tilespmem:s8+$0xFFFFFFE0];
	v5 =	vadd.f32 v8, v7;
	[tilespmem:s14+$0xFFFFFFC0] =	vst v9  }
0x2bc: {  	s14 =	sadd.s32 $0x80, s14;
	v7 =	vld [tilespmem:s17+$0xFFFFFFF0];
	v0 =	vmov v3  }
0x2bd: {  	v8 =	vld [tilespmem:s8+$0xFFFFFFF0];
	[tilespmem:s14+$0x30] =	vst v5  }
0x2be: {  	v2 =	vadd.f32 v2, v6;
	v6 =	vld [tilespmem:s17+$0x0]  }
0x2bf: {  	v9 =	vld [tilespmem:s8+$0x0]  }
.Ltmp7:
0x2c0: {  	[tilespmem:s14+$0xFFFFFFD0] =	vst v2;
	v2 =	vadd.f32 v1, v4;
	v1 =	vld [tilespmem:s17+$0x10];
	(pc) =	sbr.rel @p0 .LBB2_8-.Ltmp7, $4  }
0x2c1: {  	v3 =	vld [tilespmem:s8+$0x10]  }
0x2c2: {  	[tilespmem:s14+$0xFFFFFFE0] =	vst v2;
	v7 =	vadd.f32 v8, v7;
	v2 =	vld [tilespmem:s17+$0x20]  }
0x2c3: {  	v5 =	vld [tilespmem:s8+$0x20]  }
0x2c4: {  	v4 =	vld [tilespmem:s17+$0xFFFFFFC0];
	[tilespmem:s14+$0xFFFFFFF0] =	vst v7;
	v6 =	vadd.f32 v9, v6;
	s17 =	sadd.s32 $0x80, s17  }
0x2c5: {  	_ =	sdelay $0x1  }
0x2c6: {  	v1 =	vadd.f32 v3, v1  }
0x2c7: {  	[tilespmem:s14+$0x0] =	vst v6;
	v2 =	vadd.f32 v5, v2  }
0x2c8: {  	s6 =	sshll.u32 s6, $0xD;
	[tilespmem:s14+$0x10] =	vst v1;
	v0 =	vadd.f32 v0, v4  }
0x2c9: {  	s8 =	sshll.u32 s16, $0xD;
	s6 =	sshra.s32 s6, $0x2;
	[tilespmem:s14+$0x20] =	vst v2  }
0x2ca: {  	s8 =	sshra.s32 s8, $0x2;
	s10 =	sor.u32 $0x40, s6;
	[tilespmem:s14+$0xFFFFFFC0] =	vst v0  }
0x2cb: {  	s8 =	sor.u32 $0x40, s8;
	v1 =	vld [tilespmem:s10+$0x30]  }
0x2cc: {  	v2 =	vld [tilespmem:s8+$0x30]  }
0x2cd: {  	v0 =	vld [tilespmem:s8+$0xFFFFFFC0]  }
0x2ce: {  	v3 =	vld [tilespmem:s10+$0xFFFFFFD0]  }
0x2cf: {  	v4 =	vld [tilespmem:s8+$0xFFFFFFD0]  }
0x2d0: {  	v5 =	vld [tilespmem:s10+$0xFFFFFFE0]  }
0x2d1: {  	v6 =	vld [tilespmem:s8+$0xFFFFFFE0]  }
0x2d2: {  	v7 =	vld [tilespmem:s10+$0xFFFFFFF0]  }
0x2d3: {  	v8 =	vld [tilespmem:s8+$0xFFFFFFF0]  }
0x2d4: {  	v9 =	vld [tilespmem:s10+$0x0]  }
0x2d5: {  	v10 =	vld [tilespmem:s8+$0x0];
	v2 =	vadd.f32 v2, v1  }
0x2d6: {  	s6 =	simm.s32 $0xF870;
	v4 =	vadd.f32 v4, v3;
	v1 =	vld [tilespmem:s10+$0x10]  }
0x2d7: {  	v5 =	vadd.f32 v6, v5;
	v3 =	vld [tilespmem:s8+$0x10];
	[tilespmem:s6+$0x0] =	vst v2  }
0x2d8: {  	v6 =	vadd.f32 v8, v7;
	[tilespmem:s6+$0xFFFFFFA0] =	vst v4;
	v2 =	vld [tilespmem:s10+$0x20]  }
0x2d9: {  	[tilespmem:s6+$0xFFFFFFB0] =	vst v5;
	v5 =	vld [tilespmem:s8+$0x20]  }
0x2da: {  	s9 =	simm.s32 $0x0;
	s14 =	sadd.s32 $0x80, s10;
	v4 =	vld [tilespmem:s10+$0xFFFFFFC0];
	[tilespmem:s6+$0xFFFFFFC0] =	vst v6;
	v6 =	vadd.f32 v10, v9  }
.LBB2_10:
0x2db: {  	v7 =	vld [tilespmem:s14+$0x30];
	s8 =	sadd.s32 $0x80, s8  }
0x2dc: {  	s9 =	sadd.s32 $0x8, s9;
	v8 =	vld [tilespmem:s8+$0x30];
	[tilespmem:s6+$0xFFFFFFD0] =	vst v6;
	v1 =	vadd.f32 v3, v1  }
0x2dd: {  	p0 =	slt.u32 s9, $0x78;
	v3 =	vld [tilespmem:s8+$0xFFFFFFC0]  }
0x2de: {  	v6 =	vld [tilespmem:s14+$0xFFFFFFD0];
	[tilespmem:s6+$0xFFFFFFE0] =	vst v1;
	v1 =	vadd.f32 v5, v2  }
0x2df: {  	v2 =	vld [tilespmem:s8+$0xFFFFFFD0];
	v9 =	vadd.f32 v0, v4  }
0x2e0: {  	v4 =	vld [tilespmem:s14+$0xFFFFFFE0];
	[tilespmem:s6+$0xFFFFFFF0] =	vst v1  }
0x2e1: {  	v1 =	vld [tilespmem:s8+$0xFFFFFFE0];
	v5 =	vadd.f32 v8, v7;
	[tilespmem:s6+$0xFFFFFF90] =	vst v9  }
0x2e2: {  	s6 =	sadd.s32 $0x80, s6;
	v7 =	vld [tilespmem:s14+$0xFFFFFFF0];
	v0 =	vmov v3  }
0x2e3: {  	v8 =	vld [tilespmem:s8+$0xFFFFFFF0];
	[tilespmem:s6+$0x0] =	vst v5  }
0x2e4: {  	v2 =	vadd.f32 v2, v6;
	v6 =	vld [tilespmem:s14+$0x0]  }
0x2e5: {  	v9 =	vld [tilespmem:s8+$0x0]  }
.Ltmp8:
0x2e6: {  	[tilespmem:s6+$0xFFFFFFA0] =	vst v2;
	v2 =	vadd.f32 v1, v4;
	v1 =	vld [tilespmem:s14+$0x10];
	(pc) =	sbr.rel @p0 .LBB2_10-.Ltmp8, $4  }
0x2e7: {  	v3 =	vld [tilespmem:s8+$0x10]  }
0x2e8: {  	[tilespmem:s6+$0xFFFFFFB0] =	vst v2;
	v7 =	vadd.f32 v8, v7;
	v2 =	vld [tilespmem:s14+$0x20]  }
0x2e9: {  	v5 =	vld [tilespmem:s8+$0x20]  }
0x2ea: {  	v4 =	vld [tilespmem:s14+$0xFFFFFFC0];
	[tilespmem:s6+$0xFFFFFFC0] =	vst v7;
	v6 =	vadd.f32 v9, v6;
	s14 =	sadd.s32 $0x80, s14  }
0x2eb: {  	_ =	sdelay $0x1  }
0x2ec: {  	v1 =	vadd.f32 v3, v1  }
0x2ed: {  	[tilespmem:s6+$0xFFFFFFD0] =	vst v6;
	v2 =	vadd.f32 v5, v2  }
0x2ee: {  	[tilespmem:s6+$0xFFFFFFE0] =	vst v1;
	v0 =	vadd.f32 v0, v4  }
0x2ef: {  	s17 =	sshll.u32 s13, $0xD;
	[tilespmem:s6+$0xFFFFFFF0] =	vst v2  }
0x2f0: {  	s0 =	sshll.u32 s0, $0xD;
	[tilespmem:s6+$0xFFFFFF90] =	vst v0;
	s6 =	sshra.s32 s17, $0x2  }
0x2f1: {  	s0 =	sshra.s32 s0, $0x2;
	s9 =	sor.u32 $0x40, s6  }
0x2f2: {  	s6 =	sor.u32 $0x40, s0;
	v1 =	vld [tilespmem:s9+$0x30]  }
0x2f3: {  	v2 =	vld [tilespmem:s6+$0x30]  }
0x2f4: {  	v0 =	vld [tilespmem:s6+$0xFFFFFFC0]  }
0x2f5: {  	v3 =	vld [tilespmem:s9+$0xFFFFFFD0]  }
0x2f6: {  	v4 =	vld [tilespmem:s6+$0xFFFFFFD0]  }
0x2f7: {  	v5 =	vld [tilespmem:s9+$0xFFFFFFE0]  }
0x2f8: {  	v6 =	vld [tilespmem:s6+$0xFFFFFFE0]  }
0x2f9: {  	v7 =	vld [tilespmem:s9+$0xFFFFFFF0]  }
0x2fa: {  	v8 =	vld [tilespmem:s6+$0xFFFFFFF0]  }
0x2fb: {  	v9 =	vld [tilespmem:s9+$0x0]  }
0x2fc: {  	v10 =	vld [tilespmem:s6+$0x0];
	v2 =	vadd.f32 v2, v1  }
0x2fd: {  	s0 =	simm.s32 $0x10070;
	v4 =	vadd.f32 v4, v3;
	v1 =	vld [tilespmem:s9+$0x10]  }
0x2fe: {  	v5 =	vadd.f32 v6, v5;
	v3 =	vld [tilespmem:s6+$0x10];
	[tilespmem:s0+$0x0] =	vst v2  }
0x2ff: {  	v6 =	vadd.f32 v8, v7;
	[tilespmem:s0+$0xFFFFFFA0] =	vst v4;
	v2 =	vld [tilespmem:s9+$0x20]  }
0x300: {  	[tilespmem:s0+$0xFFFFFFB0] =	vst v5;
	v5 =	vld [tilespmem:s6+$0x20]  }
0x301: {  	s8 =	simm.s32 $0x0;
	v4 =	vld [tilespmem:s9+$0xFFFFFFC0];
	[tilespmem:s0+$0xFFFFFFC0] =	vst v6;
	v6 =	vadd.f32 v10, v9;
	s9 =	sadd.s32 $0x80, s9  }
.LBB2_12:
0x302: {  	v7 =	vld [tilespmem:s9+$0x30];
	s6 =	sadd.s32 $0x80, s6  }
0x303: {  	s8 =	sadd.s32 $0x8, s8;
	v8 =	vld [tilespmem:s6+$0x30];
	[tilespmem:s0+$0xFFFFFFD0] =	vst v6;
	v1 =	vadd.f32 v3, v1  }
0x304: {  	p0 =	slt.u32 s8, $0x78;
	v3 =	vld [tilespmem:s6+$0xFFFFFFC0]  }
0x305: {  	v6 =	vld [tilespmem:s9+$0xFFFFFFD0];
	[tilespmem:s0+$0xFFFFFFE0] =	vst v1;
	v1 =	vadd.f32 v5, v2  }
0x306: {  	v2 =	vld [tilespmem:s6+$0xFFFFFFD0];
	v9 =	vadd.f32 v0, v4  }
0x307: {  	v4 =	vld [tilespmem:s9+$0xFFFFFFE0];
	[tilespmem:s0+$0xFFFFFFF0] =	vst v1  }
0x308: {  	v1 =	vld [tilespmem:s6+$0xFFFFFFE0];
	v5 =	vadd.f32 v8, v7;
	[tilespmem:s0+$0xFFFFFF90] =	vst v9  }
0x309: {  	s0 =	sadd.s32 $0x80, s0;
	v7 =	vld [tilespmem:s9+$0xFFFFFFF0];
	v0 =	vmov v3  }
0x30a: {  	v8 =	vld [tilespmem:s6+$0xFFFFFFF0];
	[tilespmem:s0+$0x0] =	vst v5  }
0x30b: {  	v2 =	vadd.f32 v2, v6;
	v6 =	vld [tilespmem:s9+$0x0]  }
0x30c: {  	v9 =	vld [tilespmem:s6+$0x0]  }
.Ltmp9:
0x30d: {  	[tilespmem:s0+$0xFFFFFFA0] =	vst v2;
	v2 =	vadd.f32 v1, v4;
	v1 =	vld [tilespmem:s9+$0x10];
	(pc) =	sbr.rel @p0 .LBB2_12-.Ltmp9, $4  }
0x30e: {  	v3 =	vld [tilespmem:s6+$0x10]  }
0x30f: {  	[tilespmem:s0+$0xFFFFFFB0] =	vst v2;
	v7 =	vadd.f32 v8, v7;
	v2 =	vld [tilespmem:s9+$0x20]  }
0x310: {  	v5 =	vld [tilespmem:s6+$0x20]  }
0x311: {  	v4 =	vld [tilespmem:s9+$0xFFFFFFC0];
	[tilespmem:s0+$0xFFFFFFC0] =	vst v7;
	v6 =	vadd.f32 v9, v6;
	s9 =	sadd.s32 $0x80, s9  }
0x312: {  	_ =	sdelay $0x1  }
0x313: {  	v1 =	vadd.f32 v3, v1  }
0x314: {  	[tilespmem:s0+$0xFFFFFFD0] =	vst v6;
	v2 =	vadd.f32 v5, v2  }
0x315: {  	s30 =	sshll.u32 s30, $0xD;
	[tilespmem:s0+$0xFFFFFFE0] =	vst v1;
	v0 =	vadd.f32 v0, v4  }
0x316: {  	s17 =	sshll.u32 s1, $0xD;
	s1 =	sshra.s32 s30, $0x2;
	[tilespmem:s0+$0xFFFFFFF0] =	vst v2  }
0x317: {  	s1 =	sor.u32 $0x40, s1;
	[tilespmem:s0+$0xFFFFFF90] =	vst v0  }
0x318: {  	v2 =	vld [tilespmem:s1+$0x30]  }
0x319: {  	v0 =	vld [tilespmem:s1+$0xFFFFFFC0]  }
0x31a: {  	v4 =	vld [tilespmem:s1+$0xFFFFFFD0]  }
0x31b: {  	s0 =	sshra.s32 s17, $0x2;
	v6 =	vld [tilespmem:s1+$0xFFFFFFE0]  }
0x31c: {  	s8 =	sor.u32 $0x40, s0;
	v8 =	vld [tilespmem:s1+$0xFFFFFFF0]  }
0x31d: {  	v1 =	vld [tilespmem:s8+$0x30]  }
0x31e: {  	v3 =	vld [tilespmem:s8+$0xFFFFFFD0]  }
0x31f: {  	v5 =	vld [tilespmem:s8+$0xFFFFFFE0]  }
0x320: {  	v7 =	vld [tilespmem:s8+$0xFFFFFFF0]  }
0x321: {  	v10 =	vld [tilespmem:s1+$0x0]  }
0x322: {  	v9 =	vld [tilespmem:s8+$0x0];
	v2 =	vadd.f32 v2, v1  }
0x323: {  	s0 =	simm.s32 $0x10870;
	v4 =	vadd.f32 v4, v3;
	v1 =	vld [tilespmem:s8+$0x10]  }
0x324: {  	v5 =	vadd.f32 v6, v5;
	v3 =	vld [tilespmem:s1+$0x10];
	[tilespmem:s0+$0x0] =	vst v2  }
0x325: {  	v6 =	vadd.f32 v8, v7;
	[tilespmem:s0+$0xFFFFFFA0] =	vst v4;
	v2 =	vld [tilespmem:s8+$0x20]  }
0x326: {  	[tilespmem:s0+$0xFFFFFFB0] =	vst v5;
	v5 =	vld [tilespmem:s1+$0x20]  }
0x327: {  	s6 =	simm.s32 $0x0;
	v4 =	vld [tilespmem:s8+$0xFFFFFFC0];
	[tilespmem:s0+$0xFFFFFFC0] =	vst v6;
	v6 =	vadd.f32 v10, v9;
	s8 =	sadd.s32 $0x80, s8  }
.LBB2_14:
0x328: {  	v7 =	vld [tilespmem:s8+$0x30];
	s1 =	sadd.s32 $0x80, s1  }
0x329: {  	s6 =	sadd.s32 $0x8, s6;
	v8 =	vld [tilespmem:s1+$0x30];
	[tilespmem:s0+$0xFFFFFFD0] =	vst v6;
	v1 =	vadd.f32 v3, v1  }
0x32a: {  	p0 =	slt.u32 s6, $0x78;
	v3 =	vld [tilespmem:s1+$0xFFFFFFC0]  }
0x32b: {  	v6 =	vld [tilespmem:s8+$0xFFFFFFD0];
	[tilespmem:s0+$0xFFFFFFE0] =	vst v1;
	v1 =	vadd.f32 v5, v2  }
0x32c: {  	v2 =	vld [tilespmem:s1+$0xFFFFFFD0];
	v9 =	vadd.f32 v0, v4  }
0x32d: {  	v4 =	vld [tilespmem:s8+$0xFFFFFFE0];
	[tilespmem:s0+$0xFFFFFFF0] =	vst v1  }
0x32e: {  	v1 =	vld [tilespmem:s1+$0xFFFFFFE0];
	v5 =	vadd.f32 v8, v7;
	[tilespmem:s0+$0xFFFFFF90] =	vst v9  }
0x32f: {  	s0 =	sadd.s32 $0x80, s0;
	v7 =	vld [tilespmem:s8+$0xFFFFFFF0];
	v0 =	vmov v3  }
0x330: {  	v8 =	vld [tilespmem:s1+$0xFFFFFFF0];
	[tilespmem:s0+$0x0] =	vst v5  }
0x331: {  	v2 =	vadd.f32 v2, v6;
	v6 =	vld [tilespmem:s8+$0x0]  }
0x332: {  	v9 =	vld [tilespmem:s1+$0x0]  }
.Ltmp10:
0x333: {  	[tilespmem:s0+$0xFFFFFFA0] =	vst v2;
	v2 =	vadd.f32 v1, v4;
	v1 =	vld [tilespmem:s8+$0x10];
	(pc) =	sbr.rel @p0 .LBB2_14-.Ltmp10, $4  }
0x334: {  	v3 =	vld [tilespmem:s1+$0x10]  }
0x335: {  	[tilespmem:s0+$0xFFFFFFB0] =	vst v2;
	v7 =	vadd.f32 v8, v7;
	v2 =	vld [tilespmem:s8+$0x20]  }
0x336: {  	v5 =	vld [tilespmem:s1+$0x20]  }
0x337: {  	v4 =	vld [tilespmem:s8+$0xFFFFFFC0];
	[tilespmem:s0+$0xFFFFFFC0] =	vst v7;
	v6 =	vadd.f32 v9, v6;
	s8 =	sadd.s32 $0x80, s8  }
0x338: {  	_ =	sdelay $0x1  }
0x339: {  	v1 =	vadd.f32 v3, v1  }
0x33a: {  	[tilespmem:s0+$0xFFFFFFD0] =	vst v6;
	v2 =	vadd.f32 v5, v2  }
0x33b: {  	s1 =	sshll.u32 s5, $0xD;
	[tilespmem:s0+$0xFFFFFFE0] =	vst v1;
	v0 =	vadd.f32 v0, v4  }
0x33c: {  	s1 =	sshra.s32 s1, $0x2;
	[tilespmem:s0+$0xFFFFFFF0] =	vst v2  }
0x33d: {  	s1 =	sor.u32 $0x40, s1;
	[tilespmem:s0+$0xFFFFFF90] =	vst v0  }
0x33e: {  	v2 =	vld [tilespmem:s1+$0x30]  }
0x33f: {  	v0 =	vld [tilespmem:s1+$0xFFFFFFC0]  }
0x340: {  	s30 =	sshll.u32 s18, $0xD;
	v4 =	vld [tilespmem:s1+$0xFFFFFFD0]  }
0x341: {  	s0 =	sshra.s32 s30, $0x2;
	v6 =	vld [tilespmem:s1+$0xFFFFFFE0]  }
0x342: {  	s8 =	sor.u32 $0x40, s0;
	v8 =	vld [tilespmem:s1+$0xFFFFFFF0]  }
0x343: {  	v1 =	vld [tilespmem:s8+$0x30]  }
0x344: {  	v3 =	vld [tilespmem:s8+$0xFFFFFFD0]  }
0x345: {  	v5 =	vld [tilespmem:s8+$0xFFFFFFE0]  }
0x346: {  	v7 =	vld [tilespmem:s8+$0xFFFFFFF0]  }
0x347: {  	v10 =	vld [tilespmem:s1+$0x0]  }
0x348: {  	v9 =	vld [tilespmem:s8+$0x0];
	v2 =	vadd.f32 v2, v1  }
0x349: {  	s0 =	simm.s32 $0x11070;
	v4 =	vadd.f32 v4, v3;
	v1 =	vld [tilespmem:s8+$0x10]  }
0x34a: {  	v5 =	vadd.f32 v6, v5;
	v3 =	vld [tilespmem:s1+$0x10];
	[tilespmem:s0+$0x0] =	vst v2  }
0x34b: {  	v6 =	vadd.f32 v8, v7;
	[tilespmem:s0+$0xFFFFFFA0] =	vst v4;
	v2 =	vld [tilespmem:s8+$0x20]  }
0x34c: {  	[tilespmem:s0+$0xFFFFFFB0] =	vst v5;
	v5 =	vld [tilespmem:s1+$0x20]  }
0x34d: {  	s6 =	simm.s32 $0x0;
	v4 =	vld [tilespmem:s8+$0xFFFFFFC0];
	[tilespmem:s0+$0xFFFFFFC0] =	vst v6;
	v6 =	vadd.f32 v10, v9;
	s8 =	sadd.s32 $0x80, s8  }
.LBB2_16:
0x34e: {  	v7 =	vld [tilespmem:s8+$0x30];
	s1 =	sadd.s32 $0x80, s1  }
0x34f: {  	s6 =	sadd.s32 $0x8, s6;
	v8 =	vld [tilespmem:s1+$0x30];
	[tilespmem:s0+$0xFFFFFFD0] =	vst v6;
	v1 =	vadd.f32 v3, v1  }
0x350: {  	p0 =	slt.u32 s6, $0x78;
	v3 =	vld [tilespmem:s1+$0xFFFFFFC0]  }
0x351: {  	v6 =	vld [tilespmem:s8+$0xFFFFFFD0];
	[tilespmem:s0+$0xFFFFFFE0] =	vst v1;
	v1 =	vadd.f32 v5, v2  }
0x352: {  	v2 =	vld [tilespmem:s1+$0xFFFFFFD0];
	v9 =	vadd.f32 v0, v4  }
0x353: {  	v4 =	vld [tilespmem:s8+$0xFFFFFFE0];
	[tilespmem:s0+$0xFFFFFFF0] =	vst v1  }
0x354: {  	v1 =	vld [tilespmem:s1+$0xFFFFFFE0];
	v5 =	vadd.f32 v8, v7;
	[tilespmem:s0+$0xFFFFFF90] =	vst v9  }
0x355: {  	s0 =	sadd.s32 $0x80, s0;
	v7 =	vld [tilespmem:s8+$0xFFFFFFF0];
	v0 =	vmov v3  }
0x356: {  	v8 =	vld [tilespmem:s1+$0xFFFFFFF0];
	[tilespmem:s0+$0x0] =	vst v5  }
0x357: {  	v2 =	vadd.f32 v2, v6;
	v6 =	vld [tilespmem:s8+$0x0]  }
0x358: {  	v9 =	vld [tilespmem:s1+$0x0]  }
.Ltmp11:
0x359: {  	[tilespmem:s0+$0xFFFFFFA0] =	vst v2;
	v2 =	vadd.f32 v1, v4;
	v1 =	vld [tilespmem:s8+$0x10];
	(pc) =	sbr.rel @p0 .LBB2_16-.Ltmp11, $4  }
0x35a: {  	v3 =	vld [tilespmem:s1+$0x10]  }
0x35b: {  	[tilespmem:s0+$0xFFFFFFB0] =	vst v2;
	v7 =	vadd.f32 v8, v7;
	v2 =	vld [tilespmem:s8+$0x20]  }
0x35c: {  	v5 =	vld [tilespmem:s1+$0x20]  }
0x35d: {  	v4 =	vld [tilespmem:s8+$0xFFFFFFC0];
	[tilespmem:s0+$0xFFFFFFC0] =	vst v7;
	v6 =	vadd.f32 v9, v6;
	s8 =	sadd.s32 $0x80, s8  }
0x35e: {  	_ =	sdelay $0x1  }
0x35f: {  	v1 =	vadd.f32 v3, v1  }
0x360: {  	[tilespmem:s0+$0xFFFFFFD0] =	vst v6;
	v2 =	vadd.f32 v5, v2  }
0x361: {  	[tilespmem:s0+$0xFFFFFFE0] =	vst v1;
	v0 =	vadd.f32 v0, v4  }
0x362: {  	[tilespmem:s0+$0xFFFFFFF0] =	vst v2  }
0x363: {  	[tilespmem:s0+$0xFFFFFF90] =	vst v0  }
.LBB2_21:
0x364: {  	s1 =	smul.u32 $0xA0000, s31;
	_ =	sdelay $0x1  }
0x365: {  	s0 =	sor.u32 s4, s1  }
0x366: {  	s0 =	sshrl.u32 s0, $0x3  }
0x367: {  	s8 =	simm.s32 $0xF000;
	s10 =	simm.s32 $0xF800;
	s6 =	sadd.s32 s2, s0  }
0x368: {  	[hbm4b:s6+s3] =	stream.linear.scatter [tilespmem:s8], [sflag:$0x1], $0x800, $0x38;
	[tilespmem:$0x14000] =	vst v63  }
0x369: {  	s13 =	sadd.s32 s20, s1;
	s0 =	sadd.s32 s0, s29;
	s8 =	sadd.s32 $0x1, s5  }
0x36a: {  	[hbm4b:s0+s3] =	stream.linear.scatter [tilespmem:s10], [sflag:$0x1], $0x800, $0x38;
	[tilespmem:$0x14000] =	vst v63  }
0x36b: {  	s14 =	simm.s32 $0x10000;
	p0 =	sgt.s32 s8, $0x1D;
	s0 =	sshrl.u32 s13, $0x3  }
0x36c: {  	s16 =	sadd.s32 s21, s1;
	s18 =	smov.u32 @p0 s15;
	s0 =	sadd.s32 s2, s0  }
0x36d: {  	[hbm4b:s0+s3] =	stream.linear.scatter [tilespmem:s14], [sflag:$0x1], $0x800, $0x38;
	[tilespmem:$0x14000] =	vst v63  }
0x36e: {  	s5 =	sadd.s32 $0x1, s18;
	s0 =	sshrl.u32 s16, $0x3  }
0x36f: {  	s17 =	sadd.s32 s22, s1;
	s8 =	smov.u32 @p0 s5;
	s0 =	sadd.s32 s2, s0  }
0x370: {  	[hbm4b:s0+s3] =	stream.linear.scatter [tilespmem:s11], [sflag:$0x1], $0x800, $0x38;
	[tilespmem:$0x14000] =	vst v63  }
0x371: {  	s0 =	sshrl.u32 s17, $0x3;
	s17 =	sadd.s32 $0x1, s8  }
0x372: {  	s6 =	smov.u32 s18;
	s0 =	sadd.s32 s2, s0;
	p0 =	sgt.s32 s17, $0x1D  }
0x373: {  	[hbm4b:s0+s3] =	stream.linear.scatter [tilespmem:s12], [sflag:$0x1], $0x800, $0x38;
	[tilespmem:$0x14000] =	vst v63  }
0x374: {  	s6 =	smov.u32 @p0 s5  }
0x375: {  	s0 =	sadd.s32 $0x1, s6  }
0x376: {  	s17 =	smov.u32 @p0 s0  }
0x377: {  	s5 =	sadd.s32 $0x1, s17  }
0x378: {  	s30 =	smov.u32 s6;
	p1 =	sgt.s32 s5, $0x1D  }
0x379: {  	s30 =	smov.u32 @p1 s0  }
0x37a: {  	s16 =	smov.u32 s5;
	s9 =	sadd.s32 $0x1, s30  }
0x37b: {  	s16 =	smov.u32 @p1 s9  }
0x37c: {  	_ =	swait.ge [sflag:s19], $0x800;
	s10 =	sadd.s32 $0x1, s16  }
0x37d: {  	[sflag:s19] =	ssyncset.done $0x0;
	s0 =	smov.u32 s30;
	p1 =	sgt.s32 s10, $0x1D  }
0x37e: {  	[sflag:s19] =	ssyncadd.s32 $0xFFFFF800;
	s0 =	smov.u32 @p1 s9  }
0x37f: {  	_ =	swait.ge [sflag:s19], $0x800;
	s13 =	smov.u32 s10;
	s9 =	sadd.s32 $0x1, s0  }
0x380: {  	[sflag:s19] =	ssyncset.done $0x0;
	s13 =	smov.u32 @p1 s9;
	p1 =	sgt.s32 @!p0 s5, $0x1D  }
0x381: {  	[sflag:s19] =	ssyncadd.s32 $0xFFFFF800;
	p0 =	por p0, p1  }
0x382: {  	_ =	swait.ge [sflag:s19], $0x800;
	p2 =	sgt.s32 @!p0 s10, $0x1D  }
0x383: {  	[sflag:s19] =	ssyncset.done $0x0;
	s15 =	sadd.s32 $0x1, s13;
	p0 =	por p0, p2  }
0x384: {  	[sflag:s19] =	ssyncadd.s32 $0xFFFFF800;
	p2 =	slt.s32 @!p0 s15, $0x1E  }
0x385: {  	s18 =	sshll.u32 s18, $0xD;
	_ =	swait.ge [sflag:s19], $0x800;
	p0 =	por p0, !p2  }
.Ltmp12:
0x386: {  	s8 =	sshll.u32 s8, $0xD;
	[sflag:s19] =	ssyncset.done $0x0;
	(pc) =	sbr.rel @p0 .LBB2_22-.Ltmp12, $4  }
0x387: {  	s14 =	smov.u32 s0;
	[sflag:s19] =	ssyncadd.s32 $0xFFFFF800;
	p1 =	sgt.s32 s15, $0x1D  }
0x388: {  	s8 =	sshra.s32 s8, $0x2;
	_ =	swait.ge [sflag:s19], $0x800;
	s14 =	smov.u32 @p1 s9  }
0x389: {  	[sflag:s19] =	ssyncset.done $0x0;
	s9 =	sshra.s32 s18, $0x2;
	s5 =	sadd.s32 $0x1, s14  }
0x38a: {  	[sflag:s19] =	ssyncadd.s32 $0xFFFFF800;
	s10 =	sadd.s32 $0x40, s9;
	s15 =	smov.u32 @p1 s5  }
0x38b: {  	v1 =	vmov s10;
	_ =	sdelay $0x3  }
0x38c: {  	s6 =	simm.s32 $0x0  }
0x38d: {  	v4 =	vld.idx.msk [tilespmem:v1+s6+$0x30 ss:$0x1], $0xffff  }
0x38e: {  	s0 =	sadd.s32 $0x1040, s8;
	v9 =	vld.idx.msk [tilespmem:v1+s6+$0xFFFFFFC0 ss:$0x1], $0xffff  }
0x38f: {  	v0 =	vmov s0;
	v10 =	vld.idx.msk [tilespmem:v1+s6+$0xFFFFFFD0 ss:$0x1], $0xffff  }
0x390: {  	v13 =	vld.idx.msk [tilespmem:v1+s6+$0xFFFFFFE0 ss:$0x1], $0xffff  }
0x391: {  	v12 =	vld.idx.msk [tilespmem:v1+s6+$0xFFFFFFF0 ss:$0x1], $0xffff  }
0x392: {  	v11 =	vld.idx.msk [tilespmem:v1+s6+$0x0 ss:$0x1], $0xffff  }
0x393: {  	v3 =	vld.idx.msk [tilespmem:v1+s6+$0x10 ss:$0x1], $0xffff  }
0x394: {  	v2 =	vld.idx.msk [tilespmem:v0+s6+$0xFFFFF030 ss:$0x1], $0xffff  }
0x395: {  	v5 =	vld.idx.msk [tilespmem:v0+s6+$0xFFFFEFC0 ss:$0x1], $0xffff  }
0x396: {  	v6 =	vld.idx.msk [tilespmem:v0+s6+$0xFFFFEFD0 ss:$0x1], $0xffff  }
0x397: {  	s30 =	simm.s32 $0x80;
	v7 =	vld.idx.msk [tilespmem:v0+s6+$0xFFFFEFE0 ss:$0x1], $0xffff  }
0x398: {  	v22 =	vld.idx.msk [tilespmem:v1+s30+$0x30 ss:$0x1], $0xffff  }
0x399: {  	v8 =	vld.idx.msk [tilespmem:v0+s6+$0xFFFFEFF0 ss:$0x1], $0xffff;
	v2 =	vadd.f32 v2, v4  }
0x39a: {  	v15 =	vld.idx.msk [tilespmem:v0+s6+$0xFFFFF000 ss:$0x1], $0xffff;
	v5 =	vadd.f32 v5, v9  }
0x39b: {  	v16 =	vld.idx.msk [tilespmem:v0+s6+$0xFFFFF010 ss:$0x1], $0xffff;
	v6 =	vadd.f32 v6, v10;
	[tilespmem:s6+$0x11870] =	vst v2  }
0x39c: {  	v23 =	vld.idx.msk [tilespmem:v0+s30+$0xFFFFEFC0 ss:$0x1], $0xffff;
	[tilespmem:s6+$0x11800] =	vst v5;
	v5 =	vadd.f32 v7, v13  }
0x39d: {  	[tilespmem:s6+$0x11810] =	vst v6;
	v14 =	vld.idx.msk [tilespmem:v0+s6+$0xFFFFF830 ss:$0x1], $0xffff  }
0x39e: {  	[tilespmem:s6+$0x11820] =	vst v5;
	v5 =	vadd.f32 v8, v12;
	v8 =	vld.idx.msk [tilespmem:v0+s6+$0xFFFFF7D0 ss:$0x1], $0xffff  }
0x39f: {  	v15 =	vadd.f32 v15, v11;
	v2 =	vld.idx.msk [tilespmem:v1+s6+$0x20 ss:$0x1], $0xffff  }
0x3a0: {  	v16 =	vadd.f32 v16, v3;
	v7 =	vld.idx.msk [tilespmem:v0+s6+$0xFFFFF020 ss:$0x1], $0xffff;
	[tilespmem:s6+$0x11830] =	vst v5  }
0x3a1: {  	[tilespmem:s6+$0x11840] =	vst v15;
	v15 =	vld.idx.msk [tilespmem:v0+s6+$0xFFFFF7F0 ss:$0x1], $0xffff  }
0x3a2: {  	[tilespmem:s6+$0x11850] =	vst v16;
	v6 =	vadd.f32 v14, v4;
	v14 =	vld.idx.msk [tilespmem:v0+s6+$0xFFFFF7C0 ss:$0x1], $0xffff  }
0x3a3: {  	v16 =	vld.idx.msk [tilespmem:v0+s6+$0xFFFFF810 ss:$0x1], $0xffff;
	v8 =	vadd.f32 v8, v10  }
0x3a4: {  	[tilespmem:s6+$0x12070] =	vst v6;
	v6 =	vld.idx.msk [tilespmem:v0+s6+$0xFFFFF7E0 ss:$0x1], $0xffff  }
0x3a5: {  	v7 =	vadd.f32 v7, v2;
	v5 =	vld.idx.msk [tilespmem:v0+s6+$0x30 ss:$0x1], $0xffff;
	[tilespmem:s6+$0x12010] =	vst v8  }
0x3a6: {  	v8 =	vld.idx.msk [tilespmem:v0+s6+$0xFFFFFFD0 ss:$0x1], $0xffff;
	v15 =	vadd.f32 v15, v12  }
0x3a7: {  	v17 =	vld.idx.msk [tilespmem:v0+s6+$0xFFFFF800 ss:$0x1], $0xffff;
	[tilespmem:s6+$0x11860] =	vst v7;
	v14 =	vadd.f32 v14, v9  }
0x3a8: {  	v24 =	vld.idx.msk [tilespmem:v0+s30+$0xFFFFEFD0 ss:$0x1], $0xffff;
	[tilespmem:s6+$0x12030] =	vst v15;
	v15 =	vadd.f32 v16, v3  }
0x3a9: {  	v7 =	vld.idx.msk [tilespmem:v0+s6+$0xFFFFF820 ss:$0x1], $0xffff;
	[tilespmem:s6+$0x12000] =	vst v14;
	v6 =	vadd.f32 v6, v13  }
0x3aa: {  	v16 =	vld.idx.msk [tilespmem:v0+s6+$0xFFFFFFF0 ss:$0x1], $0xffff;
	v5 =	vadd.f32 v5, v4;
	[tilespmem:s6+$0x12050] =	vst v15  }
0x3ab: {  	v14 =	vld.idx.msk [tilespmem:v0+s6+$0xFFFFFFC0 ss:$0x1], $0xffff;
	[tilespmem:s6+$0x12020] =	vst v6;
	v8 =	vadd.f32 v8, v10  }
0x3ac: {  	v15 =	vld.idx.msk [tilespmem:v0+s6+$0x10 ss:$0x1], $0xffff;
	[tilespmem:s6+$0x12870] =	vst v5;
	v5 =	vadd.f32 v17, v11  }
0x3ad: {  	v6 =	vld.idx.msk [tilespmem:v0+s6+$0xFFFFFFE0 ss:$0x1], $0xffff;
	[tilespmem:s6+$0x12810] =	vst v8  }
0x3ae: {  	v17 =	vld.idx.msk [tilespmem:v0+s6+$0x830 ss:$0x1], $0xffff;
	[tilespmem:s6+$0x12040] =	vst v5;
	v5 =	vadd.f32 v7, v2  }
0x3af: {  	v8 =	vld.idx.msk [tilespmem:v0+s6+$0x7D0 ss:$0x1], $0xffff;
	v16 =	vadd.f32 v16, v12  }
0x3b0: {  	v7 =	vld.idx.msk [tilespmem:v0+s6+$0x0 ss:$0x1], $0xffff;
	v14 =	vadd.f32 v14, v9;
	[tilespmem:s6+$0x12060] =	vst v5  }
0x3b1: {  	[tilespmem:s6+$0x12830] =	vst v16;
	v15 =	vadd.f32 v15, v3;
	v5 =	vld.idx.msk [tilespmem:v0+s6+$0x20 ss:$0x1], $0xffff  }
0x3b2: {  	[tilespmem:s6+$0x12800] =	vst v14;
	v6 =	vadd.f32 v6, v13;
	v16 =	vld.idx.msk [tilespmem:v0+s6+$0x7F0 ss:$0x1], $0xffff  }
0x3b3: {  	v14 =	vadd.f32 v17, v4;
	v17 =	vld.idx.msk [tilespmem:v0+s6+$0x7C0 ss:$0x1], $0xffff;
	[tilespmem:s6+$0x12850] =	vst v15  }
0x3b4: {  	[tilespmem:s6+$0x12820] =	vst v6;
	v15 =	vld.idx.msk [tilespmem:v0+s6+$0x810 ss:$0x1], $0xffff;
	v8 =	vadd.f32 v8, v10  }
0x3b5: {  	[tilespmem:s6+$0x13070] =	vst v14;
	v6 =	vadd.f32 v7, v11;
	v7 =	vld.idx.msk [tilespmem:v0+s6+$0x7E0 ss:$0x1], $0xffff  }
0x3b6: {  	v14 =	vld.idx.msk [tilespmem:v0+s6+$0x1030 ss:$0x1], $0xffff;
	[tilespmem:s6+$0x13010] =	vst v8;
	v5 =	vadd.f32 v5, v2  }
0x3b7: {  	[tilespmem:s6+$0x12840] =	vst v6;
	v20 =	vld.idx.msk [tilespmem:v0+s6+$0xFD0 ss:$0x1], $0xffff  }
0x3b8: {  	v18 =	vld.idx.msk [tilespmem:v0+s6+$0x800 ss:$0x1], $0xffff;
	v6 =	vadd.f32 v17, v9;
	[tilespmem:s6+$0x12860] =	vst v5  }
0x3b9: {  	v17 =	vld.idx.msk [tilespmem:v0+s6+$0x820 ss:$0x1], $0xffff  }
0x3ba: {  	[tilespmem:s6+$0x13000] =	vst v6;
	v6 =	vld.idx.msk [tilespmem:v1+s30+$0xFFFFFFC0 ss:$0x1], $0xffff  }
0x3bb: {  	v5 =	vadd.f32 v7, v13;
	v7 =	vld.idx.msk [tilespmem:v1+s30+$0xFFFFFFD0 ss:$0x1], $0xffff  }
0x3bc: {  	v19 =	vld.idx.msk [tilespmem:v0+s6+$0xFC0 ss:$0x1], $0xffff  }
0x3bd: {  	v15 =	vadd.f32 v15, v3;
	v8 =	vadd.f32 v14, v4;
	v4 =	vld.idx.msk [tilespmem:v1+s30+$0xFFFFFFE0 ss:$0x1], $0xffff  }
0x3be: {  	v14 =	vld.idx.msk [tilespmem:v0+s30+$0xFFFFEFE0 ss:$0x1], $0xffff  }
0x3bf: {  	[tilespmem:s6+$0x13050] =	vst v15;
	v15 =	vld.idx.msk [tilespmem:v0+s30+$0xFFFFF000 ss:$0x1], $0xffff  }
0x3c0: {  	v16 =	vadd.f32 v16, v12;
	[tilespmem:s6+$0x13020] =	vst v5;
	v5 =	vld.idx.msk [tilespmem:v0+s30+$0xFFFFF030 ss:$0x1], $0xffff  }
0x3c1: {  	v21 =	vld.idx.msk [tilespmem:v0+s6+$0xFE0 ss:$0x1], $0xffff;
	[tilespmem:s6+$0x13870] =	vst v8;
	v8 =	vadd.f32 v18, v11  }
0x3c2: {  	[tilespmem:s6+$0x13030] =	vst v16;
	v18 =	vld.idx.msk [tilespmem:v0+s30+$0xFFFFEFF0 ss:$0x1], $0xffff;
	v17 =	vadd.f32 v17, v2  }
0x3c3: {  	[tilespmem:s6+$0x13040] =	vst v8;
	v8 =	vld.idx.msk [tilespmem:v1+s30+$0x0 ss:$0x1], $0xffff;
	v9 =	vadd.f32 v19, v9  }
0x3c4: {  	v19 =	vadd.f32 v20, v10;
	v10 =	vld.idx.msk [tilespmem:v1+s30+$0x10 ss:$0x1], $0xffff;
	[tilespmem:s6+$0x13060] =	vst v17  }
0x3c5: {  	v20 =	vld.idx.msk [tilespmem:v0+s30+$0xFFFFF010 ss:$0x1], $0xffff;
	v25 =	vadd.f32 v5, v22;
	[tilespmem:s6+$0x13800] =	vst v9  }
0x3c6: {  	v5 =	vld.idx.msk [tilespmem:v1+s30+$0xFFFFFFF0 ss:$0x1], $0xffff;
	v17 =	vadd.f32 v23, v6;
	[tilespmem:s6+$0x13810] =	vst v19  }
0x3c7: {  	v14 =	vadd.f32 v14, v4;
	v9 =	vld.idx.msk [tilespmem:v1+s30+$0x20 ss:$0x1], $0xffff;
	[tilespmem:s30+$0x11870] =	vst v25  }
0x3c8: {  	v19 =	vadd.f32 v24, v7;
	[tilespmem:s30+$0x11800] =	vst v17;
	v17 =	vld.idx.msk [tilespmem:v0+s30+$0xFFFFF020 ss:$0x1], $0xffff  }
0x3c9: {  	[tilespmem:s30+$0x11820] =	vst v14;
	v13 =	vadd.f32 v21, v13;
	v16 =	vld.idx.msk [tilespmem:v0+s30+$0xFFFFF830 ss:$0x1], $0xffff  }
0x3ca: {  	[tilespmem:s30+$0x11810] =	vst v19;
	v19 =	vld.idx.msk [tilespmem:v0+s30+$0xFFFFF7C0 ss:$0x1], $0xffff;
	v14 =	vadd.f32 v15, v8  }
0x3cb: {  	[tilespmem:s6+$0x13820] =	vst v13;
	v18 =	vadd.f32 v18, v5  }
0x3cc: {  	v20 =	vadd.f32 v20, v10;
	[tilespmem:s30+$0x11840] =	vst v14  }
0x3cd: {  	[tilespmem:s30+$0x11830] =	vst v18;
	v17 =	vadd.f32 v17, v9  }
0x3ce: {  	[tilespmem:s30+$0x11850] =	vst v20;
	v16 =	vadd.f32 v16, v22;
	v14 =	vld.idx.msk [tilespmem:v0+s30+$0xFFFFF7F0 ss:$0x1], $0xffff  }
0x3cf: {  	v13 =	vadd.f32 v19, v6;
	v19 =	vld.idx.msk [tilespmem:v0+s30+$0xFFFFF810 ss:$0x1], $0xffff;
	[tilespmem:s30+$0x11860] =	vst v17  }
0x3d0: {  	[tilespmem:s30+$0x12070] =	vst v16;
	v16 =	vld.idx.msk [tilespmem:v0+s30+$0xFFFFF7D0 ss:$0x1], $0xffff  }
0x3d1: {  	[tilespmem:s30+$0x12000] =	vst v13;
	v13 =	vld.idx.msk [tilespmem:v0+s30+$0xFFFFF820 ss:$0x1], $0xffff  }
0x3d2: {  	v15 =	vld.idx.msk [tilespmem:v0+s30+$0x30 ss:$0x1], $0xffff  }
0x3d3: {  	v18 =	vld.idx.msk [tilespmem:v0+s30+$0xFFFFF7E0 ss:$0x1], $0xffff  }
0x3d4: {  	v60 =	vld.idx.msk [tilespmem:v0+s30+$0xFFFFF800 ss:$0x1], $0xffff;
	v14 =	vadd.f32 v14, v5  }
0x3d5: {  	v17 =	vld.idx.msk [tilespmem:v0+s6+$0xFF0 ss:$0x1], $0xffff;
	v16 =	vadd.f32 v16, v7  }
0x3d6: {  	v20 =	vld.idx.msk [tilespmem:v0+s30+$0xFFFFFFC0 ss:$0x1], $0xffff;
	[tilespmem:s30+$0x12030] =	vst v14;
	v13 =	vadd.f32 v13, v9  }
0x3d7: {  	v14 =	vadd.f32 v19, v10;
	v15 =	vadd.f32 v15, v22;
	v19 =	vld.idx.msk [tilespmem:v0+s30+$0xFFFFFFF0 ss:$0x1], $0xffff;
	[tilespmem:s30+$0x12010] =	vst v16  }
0x3d8: {  	v16 =	vadd.f32 v18, v4;
	[tilespmem:s30+$0x12060] =	vst v13;
	v18 =	vld.idx.msk [tilespmem:v0+s30+$0xFFFFFFD0 ss:$0x1], $0xffff  }
0x3d9: {  	v13 =	vld.idx.msk [tilespmem:v0+s6+$0x1000 ss:$0x1], $0xffff;
	[tilespmem:s30+$0x12870] =	vst v15  }
0x3da: {  	v15 =	vadd.f32 v60, v8;
	[tilespmem:s30+$0x12020] =	vst v16;
	v16 =	vld.idx.msk [tilespmem:v0+s30+$0x830 ss:$0x1], $0xffff  }
0x3db: {  	v12 =	vadd.f32 v17, v12;
	[tilespmem:s30+$0x12050] =	vst v14;
	v61 =	vld.idx.msk [tilespmem:v0+s30+$0xFFFFFFE0 ss:$0x1], $0xffff  }
0x3dc: {  	v14 =	vadd.f32 v20, v6;
	v17 =	vld.idx.msk [tilespmem:v0+s30+$0x10 ss:$0x1], $0xffff;
	[tilespmem:s30+$0x12040] =	vst v15  }
0x3dd: {  	[tilespmem:s6+$0x13830] =	vst v12;
	v15 =	vld.idx.msk [tilespmem:v0+s30+$0x0 ss:$0x1], $0xffff;
	v12 =	vadd.f32 v18, v7  }
0x3de: {  	[tilespmem:s30+$0x12800] =	vst v14;
	v14 =	vld.idx.msk [tilespmem:v0+s30+$0x20 ss:$0x1], $0xffff;
	v19 =	vadd.f32 v19, v5  }
0x3df: {  	v18 =	vld.idx.msk [tilespmem:v0+s30+$0x7C0 ss:$0x1], $0xffff;
	v16 =	vadd.f32 v16, v22;
	[tilespmem:s30+$0x12810] =	vst v12  }
0x3e0: {  	[tilespmem:s30+$0x12830] =	vst v19;
	v12 =	vadd.f32 v61, v4;
	v20 =	vld.idx.msk [tilespmem:v0+s30+$0x7D0 ss:$0x1], $0xffff  }
0x3e1: {  	v11 =	vadd.f32 v13, v11;
	[tilespmem:s30+$0x13070] =	vst v16;
	v16 =	vld.idx.msk [tilespmem:v0+s6+$0x1010 ss:$0x1], $0xffff  }
0x3e2: {  	[tilespmem:s30+$0x12820] =	vst v12;
	v12 =	vadd.f32 v15, v8;
	v62 =	vld.idx.msk [tilespmem:v0+s30+$0x1030 ss:$0x1], $0xffff  }
0x3e3: {  	[tilespmem:s6+$0x13840] =	vst v11;
	v15 =	vadd.f32 v17, v10;
	v63 =	vld.idx.msk [tilespmem:v0+s30+$0x7E0 ss:$0x1], $0xffff  }
0x3e4: {  	v17 =	vld.idx.msk [tilespmem:v0+s30+$0x7F0 ss:$0x1], $0xffff;
	v13 =	vadd.f32 v18, v6;
	[tilespmem:s30+$0x12840] =	vst v12  }
0x3e5: {  	[tilespmem:s30+$0x12850] =	vst v15;
	v12 =	vadd.f32 v14, v9;
	v19 =	vld.idx.msk [tilespmem:v0+s30+$0x800 ss:$0x1], $0xffff  }
0x3e6: {  	v15 =	vld.idx.msk [tilespmem:v0+s30+$0x810 ss:$0x1], $0xffff;
	[tilespmem:s30+$0x13000] =	vst v13;
	v11 =	vadd.f32 v20, v7  }
0x3e7: {  	[tilespmem:s30+$0x12860] =	vst v12;
	v14 =	vld.idx.msk [tilespmem:v0+s30+$0xFC0 ss:$0x1], $0xffff;
	v18 =	vadd.f32 v62, v22  }
0x3e8: {  	v12 =	vld.idx.msk [tilespmem:v0+s30+$0x820 ss:$0x1], $0xffff;
	[tilespmem:s30+$0x13010] =	vst v11;
	v20 =	vadd.f32 v63, v4  }
0x3e9: {  	v11 =	vadd.f32 v17, v5;
	v17 =	vld.idx.msk [tilespmem:v0+s6+$0x1020 ss:$0x1], $0xffff;
	[tilespmem:s30+$0x13870] =	vst v18  }
0x3ea: {  	s13 =	simm.s32 $0x400;
	s0 =	simm.s32 $0x8;
	v13 =	vld.idx.msk [tilespmem:v0+s30+$0xFD0 ss:$0x1], $0xffff;
	[tilespmem:s30+$0x13020] =	vst v20;
	v18 =	vadd.f32 v19, v8  }
.LBB2_34:
0x3eb: {  	s8 =	sshra.s32 s13, $0x2;
	v19 =	vld.idx.msk [tilespmem:v0+s30+$0xFE0 ss:$0x1], $0xffff;
	[tilespmem:s30+$0x13030] =	vst v11;
	v15 =	vadd.f32 v15, v10  }
0x3ec: {  	s0 =	sadd.s32 $0x8, s0;
	v16 =	vadd.f32 v16, v3;
	v3 =	vmov v10;
	v11 =	vld.idx.msk [tilespmem:v1+s8+$0x30 ss:$0x1], $0xffff;
	[tilespmem:s30+$0x13040] =	vst v18  }
0x3ed: {  	p0 =	slt.u32 s0, $0x78;
	v12 =	vadd.f32 v12, v9;
	v10 =	vld.idx.msk [tilespmem:v0+s8+$0xFFFFF030 ss:$0x1], $0xffff;
	[tilespmem:s30+$0x13050] =	vst v15  }
0x3ee: {  	v14 =	vadd.f32 v14, v6;
	v6 =	vld.idx.msk [tilespmem:v1+s8+$0xFFFFFFC0 ss:$0x1], $0xffff;
	[tilespmem:s6+$0x13850] =	vst v16  }
0x3ef: {  	v13 =	vadd.f32 v13, v7;
	v15 =	vld.idx.msk [tilespmem:v0+s8+$0xFFFFEFC0 ss:$0x1], $0xffff;
	[tilespmem:s30+$0x13060] =	vst v12  }
0x3f0: {  	v12 =	vadd.f32 v17, v2;
	v2 =	vmov v9;
	v7 =	vld.idx.msk [tilespmem:v1+s8+$0xFFFFFFD0 ss:$0x1], $0xffff;
	[tilespmem:s30+$0x13800] =	vst v14  }
0x3f1: {  	v9 =	vld.idx.msk [tilespmem:v0+s8+$0xFFFFEFD0 ss:$0x1], $0xffff;
	[tilespmem:s30+$0x13810] =	vst v13;
	v13 =	vadd.f32 v19, v4  }
0x3f2: {  	v4 =	vld.idx.msk [tilespmem:v1+s8+$0xFFFFFFE0 ss:$0x1], $0xffff;
	[tilespmem:s6+$0x13860] =	vst v12;
	s6 =	smov.u32 s30;
	s30 =	smov.u32 s8  }
0x3f3: {  	v10 =	vadd.f32 v10, v11;
	v12 =	vld.idx.msk [tilespmem:v0+s30+$0xFFFFEFE0 ss:$0x1], $0xffff;
	[tilespmem:s6+$0x13820] =	vst v13  }
0x3f4: {  	v13 =	vld.idx.msk [tilespmem:v1+s30+$0xFFFFFFF0 ss:$0x1], $0xffff  }
0x3f5: {  	v14 =	vadd.f32 v15, v6;
	v15 =	vld.idx.msk [tilespmem:v0+s30+$0xFFFFEFF0 ss:$0x1], $0xffff;
	[tilespmem:s30+$0x11870] =	vst v10  }
0x3f6: {  	v16 =	vld.idx.msk [tilespmem:v0+s30+$0xFFFFF830 ss:$0x1], $0xffff  }
0x3f7: {  	v9 =	vadd.f32 v9, v7;
	[tilespmem:s30+$0x11800] =	vst v14;
	v14 =	vld.idx.msk [tilespmem:v1+s30+$0x0 ss:$0x1], $0xffff  }
0x3f8: {  	v17 =	vld.idx.msk [tilespmem:v0+s30+$0xFFFFF000 ss:$0x1], $0xffff  }
0x3f9: {  	[tilespmem:s30+$0x11810] =	vst v9;
	v9 =	vadd.f32 v12, v4;
	v10 =	vld.idx.msk [tilespmem:v1+s30+$0x10 ss:$0x1], $0xffff  }
0x3fa: {  	v12 =	vld.idx.msk [tilespmem:v0+s30+$0xFFFFF010 ss:$0x1], $0xffff  }
0x3fb: {  	v15 =	vadd.f32 v15, v13;
	[tilespmem:s30+$0x11820] =	vst v9;
	v9 =	vld.idx.msk [tilespmem:v1+s30+$0x20 ss:$0x1], $0xffff  }
0x3fc: {  	v16 =	vadd.f32 v16, v11;
	v18 =	vld.idx.msk [tilespmem:v0+s30+$0xFFFFF020 ss:$0x1], $0xffff  }
0x3fd: {  	v19 =	vld.idx.msk [tilespmem:v0+s30+$0xFFFFF7C0 ss:$0x1], $0xffff;
	[tilespmem:s30+$0x11830] =	vst v15  }
0x3fe: {  	v17 =	vadd.f32 v17, v14;
	v15 =	vld.idx.msk [tilespmem:v0+s30+$0xFFFFF7D0 ss:$0x1], $0xffff;
	[tilespmem:s30+$0x12070] =	vst v16  }
0x3ff: {  	v16 =	vld.idx.msk [tilespmem:v0+s30+$0x30 ss:$0x1], $0xffff  }
0x400: {  	v12 =	vadd.f32 v12, v10;
	v20 =	vld.idx.msk [tilespmem:v0+s30+$0xFFFFF7E0 ss:$0x1], $0xffff;
	[tilespmem:s30+$0x11840] =	vst v17  }
0x401: {  	v17 =	vld.idx.msk [tilespmem:v0+s30+$0xFFFFF7F0 ss:$0x1], $0xffff  }
0x402: {  	v21 =	vld.idx.msk [tilespmem:v0+s30+$0xFFFFF800 ss:$0x1], $0xffff;
	[tilespmem:s30+$0x11850] =	vst v12;
	v12 =	vadd.f32 v18, v9  }
0x403: {  	v18 =	vadd.f32 v19, v6;
	v19 =	vld.idx.msk [tilespmem:v0+s30+$0xFFFFF810 ss:$0x1], $0xffff  }
0x404: {  	v15 =	vadd.f32 v15, v7;
	[tilespmem:s30+$0x11860] =	vst v12;
	v12 =	vld.idx.msk [tilespmem:v0+s6+$0xFF0 ss:$0x1], $0xffff  }
0x405: {  	v16 =	vadd.f32 v16, v11;
	[tilespmem:s30+$0x12000] =	vst v18;
	v18 =	vld.idx.msk [tilespmem:v0+s30+$0xFFFFF820 ss:$0x1], $0xffff  }
0x406: {  	v22 =	vld.idx.msk [tilespmem:v0+s30+$0xFFFFFFC0 ss:$0x1], $0xffff;
	[tilespmem:s30+$0x12010] =	vst v15;
	v15 =	vadd.f32 v20, v4  }
0x407: {  	v17 =	vadd.f32 v17, v13;
	v20 =	vld.idx.msk [tilespmem:v0+s30+$0xFFFFFFD0 ss:$0x1], $0xffff;
	[tilespmem:s30+$0x12870] =	vst v16  }
0x408: {  	[tilespmem:s30+$0x12020] =	vst v15;
	v15 =	vadd.f32 v21, v14;
	v16 =	vld.idx.msk [tilespmem:v0+s30+$0x830 ss:$0x1], $0xffff  }
0x409: {  	v21 =	vld.idx.msk [tilespmem:v0+s30+$0xFFFFFFE0 ss:$0x1], $0xffff;
	[tilespmem:s30+$0x12030] =	vst v17;
	v17 =	vadd.f32 v19, v10  }
0x40a: {  	v12 =	vadd.f32 v12, v5;
	v5 =	vmov v13;
	v19 =	vld.idx.msk [tilespmem:v0+s30+$0xFFFFFFF0 ss:$0x1], $0xffff;
	[tilespmem:s30+$0x12040] =	vst v15  }
0x40b: {  	v15 =	vadd.f32 v18, v9;
	v13 =	vld.idx.msk [tilespmem:v0+s30+$0x0 ss:$0x1], $0xffff;
	[tilespmem:s30+$0x12050] =	vst v17  }
0x40c: {  	v17 =	vadd.f32 v22, v6;
	v18 =	vld.idx.msk [tilespmem:v0+s30+$0x10 ss:$0x1], $0xffff;
	[tilespmem:s6+$0x13830] =	vst v12  }
0x40d: {  	v12 =	vadd.f32 v20, v7;
	[tilespmem:s30+$0x12060] =	vst v15;
	v15 =	vld.idx.msk [tilespmem:v0+s6+$0x1000 ss:$0x1], $0xffff  }
0x40e: {  	v16 =	vadd.f32 v16, v11;
	[tilespmem:s30+$0x12800] =	vst v17;
	v17 =	vld.idx.msk [tilespmem:v0+s30+$0x20 ss:$0x1], $0xffff  }
0x40f: {  	v20 =	vld.idx.msk [tilespmem:v0+s30+$0x7C0 ss:$0x1], $0xffff;
	[tilespmem:s30+$0x12810] =	vst v12;
	v12 =	vadd.f32 v21, v4  }
0x410: {  	v19 =	vadd.f32 v19, v5;
	v21 =	vld.idx.msk [tilespmem:v0+s30+$0x7D0 ss:$0x1], $0xffff;
	[tilespmem:s30+$0x13070] =	vst v16  }
0x411: {  	[tilespmem:s30+$0x12820] =	vst v12;
	v12 =	vadd.f32 v13, v14;
	v13 =	vld.idx.msk [tilespmem:v0+s30+$0x1030 ss:$0x1], $0xffff  }
0x412: {  	v16 =	vadd.f32 v18, v10;
	v22 =	vld.idx.msk [tilespmem:v0+s30+$0x7E0 ss:$0x1], $0xffff;
	[tilespmem:s30+$0x12830] =	vst v19  }
0x413: {  	v18 =	vld.idx.msk [tilespmem:v0+s30+$0x7F0 ss:$0x1], $0xffff;
	[tilespmem:s30+$0x12840] =	vst v12;
	v12 =	vadd.f32 v15, v8;
	v8 =	vmov v14  }
0x414: {  	v14 =	vadd.f32 v17, v9;
	v19 =	vld.idx.msk [tilespmem:v0+s30+$0x800 ss:$0x1], $0xffff;
	[tilespmem:s30+$0x12850] =	vst v16  }
0x415: {  	v17 =	vadd.f32 v20, v6;
	v15 =	vld.idx.msk [tilespmem:v0+s30+$0x810 ss:$0x1], $0xffff;
	[tilespmem:s6+$0x13840] =	vst v12  }
.Ltmp13:
0x416: {  	v20 =	vadd.f32 v21, v7;
	[tilespmem:s30+$0x12860] =	vst v14;
	v16 =	vld.idx.msk [tilespmem:v0+s6+$0x1010 ss:$0x1], $0xffff;
	(pc) =	sbr.rel @p0 .LBB2_34-.Ltmp13, $4  }
0x417: {  	[tilespmem:s30+$0x13000] =	vst v17;
	v12 =	vld.idx.msk [tilespmem:v0+s30+$0x820 ss:$0x1], $0xffff;
	v17 =	vadd.f32 v13, v11  }
0x418: {  	v14 =	vld.idx.msk [tilespmem:v0+s30+$0xFC0 ss:$0x1], $0xffff;
	[tilespmem:s30+$0x13010] =	vst v20;
	v20 =	vadd.f32 v22, v4  }
0x419: {  	v11 =	vadd.f32 v18, v5;
	v13 =	vld.idx.msk [tilespmem:v0+s30+$0xFD0 ss:$0x1], $0xffff;
	[tilespmem:s30+$0x13870] =	vst v17  }
0x41a: {  	s13 =	sadd.s32 $0x200, s13;
	v18 =	vadd.f32 v19, v8;
	[tilespmem:s30+$0x13020] =	vst v20;
	v17 =	vld.idx.msk [tilespmem:v0+s6+$0x1020 ss:$0x1], $0xffff  }
0x41b: {  	_ =	sdelay $0x2  }
0x41c: {  	[tilespmem:s30+$0x13030] =	vst v11;
	v1 =	vadd.f32 v15, v10  }
0x41d: {  	v57 =	vld.idx.msk [tilespmem:v0+s30+$0xFE0 ss:$0x1], $0xffff;
	v3 =	vadd.f32 v16, v3;
	[tilespmem:s30+$0x13040] =	vst v18  }
0x41e: {  	v58 =	vadd.f32 v12, v9;
	v59 =	vld.idx.msk [tilespmem:v0+s30+$0xFF0 ss:$0x1], $0xffff;
	[tilespmem:s30+$0x13050] =	vst v1  }
0x41f: {  	v6 =	vadd.f32 v14, v6;
	[tilespmem:s6+$0x13850] =	vst v3;
	v60 =	vld.idx.msk [tilespmem:v0+s30+$0x1000 ss:$0x1], $0xffff  }
0x420: {  	v7 =	vadd.f32 v13, v7;
	[tilespmem:s30+$0x13060] =	vst v58;
	v61 =	vld.idx.msk [tilespmem:v0+s30+$0x1010 ss:$0x1], $0xffff  }
0x421: {  	[tilespmem:s30+$0x13800] =	vst v6;
	v2 =	vadd.f32 v17, v2;
	v62 =	vld.idx.msk [tilespmem:v0+s30+$0x1020 ss:$0x1], $0xffff  }
0x422: {  	[tilespmem:s30+$0x13810] =	vst v7;
	v4 =	vadd.f32 v57, v4  }
0x423: {  	[tilespmem:s6+$0x13860] =	vst v2;
	v63 =	vadd.f32 v59, v5  }
.Ltmp14:
0x424: {  	[tilespmem:s30+$0x13820] =	vst v4;
	v3 =	vadd.f32 v60, v8;
	(pc) =	sbr.rel .LBB2_36-.Ltmp14, $4  }
0x425: {  	[tilespmem:s30+$0x13830] =	vst v63;
	v1 =	vadd.f32 v61, v10  }
0x426: {  	[tilespmem:s30+$0x13840] =	vst v3;
	v0 =	vadd.f32 v62, v9  }
0x427: {  	[tilespmem:s30+$0x13850] =	vst v1  }
0x428: {  	[tilespmem:s30+$0x13860] =	vst v0  }
.LBB2_22:
0x429: {  	v1 =	vld [tilespmem:s10+$0x30]  }
0x42a: {  	v3 =	vld [tilespmem:s10+$0xFFFFFFD0]  }
0x42b: {  	v5 =	vld [tilespmem:s10+$0xFFFFFFE0]  }
0x42c: {  	v7 =	vld [tilespmem:s10+$0xFFFFFFF0]  }
0x42d: {  	s8 =	sadd.s32 $0x40, s8;
	v9 =	vld [tilespmem:s10+$0x0]  }
0x42e: {  	v2 =	vld [tilespmem:s8+$0x30]  }
0x42f: {  	v4 =	vld [tilespmem:s8+$0xFFFFFFD0]  }
0x430: {  	v6 =	vld [tilespmem:s8+$0xFFFFFFE0]  }
0x431: {  	v8 =	vld [tilespmem:s8+$0xFFFFFFF0]  }
0x432: {  	v0 =	vld [tilespmem:s8+$0xFFFFFFC0]  }
0x433: {  	v10 =	vld [tilespmem:s8+$0x0];
	v2 =	vadd.f32 v2, v1  }
0x434: {  	s18 =	simm.s32 $0x11870;
	v4 =	vadd.f32 v4, v3;
	v1 =	vld [tilespmem:s10+$0x10]  }
0x435: {  	v5 =	vadd.f32 v6, v5;
	v3 =	vld [tilespmem:s8+$0x10];
	[tilespmem:s18+$0x0] =	vst v2  }
0x436: {  	v6 =	vadd.f32 v8, v7;
	[tilespmem:s18+$0xFFFFFFA0] =	vst v4;
	v2 =	vld [tilespmem:s10+$0x20]  }
0x437: {  	[tilespmem:s18+$0xFFFFFFB0] =	vst v5;
	v5 =	vld [tilespmem:s8+$0x20]  }
0x438: {  	s9 =	simm.s32 $0x0;
	v4 =	vld [tilespmem:s10+$0xFFFFFFC0];
	[tilespmem:s18+$0xFFFFFFC0] =	vst v6;
	v6 =	vadd.f32 v10, v9;
	s10 =	sadd.s32 $0x80, s10  }
.LBB2_23:
0x439: {  	v7 =	vld [tilespmem:s10+$0x30];
	s8 =	sadd.s32 $0x80, s8  }
0x43a: {  	s9 =	sadd.s32 $0x8, s9;
	v8 =	vld [tilespmem:s8+$0x30];
	[tilespmem:s18+$0xFFFFFFD0] =	vst v6;
	v1 =	vadd.f32 v3, v1  }
0x43b: {  	p0 =	slt.u32 s9, $0x78;
	v3 =	vld [tilespmem:s8+$0xFFFFFFC0]  }
0x43c: {  	v6 =	vld [tilespmem:s10+$0xFFFFFFD0];
	[tilespmem:s18+$0xFFFFFFE0] =	vst v1;
	v1 =	vadd.f32 v5, v2  }
0x43d: {  	v2 =	vld [tilespmem:s8+$0xFFFFFFD0];
	v9 =	vadd.f32 v0, v4  }
0x43e: {  	v4 =	vld [tilespmem:s10+$0xFFFFFFE0];
	[tilespmem:s18+$0xFFFFFFF0] =	vst v1  }
0x43f: {  	v1 =	vld [tilespmem:s8+$0xFFFFFFE0];
	v5 =	vadd.f32 v8, v7;
	[tilespmem:s18+$0xFFFFFF90] =	vst v9  }
0x440: {  	s18 =	sadd.s32 $0x80, s18;
	v7 =	vld [tilespmem:s10+$0xFFFFFFF0];
	v0 =	vmov v3  }
0x441: {  	v8 =	vld [tilespmem:s8+$0xFFFFFFF0];
	[tilespmem:s18+$0x0] =	vst v5  }
0x442: {  	v2 =	vadd.f32 v2, v6;
	v6 =	vld [tilespmem:s10+$0x0]  }
0x443: {  	v9 =	vld [tilespmem:s8+$0x0]  }
.Ltmp15:
0x444: {  	[tilespmem:s18+$0xFFFFFFA0] =	vst v2;
	v2 =	vadd.f32 v1, v4;
	v1 =	vld [tilespmem:s10+$0x10];
	(pc) =	sbr.rel @p0 .LBB2_23-.Ltmp15, $4  }
0x445: {  	v3 =	vld [tilespmem:s8+$0x10]  }
0x446: {  	[tilespmem:s18+$0xFFFFFFB0] =	vst v2;
	v7 =	vadd.f32 v8, v7;
	v2 =	vld [tilespmem:s10+$0x20]  }
0x447: {  	v5 =	vld [tilespmem:s8+$0x20]  }
0x448: {  	v4 =	vld [tilespmem:s10+$0xFFFFFFC0];
	[tilespmem:s18+$0xFFFFFFC0] =	vst v7;
	v6 =	vadd.f32 v9, v6;
	s10 =	sadd.s32 $0x80, s10  }
0x449: {  	_ =	sdelay $0x1  }
0x44a: {  	v1 =	vadd.f32 v3, v1  }
0x44b: {  	[tilespmem:s18+$0xFFFFFFD0] =	vst v6;
	v2 =	vadd.f32 v5, v2  }
0x44c: {  	s6 =	sshll.u32 s6, $0xD;
	[tilespmem:s18+$0xFFFFFFE0] =	vst v1;
	v0 =	vadd.f32 v0, v4  }
0x44d: {  	s8 =	sshll.u32 s17, $0xD;
	s6 =	sshra.s32 s6, $0x2;
	[tilespmem:s18+$0xFFFFFFF0] =	vst v2  }
0x44e: {  	s8 =	sshra.s32 s8, $0x2;
	s10 =	sor.u32 $0x40, s6;
	[tilespmem:s18+$0xFFFFFF90] =	vst v0  }
0x44f: {  	s8 =	sor.u32 $0x40, s8;
	v1 =	vld [tilespmem:s10+$0x30]  }
0x450: {  	v2 =	vld [tilespmem:s8+$0x30]  }
0x451: {  	v0 =	vld [tilespmem:s8+$0xFFFFFFC0]  }
0x452: {  	v3 =	vld [tilespmem:s10+$0xFFFFFFD0]  }
0x453: {  	v4 =	vld [tilespmem:s8+$0xFFFFFFD0]  }
0x454: {  	v5 =	vld [tilespmem:s10+$0xFFFFFFE0]  }
0x455: {  	v6 =	vld [tilespmem:s8+$0xFFFFFFE0]  }
0x456: {  	v7 =	vld [tilespmem:s10+$0xFFFFFFF0]  }
0x457: {  	v8 =	vld [tilespmem:s8+$0xFFFFFFF0]  }
0x458: {  	v9 =	vld [tilespmem:s10+$0x0]  }
0x459: {  	v10 =	vld [tilespmem:s8+$0x0];
	v2 =	vadd.f32 v2, v1  }
0x45a: {  	s6 =	simm.s32 $0x12070;
	v4 =	vadd.f32 v4, v3;
	v1 =	vld [tilespmem:s10+$0x10]  }
0x45b: {  	v5 =	vadd.f32 v6, v5;
	v3 =	vld [tilespmem:s8+$0x10];
	[tilespmem:s6+$0x0] =	vst v2  }
0x45c: {  	v6 =	vadd.f32 v8, v7;
	[tilespmem:s6+$0xFFFFFFA0] =	vst v4;
	v2 =	vld [tilespmem:s10+$0x20]  }
0x45d: {  	[tilespmem:s6+$0xFFFFFFB0] =	vst v5;
	v5 =	vld [tilespmem:s8+$0x20]  }
0x45e: {  	s9 =	simm.s32 $0x0;
	v4 =	vld [tilespmem:s10+$0xFFFFFFC0];
	[tilespmem:s6+$0xFFFFFFC0] =	vst v6;
	v6 =	vadd.f32 v10, v9;
	s10 =	sadd.s32 $0x80, s10  }
.LBB2_25:
0x45f: {  	v7 =	vld [tilespmem:s10+$0x30];
	s8 =	sadd.s32 $0x80, s8  }
0x460: {  	s9 =	sadd.s32 $0x8, s9;
	v8 =	vld [tilespmem:s8+$0x30];
	[tilespmem:s6+$0xFFFFFFD0] =	vst v6;
	v1 =	vadd.f32 v3, v1  }
0x461: {  	p0 =	slt.u32 s9, $0x78;
	v3 =	vld [tilespmem:s8+$0xFFFFFFC0]  }
0x462: {  	v6 =	vld [tilespmem:s10+$0xFFFFFFD0];
	[tilespmem:s6+$0xFFFFFFE0] =	vst v1;
	v1 =	vadd.f32 v5, v2  }
0x463: {  	v2 =	vld [tilespmem:s8+$0xFFFFFFD0];
	v9 =	vadd.f32 v0, v4  }
0x464: {  	v4 =	vld [tilespmem:s10+$0xFFFFFFE0];
	[tilespmem:s6+$0xFFFFFFF0] =	vst v1  }
0x465: {  	v1 =	vld [tilespmem:s8+$0xFFFFFFE0];
	v5 =	vadd.f32 v8, v7;
	[tilespmem:s6+$0xFFFFFF90] =	vst v9  }
0x466: {  	s6 =	sadd.s32 $0x80, s6;
	v7 =	vld [tilespmem:s10+$0xFFFFFFF0];
	v0 =	vmov v3  }
0x467: {  	v8 =	vld [tilespmem:s8+$0xFFFFFFF0];
	[tilespmem:s6+$0x0] =	vst v5  }
0x468: {  	v2 =	vadd.f32 v2, v6;
	v6 =	vld [tilespmem:s10+$0x0]  }
0x469: {  	v9 =	vld [tilespmem:s8+$0x0]  }
.Ltmp16:
0x46a: {  	[tilespmem:s6+$0xFFFFFFA0] =	vst v2;
	v2 =	vadd.f32 v1, v4;
	v1 =	vld [tilespmem:s10+$0x10];
	(pc) =	sbr.rel @p0 .LBB2_25-.Ltmp16, $4  }
0x46b: {  	v3 =	vld [tilespmem:s8+$0x10]  }
0x46c: {  	[tilespmem:s6+$0xFFFFFFB0] =	vst v2;
	v7 =	vadd.f32 v8, v7;
	v2 =	vld [tilespmem:s10+$0x20]  }
0x46d: {  	v5 =	vld [tilespmem:s8+$0x20]  }
0x46e: {  	v4 =	vld [tilespmem:s10+$0xFFFFFFC0];
	[tilespmem:s6+$0xFFFFFFC0] =	vst v7;
	v6 =	vadd.f32 v9, v6;
	s10 =	sadd.s32 $0x80, s10  }
0x46f: {  	_ =	sdelay $0x1  }
0x470: {  	v1 =	vadd.f32 v3, v1  }
0x471: {  	[tilespmem:s6+$0xFFFFFFD0] =	vst v6;
	v2 =	vadd.f32 v5, v2  }
0x472: {  	s8 =	sshll.u32 s16, $0xD;
	[tilespmem:s6+$0xFFFFFFE0] =	vst v1;
	v0 =	vadd.f32 v0, v4  }
0x473: {  	s8 =	sshra.s32 s8, $0x2;
	[tilespmem:s6+$0xFFFFFFF0] =	vst v2  }
0x474: {  	s8 =	sor.u32 $0x40, s8;
	[tilespmem:s6+$0xFFFFFF90] =	vst v0  }
0x475: {  	v2 =	vld [tilespmem:s8+$0x30]  }
0x476: {  	v0 =	vld [tilespmem:s8+$0xFFFFFFC0]  }
0x477: {  	s30 =	sshll.u32 s30, $0xD;
	v4 =	vld [tilespmem:s8+$0xFFFFFFD0]  }
0x478: {  	s6 =	sshra.s32 s30, $0x2;
	v6 =	vld [tilespmem:s8+$0xFFFFFFE0]  }
0x479: {  	s10 =	sor.u32 $0x40, s6;
	v8 =	vld [tilespmem:s8+$0xFFFFFFF0]  }
0x47a: {  	v1 =	vld [tilespmem:s10+$0x30]  }
0x47b: {  	v3 =	vld [tilespmem:s10+$0xFFFFFFD0]  }
0x47c: {  	v5 =	vld [tilespmem:s10+$0xFFFFFFE0]  }
0x47d: {  	v7 =	vld [tilespmem:s10+$0xFFFFFFF0]  }
0x47e: {  	v10 =	vld [tilespmem:s8+$0x0]  }
0x47f: {  	v9 =	vld [tilespmem:s10+$0x0];
	v2 =	vadd.f32 v2, v1  }
0x480: {  	s6 =	simm.s32 $0x12870;
	v4 =	vadd.f32 v4, v3;
	v1 =	vld [tilespmem:s10+$0x10]  }
0x481: {  	v5 =	vadd.f32 v6, v5;
	v3 =	vld [tilespmem:s8+$0x10];
	[tilespmem:s6+$0x0] =	vst v2  }
0x482: {  	v6 =	vadd.f32 v8, v7;
	[tilespmem:s6+$0xFFFFFFA0] =	vst v4;
	v2 =	vld [tilespmem:s10+$0x20]  }
0x483: {  	[tilespmem:s6+$0xFFFFFFB0] =	vst v5;
	v5 =	vld [tilespmem:s8+$0x20]  }
0x484: {  	s9 =	simm.s32 $0x0;
	v4 =	vld [tilespmem:s10+$0xFFFFFFC0];
	[tilespmem:s6+$0xFFFFFFC0] =	vst v6;
	v6 =	vadd.f32 v10, v9;
	s10 =	sadd.s32 $0x80, s10  }
.LBB2_27:
0x485: {  	v7 =	vld [tilespmem:s10+$0x30];
	s8 =	sadd.s32 $0x80, s8  }
0x486: {  	s9 =	sadd.s32 $0x8, s9;
	v8 =	vld [tilespmem:s8+$0x30];
	[tilespmem:s6+$0xFFFFFFD0] =	vst v6;
	v1 =	vadd.f32 v3, v1  }
0x487: {  	p0 =	slt.u32 s9, $0x78;
	v3 =	vld [tilespmem:s8+$0xFFFFFFC0]  }
0x488: {  	v6 =	vld [tilespmem:s10+$0xFFFFFFD0];
	[tilespmem:s6+$0xFFFFFFE0] =	vst v1;
	v1 =	vadd.f32 v5, v2  }
0x489: {  	v2 =	vld [tilespmem:s8+$0xFFFFFFD0];
	v9 =	vadd.f32 v0, v4  }
0x48a: {  	v4 =	vld [tilespmem:s10+$0xFFFFFFE0];
	[tilespmem:s6+$0xFFFFFFF0] =	vst v1  }
0x48b: {  	v1 =	vld [tilespmem:s8+$0xFFFFFFE0];
	v5 =	vadd.f32 v8, v7;
	[tilespmem:s6+$0xFFFFFF90] =	vst v9  }
0x48c: {  	s6 =	sadd.s32 $0x80, s6;
	v7 =	vld [tilespmem:s10+$0xFFFFFFF0];
	v0 =	vmov v3  }
0x48d: {  	v8 =	vld [tilespmem:s8+$0xFFFFFFF0];
	[tilespmem:s6+$0x0] =	vst v5  }
0x48e: {  	v2 =	vadd.f32 v2, v6;
	v6 =	vld [tilespmem:s10+$0x0]  }
0x48f: {  	v9 =	vld [tilespmem:s8+$0x0]  }
.Ltmp17:
0x490: {  	[tilespmem:s6+$0xFFFFFFA0] =	vst v2;
	v2 =	vadd.f32 v1, v4;
	v1 =	vld [tilespmem:s10+$0x10];
	(pc) =	sbr.rel @p0 .LBB2_27-.Ltmp17, $4  }
0x491: {  	v3 =	vld [tilespmem:s8+$0x10]  }
0x492: {  	[tilespmem:s6+$0xFFFFFFB0] =	vst v2;
	v7 =	vadd.f32 v8, v7;
	v2 =	vld [tilespmem:s10+$0x20]  }
0x493: {  	v5 =	vld [tilespmem:s8+$0x20]  }
0x494: {  	v4 =	vld [tilespmem:s10+$0xFFFFFFC0];
	[tilespmem:s6+$0xFFFFFFC0] =	vst v7;
	v6 =	vadd.f32 v9, v6;
	s10 =	sadd.s32 $0x80, s10  }
0x495: {  	_ = 	snop  }
0x496: {  	s0 =	sshll.u32 s0, $0xD  }
0x497: {  	v1 =	vadd.f32 v3, v1;
	s0 =	sshra.s32 s0, $0x2  }
0x498: {  	[tilespmem:s6+$0xFFFFFFD0] =	vst v6;
	s0 =	sor.u32 $0x40, s0;
	v2 =	vadd.f32 v5, v2  }
0x499: {  	[tilespmem:s6+$0xFFFFFFE0] =	vst v1;
	v1 =	vmov s0;
	v0 =	vadd.f32 v0, v4  }
0x49a: {  	s30 =	sshll.u32 s13, $0xD;
	[tilespmem:s6+$0xFFFFFFF0] =	vst v2  }
0x49b: {  	[tilespmem:s6+$0xFFFFFF90] =	vst v0;
	s6 =	sshra.s32 s30, $0x2  }
0x49c: {  	s6 =	sor.u32 $0x40, s6  }
0x49d: {  	s0 =	simm.s32 $0x0;
	v0 =	vmov s6  }
0x49e: {  	v2 =	vld.idx.msk [tilespmem:v1+s0+$0x30 ss:$0x1], $0xffff  }
0x49f: {  	v6 =	vld.idx.msk [tilespmem:v1+s0+$0xFFFFFFC0 ss:$0x1], $0xffff  }
0x4a0: {  	v8 =	vld.idx.msk [tilespmem:v1+s0+$0xFFFFFFD0 ss:$0x1], $0xffff  }
0x4a1: {  	v10 =	vld.idx.msk [tilespmem:v1+s0+$0xFFFFFFE0 ss:$0x1], $0xffff  }
0x4a2: {  	v4 =	vld.idx.msk [tilespmem:v0+s0+$0x30 ss:$0x1], $0xffff  }
0x4a3: {  	v7 =	vld.idx.msk [tilespmem:v0+s0+$0xFFFFFFC0 ss:$0x1], $0xffff  }
0x4a4: {  	v9 =	vld.idx.msk [tilespmem:v0+s0+$0xFFFFFFD0 ss:$0x1], $0xffff  }
0x4a5: {  	v3 =	vld.idx.msk [tilespmem:v1+s0+$0xFFFFFFF0 ss:$0x1], $0xffff  }
0x4a6: {  	v11 =	vld.idx.msk [tilespmem:v0+s0+$0xFFFFFFE0 ss:$0x1], $0xffff  }
0x4a7: {  	v5 =	vld.idx.msk [tilespmem:v0+s0+$0xFFFFFFF0 ss:$0x1], $0xffff  }
0x4a8: {  	v4 =	vadd.f32 v4, v2;
	v2 =	vld.idx.msk [tilespmem:v1+s0+$0x0 ss:$0x1], $0xffff  }
0x4a9: {  	v7 =	vadd.f32 v7, v6;
	v6 =	vld.idx.msk [tilespmem:v0+s0+$0x0 ss:$0x1], $0xffff;
	v9 =	vadd.f32 v9, v8  }
0x4aa: {  	v8 =	vld.idx.msk [tilespmem:v0+s0+$0x10 ss:$0x1], $0xffff;
	[tilespmem:s0+$0x13070] =	vst v4  }
0x4ab: {  	v4 =	vld.idx.msk [tilespmem:v1+s0+$0x10 ss:$0x1], $0xffff;
	[tilespmem:s0+$0x13010] =	vst v9;
	v9 =	vadd.f32 v11, v10  }
0x4ac: {  	s8 =	simm.s32 $0x200;
	s6 =	simm.s32 $0x0;
	[tilespmem:s0+$0x13000] =	vst v7;
	v7 =	vld.idx.msk [tilespmem:v1+s0+$0x20 ss:$0x1], $0xffff  }
.LBB2_29:
0x4ad: {  	s9 =	sshra.s32 s8, $0x2;
	[tilespmem:s0+$0x13020] =	vst v9;
	v3 =	vadd.f32 v5, v3;
	v5 =	vld.idx.msk [tilespmem:v0+s0+$0x20 ss:$0x1], $0xffff  }
0x4ae: {  	s6 =	sadd.s32 $0x8, s6;
	v9 =	vld.idx.msk [tilespmem:v1+s9+$0x30 ss:$0x1], $0xffff  }
0x4af: {  	p0 =	slt.u32 s6, $0x78;
	v2 =	vadd.f32 v6, v2;
	v10 =	vld.idx.msk [tilespmem:v0+s9+$0x30 ss:$0x1], $0xffff;
	[tilespmem:s0+$0x13030] =	vst v3  }
0x4b0: {  	v6 =	vld.idx.msk [tilespmem:v1+s9+$0xFFFFFFC0 ss:$0x1], $0xffff  }
0x4b1: {  	v11 =	vld.idx.msk [tilespmem:v0+s9+$0xFFFFFFC0 ss:$0x1], $0xffff;
	[tilespmem:s0+$0x13040] =	vst v2;
	v2 =	vadd.f32 v8, v4  }
0x4b2: {  	v4 =	vld.idx.msk [tilespmem:v1+s9+$0xFFFFFFD0 ss:$0x1], $0xffff  }
0x4b3: {  	v8 =	vld.idx.msk [tilespmem:v0+s9+$0xFFFFFFD0 ss:$0x1], $0xffff;
	[tilespmem:s0+$0x13050] =	vst v2;
	v2 =	vadd.f32 v5, v7  }
0x4b4: {  	v7 =	vld.idx.msk [tilespmem:v1+s9+$0xFFFFFFE0 ss:$0x1], $0xffff  }
0x4b5: {  	v9 =	vadd.f32 v10, v9;
	v12 =	vld.idx.msk [tilespmem:v0+s9+$0xFFFFFFE0 ss:$0x1], $0xffff;
	[tilespmem:s0+$0x13060] =	vst v2;
	s0 =	smov.u32 s9  }
0x4b6: {  	v3 =	vld.idx.msk [tilespmem:v1+s0+$0xFFFFFFF0 ss:$0x1], $0xffff  }
0x4b7: {  	v6 =	vadd.f32 v11, v6;
	v5 =	vld.idx.msk [tilespmem:v0+s0+$0xFFFFFFF0 ss:$0x1], $0xffff;
	[tilespmem:s0+$0x13070] =	vst v9  }
.Ltmp18:
0x4b8: {  	v2 =	vld.idx.msk [tilespmem:v1+s0+$0x0 ss:$0x1], $0xffff;
	(pc) =	sbr.rel @p0 .LBB2_29-.Ltmp18, $4  }
0x4b9: {  	v8 =	vadd.f32 v8, v4;
	[tilespmem:s0+$0x13000] =	vst v6;
	v6 =	vld.idx.msk [tilespmem:v0+s0+$0x0 ss:$0x1], $0xffff  }
0x4ba: {  	v4 =	vld.idx.msk [tilespmem:v1+s0+$0x10 ss:$0x1], $0xffff  }
0x4bb: {  	v9 =	vadd.f32 v12, v7;
	[tilespmem:s0+$0x13010] =	vst v8;
	v8 =	vld.idx.msk [tilespmem:v0+s0+$0x10 ss:$0x1], $0xffff  }
0x4bc: {  	s8 =	sadd.s32 $0x200, s8;
	v7 =	vld.idx.msk [tilespmem:v1+s0+$0x20 ss:$0x1], $0xffff  }
0x4bd: {  	_ =	sdelay $0x3  }
0x4be: {  	v0 =	vld.idx.msk [tilespmem:v0+s0+$0x20 ss:$0x1], $0xffff;
	_ =	sdelay $0x3  }
0x4bf: {  	v1 =	vadd.f32 v5, v3;
	s6 =	sshll.u32 s15, $0xD  }
0x4c0: {  	[tilespmem:s0+$0x13020] =	vst v9;
	s6 =	sshra.s32 s6, $0x2;
	v0 =	vadd.f32 v0, v7  }
0x4c1: {  	v2 =	vadd.f32 v6, v2;
	[tilespmem:s0+$0x13030] =	vst v1;
	s6 =	sor.u32 $0x40, s6  }
0x4c2: {  	v1 =	vadd.f32 v8, v4;
	[tilespmem:s0+$0x13060] =	vst v0;
	v0 =	vmov s6  }
0x4c3: {  	s30 =	sshll.u32 s14, $0xD;
	[tilespmem:s0+$0x13040] =	vst v2  }
0x4c4: {  	[tilespmem:s0+$0x13050] =	vst v1;
	s0 =	sshra.s32 s30, $0x2  }
0x4c5: {  	s0 =	sor.u32 $0x40, s0  }
0x4c6: {  	v1 =	vmov s0;
	s0 =	simm.s32 $0x0  }
0x4c7: {  	v4 =	vld.idx.msk [tilespmem:v0+s0+$0x30 ss:$0x1], $0xffff  }
0x4c8: {  	v7 =	vld.idx.msk [tilespmem:v0+s0+$0xFFFFFFC0 ss:$0x1], $0xffff  }
0x4c9: {  	v9 =	vld.idx.msk [tilespmem:v0+s0+$0xFFFFFFD0 ss:$0x1], $0xffff  }
0x4ca: {  	v11 =	vld.idx.msk [tilespmem:v0+s0+$0xFFFFFFE0 ss:$0x1], $0xffff  }
0x4cb: {  	v2 =	vld.idx.msk [tilespmem:v1+s0+$0x30 ss:$0x1], $0xffff  }
0x4cc: {  	v6 =	vld.idx.msk [tilespmem:v1+s0+$0xFFFFFFC0 ss:$0x1], $0xffff  }
0x4cd: {  	v8 =	vld.idx.msk [tilespmem:v1+s0+$0xFFFFFFD0 ss:$0x1], $0xffff  }
0x4ce: {  	v5 =	vld.idx.msk [tilespmem:v0+s0+$0xFFFFFFF0 ss:$0x1], $0xffff  }
0x4cf: {  	v10 =	vld.idx.msk [tilespmem:v1+s0+$0xFFFFFFE0 ss:$0x1], $0xffff  }
0x4d0: {  	v3 =	vld.idx.msk [tilespmem:v1+s0+$0xFFFFFFF0 ss:$0x1], $0xffff  }
0x4d1: {  	v4 =	vadd.f32 v4, v2;
	v2 =	vld.idx.msk [tilespmem:v1+s0+$0x0 ss:$0x1], $0xffff  }
0x4d2: {  	v7 =	vadd.f32 v7, v6;
	v6 =	vld.idx.msk [tilespmem:v0+s0+$0x0 ss:$0x1], $0xffff;
	v9 =	vadd.f32 v9, v8  }
0x4d3: {  	v8 =	vld.idx.msk [tilespmem:v0+s0+$0x10 ss:$0x1], $0xffff;
	[tilespmem:s0+$0x13870] =	vst v4  }
0x4d4: {  	v4 =	vld.idx.msk [tilespmem:v1+s0+$0x10 ss:$0x1], $0xffff;
	[tilespmem:s0+$0x13810] =	vst v9;
	v9 =	vadd.f32 v11, v10  }
0x4d5: {  	s8 =	simm.s32 $0x200;
	s6 =	simm.s32 $0x0;
	[tilespmem:s0+$0x13800] =	vst v7;
	v7 =	vld.idx.msk [tilespmem:v1+s0+$0x20 ss:$0x1], $0xffff  }
.LBB2_31:
0x4d6: {  	s9 =	sshra.s32 s8, $0x2;
	[tilespmem:s0+$0x13820] =	vst v9;
	v3 =	vadd.f32 v5, v3;
	v5 =	vld.idx.msk [tilespmem:v0+s0+$0x20 ss:$0x1], $0xffff  }
0x4d7: {  	s6 =	sadd.s32 $0x8, s6;
	v9 =	vld.idx.msk [tilespmem:v1+s9+$0x30 ss:$0x1], $0xffff  }
0x4d8: {  	p0 =	slt.u32 s6, $0x78;
	v2 =	vadd.f32 v6, v2;
	v10 =	vld.idx.msk [tilespmem:v0+s9+$0x30 ss:$0x1], $0xffff;
	[tilespmem:s0+$0x13830] =	vst v3  }
0x4d9: {  	v6 =	vld.idx.msk [tilespmem:v1+s9+$0xFFFFFFC0 ss:$0x1], $0xffff  }
0x4da: {  	v11 =	vld.idx.msk [tilespmem:v0+s9+$0xFFFFFFC0 ss:$0x1], $0xffff;
	[tilespmem:s0+$0x13840] =	vst v2;
	v2 =	vadd.f32 v8, v4  }
0x4db: {  	v4 =	vld.idx.msk [tilespmem:v1+s9+$0xFFFFFFD0 ss:$0x1], $0xffff  }
0x4dc: {  	v8 =	vld.idx.msk [tilespmem:v0+s9+$0xFFFFFFD0 ss:$0x1], $0xffff;
	[tilespmem:s0+$0x13850] =	vst v2;
	v2 =	vadd.f32 v5, v7  }
0x4dd: {  	v7 =	vld.idx.msk [tilespmem:v1+s9+$0xFFFFFFE0 ss:$0x1], $0xffff  }
0x4de: {  	v9 =	vadd.f32 v10, v9;
	v12 =	vld.idx.msk [tilespmem:v0+s9+$0xFFFFFFE0 ss:$0x1], $0xffff;
	[tilespmem:s0+$0x13860] =	vst v2;
	s0 =	smov.u32 s9  }
0x4df: {  	v3 =	vld.idx.msk [tilespmem:v1+s0+$0xFFFFFFF0 ss:$0x1], $0xffff  }
0x4e0: {  	v6 =	vadd.f32 v11, v6;
	v5 =	vld.idx.msk [tilespmem:v0+s0+$0xFFFFFFF0 ss:$0x1], $0xffff;
	[tilespmem:s0+$0x13870] =	vst v9  }
.Ltmp19:
0x4e1: {  	v2 =	vld.idx.msk [tilespmem:v1+s0+$0x0 ss:$0x1], $0xffff;
	(pc) =	sbr.rel @p0 .LBB2_31-.Ltmp19, $4  }
0x4e2: {  	v8 =	vadd.f32 v8, v4;
	[tilespmem:s0+$0x13800] =	vst v6;
	v6 =	vld.idx.msk [tilespmem:v0+s0+$0x0 ss:$0x1], $0xffff  }
0x4e3: {  	v4 =	vld.idx.msk [tilespmem:v1+s0+$0x10 ss:$0x1], $0xffff  }
0x4e4: {  	v9 =	vadd.f32 v12, v7;
	[tilespmem:s0+$0x13810] =	vst v8;
	v8 =	vld.idx.msk [tilespmem:v0+s0+$0x10 ss:$0x1], $0xffff  }
0x4e5: {  	s8 =	sadd.s32 $0x200, s8;
	v7 =	vld.idx.msk [tilespmem:v1+s0+$0x20 ss:$0x1], $0xffff  }
0x4e6: {  	_ =	sdelay $0x3  }
0x4e7: {  	v0 =	vld.idx.msk [tilespmem:v0+s0+$0x20 ss:$0x1], $0xffff;
	_ =	sdelay $0x1  }
0x4e8: {  	v1 =	vadd.f32 v5, v3  }
.Ltmp20:
0x4e9: {  	[tilespmem:s0+$0x13820] =	vst v9;
	v2 =	vadd.f32 v6, v2;
	(pc) =	sbr.rel .LBB2_36-.Ltmp20, $4  }
0x4ea: {  	[tilespmem:s0+$0x13830] =	vst v1;
	v63 =	vadd.f32 v8, v4  }
0x4eb: {  	[tilespmem:s0+$0x13840] =	vst v2;
	v0 =	vadd.f32 v0, v7  }
0x4ec: {  	[tilespmem:s0+$0x13850] =	vst v63  }
0x4ed: {  	[tilespmem:s0+$0x13860] =	vst v0  }
.LBB2_37:
0x4ee: {  	_ =	swait.ge [sflag:s7], $0x800  }
0x4ef: {  	[sflag:s7] =	ssyncset.done $0x0  }
0x4f0: {  	[sflag:s7] =	ssyncadd.s32 $0xFFFFF800  }
0x4f1: {  	_ =	swait.ge [sflag:s7], $0x800  }
0x4f2: {  	[sflag:s7] =	ssyncset.done $0x0  }
0x4f3: {  	[sflag:s7] =	ssyncadd.s32 $0xFFFFF800  }
0x4f4: {  	_ =	swait.ge [sflag:s7], $0x800  }
0x4f5: {  	[sflag:s7] =	ssyncset.done $0x0  }
0x4f6: {  	[sflag:s7] =	ssyncadd.s32 $0xFFFFF800  }
0x4f7: {  	_ =	swait.ge [sflag:s7], $0x800  }
0x4f8: {  	[sflag:s7] =	ssyncset.done $0x0  }
0x4f9: {  	[sflag:s7] =	ssyncadd.s32 $0xFFFFF800  }
0x4fa: {  	_ =	swait.ge [sflag:s7], $0x800  }
0x4fb: {  	[sflag:s7] =	ssyncset.done $0x0  }
0x4fc: {  	s0 =	simm.s32 $0x0;
	[sflag:s7] =	ssyncadd.s32 $0xFFFFF800  }
0x4fd: {  	v0 =	vld [tilespmem:s0+$0xD070]  }
0x4fe: {  	v1 =	vld [tilespmem:s0+$0xE070]  }
0x4ff: {  	v2 =	vld [tilespmem:s0+$0xD000]  }
0x500: {  	v3 =	vld [tilespmem:s0+$0xE000]  }
0x501: {  	v4 =	vld [tilespmem:s0+$0xD010]  }
0x502: {  	v5 =	vld [tilespmem:s0+$0xE010]  }
0x503: {  	v6 =	vld [tilespmem:s0+$0xD020]  }
0x504: {  	v7 =	vld [tilespmem:s0+$0xE020]  }
0x505: {  	v8 =	vld [tilespmem:s0+$0xD030]  }
0x506: {  	v9 =	vld [tilespmem:s0+$0xE030];
	v1 =	vadd.f32 v1, v0  }
0x507: {  	v3 =	vadd.f32 v3, v2;
	v0 =	vld [tilespmem:s0+$0xD040]  }
0x508: {  	v4 =	vadd.f32 v5, v4;
	v2 =	vld [tilespmem:s0+$0xE040];
	[tilespmem:s0+$0xF070] =	vst v1  }
0x509: {  	v5 =	vadd.f32 v7, v6;
	[tilespmem:s0+$0xF000] =	vst v3;
	v1 =	vld [tilespmem:s0+$0xD050]  }
0x50a: {  	[tilespmem:s0+$0xF010] =	vst v4;
	v3 =	vld [tilespmem:s0+$0xE050]  }
0x50b: {  	s5 =	simm.s32 $0x0;
	s6 =	simm.s32 $0x200;
	s1 =	simm.s32 $0x0;
	[tilespmem:s0+$0xF020] =	vst v5;
	v5 =	vadd.f32 v9, v8;
	v4 =	vld [tilespmem:s0+$0xD060]  }
.LBB2_38:
0x50c: {  	s8 =	sshra.s32 s6, $0x2;
	v6 =	vld [tilespmem:s1+$0xE060]  }
0x50d: {  	s5 =	sadd.s32 $0x8, s5;
	v7 =	vld [tilespmem:s8+$0xD070];
	[tilespmem:s1+$0xF030] =	vst v5;
	v0 =	vadd.f32 v2, v0  }
0x50e: {  	p0 =	slt.u32 s5, $0x78;
	v2 =	vld [tilespmem:s8+$0xE070]  }
0x50f: {  	v5 =	vld [tilespmem:s8+$0xD000];
	[tilespmem:s1+$0xF040] =	vst v0;
	v0 =	vadd.f32 v3, v1  }
0x510: {  	v1 =	vld [tilespmem:s8+$0xE000]  }
0x511: {  	v3 =	vld [tilespmem:s8+$0xD010];
	[tilespmem:s1+$0xF050] =	vst v0;
	v0 =	vadd.f32 v6, v4  }
0x512: {  	v4 =	vld [tilespmem:s8+$0xE010]  }
0x513: {  	v6 =	vld [tilespmem:s8+$0xD020];
	v2 =	vadd.f32 v2, v7;
	[tilespmem:s1+$0xF060] =	vst v0;
	s1 =	smov.u32 s8  }
0x514: {  	v7 =	vld [tilespmem:s1+$0xE020]  }
0x515: {  	v0 =	vadd.f32 v1, v5;
	v5 =	vld [tilespmem:s1+$0xD030];
	[tilespmem:s1+$0xF070] =	vst v2  }
0x516: {  	v8 =	vld [tilespmem:s1+$0xE030]  }
.Ltmp21:
0x517: {  	[tilespmem:s1+$0xF000] =	vst v0;
	v1 =	vadd.f32 v4, v3;
	v0 =	vld [tilespmem:s1+$0xD040];
	(pc) =	sbr.rel @p0 .LBB2_38-.Ltmp21, $4  }
0x518: {  	v2 =	vld [tilespmem:s1+$0xE040]  }
0x519: {  	[tilespmem:s1+$0xF010] =	vst v1;
	v4 =	vadd.f32 v7, v6;
	v1 =	vld [tilespmem:s1+$0xD050]  }
0x51a: {  	v3 =	vld [tilespmem:s1+$0xE050]  }
0x51b: {  	s6 =	sadd.s32 $0x200, s6;
	[tilespmem:s1+$0xF020] =	vst v4;
	v5 =	vadd.f32 v8, v5;
	v4 =	vld [tilespmem:s1+$0xD060]  }
0x51c: {  	v6 =	vld [tilespmem:s1+$0xE060];
	_ =	sdelay $0x2  }
0x51d: {  	v0 =	vadd.f32 v2, v0  }
0x51e: {  	[tilespmem:s1+$0xF030] =	vst v5;
	v1 =	vadd.f32 v3, v1  }
0x51f: {  	[tilespmem:s1+$0xF040] =	vst v0;
	v0 =	vadd.f32 v6, v4  }
0x520: {  	[tilespmem:s1+$0xF050] =	vst v1  }
0x521: {  	[tilespmem:s1+$0xF060] =	vst v0  }
0x522: {  	v0 =	vld [tilespmem:s0+$0xD070]  }
0x523: {  	v1 =	vld [tilespmem:s0+$0xE870]  }
0x524: {  	v2 =	vld [tilespmem:s0+$0xD000]  }
0x525: {  	v3 =	vld [tilespmem:s0+$0xE800]  }
0x526: {  	v4 =	vld [tilespmem:s0+$0xD010]  }
0x527: {  	v5 =	vld [tilespmem:s0+$0xE810]  }
0x528: {  	v6 =	vld [tilespmem:s0+$0xD020]  }
0x529: {  	v7 =	vld [tilespmem:s0+$0xE820]  }
0x52a: {  	v8 =	vld [tilespmem:s0+$0xD030]  }
0x52b: {  	v9 =	vld [tilespmem:s0+$0xE830];
	v1 =	vadd.f32 v1, v0  }
0x52c: {  	v3 =	vadd.f32 v3, v2;
	v0 =	vld [tilespmem:s0+$0xD040]  }
0x52d: {  	v4 =	vadd.f32 v5, v4;
	v2 =	vld [tilespmem:s0+$0xE840];
	[tilespmem:s0+$0xF870] =	vst v1  }
0x52e: {  	v5 =	vadd.f32 v7, v6;
	[tilespmem:s0+$0xF800] =	vst v3;
	v1 =	vld [tilespmem:s0+$0xD050]  }
0x52f: {  	[tilespmem:s0+$0xF810] =	vst v4;
	v3 =	vld [tilespmem:s0+$0xE850]  }
0x530: {  	s5 =	simm.s32 $0x200;
	s1 =	simm.s32 $0x0;
	[tilespmem:s0+$0xF820] =	vst v5;
	v5 =	vadd.f32 v9, v8;
	v4 =	vld [tilespmem:s0+$0xD060]  }
.LBB2_40:
0x531: {  	s6 =	sshra.s32 s5, $0x2;
	v6 =	vld [tilespmem:s0+$0xE860]  }
0x532: {  	s1 =	sadd.s32 $0x8, s1;
	v7 =	vld [tilespmem:s6+$0xD070];
	[tilespmem:s0+$0xF830] =	vst v5;
	v0 =	vadd.f32 v2, v0  }
0x533: {  	p0 =	slt.u32 s1, $0x78;
	v2 =	vld [tilespmem:s6+$0xE870]  }
0x534: {  	v5 =	vld [tilespmem:s6+$0xD000];
	[tilespmem:s0+$0xF840] =	vst v0;
	v0 =	vadd.f32 v3, v1  }
0x535: {  	v1 =	vld [tilespmem:s6+$0xE800]  }
0x536: {  	v3 =	vld [tilespmem:s6+$0xD010];
	[tilespmem:s0+$0xF850] =	vst v0;
	v0 =	vadd.f32 v6, v4  }
0x537: {  	v4 =	vld [tilespmem:s6+$0xE810]  }
0x538: {  	v6 =	vld [tilespmem:s6+$0xD020];
	v2 =	vadd.f32 v2, v7;
	[tilespmem:s0+$0xF860] =	vst v0;
	s0 =	smov.u32 s6  }
0x539: {  	v7 =	vld [tilespmem:s0+$0xE820]  }
0x53a: {  	v0 =	vadd.f32 v1, v5;
	v5 =	vld [tilespmem:s0+$0xD030];
	[tilespmem:s0+$0xF870] =	vst v2  }
0x53b: {  	v8 =	vld [tilespmem:s0+$0xE830]  }
.Ltmp22:
0x53c: {  	[tilespmem:s0+$0xF800] =	vst v0;
	v1 =	vadd.f32 v4, v3;
	v0 =	vld [tilespmem:s0+$0xD040];
	(pc) =	sbr.rel @p0 .LBB2_40-.Ltmp22, $4  }
0x53d: {  	v2 =	vld [tilespmem:s0+$0xE840]  }
0x53e: {  	[tilespmem:s0+$0xF810] =	vst v1;
	v4 =	vadd.f32 v7, v6;
	v1 =	vld [tilespmem:s0+$0xD050]  }
0x53f: {  	v3 =	vld [tilespmem:s0+$0xE850]  }
0x540: {  	s5 =	sadd.s32 $0x200, s5;
	[tilespmem:s0+$0xF820] =	vst v4;
	v5 =	vadd.f32 v8, v5;
	v4 =	vld [tilespmem:s0+$0xD060]  }
0x541: {  	v6 =	vld [tilespmem:s0+$0xE860];
	_ =	sdelay $0x2  }
0x542: {  	v0 =	vadd.f32 v2, v0  }
0x543: {  	[tilespmem:s0+$0xF830] =	vst v5;
	v1 =	vadd.f32 v3, v1  }
0x544: {  	[tilespmem:s0+$0xF840] =	vst v0;
	v0 =	vadd.f32 v6, v4  }
0x545: {  	[tilespmem:s0+$0xF850] =	vst v1  }
0x546: {  	[tilespmem:s0+$0xF860] =	vst v0;
	s0 =	simm.s32 $0x0  }
0x547: {  	v0 =	vld [tilespmem:s0+$0xD870]  }
0x548: {  	v1 =	vld [tilespmem:s0+$0xE070]  }
0x549: {  	v2 =	vld [tilespmem:s0+$0xD800]  }
0x54a: {  	v3 =	vld [tilespmem:s0+$0xE000]  }
0x54b: {  	v4 =	vld [tilespmem:s0+$0xD810]  }
0x54c: {  	v5 =	vld [tilespmem:s0+$0xE010]  }
0x54d: {  	v6 =	vld [tilespmem:s0+$0xD820]  }
0x54e: {  	v7 =	vld [tilespmem:s0+$0xE020]  }
0x54f: {  	v8 =	vld [tilespmem:s0+$0xD830]  }
0x550: {  	v9 =	vld [tilespmem:s0+$0xE030];
	v1 =	vadd.f32 v1, v0  }
0x551: {  	v3 =	vadd.f32 v3, v2;
	v0 =	vld [tilespmem:s0+$0xD840]  }
0x552: {  	v4 =	vadd.f32 v5, v4;
	v2 =	vld [tilespmem:s0+$0xE040];
	[tilespmem:s0+$0x10070] =	vst v1  }
0x553: {  	v5 =	vadd.f32 v7, v6;
	[tilespmem:s0+$0x10000] =	vst v3;
	v1 =	vld [tilespmem:s0+$0xD850]  }
0x554: {  	[tilespmem:s0+$0x10010] =	vst v4;
	v3 =	vld [tilespmem:s0+$0xE050]  }
0x555: {  	s5 =	simm.s32 $0x0;
	s6 =	simm.s32 $0x200;
	s1 =	simm.s32 $0x0;
	[tilespmem:s0+$0x10020] =	vst v5;
	v5 =	vadd.f32 v9, v8;
	v4 =	vld [tilespmem:s0+$0xD860]  }
.LBB2_42:
0x556: {  	s8 =	sshra.s32 s6, $0x2;
	v6 =	vld [tilespmem:s1+$0xE060]  }
0x557: {  	s5 =	sadd.s32 $0x8, s5;
	v7 =	vld [tilespmem:s8+$0xD870];
	[tilespmem:s1+$0x10030] =	vst v5;
	v0 =	vadd.f32 v2, v0  }
0x558: {  	p0 =	slt.u32 s5, $0x78;
	v2 =	vld [tilespmem:s8+$0xE070]  }
0x559: {  	v5 =	vld [tilespmem:s8+$0xD800];
	[tilespmem:s1+$0x10040] =	vst v0;
	v0 =	vadd.f32 v3, v1  }
0x55a: {  	v1 =	vld [tilespmem:s8+$0xE000]  }
0x55b: {  	v3 =	vld [tilespmem:s8+$0xD810];
	[tilespmem:s1+$0x10050] =	vst v0;
	v0 =	vadd.f32 v6, v4  }
0x55c: {  	v4 =	vld [tilespmem:s8+$0xE010]  }
0x55d: {  	v6 =	vld [tilespmem:s8+$0xD820];
	v2 =	vadd.f32 v2, v7;
	[tilespmem:s1+$0x10060] =	vst v0;
	s1 =	smov.u32 s8  }
0x55e: {  	v7 =	vld [tilespmem:s1+$0xE020]  }
0x55f: {  	v0 =	vadd.f32 v1, v5;
	v5 =	vld [tilespmem:s1+$0xD830];
	[tilespmem:s1+$0x10070] =	vst v2  }
0x560: {  	v8 =	vld [tilespmem:s1+$0xE030]  }
.Ltmp23:
0x561: {  	[tilespmem:s1+$0x10000] =	vst v0;
	v1 =	vadd.f32 v4, v3;
	v0 =	vld [tilespmem:s1+$0xD840];
	(pc) =	sbr.rel @p0 .LBB2_42-.Ltmp23, $4  }
0x562: {  	v2 =	vld [tilespmem:s1+$0xE040]  }
0x563: {  	[tilespmem:s1+$0x10010] =	vst v1;
	v4 =	vadd.f32 v7, v6;
	v1 =	vld [tilespmem:s1+$0xD850]  }
0x564: {  	v3 =	vld [tilespmem:s1+$0xE050]  }
0x565: {  	s6 =	sadd.s32 $0x200, s6;
	[tilespmem:s1+$0x10020] =	vst v4;
	v5 =	vadd.f32 v8, v5;
	v4 =	vld [tilespmem:s1+$0xD860]  }
0x566: {  	v6 =	vld [tilespmem:s1+$0xE060];
	_ =	sdelay $0x2  }
0x567: {  	v0 =	vadd.f32 v2, v0  }
0x568: {  	[tilespmem:s1+$0x10030] =	vst v5;
	v1 =	vadd.f32 v3, v1  }
0x569: {  	[tilespmem:s1+$0x10040] =	vst v0;
	v0 =	vadd.f32 v6, v4  }
0x56a: {  	[tilespmem:s1+$0x10050] =	vst v1  }
0x56b: {  	[tilespmem:s1+$0x10060] =	vst v0  }
0x56c: {  	v0 =	vld [tilespmem:s0+$0xD870]  }
0x56d: {  	v1 =	vld [tilespmem:s0+$0xE870]  }
0x56e: {  	v2 =	vld [tilespmem:s0+$0xD800]  }
0x56f: {  	v3 =	vld [tilespmem:s0+$0xE800]  }
0x570: {  	v4 =	vld [tilespmem:s0+$0xD810]  }
0x571: {  	v5 =	vld [tilespmem:s0+$0xE810]  }
0x572: {  	v6 =	vld [tilespmem:s0+$0xD820]  }
0x573: {  	v7 =	vld [tilespmem:s0+$0xE820]  }
0x574: {  	v8 =	vld [tilespmem:s0+$0xD830]  }
0x575: {  	v9 =	vld [tilespmem:s0+$0xE830];
	v1 =	vadd.f32 v1, v0  }
0x576: {  	v3 =	vadd.f32 v3, v2;
	v0 =	vld [tilespmem:s0+$0xD840]  }
0x577: {  	v4 =	vadd.f32 v5, v4;
	v2 =	vld [tilespmem:s0+$0xE840];
	[tilespmem:s0+$0x10870] =	vst v1  }
0x578: {  	v5 =	vadd.f32 v7, v6;
	[tilespmem:s0+$0x10800] =	vst v3;
	v1 =	vld [tilespmem:s0+$0xD850]  }
0x579: {  	[tilespmem:s0+$0x10810] =	vst v4;
	v3 =	vld [tilespmem:s0+$0xE850]  }
0x57a: {  	s5 =	simm.s32 $0x200;
	s1 =	simm.s32 $0x0;
	[tilespmem:s0+$0x10820] =	vst v5;
	v5 =	vadd.f32 v9, v8;
	v4 =	vld [tilespmem:s0+$0xD860]  }
.LBB2_44:
0x57b: {  	s6 =	sshra.s32 s5, $0x2;
	v6 =	vld [tilespmem:s0+$0xE860]  }
0x57c: {  	s1 =	sadd.s32 $0x8, s1;
	v7 =	vld [tilespmem:s6+$0xD870];
	[tilespmem:s0+$0x10830] =	vst v5;
	v0 =	vadd.f32 v2, v0  }
0x57d: {  	p0 =	slt.u32 s1, $0x78;
	v2 =	vld [tilespmem:s6+$0xE870]  }
0x57e: {  	v5 =	vld [tilespmem:s6+$0xD800];
	[tilespmem:s0+$0x10840] =	vst v0;
	v0 =	vadd.f32 v3, v1  }
0x57f: {  	v1 =	vld [tilespmem:s6+$0xE800]  }
0x580: {  	v3 =	vld [tilespmem:s6+$0xD810];
	[tilespmem:s0+$0x10850] =	vst v0;
	v0 =	vadd.f32 v6, v4  }
0x581: {  	v4 =	vld [tilespmem:s6+$0xE810]  }
0x582: {  	v6 =	vld [tilespmem:s6+$0xD820];
	v2 =	vadd.f32 v2, v7;
	[tilespmem:s0+$0x10860] =	vst v0;
	s0 =	smov.u32 s6  }
0x583: {  	v7 =	vld [tilespmem:s0+$0xE820]  }
0x584: {  	v0 =	vadd.f32 v1, v5;
	v5 =	vld [tilespmem:s0+$0xD830];
	[tilespmem:s0+$0x10870] =	vst v2  }
0x585: {  	v8 =	vld [tilespmem:s0+$0xE830]  }
.Ltmp24:
0x586: {  	[tilespmem:s0+$0x10800] =	vst v0;
	v1 =	vadd.f32 v4, v3;
	v0 =	vld [tilespmem:s0+$0xD840];
	(pc) =	sbr.rel @p0 .LBB2_44-.Ltmp24, $4  }
0x587: {  	v2 =	vld [tilespmem:s0+$0xE840]  }
0x588: {  	[tilespmem:s0+$0x10810] =	vst v1;
	v4 =	vadd.f32 v7, v6;
	v1 =	vld [tilespmem:s0+$0xD850]  }
0x589: {  	v3 =	vld [tilespmem:s0+$0xE850]  }
0x58a: {  	s5 =	sadd.s32 $0x200, s5;
	[tilespmem:s0+$0x10820] =	vst v4;
	v5 =	vadd.f32 v8, v5;
	v4 =	vld [tilespmem:s0+$0xD860]  }
0x58b: {  	v6 =	vld [tilespmem:s0+$0xE860];
	_ =	sdelay $0x2  }
0x58c: {  	v0 =	vadd.f32 v2, v0  }
0x58d: {  	[tilespmem:s0+$0x10830] =	vst v5;
	v1 =	vadd.f32 v3, v1  }
0x58e: {  	[tilespmem:s0+$0x10840] =	vst v0;
	v0 =	vadd.f32 v6, v4  }
0x58f: {  	[tilespmem:s0+$0x10850] =	vst v1  }
0x590: {  	[tilespmem:s0+$0x10860] =	vst v0;
	s0 =	simm.s32 $0x0  }
0x591: {  	v0 =	vld [tilespmem:s0+$0xE070]  }
0x592: {  	v1 =	vld [tilespmem:s0+$0xE870]  }
0x593: {  	v2 =	vld [tilespmem:s0+$0xE000]  }
0x594: {  	v3 =	vld [tilespmem:s0+$0xE800]  }
0x595: {  	v4 =	vld [tilespmem:s0+$0xE010]  }
0x596: {  	v5 =	vld [tilespmem:s0+$0xE810]  }
0x597: {  	v6 =	vld [tilespmem:s0+$0xE020]  }
0x598: {  	v7 =	vld [tilespmem:s0+$0xE820]  }
0x599: {  	v8 =	vld [tilespmem:s0+$0xE030]  }
0x59a: {  	v9 =	vld [tilespmem:s0+$0xE830];
	v1 =	vadd.f32 v1, v0  }
0x59b: {  	v3 =	vadd.f32 v3, v2;
	v0 =	vld [tilespmem:s0+$0xE040]  }
0x59c: {  	v4 =	vadd.f32 v5, v4;
	v2 =	vld [tilespmem:s0+$0xE840];
	[tilespmem:s0+$0x11070] =	vst v1  }
0x59d: {  	v5 =	vadd.f32 v7, v6;
	[tilespmem:s0+$0x11000] =	vst v3;
	v1 =	vld [tilespmem:s0+$0xE050]  }
0x59e: {  	[tilespmem:s0+$0x11010] =	vst v4;
	v3 =	vld [tilespmem:s0+$0xE850]  }
0x59f: {  	s1 =	simm.s32 $0x0;
	s5 =	simm.s32 $0x200;
	[tilespmem:s0+$0x11020] =	vst v5;
	v5 =	vadd.f32 v9, v8;
	v4 =	vld [tilespmem:s0+$0xE060]  }
.LBB2_46:
0x5a0: {  	s6 =	sshra.s32 s5, $0x2;
	v6 =	vld [tilespmem:s0+$0xE860]  }
0x5a1: {  	s1 =	sadd.s32 $0x8, s1;
	v7 =	vld [tilespmem:s6+$0xE070];
	[tilespmem:s0+$0x11030] =	vst v5;
	v0 =	vadd.f32 v2, v0  }
0x5a2: {  	p0 =	slt.u32 s1, $0x78;
	v2 =	vld [tilespmem:s6+$0xE870]  }
0x5a3: {  	v5 =	vld [tilespmem:s6+$0xE000];
	[tilespmem:s0+$0x11040] =	vst v0;
	v0 =	vadd.f32 v3, v1  }
0x5a4: {  	v1 =	vld [tilespmem:s6+$0xE800]  }
0x5a5: {  	v3 =	vld [tilespmem:s6+$0xE010];
	[tilespmem:s0+$0x11050] =	vst v0;
	v0 =	vadd.f32 v6, v4  }
0x5a6: {  	v4 =	vld [tilespmem:s6+$0xE810]  }
0x5a7: {  	v6 =	vld [tilespmem:s6+$0xE020];
	v2 =	vadd.f32 v2, v7;
	[tilespmem:s0+$0x11060] =	vst v0;
	s0 =	smov.u32 s6  }
0x5a8: {  	v7 =	vld [tilespmem:s0+$0xE820]  }
0x5a9: {  	v0 =	vadd.f32 v1, v5;
	v5 =	vld [tilespmem:s0+$0xE030];
	[tilespmem:s0+$0x11070] =	vst v2  }
0x5aa: {  	v8 =	vld [tilespmem:s0+$0xE830]  }
.Ltmp25:
0x5ab: {  	[tilespmem:s0+$0x11000] =	vst v0;
	v1 =	vadd.f32 v4, v3;
	v0 =	vld [tilespmem:s0+$0xE040];
	(pc) =	sbr.rel @p0 .LBB2_46-.Ltmp25, $4  }
0x5ac: {  	v2 =	vld [tilespmem:s0+$0xE840]  }
0x5ad: {  	[tilespmem:s0+$0x11010] =	vst v1;
	v4 =	vadd.f32 v7, v6;
	v1 =	vld [tilespmem:s0+$0xE050]  }
0x5ae: {  	v3 =	vld [tilespmem:s0+$0xE850]  }
0x5af: {  	s5 =	sadd.s32 $0x200, s5;
	[tilespmem:s0+$0x11020] =	vst v4;
	v5 =	vadd.f32 v8, v5;
	v4 =	vld [tilespmem:s0+$0xE060]  }
0x5b0: {  	v6 =	vld [tilespmem:s0+$0xE860];
	_ =	sdelay $0x2  }
0x5b1: {  	v0 =	vadd.f32 v2, v0  }
0x5b2: {  	[tilespmem:s0+$0x11030] =	vst v5;
	v1 =	vadd.f32 v3, v1  }
0x5b3: {  	[tilespmem:s0+$0x11040] =	vst v0;
	v63 =	vadd.f32 v6, v4  }
0x5b4: {  	[tilespmem:s0+$0x11050] =	vst v1  }
0x5b5: {  	[tilespmem:s0+$0x11060] =	vst v63  }
0x5b6: {  	s0 =	sld [smem:$0x7F9];
	_ =	sdelay $0x1  }
0x5b7: {  	s1 =	simm.s32 $0xF000;
	s13 =	sld [smem:$0x7FA]  }
0x5b8: {  	[hbm4b:s0+s3] =	stream.linear.scatter [tilespmem:s1], [sflag:$0x1], $0x800, $0x38;
	[tilespmem:$0x14000] =	vst v63  }
0x5b9: {  	s14 =	simm.s32 $0xF800;
	s15 =	sld [smem:$0x7FB]  }
0x5ba: {  	[hbm4b:s13+s3] =	stream.linear.scatter [tilespmem:s14], [sflag:$0x1], $0x800, $0x38;
	[tilespmem:$0x14000] =	vst v63  }
0x5bb: {  	s16 =	simm.s32 $0x10000;
	s17 =	sld [smem:$0x7FC]  }
0x5bc: {  	[hbm4b:s15+s3] =	stream.linear.scatter [tilespmem:s16], [sflag:$0x1], $0x800, $0x38;
	[tilespmem:$0x14000] =	vst v63  }
0x5bd: {  	s18 =	sld [smem:$0x7FD]  }
0x5be: {  	[hbm4b:s17+s3] =	stream.linear.scatter [tilespmem:s11], [sflag:$0x1], $0x800, $0x38;
	[tilespmem:$0x14000] =	vst v63  }
0x5bf: {  	_ = 	snop  }
0x5c0: {  	[hbm4b:s18+s3] =	stream.linear.scatter [tilespmem:s12], [sflag:$0x1], $0x800, $0x38;
	[tilespmem:$0x14000] =	vst v63  }
0x5c1: {  	_ =	swait.ge [sflag:s7], $0x800  }
0x5c2: {  	[sflag:s7] =	ssyncset.done $0x0  }
0x5c3: {  	[sflag:s7] =	ssyncadd.s32 $0xFFFFF800  }
0x5c4: {  	_ =	swait.ge [sflag:s7], $0x800  }
0x5c5: {  	[sflag:s7] =	ssyncset.done $0x0  }
0x5c6: {  	[sflag:s7] =	ssyncadd.s32 $0xFFFFF800  }
0x5c7: {  	_ =	swait.ge [sflag:s7], $0x800  }
0x5c8: {  	[sflag:s7] =	ssyncset.done $0x0  }
0x5c9: {  	[sflag:s7] =	ssyncadd.s32 $0xFFFFF800  }
0x5ca: {  	_ =	swait.ge [sflag:s7], $0x800  }
0x5cb: {  	[sflag:s7] =	ssyncset.done $0x0  }
0x5cc: {  	[sflag:s7] =	ssyncadd.s32 $0xFFFFF800  }
0x5cd: {  	_ =	swait.ge [sflag:s7], $0x800  }
0x5ce: {  	[sflag:s7] =	ssyncset.done $0x0  }
0x5cf: {  	[sflag:s7] =	ssyncadd.s32 $0xFFFFF800  }
0x5d0: {  	_ =	swait.ge [sflag:s19], $0x800  }
0x5d1: {  	[sflag:s19] =	ssyncset.done $0x0  }
0x5d2: {  	[sflag:s19] =	ssyncadd.s32 $0xFFFFF800  }
0x5d3: {  	_ =	swait.ge [sflag:s19], $0x800  }
0x5d4: {  	[sflag:s19] =	ssyncset.done $0x0  }
0x5d5: {  	[sflag:s19] =	ssyncadd.s32 $0xFFFFF800  }
0x5d6: {  	_ =	swait.ge [sflag:s19], $0x800  }
0x5d7: {  	[sflag:s19] =	ssyncset.done $0x0  }
0x5d8: {  	[sflag:s19] =	ssyncadd.s32 $0xFFFFF800  }
0x5d9: {  	_ =	swait.ge [sflag:s19], $0x800  }
0x5da: {  	[sflag:s19] =	ssyncset.done $0x0  }
0x5db: {  	[sflag:s19] =	ssyncadd.s32 $0xFFFFF800  }
0x5dc: {  	_ =	swait.ge [sflag:s19], $0x800  }
0x5dd: {  	s30 =	sld [smem:$0x7EC];
	_ =	sdelay $0x2  }
0x5de: {  	s31 =	rddreg [dreg:$0x17];
	s1 =	sadd.s32 $0x1, s30  }
0x5df: {  	p0 =	sne.s32 s1, s31  }
.Ltmp26:
0x5e0: {  	_ = 	snop;
	(pc) =	sbr.rel @p0 .LBB2_1-.Ltmp26, $3  }
0x5e1: {  	_ =	sdelay $0x1  }
0x5e2: {  	[sflag:s19] =	ssyncset.done $0x0  }
0x5e3: {  	[sflag:s19] =	ssyncadd.s32 $0xFFFFF800  }
0x5e4: {  	_ =	sfence.sel $0x180000  }
0x5e5: {  	[bflag:$0x0] =	sbarrier.arrive $0xFFFF  }
0x5e6: {  	_ =	strace $0x90000047  }
0x5e7: {  	s0 =	stileid.u32;
	[bflag:$0x2] =	sbarrier.arrive $0xFFFF  }
0x5e8: {  	p0 =	sne.s32 s0, $0x0;
	s0 =	rddreg [dreg:$0x2]  }
0x5e9: {  	s0 =	sadd.s32 @!p0 $0x100000, s0  }
0x5ea: {  	[sflag:s0] =	ssyncadd.tile.s32 @!p0 $0x1;
	_ =	shalt  }
.Lfunc_end2:
_tile_overlayer_lowered:
.L_overlay_start_2:
0x5eb: {  	(tag) =	ssettag $0x2  }
0x5ec: {  	s0 =	rddreg [dreg:$0x0];
	s2 =	stileid.u32  }
0x5ed: {  	s1 =	rddreg [dreg:$0x1];
	p0 =	sne.s32 s2, $0x0  }
0x5ee: {  	s3 =	rddreg [dreg:$0x2];
	[bflag:$0x3] =	sbarrier.arrive $0xFFFF;
	s2 =	simm.s32 @!p0 $0x1C03  }
0x5ef: {  	[timem:s3], [sflag:s2] =	dma.local @!p0 [hbm:s0], s1  }
0x5f0: {  	s0 =	simm.s32 @!p0 $0x3  }
0x5f1: {  	_ =	swait.ge @!p0 [sflag:s0], s1  }
0x5f2: {  	s1 =	ssub.s32 @!p0 $0x0, s1;
	[sflag:s0] =	ssyncset.done @!p0 $0x0  }
0x5f3: {  	[sflag:s0] =	ssyncadd.s32 @!p0 s1  }
0x5f4: {  	[bflag:$0x3] =	sbarrier.arrive $0xFFFF  }
0x5f5: {  	_ =	shalt  }

</sc_bundles>
